<compile_context>
chip_gen: v7x
topology: tpu7x:2x2x1
jax: 0.10.2.dev20260603
libtpu: 0.0.44.dev20260713+nightly
codegen_flags: <defaults>
</compile_context>

<pallas_src>
import functools

import jax
import jax.numpy as jnp
from jax import lax
from jax.experimental import pallas as pl
from jax.experimental.pallas import tpu as pltpu
from jax.experimental.pallas import tpu_sc as plsc

_MAX_SPIKE = 100.0
_P = 0.1
_NC, _NS = 2, 16
_NW = _NC * _NS
_CW = 16384
_DEPTH = 4


def _spike_consts(B, T, dtype):
    key = jax.random.key(42)
    k1, k2, k3 = jax.random.split(key, 3)
    probas = jax.random.uniform(k1, (B,), dtype=jnp.float32)
    mask = probas > (1.0 - _P)
    pos = jax.random.randint(k2, (B,), 0, T - 2)
    sign = jnp.where(jax.random.randint(k3, (), 0, 2) == 0, -1.0, 1.0).astype(dtype)
    vals = jnp.where(mask, sign * _MAX_SPIKE, 0.0).astype(dtype)
    return pos, vals


def _sc_body(B, T, x_hbm, pos_hbm, val_hbm, out_hbm, posv, valv,
             buf0, buf1, buf2, buf3, sem_in, sem_out):
    bufs = (buf0, buf1, buf2, buf3)
    rows = B // _NW
    nch = T // _CW
    nslab = rows * nch
    wid = lax.axis_index("s") * _NC + lax.axis_index("c")
    r0 = wid * rows
    pltpu.sync_copy(pos_hbm.at[pl.ds(r0, rows)], posv)
    pltpu.sync_copy(val_hbm.at[pl.ds(r0, rows)], valv)
    lane = lax.broadcasted_iota(jnp.int32, (16,), 0)
    pos16 = [posv[pl.ds(g * 16, 16)] for g in range(rows // 16)]
    val16 = [valv[pl.ds(g * 16, 16)] for g in range(rows // 16)]

    def src(j):
        b, c = divmod(j, nch)
        return x_hbm.at[r0 + b, pl.ds(c * _CW, _CW)]

    def dst(j):
        b, c = divmod(j, nch)
        return out_hbm.at[r0 + b, pl.ds(c * _CW, _CW)]

    def spike(j):
        b, c = divmod(j, nch)
        g, l = divmod(b, 16)
        base = c * _CW
        inside = (lane == l) & (pos16[g] >= base) & (pos16[g] < base + _CW)
        col = jnp.clip(pos16[g] - base, 0, _CW - 1)
        plsc.addupdate_scatter(bufs[j % _DEPTH], [col], val16[g],
                               mask=inside)

    in_h = [None] * nslab
    out_h = [None] * nslab
    for k in range(_DEPTH - 1):
        in_h[k] = pltpu.async_copy(src(k), bufs[k % _DEPTH], sem_in)
    for j in range(nslab):
        nxt = j + _DEPTH - 1
        if nxt < nslab:
            if nxt - _DEPTH >= 0:
                out_h[nxt - _DEPTH].wait()
            in_h[nxt] = pltpu.async_copy(src(nxt), bufs[nxt % _DEPTH],
                                         sem_in)
        in_h[j].wait()
        spike(j)
        out_h[j] = pltpu.async_copy(bufs[j % _DEPTH], dst(j), sem_out)
    for j in range(max(0, nslab - _DEPTH), nslab):
        out_h[j].wait()


def kernel(x):
    B, T = x.shape
    pos, vals = _spike_consts(B, T, x.dtype)
    mesh = plsc.VectorSubcoreMesh(core_axis_name="c", subcore_axis_name="s",
                                  num_cores=_NC, num_subcores=_NS)
    rows = B // _NW
    sc_call = pl.kernel(
        functools.partial(_sc_body, B, T),
        out_type=jax.ShapeDtypeStruct((B, T), x.dtype),
        mesh=mesh,
        compiler_params=pltpu.CompilerParams(needs_layout_passes=False),
        scratch_types=[
            pltpu.VMEM((rows,), jnp.int32),
            pltpu.VMEM((rows,), jnp.float32),
            pltpu.VMEM((_CW,), jnp.float32),
            pltpu.VMEM((_CW,), jnp.float32),
            pltpu.VMEM((_CW,), jnp.float32),
            pltpu.VMEM((_CW,), jnp.float32),
            pltpu.SemaphoreType.DMA,
            pltpu.SemaphoreType.DMA,
        ],
    )
    return sc_call(x, pos, vals)

# --- scband reference (transcript-rebuilt; emitter-appended) ---
"""Pipeline reference for scband-random-measurement-spike-44538810860298 (READ-ONLY COPY).

The authoritative reference and input builder live on the scoring server;
editing this copy changes nothing except your own understanding.
"""

import jax, jax.numpy as jnp
import numpy as np

MAX_SPIKE = 100.0
P = 0.1

def setup_inputs(seed: int = 0) -> dict:
    key = jax.random.key(seed)
    x = jax.random.normal(key, (1024, 32768), dtype=jnp.float32)
    return {"x": x}

def reference(x):
    B, T = x.shape
    key = jax.random.key(42)
    k1, k2, k3 = jax.random.split(key, 3)
    # per-example augmentation mask: probas > 1 - p
    probas = jax.random.uniform(k1, (B,), dtype=jnp.float32)
    mini_batch_mask = probas > (1.0 - P)
    # random spike position per example in [0, T-2)
    spikes_pos = jax.random.randint(k2, (B,), 0, T - 2)
    # random sign (single scalar, like torch.randperm(2)[0])
    sign = jnp.where(jax.random.randint(k3, (), 0, 2) == 0, -1.0, 1.0).astype(x.dtype)
    # scatter-overwrite: spikes[i, spikes_pos[i]] = sign * MAX for masked rows
    spikes = jnp.zeros_like(x)
    rows = jnp.arange(B)
    vals = jnp.where(mini_batch_mask, sign * MAX_SPIKE, 0.0).astype(x.dtype)
    spikes = spikes.at[rows, spikes_pos].set(vals)
    return x + spikes

if __name__ == "__main__":
    import jax
    _d = setup_inputs()
    print(jax.jit(kernel)(*tuple(_d.values())))

</pallas_src>

<mosaic_0001>
#map = affine_map<(d0, d1) -> (0, 0)>
#map1 = affine_map<(d0, d1) -> (0)>
module attributes {stable_mosaic.version = 14 : i64} {
  func.func @_sc_body(%arg0: i32, %arg1: i32, %arg2: memref<1024x32768xf32, #tpu.memory_space<hbm>>, %arg3: memref<1024xi32, #tpu.memory_space<hbm>>, %arg4: memref<1024xf32, #tpu.memory_space<hbm>>, %arg5: memref<1024x32768xf32, #tpu.memory_space<hbm>>, %arg6: memref<32xi32, #tpu.memory_space<vmem>>, %arg7: memref<32xf32, #tpu.memory_space<vmem>>, %arg8: memref<16384xf32, #tpu.memory_space<vmem>>, %arg9: memref<16384xf32, #tpu.memory_space<vmem>>, %arg10: memref<16384xf32, #tpu.memory_space<vmem>>, %arg11: memref<16384xf32, #tpu.memory_space<vmem>>, %arg12: memref<!tpu.dma_semaphore, #tpu.memory_space<semaphore_mem>>, %arg13: memref<!tpu.dma_semaphore, #tpu.memory_space<semaphore_mem>>) attributes {dimension_semantics = [#tpu.dimension_semantics<core_parallel>, #tpu.dimension_semantics<subcore_parallel>], iteration_bounds = array<i64: 2, 16>, scalar_prefetch = 0 : i64, scratch_operands = 8 : i64, tpu.core_type = #tpu.core_type<sc_vector_subcore>, window_params = [{transform_indices = #map}, {transform_indices = #map1}, {transform_indices = #map1}, {transform_indices = #map}]} {
    %mul3A = arith.constant 2 : i32
    %mul3A_0 = arith.muli %arg1, %mul3A : i32
    %add3A = arith.addi %mul3A_0, %arg0 : i32
    %mul3A_1 = arith.constant 32 : i32
    %mul3A_2 = arith.muli %add3A, %mul3A_1 : i32
    "tpu.region"() ({
      %run_scoped3A = tpu.sem_alloc : memref<!tpu.dma_semaphore, #tpu.memory_space<semaphore_mem>>
      %dma_start3A_3072 = tpu.memref_slice %arg3[%mul3A_2] : memref<1024xi32, #tpu.memory_space<hbm>> -> memref<32xi32, #tpu.memory_space<hbm>>
      %dma_start3A_3073 = tpu.memref_slice %arg3[%mul3A_2] : memref<1024xi32, #tpu.memory_space<hbm>> -> memref<32xi32, #tpu.memory_space<hbm>>
      tpu.enqueue_dma source(%dma_start3A_3073 : memref<32xi32, #tpu.memory_space<hbm>>) target(%arg6 : memref<32xi32, #tpu.memory_space<vmem>>) target_semaphore(%run_scoped3A : memref<!tpu.dma_semaphore, #tpu.memory_space<semaphore_mem>>)
      %dma_wait3A_3074 = tpu.memref_slice %arg3[%mul3A_2] : memref<1024xi32, #tpu.memory_space<hbm>> -> memref<32xi32, #tpu.memory_space<hbm>>
      %dma_wait3A_3075 = tpu.memref_slice %arg3[%mul3A_2] : memref<1024xi32, #tpu.memory_space<hbm>> -> memref<32xi32, #tpu.memory_space<hbm>>
      tpu.wait_dma2 semaphore(%run_scoped3A : memref<!tpu.dma_semaphore, #tpu.memory_space<semaphore_mem>>) src(%dma_wait3A_3075 : memref<32xi32, #tpu.memory_space<hbm>>) dst(%arg6 : memref<32xi32, #tpu.memory_space<vmem>>)
      tpu.yield
    }) : () -> ()
    "tpu.region"() ({
      %run_scoped3A = tpu.sem_alloc : memref<!tpu.dma_semaphore, #tpu.memory_space<semaphore_mem>>
      %dma_start3A_3072 = tpu.memref_slice %arg4[%mul3A_2] : memref<1024xf32, #tpu.memory_space<hbm>> -> memref<32xf32, #tpu.memory_space<hbm>>
      %dma_start3A_3073 = tpu.memref_slice %arg4[%mul3A_2] : memref<1024xf32, #tpu.memory_space<hbm>> -> memref<32xf32, #tpu.memory_space<hbm>>
      tpu.enqueue_dma source(%dma_start3A_3073 : memref<32xf32, #tpu.memory_space<hbm>>) target(%arg7 : memref<32xf32, #tpu.memory_space<vmem>>) target_semaphore(%run_scoped3A : memref<!tpu.dma_semaphore, #tpu.memory_space<semaphore_mem>>)
      %dma_wait3A_3074 = tpu.memref_slice %arg4[%mul3A_2] : memref<1024xf32, #tpu.memory_space<hbm>> -> memref<32xf32, #tpu.memory_space<hbm>>
      %dma_wait3A_3075 = tpu.memref_slice %arg4[%mul3A_2] : memref<1024xf32, #tpu.memory_space<hbm>> -> memref<32xf32, #tpu.memory_space<hbm>>
      tpu.wait_dma2 semaphore(%run_scoped3A : memref<!tpu.dma_semaphore, #tpu.memory_space<semaphore_mem>>) src(%dma_wait3A_3075 : memref<32xf32, #tpu.memory_space<hbm>>) dst(%arg7 : memref<32xf32, #tpu.memory_space<vmem>>)
      tpu.yield
    }) : () -> ()
    %iota3A = tpu.iota {dimensions = array<i32: 0>} : vector<16xi32>
    %get3A = arith.constant 0 : index
    %get3A_3 = tpu.vector_load %arg6[%get3A] {strides = array<i32>} : memref<32xi32, #tpu.memory_space<vmem>>, vector<16xi32>,
    %get3A_4 = arith.constant 16 : index
    %get3A_5 = tpu.vector_load %arg6[%get3A_4] {strides = array<i32>} : memref<32xi32, #tpu.memory_space<vmem>>, vector<16xi32>,
    %get3A_6 = arith.constant 0 : index
    %get3A_7 = tpu.vector_load %arg7[%get3A_6] {strides = array<i32>} : memref<32xf32, #tpu.memory_space<vmem>>, vector<16xf32>,
    %get3A_8 = arith.constant 16 : index
    %get3A_9 = tpu.vector_load %arg7[%get3A_8] {strides = array<i32>} : memref<32xf32, #tpu.memory_space<vmem>>, vector<16xf32>,
    %add3A_10 = arith.constant 0 : i32
    %add3A_11 = arith.addi %mul3A_2, %add3A_10 : i32
    %dma_start3A = arith.constant 0 : i32
    %dma_start3A_12 = tpu.memref_slice %arg2[%add3A_11, %dma_start3A] : memref<1024x32768xf32, #tpu.memory_space<hbm>> -> memref<1x16384xf32, #tpu.memory_space<hbm>>
    %dma_start3A_13 = tpu.memref_squeeze %dma_start3A_12 : memref<1x16384xf32, #tpu.memory_space<hbm>> -> memref<16384xf32, #tpu.memory_space<hbm>>
    %dma_start3A_14 = arith.constant 0 : i32
    %dma_start3A_15 = tpu.memref_slice %arg2[%add3A_11, %dma_start3A_14] : memref<1024x32768xf32, #tpu.memory_space<hbm>> -> memref<1x16384xf32, #tpu.memory_space<hbm>>
    %dma_start3A_16 = tpu.memref_squeeze %dma_start3A_15 : memref<1x16384xf32, #tpu.memory_space<hbm>> -> memref<16384xf32, #tpu.memory_space<hbm>>
    tpu.enqueue_dma source(%dma_start3A_16 : memref<16384xf32, #tpu.memory_space<hbm>>) target(%arg8 : memref<16384xf32, #tpu.memory_space<vmem>>) target_semaphore(%arg12 : memref<!tpu.dma_semaphore, #tpu.memory_space<semaphore_mem>>)
    %add3A_17 = arith.constant 0 : i32
    %add3A_18 = arith.addi %mul3A_2, %add3A_17 : i32
    %dma_start3A_19 = arith.constant 16384 : i32
    %dma_start3A_20 = tpu.memref_slice %arg2[%add3A_18, %dma_start3A_19] : memref<1024x32768xf32, #tpu.memory_space<hbm>> -> memref<1x16384xf32, #tpu.memory_space<hbm>>
    %dma_start3A_21 = tpu.memref_squeeze %dma_start3A_20 : memref<1x16384xf32, #tpu.memory_space<hbm>> -> memref<16384xf32, #tpu.memory_space<hbm>>
    %dma_start3A_22 = arith.constant 16384 : i32
    %dma_start3A_23 = tpu.memref_slice %arg2[%add3A_18, %dma_start3A_22] : memref<1024x32768xf32, #tpu.memory_space<hbm>> -> memref<1x16384xf32, #tpu.memory_space<hbm>>
    %dma_start3A_24 = tpu.memref_squeeze %dma_start3A_23 : memref<1x16384xf32, #tpu.memory_space<hbm>> -> memref<16384xf32, #tpu.memory_space<hbm>>
    tpu.enqueue_dma source(%dma_start3A_24 : memref<16384xf32, #tpu.memory_space<hbm>>) target(%arg9 : memref<16384xf32, #tpu.memory_space<vmem>>) target_semaphore(%arg12 : memref<!tpu.dma_semaphore, #tpu.memory_space<semaphore_mem>>)
    %add3A_25 = arith.constant 1 : i32
    %add3A_26 = arith.addi %mul3A_2, %add3A_25 : i32
    %dma_start3A_27 = arith.constant 0 : i32
    %dma_start3A_28 = tpu.memref_slice %arg2[%add3A_26, %dma_start3A_27] : memref<1024x32768xf32, #tpu.memory_space<hbm>> -> memref<1x16384xf32, #tpu.memory_space<hbm>>
    %dma_start3A_29 = tpu.memref_squeeze %dma_start3A_28 : memref<1x16384xf32, #tpu.memory_space<hbm>> -> memref<16384xf32, #tpu.memory_space<hbm>>
    %dma_start3A_30 = arith.constant 0 : i32
    %dma_start3A_31 = tpu.memref_slice %arg2[%add3A_26, %dma_start3A_30] : memref<1024x32768xf32, #tpu.memory_space<hbm>> -> memref<1x16384xf32, #tpu.memory_space<hbm>>
    %dma_start3A_32 = tpu.memref_squeeze %dma_start3A_31 : memref<1x16384xf32, #tpu.memory_space<hbm>> -> memref<16384xf32, #tpu.memory_space<hbm>>
    tpu.enqueue_dma source(%dma_start3A_32 : memref<16384xf32, #tpu.memory_space<hbm>>) target(%arg10 : memref<16384xf32, #tpu.memory_space<vmem>>) target_semaphore(%arg12 : memref<!tpu.dma_semaphore, #tpu.memory_space<semaphore_mem>>)
    %add3A_33 = arith.constant 1 : i32
    %add3A_34 = arith.addi %mul3A_2, %add3A_33 : i32
    %dma_start3A_35 = arith.constant 16384 : i32
    %dma_start3A_36 = tpu.memref_slice %arg2[%add3A_34, %dma_start3A_35] : memref<1024x32768xf32, #tpu.memory_space<hbm>> -> memref<1x16384xf32, #tpu.memory_space<hbm>>
    %dma_start3A_37 = tpu.memref_squeeze %dma_start3A_36 : memref<1x16384xf32, #tpu.memory_space<hbm>> -> memref<16384xf32, #tpu.memory_space<hbm>>
    %dma_start3A_38 = arith.constant 16384 : i32
    %dma_start3A_39 = tpu.memref_slice %arg2[%add3A_34, %dma_start3A_38] : memref<1024x32768xf32, #tpu.memory_space<hbm>> -> memref<1x16384xf32, #tpu.memory_space<hbm>>
    %dma_start3A_40 = tpu.memref_squeeze %dma_start3A_39 : memref<1x16384xf32, #tpu.memory_space<hbm>> -> memref<16384xf32, #tpu.memory_space<hbm>>
    tpu.enqueue_dma source(%dma_start3A_40 : memref<16384xf32, #tpu.memory_space<hbm>>) target(%arg11 : memref<16384xf32, #tpu.memory_space<vmem>>) target_semaphore(%arg12 : memref<!tpu.dma_semaphore, #tpu.memory_space<semaphore_mem>>)
    %dma_wait3A = arith.constant 0 : i32
    %dma_wait3A_41 = tpu.memref_slice %arg2[%add3A_11, %dma_wait3A] : memref<1024x32768xf32, #tpu.memory_space<hbm>> -> memref<1x16384xf32, #tpu.memory_space<hbm>>
    %dma_wait3A_42 = tpu.memref_squeeze %dma_wait3A_41 : memref<1x16384xf32, #tpu.memory_space<hbm>> -> memref<16384xf32, #tpu.memory_space<hbm>>
    %dma_wait3A_43 = arith.constant 0 : i32
    %dma_wait3A_44 = tpu.memref_slice %arg2[%add3A_11, %dma_wait3A_43] : memref<1024x32768xf32, #tpu.memory_space<hbm>> -> memref<1x16384xf32, #tpu.memory_space<hbm>>
    %dma_wait3A_45 = tpu.memref_squeeze %dma_wait3A_44 : memref<1x16384xf32, #tpu.memory_space<hbm>> -> memref<16384xf32, #tpu.memory_space<hbm>>
    tpu.wait_dma2 semaphore(%arg12 : memref<!tpu.dma_semaphore, #tpu.memory_space<semaphore_mem>>) src(%dma_wait3A_45 : memref<16384xf32, #tpu.memory_space<hbm>>) dst(%arg8 : memref<16384xf32, #tpu.memory_space<vmem>>)
    %eq3A = arith.constant 0 : i32
    %eq3A_46 = vector.broadcast %eq3A : i32 to vector<16xi32>
    %eq3A_47 = arith.cmpi eq, %iota3A, %eq3A_46 : vector<16xi32>
    %ge3A = arith.constant 0 : i32
    %ge3A_48 = vector.broadcast %ge3A : i32 to vector<16xi32>
    %ge3A_49 = arith.cmpi sge, %get3A_3, %ge3A_48 : vector<16xi32>
    %and3A = arith.andi %eq3A_47, %ge3A_49 : vector<16xi1>
    %lt3A = arith.constant 16384 : i32
    %lt3A_50 = vector.broadcast %lt3A : i32 to vector<16xi32>
    %lt3A_51 = arith.cmpi slt, %get3A_3, %lt3A_50 : vector<16xi32>
    %and3A_52 = arith.andi %and3A, %lt3A_51 : vector<16xi1>
    %sub3A = arith.constant 0 : i32
    %sub3A_53 = vector.broadcast %sub3A : i32 to vector<16xi32>
    %sub3A_54 = arith.subi %get3A_3, %sub3A_53 : vector<16xi32>
    %jit3A = arith.constant 0 : i32
    %jit3A_55 = arith.constant 16383 : i32
    %max3A = vector.broadcast %jit3A : i32 to vector<16xi32>
    %max3A_56 = arith.maxsi %max3A, %sub3A_54 : vector<16xi32>
    %min3A = vector.broadcast %jit3A_55 : i32 to vector<16xi32>
    %min3A_57 = arith.minsi %min3A, %max3A_56 : vector<16xi32>
    tpu.vector_store_idx %arg8[%min3A_57], %get3A_7 masked %and3A_52 {add = true} : memref<16384xf32, #tpu.memory_space<vmem>>[vector<16xi32>], vector<16xf32>, vector<16xi1>
    %add3A_58 = arith.constant 0 : i32
    %add3A_59 = arith.addi %mul3A_2, %add3A_58 : i32
    %dma_start3A_60 = arith.constant 0 : i32
    %dma_start3A_61 = tpu.memref_slice %arg5[%add3A_59, %dma_start3A_60] : memref<1024x32768xf32, #tpu.memory_space<hbm>> -> memref<1x16384xf32, #tpu.memory_space<hbm>>
    %dma_start3A_62 = tpu.memref_squeeze %dma_start3A_61 : memref<1x16384xf32, #tpu.memory_space<hbm>> -> memref<16384xf32, #tpu.memory_space<hbm>>
    %dma_start3A_63 = arith.constant 0 : i32
    %dma_start3A_64 = tpu.memref_slice %arg5[%add3A_59, %dma_start3A_63] : memref<1024x32768xf32, #tpu.memory_space<hbm>> -> memref<1x16384xf32, #tpu.memory_space<hbm>>
    %dma_start3A_65 = tpu.memref_squeeze %dma_start3A_64 : memref<1x16384xf32, #tpu.memory_space<hbm>> -> memref<16384xf32, #tpu.memory_space<hbm>>
    tpu.enqueue_dma source(%arg8 : memref<16384xf32, #tpu.memory_space<vmem>>) target(%dma_start3A_65 : memref<16384xf32, #tpu.memory_space<hbm>>) target_semaphore(%arg13 : memref<!tpu.dma_semaphore, #tpu.memory_space<semaphore_mem>>)
    %dma_wait3A_66 = arith.constant 0 : i32
    %dma_wait3A_67 = tpu.memref_slice %arg5[%add3A_59, %dma_wait3A_66] : memref<1024x32768xf32, #tpu.memory_space<hbm>> -> memref<1x16384xf32, #tpu.memory_space<hbm>>
    %dma_wait3A_68 = tpu.memref_squeeze %dma_wait3A_67 : memref<1x16384xf32, #tpu.memory_space<hbm>> -> memref<16384xf32, #tpu.memory_space<hbm>>
    %dma_wait3A_69 = arith.constant 0 : i32
    %dma_wait3A_70 = tpu.memref_slice %arg5[%add3A_59, %dma_wait3A_69] : memref<1024x32768xf32, #tpu.memory_space<hbm>> -> memref<1x16384xf32, #tpu.memory_space<hbm>>
    %dma_wait3A_71 = tpu.memref_squeeze %dma_wait3A_70 : memref<1x16384xf32, #tpu.memory_space<hbm>> -> memref<16384xf32, #tpu.memory_space<hbm>>
    tpu.wait_dma2 semaphore(%arg13 : memref<!tpu.dma_semaphore, #tpu.memory_space<semaphore_mem>>) src(%arg8 : memref<16384xf32, #tpu.memory_space<vmem>>) dst(%dma_wait3A_71 : memref<16384xf32, #tpu.memory_space<hbm>>)
    %add3A_72 = arith.constant 2 : i32
    %add3A_73 = arith.addi %mul3A_2, %add3A_72 : i32
    %dma_start3A_74 = arith.constant 0 : i32
    %dma_start3A_75 = tpu.memref_slice %arg2[%add3A_73, %dma_start3A_74] : memref<1024x32768xf32, #tpu.memory_space<hbm>> -> memref<1x16384xf32, #tpu.memory_space<hbm>>
    %dma_start3A_76 = tpu.memref_squeeze %dma_start3A_75 : memref<1x16384xf32, #tpu.memory_space<hbm>> -> memref<16384xf32, #tpu.memory_space<hbm>>
    %dma_start3A_77 = arith.constant 0 : i32
    %dma_start3A_78 = tpu.memref_slice %arg2[%add3A_73, %dma_start3A_77] : memref<1024x32768xf32, #tpu.memory_space<hbm>> -> memref<1x16384xf32, #tpu.memory_space<hbm>>
    %dma_start3A_79 = tpu.memref_squeeze %dma_start3A_78 : memref<1x16384xf32, #tpu.memory_space<hbm>> -> memref<16384xf32, #tpu.memory_space<hbm>>
    tpu.enqueue_dma source(%dma_start3A_79 : memref<16384xf32, #tpu.memory_space<hbm>>) target(%arg8 : memref<16384xf32, #tpu.memory_space<vmem>>) target_semaphore(%arg12 : memref<!tpu.dma_semaphore, #tpu.memory_space<semaphore_mem>>)
    %dma_wait3A_80 = arith.constant 16384 : i32
    %dma_wait3A_81 = tpu.memref_slice %arg2[%add3A_18, %dma_wait3A_80] : memref<1024x32768xf32, #tpu.memory_space<hbm>> -> memref<1x16384xf32, #tpu.memory_space<hbm>>
    %dma_wait3A_82 = tpu.memref_squeeze %dma_wait3A_81 : memref<1x16384xf32, #tpu.memory_space<hbm>> -> memref<16384xf32, #tpu.memory_space<hbm>>
    %dma_wait3A_83 = arith.constant 16384 : i32
    %dma_wait3A_84 = tpu.memref_slice %arg2[%add3A_18, %dma_wait3A_83] : memref<1024x32768xf32, #tpu.memory_space<hbm>> -> memref<1x16384xf32, #tpu.memory_space<hbm>>
    %dma_wait3A_85 = tpu.memref_squeeze %dma_wait3A_84 : memref<1x16384xf32, #tpu.memory_space<hbm>> -> memref<16384xf32, #tpu.memory_space<hbm>>
    tpu.wait_dma2 semaphore(%arg12 : memref<!tpu.dma_semaphore, #tpu.memory_space<semaphore_mem>>) src(%dma_wait3A_85 : memref<16384xf32, #tpu.memory_space<hbm>>) dst(%arg9 : memref<16384xf32, #tpu.memory_space<vmem>>)
    %eq3A_86 = arith.constant 0 : i32
    %eq3A_87 = vector.broadcast %eq3A_86 : i32 to vector<16xi32>
    %eq3A_88 = arith.cmpi eq, %iota3A, %eq3A_87 : vector<16xi32>
    %ge3A_89 = arith.constant 16384 : i32
    %ge3A_90 = vector.broadcast %ge3A_89 : i32 to vector<16xi32>
    %ge3A_91 = arith.cmpi sge, %get3A_3, %ge3A_90 : vector<16xi32>
    %and3A_92 = arith.andi %eq3A_88, %ge3A_91 : vector<16xi1>
    %lt3A_93 = arith.constant 32768 : i32
    %lt3A_94 = vector.broadcast %lt3A_93 : i32 to vector<16xi32>
    %lt3A_95 = arith.cmpi slt, %get3A_3, %lt3A_94 : vector<16xi32>
    %and3A_96 = arith.andi %and3A_92, %lt3A_95 : vector<16xi1>
    %sub3A_97 = arith.constant 16384 : i32
    %sub3A_98 = vector.broadcast %sub3A_97 : i32 to vector<16xi32>
    %sub3A_99 = arith.subi %get3A_3, %sub3A_98 : vector<16xi32>
    %jit3A_100 = arith.constant 0 : i32
    %jit3A_101 = arith.constant 16383 : i32
    %max3A_102 = vector.broadcast %jit3A_100 : i32 to vector<16xi32>
    %max3A_103 = arith.maxsi %max3A_102, %sub3A_99 : vector<16xi32>
    %min3A_104 = vector.broadcast %jit3A_101 : i32 to vector<16xi32>
    %min3A_105 = arith.minsi %min3A_104, %max3A_103 : vector<16xi32>
    tpu.vector_store_idx %arg9[%min3A_105], %get3A_7 masked %and3A_96 {add = true} : memref<16384xf32, #tpu.memory_space<vmem>>[vector<16xi32>], vector<16xf32>, vector<16xi1>
    %add3A_106 = arith.constant 0 : i32
    %add3A_107 = arith.addi %mul3A_2, %add3A_106 : i32
    %dma_start3A_108 = arith.constant 16384 : i32
    %dma_start3A_109 = tpu.memref_slice %arg5[%add3A_107, %dma_start3A_108] : memref<1024x32768xf32, #tpu.memory_space<hbm>> -> memref<1x16384xf32, #tpu.memory_space<hbm>>
    %dma_start3A_110 = tpu.memref_squeeze %dma_start3A_109 : memref<1x16384xf32, #tpu.memory_space<hbm>> -> memref<16384xf32, #tpu.memory_space<hbm>>
    %dma_start3A_111 = arith.constant 16384 : i32
    %dma_start3A_112 = tpu.memref_slice %arg5[%add3A_107, %dma_start3A_111] : memref<1024x32768xf32, #tpu.memory_space<hbm>> -> memref<1x16384xf32, #tpu.memory_space<hbm>>
    %dma_start3A_113 = tpu.memref_squeeze %dma_start3A_112 : memref<1x16384xf32, #tpu.memory_space<hbm>> -> memref<16384xf32, #tpu.memory_space<hbm>>
    tpu.enqueue_dma source(%arg9 : memref<16384xf32, #tpu.memory_space<vmem>>) target(%dma_start3A_113 : memref<16384xf32, #tpu.memory_space<hbm>>) target_semaphore(%arg13 : memref<!tpu.dma_semaphore, #tpu.memory_space<semaphore_mem>>)
    %dma_wait3A_114 = arith.constant 16384 : i32
    %dma_wait3A_115 = tpu.memref_slice %arg5[%add3A_107, %dma_wait3A_114] : memref<1024x32768xf32, #tpu.memory_space<hbm>> -> memref<1x16384xf32, #tpu.memory_space<hbm>>
    %dma_wait3A_116 = tpu.memref_squeeze %dma_wait3A_115 : memref<1x16384xf32, #tpu.memory_space<hbm>> -> memref<16384xf32, #tpu.memory_space<hbm>>
    %dma_wait3A_117 = arith.constant 16384 : i32
    %dma_wait3A_118 = tpu.memref_slice %arg5[%add3A_107, %dma_wait3A_117] : memref<1024x32768xf32, #tpu.memory_space<hbm>> -> memref<1x16384xf32, #tpu.memory_space<hbm>>
    %dma_wait3A_119 = tpu.memref_squeeze %dma_wait3A_118 : memref<1x16384xf32, #tpu.memory_space<hbm>> -> memref<16384xf32, #tpu.memory_space<hbm>>
    tpu.wait_dma2 semaphore(%arg13 : memref<!tpu.dma_semaphore, #tpu.memory_space<semaphore_mem>>) src(%arg9 : memref<16384xf32, #tpu.memory_space<vmem>>) dst(%dma_wait3A_119 : memref<16384xf32, #tpu.memory_space<hbm>>)
    %add3A_120 = arith.constant 2 : i32
    %add3A_121 = arith.addi %mul3A_2, %add3A_120 : i32
    %dma_start3A_122 = arith.constant 16384 : i32
    %dma_start3A_123 = tpu.memref_slice %arg2[%add3A_121, %dma_start3A_122] : memref<1024x32768xf32, #tpu.memory_space<hbm>> -> memref<1x16384xf32, #tpu.memory_space<hbm>>
    %dma_start3A_124 = tpu.memref_squeeze %dma_start3A_123 : memref<1x16384xf32, #tpu.memory_space<hbm>> -> memref<16384xf32, #tpu.memory_space<hbm>>
    %dma_start3A_125 = arith.constant 16384 : i32
    %dma_start3A_126 = tpu.memref_slice %arg2[%add3A_121, %dma_start3A_125] : memref<1024x32768xf32, #tpu.memory_space<hbm>> -> memref<1x16384xf32, #tpu.memory_space<hbm>>
    %dma_start3A_127 = tpu.memref_squeeze %dma_start3A_126 : memref<1x16384xf32, #tpu.memory_space<hbm>> -> memref<16384xf32, #tpu.memory_space<hbm>>
    tpu.enqueue_dma source(%dma_start3A_127 : memref<16384xf32, #tpu.memory_space<hbm>>) target(%arg9 : memref<16384xf32, #tpu.memory_space<vmem>>) target_semaphore(%arg12 : memref<!tpu.dma_semaphore, #tpu.memory_space<semaphore_mem>>)
    %dma_wait3A_128 = arith.constant 0 : i32
    %dma_wait3A_129 = tpu.memref_slice %arg2[%add3A_26, %dma_wait3A_128] : memref<1024x32768xf32, #tpu.memory_space<hbm>> -> memref<1x16384xf32, #tpu.memory_space<hbm>>
    %dma_wait3A_130 = tpu.memref_squeeze %dma_wait3A_129 : memref<1x16384xf32, #tpu.memory_space<hbm>> -> memref<16384xf32, #tpu.memory_space<hbm>>
    %dma_wait3A_131 = arith.constant 0 : i32
    %dma_wait3A_132 = tpu.memref_slice %arg2[%add3A_26, %dma_wait3A_131] : memref<1024x32768xf32, #tpu.memory_space<hbm>> -> memref<1x16384xf32, #tpu.memory_space<hbm>>
    %dma_wait3A_133 = tpu.memref_squeeze %dma_wait3A_132 : memref<1x16384xf32, #tpu.memory_space<hbm>> -> memref<16384xf32, #tpu.memory_space<hbm>>
    tpu.wait_dma2 semaphore(%arg12 : memref<!tpu.dma_semaphore, #tpu.memory_space<semaphore_mem>>) src(%dma_wait3A_133 : memref<16384xf32, #tpu.memory_space<hbm>>) dst(%arg10 : memref<16384xf32, #tpu.memory_space<vmem>>)
    %eq3A_134 = arith.constant 1 : i32
    %eq3A_135 = vector.broadcast %eq3A_134 : i32 to vector<16xi32>
    %eq3A_136 = arith.cmpi eq, %iota3A, %eq3A_135 : vector<16xi32>
    %ge3A_137 = arith.constant 0 : i32
    %ge3A_138 = vector.broadcast %ge3A_137 : i32 to vector<16xi32>
    %ge3A_139 = arith.cmpi sge, %get3A_3, %ge3A_138 : vector<16xi32>
    %and3A_140 = arith.andi %eq3A_136, %ge3A_139 : vector<16xi1>
    %lt3A_141 = arith.constant 16384 : i32
    %lt3A_142 = vector.broadcast %lt3A_141 : i32 to vector<16xi32>
    %lt3A_143 = arith.cmpi slt, %get3A_3, %lt3A_142 : vector<16xi32>
    %and3A_144 = arith.andi %and3A_140, %lt3A_143 : vector<16xi1>
    %sub3A_145 = arith.constant 0 : i32
    %sub3A_146 = vector.broadcast %sub3A_145 : i32 to vector<16xi32>
    %sub3A_147 = arith.subi %get3A_3, %sub3A_146 : vector<16xi32>
    %jit3A_148 = arith.constant 0 : i32
    %jit3A_149 = arith.constant 16383 : i32
    %max3A_150 = vector.broadcast %jit3A_148 : i32 to vector<16xi32>
    %max3A_151 = arith.maxsi %max3A_150, %sub3A_147 : vector<16xi32>
    %min3A_152 = vector.broadcast %jit3A_149 : i32 to vector<16xi32>
    %min3A_153 = arith.minsi %min3A_152, %max3A_151 : vector<16xi32>
    tpu.vector_store_idx %arg10[%min3A_153], %get3A_7 masked %and3A_144 {add = true} : memref<16384xf32, #tpu.memory_space<vmem>>[vector<16xi32>], vector<16xf32>, vector<16xi1>
    %add3A_154 = arith.constant 1 : i32
    %add3A_155 = arith.addi %mul3A_2, %add3A_154 : i32
    %dma_start3A_156 = arith.constant 0 : i32
    %dma_start3A_157 = tpu.memref_slice %arg5[%add3A_155, %dma_start3A_156] : memref<1024x32768xf32, #tpu.memory_space<hbm>> -> memref<1x16384xf32, #tpu.memory_space<hbm>>
    %dma_start3A_158 = tpu.memref_squeeze %dma_start3A_157 : memref<1x16384xf32, #tpu.memory_space<hbm>> -> memref<16384xf32, #tpu.memory_space<hbm>>
    %dma_start3A_159 = arith.constant 0 : i32
    %dma_start3A_160 = tpu.memref_slice %arg5[%add3A_155, %dma_start3A_159] : memref<1024x32768xf32, #tpu.memory_space<hbm>> -> memref<1x16384xf32, #tpu.memory_space<hbm>>
    %dma_start3A_161 = tpu.memref_squeeze %dma_start3A_160 : memref<1x16384xf32, #tpu.memory_space<hbm>> -> memref<16384xf32, #tpu.memory_space<hbm>>
    tpu.enqueue_dma source(%arg10 : memref<16384xf32, #tpu.memory_space<vmem>>) target(%dma_start3A_161 : memref<16384xf32, #tpu.memory_space<hbm>>) target_semaphore(%arg13 : memref<!tpu.dma_semaphore, #tpu.memory_space<semaphore_mem>>)
    %dma_wait3A_162 = arith.constant 0 : i32
    %dma_wait3A_163 = tpu.memref_slice %arg5[%add3A_155, %dma_wait3A_162] : memref<1024x32768xf32, #tpu.memory_space<hbm>> -> memref<1x16384xf32, #tpu.memory_space<hbm>>
    %dma_wait3A_164 = tpu.memref_squeeze %dma_wait3A_163 : memref<1x16384xf32, #tpu.memory_space<hbm>> -> memref<16384xf32, #tpu.memory_space<hbm>>
    %dma_wait3A_165 = arith.constant 0 : i32
    %dma_wait3A_166 = tpu.memref_slice %arg5[%add3A_155, %dma_wait3A_165] : memref<1024x32768xf32, #tpu.memory_space<hbm>> -> memref<1x16384xf32, #tpu.memory_space<hbm>>
    %dma_wait3A_167 = tpu.memref_squeeze %dma_wait3A_166 : memref<1x16384xf32, #tpu.memory_space<hbm>> -> memref<16384xf32, #tpu.memory_space<hbm>>
    tpu.wait_dma2 semaphore(%arg13 : memref<!tpu.dma_semaphore, #tpu.memory_space<semaphore_mem>>) src(%arg10 : memref<16384xf32, #tpu.memory_space<vmem>>) dst(%dma_wait3A_167 : memref<16384xf32, #tpu.memory_space<hbm>>)
    %add3A_168 = arith.constant 3 : i32
    %add3A_169 = arith.addi %mul3A_2, %add3A_168 : i32
    %dma_start3A_170 = arith.constant 0 : i32
    %dma_start3A_171 = tpu.memref_slice %arg2[%add3A_169, %dma_start3A_170] : memref<1024x32768xf32, #tpu.memory_space<hbm>> -> memref<1x16384xf32, #tpu.memory_space<hbm>>
    %dma_start3A_172 = tpu.memref_squeeze %dma_start3A_171 : memref<1x16384xf32, #tpu.memory_space<hbm>> -> memref<16384xf32, #tpu.memory_space<hbm>>
    %dma_start3A_173 = arith.constant 0 : i32
    %dma_start3A_174 = tpu.memref_slice %arg2[%add3A_169, %dma_start3A_173] : memref<1024x32768xf32, #tpu.memory_space<hbm>> -> memref<1x16384xf32, #tpu.memory_space<hbm>>
    %dma_start3A_175 = tpu.memref_squeeze %dma_start3A_174 : memref<1x16384xf32, #tpu.memory_space<hbm>> -> memref<16384xf32, #tpu.memory_space<hbm>>
    tpu.enqueue_dma source(%dma_start3A_175 : memref<16384xf32, #tpu.memory_space<hbm>>) target(%arg10 : memref<16384xf32, #tpu.memory_space<vmem>>) target_semaphore(%arg12 : memref<!tpu.dma_semaphore, #tpu.memory_space<semaphore_mem>>)
    %dma_wait3A_176 = arith.constant 16384 : i32
    %dma_wait3A_177 = tpu.memref_slice %arg2[%add3A_34, %dma_wait3A_176] : memref<1024x32768xf32, #tpu.memory_space<hbm>> -> memref<1x16384xf32, #tpu.memory_space<hbm>>
    %dma_wait3A_178 = tpu.memref_squeeze %dma_wait3A_177 : memref<1x16384xf32, #tpu.memory_space<hbm>> -> memref<16384xf32, #tpu.memory_space<hbm>>
    %dma_wait3A_179 = arith.constant 16384 : i32
    %dma_wait3A_180 = tpu.memref_slice %arg2[%add3A_34, %dma_wait3A_179] : memref<1024x32768xf32, #tpu.memory_space<hbm>> -> memref<1x16384xf32, #tpu.memory_space<hbm>>
    %dma_wait3A_181 = tpu.memref_squeeze %dma_wait3A_180 : memref<1x16384xf32, #tpu.memory_space<hbm>> -> memref<16384xf32, #tpu.memory_space<hbm>>
    tpu.wait_dma2 semaphore(%arg12 : memref<!tpu.dma_semaphore, #tpu.memory_space<semaphore_mem>>) src(%dma_wait3A_181 : memref<16384xf32, #tpu.memory_space<hbm>>) dst(%arg11 : memref<16384xf32, #tpu.memory_space<vmem>>)
    %eq3A_182 = arith.constant 1 : i32
    %eq3A_183 = vector.broadcast %eq3A_182 : i32 to vector<16xi32>
    %eq3A_184 = arith.cmpi eq, %iota3A, %eq3A_183 : vector<16xi32>
    %ge3A_185 = arith.constant 16384 : i32
    %ge3A_186 = vector.broadcast %ge3A_185 : i32 to vector<16xi32>
    %ge3A_187 = arith.cmpi sge, %get3A_3, %ge3A_186 : vector<16xi32>
    %and3A_188 = arith.andi %eq3A_184, %ge3A_187 : vector<16xi1>
    %lt3A_189 = arith.constant 32768 : i32
    %lt3A_190 = vector.broadcast %lt3A_189 : i32 to vector<16xi32>
    %lt3A_191 = arith.cmpi slt, %get3A_3, %lt3A_190 : vector<16xi32>
    %and3A_192 = arith.andi %and3A_188, %lt3A_191 : vector<16xi1>
    %sub3A_193 = arith.constant 16384 : i32
    %sub3A_194 = vector.broadcast %sub3A_193 : i32 to vector<16xi32>
    %sub3A_195 = arith.subi %get3A_3, %sub3A_194 : vector<16xi32>
    %jit3A_196 = arith.constant 0 : i32
    %jit3A_197 = arith.constant 16383 : i32
    %max3A_198 = vector.broadcast %jit3A_196 : i32 to vector<16xi32>
    %max3A_199 = arith.maxsi %max3A_198, %sub3A_195 : vector<16xi32>
    %min3A_200 = vector.broadcast %jit3A_197 : i32 to vector<16xi32>
    %min3A_201 = arith.minsi %min3A_200, %max3A_199 : vector<16xi32>
    tpu.vector_store_idx %arg11[%min3A_201], %get3A_7 masked %and3A_192 {add = true} : memref<16384xf32, #tpu.memory_space<vmem>>[vector<16xi32>], vector<16xf32>, vector<16xi1>
    %add3A_202 = arith.constant 1 : i32
    %add3A_203 = arith.addi %mul3A_2, %add3A_202 : i32
    %dma_start3A_204 = arith.constant 16384 : i32
    %dma_start3A_205 = tpu.memref_slice %arg5[%add3A_203, %dma_start3A_204] : memref<1024x32768xf32, #tpu.memory_space<hbm>> -> memref<1x16384xf32, #tpu.memory_space<hbm>>
    %dma_start3A_206 = tpu.memref_squeeze %dma_start3A_205 : memref<1x16384xf32, #tpu.memory_space<hbm>> -> memref<16384xf32, #tpu.memory_space<hbm>>
    %dma_start3A_207 = arith.constant 16384 : i32
    %dma_start3A_208 = tpu.memref_slice %arg5[%add3A_203, %dma_start3A_207] : memref<1024x32768xf32, #tpu.memory_space<hbm>> -> memref<1x16384xf32, #tpu.memory_space<hbm>>
    %dma_start3A_209 = tpu.memref_squeeze %dma_start3A_208 : memref<1x16384xf32, #tpu.memory_space<hbm>> -> memref<16384xf32, #tpu.memory_space<hbm>>
    tpu.enqueue_dma source(%arg11 : memref<16384xf32, #tpu.memory_space<vmem>>) target(%dma_start3A_209 : memref<16384xf32, #tpu.memory_space<hbm>>) target_semaphore(%arg13 : memref<!tpu.dma_semaphore, #tpu.memory_space<semaphore_mem>>)
    %dma_wait3A_210 = arith.constant 16384 : i32
    %dma_wait3A_211 = tpu.memref_slice %arg5[%add3A_203, %dma_wait3A_210] : memref<1024x32768xf32, #tpu.memory_space<hbm>> -> memref<1x16384xf32, #tpu.memory_space<hbm>>
    %dma_wait3A_212 = tpu.memref_squeeze %dma_wait3A_211 : memref<1x16384xf32, #tpu.memory_space<hbm>> -> memref<16384xf32, #tpu.memory_space<hbm>>
    %dma_wait3A_213 = arith.constant 16384 : i32
    %dma_wait3A_214 = tpu.memref_slice %arg5[%add3A_203, %dma_wait3A_213] : memref<1024x32768xf32, #tpu.memory_space<hbm>> -> memref<1x16384xf32, #tpu.memory_space<hbm>>
    %dma_wait3A_215 = tpu.memref_squeeze %dma_wait3A_214 : memref<1x16384xf32, #tpu.memory_space<hbm>> -> memref<16384xf32, #tpu.memory_space<hbm>>
    tpu.wait_dma2 semaphore(%arg13 : memref<!tpu.dma_semaphore, #tpu.memory_space<semaphore_mem>>) src(%arg11 : memref<16384xf32, #tpu.memory_space<vmem>>) dst(%dma_wait3A_215 : memref<16384xf32, #tpu.memory_space<hbm>>)
    %add3A_216 = arith.constant 3 : i32
    %add3A_217 = arith.addi %mul3A_2, %add3A_216 : i32
    %dma_start3A_218 = arith.constant 16384 : i32
    %dma_start3A_219 = tpu.memref_slice %arg2[%add3A_217, %dma_start3A_218] : memref<1024x32768xf32, #tpu.memory_space<hbm>> -> memref<1x16384xf32, #tpu.memory_space<hbm>>
    %dma_start3A_220 = tpu.memref_squeeze %dma_start3A_219 : memref<1x16384xf32, #tpu.memory_space<hbm>> -> memref<16384xf32, #tpu.memory_space<hbm>>
    %dma_start3A_221 = arith.constant 16384 : i32
    %dma_start3A_222 = tpu.memref_slice %arg2[%add3A_217, %dma_start3A_221] : memref<1024x32768xf32, #tpu.memory_space<hbm>> -> memref<1x16384xf32, #tpu.memory_space<hbm>>
    %dma_start3A_223 = tpu.memref_squeeze %dma_start3A_222 : memref<1x16384xf32, #tpu.memory_space<hbm>> -> memref<16384xf32, #tpu.memory_space<hbm>>
    tpu.enqueue_dma source(%dma_start3A_223 : memref<16384xf32, #tpu.memory_space<hbm>>) target(%arg11 : memref<16384xf32, #tpu.memory_space<vmem>>) target_semaphore(%arg12 : memref<!tpu.dma_semaphore, #tpu.memory_space<semaphore_mem>>)
    %dma_wait3A_224 = arith.constant 0 : i32
    %dma_wait3A_225 = tpu.memref_slice %arg2[%add3A_73, %dma_wait3A_224] : memref<1024x32768xf32, #tpu.memory_space<hbm>> -> memref<1x16384xf32, #tpu.memory_space<hbm>>
    %dma_wait3A_226 = tpu.memref_squeeze %dma_wait3A_225 : memref<1x16384xf32, #tpu.memory_space<hbm>> -> memref<16384xf32, #tpu.memory_space<hbm>>
    %dma_wait3A_227 = arith.constant 0 : i32
    %dma_wait3A_228 = tpu.memref_slice %arg2[%add3A_73, %dma_wait3A_227] : memref<1024x32768xf32, #tpu.memory_space<hbm>> -> memref<1x16384xf32, #tpu.memory_space<hbm>>
    %dma_wait3A_229 = tpu.memref_squeeze %dma_wait3A_228 : memref<1x16384xf32, #tpu.memory_space<hbm>> -> memref<16384xf32, #tpu.memory_space<hbm>>
    tpu.wait_dma2 semaphore(%arg12 : memref<!tpu.dma_semaphore, #tpu.memory_space<semaphore_mem>>) src(%dma_wait3A_229 : memref<16384xf32, #tpu.memory_space<hbm>>) dst(%arg8 : memref<16384xf32, #tpu.memory_space<vmem>>)
    %eq3A_230 = arith.constant 2 : i32
    %eq3A_231 = vector.broadcast %eq3A_230 : i32 to vector<16xi32>
    %eq3A_232 = arith.cmpi eq, %iota3A, %eq3A_231 : vector<16xi32>
    %ge3A_233 = arith.constant 0 : i32
    %ge3A_234 = vector.broadcast %ge3A_233 : i32 to vector<16xi32>
    %ge3A_235 = arith.cmpi sge, %get3A_3, %ge3A_234 : vector<16xi32>
    %and3A_236 = arith.andi %eq3A_232, %ge3A_235 : vector<16xi1>
    %lt3A_237 = arith.constant 16384 : i32
    %lt3A_238 = vector.broadcast %lt3A_237 : i32 to vector<16xi32>
    %lt3A_239 = arith.cmpi slt, %get3A_3, %lt3A_238 : vector<16xi32>
    %and3A_240 = arith.andi %and3A_236, %lt3A_239 : vector<16xi1>
    %sub3A_241 = arith.constant 0 : i32
    %sub3A_242 = vector.broadcast %sub3A_241 : i32 to vector<16xi32>
    %sub3A_243 = arith.subi %get3A_3, %sub3A_242 : vector<16xi32>
    %jit3A_244 = arith.constant 0 : i32
    %jit3A_245 = arith.constant 16383 : i32
    %max3A_246 = vector.broadcast %jit3A_244 : i32 to vector<16xi32>
    %max3A_247 = arith.maxsi %max3A_246, %sub3A_243 : vector<16xi32>
    %min3A_248 = vector.broadcast %jit3A_245 : i32 to vector<16xi32>
    %min3A_249 = arith.minsi %min3A_248, %max3A_247 : vector<16xi32>
    tpu.vector_store_idx %arg8[%min3A_249], %get3A_7 masked %and3A_240 {add = true} : memref<16384xf32, #tpu.memory_space<vmem>>[vector<16xi32>], vector<16xf32>, vector<16xi1>
    %add3A_250 = arith.constant 2 : i32
    %add3A_251 = arith.addi %mul3A_2, %add3A_250 : i32
    %dma_start3A_252 = arith.constant 0 : i32
    %dma_start3A_253 = tpu.memref_slice %arg5[%add3A_251, %dma_start3A_252] : memref<1024x32768xf32, #tpu.memory_space<hbm>> -> memref<1x16384xf32, #tpu.memory_space<hbm>>
    %dma_start3A_254 = tpu.memref_squeeze %dma_start3A_253 : memref<1x16384xf32, #tpu.memory_space<hbm>> -> memref<16384xf32, #tpu.memory_space<hbm>>
    %dma_start3A_255 = arith.constant 0 : i32
    %dma_start3A_256 = tpu.memref_slice %arg5[%add3A_251, %dma_start3A_255] : memref<1024x32768xf32, #tpu.memory_space<hbm>> -> memref<1x16384xf32, #tpu.memory_space<hbm>>
    %dma_start3A_257 = tpu.memref_squeeze %dma_start3A_256 : memref<1x16384xf32, #tpu.memory_space<hbm>> -> memref<16384xf32, #tpu.memory_space<hbm>>
    tpu.enqueue_dma source(%arg8 : memref<16384xf32, #tpu.memory_space<vmem>>) target(%dma_start3A_257 : memref<16384xf32, #tpu.memory_space<hbm>>) target_semaphore(%arg13 : memref<!tpu.dma_semaphore, #tpu.memory_space<semaphore_mem>>)
    %dma_wait3A_258 = arith.constant 0 : i32
    %dma_wait3A_259 = tpu.memref_slice %arg5[%add3A_251, %dma_wait3A_258] : memref<1024x32768xf32, #tpu.memory_space<hbm>> -> memref<1x16384xf32, #tpu.memory_space<hbm>>
    %dma_wait3A_260 = tpu.memref_squeeze %dma_wait3A_259 : memref<1x16384xf32, #tpu.memory_space<hbm>> -> memref<16384xf32, #tpu.memory_space<hbm>>
    %dma_wait3A_261 = arith.constant 0 : i32
    %dma_wait3A_262 = tpu.memref_slice %arg5[%add3A_251, %dma_wait3A_261] : memref<1024x32768xf32, #tpu.memory_space<hbm>> -> memref<1x16384xf32, #tpu.memory_space<hbm>>
    %dma_wait3A_263 = tpu.memref_squeeze %dma_wait3A_262 : memref<1x16384xf32, #tpu.memory_space<hbm>> -> memref<16384xf32, #tpu.memory_space<hbm>>
    tpu.wait_dma2 semaphore(%arg13 : memref<!tpu.dma_semaphore, #tpu.memory_space<semaphore_mem>>) src(%arg8 : memref<16384xf32, #tpu.memory_space<vmem>>) dst(%dma_wait3A_263 : memref<16384xf32, #tpu.memory_space<hbm>>)
    %add3A_264 = arith.constant 4 : i32
    %add3A_265 = arith.addi %mul3A_2, %add3A_264 : i32
    %dma_start3A_266 = arith.constant 0 : i32
    %dma_start3A_267 = tpu.memref_slice %arg2[%add3A_265, %dma_start3A_266] : memref<1024x32768xf32, #tpu.memory_space<hbm>> -> memref<1x16384xf32, #tpu.memory_space<hbm>>
    %dma_start3A_268 = tpu.memref_squeeze %dma_start3A_267 : memref<1x16384xf32, #tpu.memory_space<hbm>> -> memref<16384xf32, #tpu.memory_space<hbm>>
    %dma_start3A_269 = arith.constant 0 : i32
    %dma_start3A_270 = tpu.memref_slice %arg2[%add3A_265, %dma_start3A_269] : memref<1024x32768xf32, #tpu.memory_space<hbm>> -> memref<1x16384xf32, #tpu.memory_space<hbm>>
    %dma_start3A_271 = tpu.memref_squeeze %dma_start3A_270 : memref<1x16384xf32, #tpu.memory_space<hbm>> -> memref<16384xf32, #tpu.memory_space<hbm>>
    tpu.enqueue_dma source(%dma_start3A_271 : memref<16384xf32, #tpu.memory_space<hbm>>) target(%arg8 : memref<16384xf32, #tpu.memory_space<vmem>>) target_semaphore(%arg12 : memref<!tpu.dma_semaphore, #tpu.memory_space<semaphore_mem>>)
    %dma_wait3A_272 = arith.constant 16384 : i32
    %dma_wait3A_273 = tpu.memref_slice %arg2[%add3A_121, %dma_wait3A_272] : memref<1024x32768xf32, #tpu.memory_space<hbm>> -> memref<1x16384xf32, #tpu.memory_space<hbm>>
    %dma_wait3A_274 = tpu.memref_squeeze %dma_wait3A_273 : memref<1x16384xf32, #tpu.memory_space<hbm>> -> memref<16384xf32, #tpu.memory_space<hbm>>
    %dma_wait3A_275 = arith.constant 16384 : i32
    %dma_wait3A_276 = tpu.memref_slice %arg2[%add3A_121, %dma_wait3A_275] : memref<1024x32768xf32, #tpu.memory_space<hbm>> -> memref<1x16384xf32, #tpu.memory_space<hbm>>
    %dma_wait3A_277 = tpu.memref_squeeze %dma_wait3A_276 : memref<1x16384xf32, #tpu.memory_space<hbm>> -> memref<16384xf32, #tpu.memory_space<hbm>>
    tpu.wait_dma2 semaphore(%arg12 : memref<!tpu.dma_semaphore, #tpu.memory_space<semaphore_mem>>) src(%dma_wait3A_277 : memref<16384xf32, #tpu.memory_space<hbm>>) dst(%arg9 : memref<16384xf32, #tpu.memory_space<vmem>>)
    %eq3A_278 = arith.constant 2 : i32
    %eq3A_279 = vector.broadcast %eq3A_278 : i32 to vector<16xi32>
    %eq3A_280 = arith.cmpi eq, %iota3A, %eq3A_279 : vector<16xi32>
    %ge3A_281 = arith.constant 16384 : i32
    %ge3A_282 = vector.broadcast %ge3A_281 : i32 to vector<16xi32>
    %ge3A_283 = arith.cmpi sge, %get3A_3, %ge3A_282 : vector<16xi32>
    %and3A_284 = arith.andi %eq3A_280, %ge3A_283 : vector<16xi1>
    %lt3A_285 = arith.constant 32768 : i32
    %lt3A_286 = vector.broadcast %lt3A_285 : i32 to vector<16xi32>
    %lt3A_287 = arith.cmpi slt, %get3A_3, %lt3A_286 : vector<16xi32>
    %and3A_288 = arith.andi %and3A_284, %lt3A_287 : vector<16xi1>
    %sub3A_289 = arith.constant 16384 : i32
    %sub3A_290 = vector.broadcast %sub3A_289 : i32 to vector<16xi32>
    %sub3A_291 = arith.subi %get3A_3, %sub3A_290 : vector<16xi32>
    %jit3A_292 = arith.constant 0 : i32
    %jit3A_293 = arith.constant 16383 : i32
    %max3A_294 = vector.broadcast %jit3A_292 : i32 to vector<16xi32>
    %max3A_295 = arith.maxsi %max3A_294, %sub3A_291 : vector<16xi32>
    %min3A_296 = vector.broadcast %jit3A_293 : i32 to vector<16xi32>
    %min3A_297 = arith.minsi %min3A_296, %max3A_295 : vector<16xi32>
    tpu.vector_store_idx %arg9[%min3A_297], %get3A_7 masked %and3A_288 {add = true} : memref<16384xf32, #tpu.memory_space<vmem>>[vector<16xi32>], vector<16xf32>, vector<16xi1>
    %add3A_298 = arith.constant 2 : i32
    %add3A_299 = arith.addi %mul3A_2, %add3A_298 : i32
    %dma_start3A_300 = arith.constant 16384 : i32
    %dma_start3A_301 = tpu.memref_slice %arg5[%add3A_299, %dma_start3A_300] : memref<1024x32768xf32, #tpu.memory_space<hbm>> -> memref<1x16384xf32, #tpu.memory_space<hbm>>
    %dma_start3A_302 = tpu.memref_squeeze %dma_start3A_301 : memref<1x16384xf32, #tpu.memory_space<hbm>> -> memref<16384xf32, #tpu.memory_space<hbm>>
    %dma_start3A_303 = arith.constant 16384 : i32
    %dma_start3A_304 = tpu.memref_slice %arg5[%add3A_299, %dma_start3A_303] : memref<1024x32768xf32, #tpu.memory_space<hbm>> -> memref<1x16384xf32, #tpu.memory_space<hbm>>
    %dma_start3A_305 = tpu.memref_squeeze %dma_start3A_304 : memref<1x16384xf32, #tpu.memory_space<hbm>> -> memref<16384xf32, #tpu.memory_space<hbm>>
    tpu.enqueue_dma source(%arg9 : memref<16384xf32, #tpu.memory_space<vmem>>) target(%dma_start3A_305 : memref<16384xf32, #tpu.memory_space<hbm>>) target_semaphore(%arg13 : memref<!tpu.dma_semaphore, #tpu.memory_space<semaphore_mem>>)
    %dma_wait3A_306 = arith.constant 16384 : i32
    %dma_wait3A_307 = tpu.memref_slice %arg5[%add3A_299, %dma_wait3A_306] : memref<1024x32768xf32, #tpu.memory_space<hbm>> -> memref<1x16384xf32, #tpu.memory_space<hbm>>
    %dma_wait3A_308 = tpu.memref_squeeze %dma_wait3A_307 : memref<1x16384xf32, #tpu.memory_space<hbm>> -> memref<16384xf32, #tpu.memory_space<hbm>>
    %dma_wait3A_309 = arith.constant 16384 : i32
    %dma_wait3A_310 = tpu.memref_slice %arg5[%add3A_299, %dma_wait3A_309] : memref<1024x32768xf32, #tpu.memory_space<hbm>> -> memref<1x16384xf32, #tpu.memory_space<hbm>>
    %dma_wait3A_311 = tpu.memref_squeeze %dma_wait3A_310 : memref<1x16384xf32, #tpu.memory_space<hbm>> -> memref<16384xf32, #tpu.memory_space<hbm>>
    tpu.wait_dma2 semaphore(%arg13 : memref<!tpu.dma_semaphore, #tpu.memory_space<semaphore_mem>>) src(%arg9 : memref<16384xf32, #tpu.memory_space<vmem>>) dst(%dma_wait3A_311 : memref<16384xf32, #tpu.memory_space<hbm>>)
    %add3A_312 = arith.constant 4 : i32
    %add3A_313 = arith.addi %mul3A_2, %add3A_312 : i32
    %dma_start3A_314 = arith.constant 16384 : i32
    %dma_start3A_315 = tpu.memref_slice %arg2[%add3A_313, %dma_start3A_314] : memref<1024x32768xf32, #tpu.memory_space<hbm>> -> memref<1x16384xf32, #tpu.memory_space<hbm>>
    %dma_start3A_316 = tpu.memref_squeeze %dma_start3A_315 : memref<1x16384xf32, #tpu.memory_space<hbm>> -> memref<16384xf32, #tpu.memory_space<hbm>>
    %dma_start3A_317 = arith.constant 16384 : i32
    %dma_start3A_318 = tpu.memref_slice %arg2[%add3A_313, %dma_start3A_317] : memref<1024x32768xf32, #tpu.memory_space<hbm>> -> memref<1x16384xf32, #tpu.memory_space<hbm>>
    %dma_start3A_319 = tpu.memref_squeeze %dma_start3A_318 : memref<1x16384xf32, #tpu.memory_space<hbm>> -> memref<16384xf32, #tpu.memory_space<hbm>>
    tpu.enqueue_dma source(%dma_start3A_319 : memref<16384xf32, #tpu.memory_space<hbm>>) target(%arg9 : memref<16384xf32, #tpu.memory_space<vmem>>) target_semaphore(%arg12 : memref<!tpu.dma_semaphore, #tpu.memory_space<semaphore_mem>>)
    %dma_wait3A_320 = arith.constant 0 : i32
    %dma_wait3A_321 = tpu.memref_slice %arg2[%add3A_169, %dma_wait3A_320] : memref<1024x32768xf32, #tpu.memory_space<hbm>> -> memref<1x16384xf32, #tpu.memory_space<hbm>>
    %dma_wait3A_322 = tpu.memref_squeeze %dma_wait3A_321 : memref<1x16384xf32, #tpu.memory_space<hbm>> -> memref<16384xf32, #tpu.memory_space<hbm>>
    %dma_wait3A_323 = arith.constant 0 : i32
    %dma_wait3A_324 = tpu.memref_slice %arg2[%add3A_169, %dma_wait3A_323] : memref<1024x32768xf32, #tpu.memory_space<hbm>> -> memref<1x16384xf32, #tpu.memory_space<hbm>>
    %dma_wait3A_325 = tpu.memref_squeeze %dma_wait3A_324 : memref<1x16384xf32, #tpu.memory_space<hbm>> -> memref<16384xf32, #tpu.memory_space<hbm>>
    tpu.wait_dma2 semaphore(%arg12 : memref<!tpu.dma_semaphore, #tpu.memory_space<semaphore_mem>>) src(%dma_wait3A_325 : memref<16384xf32, #tpu.memory_space<hbm>>) dst(%arg10 : memref<16384xf32, #tpu.memory_space<vmem>>)
    %eq3A_326 = arith.constant 3 : i32
    %eq3A_327 = vector.broadcast %eq3A_326 : i32 to vector<16xi32>
    %eq3A_328 = arith.cmpi eq, %iota3A, %eq3A_327 : vector<16xi32>
    %ge3A_329 = arith.constant 0 : i32
    %ge3A_330 = vector.broadcast %ge3A_329 : i32 to vector<16xi32>
    %ge3A_331 = arith.cmpi sge, %get3A_3, %ge3A_330 : vector<16xi32>
    %and3A_332 = arith.andi %eq3A_328, %ge3A_331 : vector<16xi1>
    %lt3A_333 = arith.constant 16384 : i32
    %lt3A_334 = vector.broadcast %lt3A_333 : i32 to vector<16xi32>
    %lt3A_335 = arith.cmpi slt, %get3A_3, %lt3A_334 : vector<16xi32>
    %and3A_336 = arith.andi %and3A_332, %lt3A_335 : vector<16xi1>
    %sub3A_337 = arith.constant 0 : i32
    %sub3A_338 = vector.broadcast %sub3A_337 : i32 to vector<16xi32>
    %sub3A_339 = arith.subi %get3A_3, %sub3A_338 : vector<16xi32>
    %jit3A_340 = arith.constant 0 : i32
    %jit3A_341 = arith.constant 16383 : i32
    %max3A_342 = vector.broadcast %jit3A_340 : i32 to vector<16xi32>
    %max3A_343 = arith.maxsi %max3A_342, %sub3A_339 : vector<16xi32>
    %min3A_344 = vector.broadcast %jit3A_341 : i32 to vector<16xi32>
    %min3A_345 = arith.minsi %min3A_344, %max3A_343 : vector<16xi32>
    tpu.vector_store_idx %arg10[%min3A_345], %get3A_7 masked %and3A_336 {add = true} : memref<16384xf32, #tpu.memory_space<vmem>>[vector<16xi32>], vector<16xf32>, vector<16xi1>
    %add3A_346 = arith.constant 3 : i32
    %add3A_347 = arith.addi %mul3A_2, %add3A_346 : i32
    %dma_start3A_348 = arith.constant 0 : i32
    %dma_start3A_349 = tpu.memref_slice %arg5[%add3A_347, %dma_start3A_348] : memref<1024x32768xf32, #tpu.memory_space<hbm>> -> memref<1x16384xf32, #tpu.memory_space<hbm>>
    %dma_start3A_350 = tpu.memref_squeeze %dma_start3A_349 : memref<1x16384xf32, #tpu.memory_space<hbm>> -> memref<16384xf32, #tpu.memory_space<hbm>>
    %dma_start3A_351 = arith.constant 0 : i32
    %dma_start3A_352 = tpu.memref_slice %arg5[%add3A_347, %dma_start3A_351] : memref<1024x32768xf32, #tpu.memory_space<hbm>> -> memref<1x16384xf32, #tpu.memory_space<hbm>>
    %dma_start3A_353 = tpu.memref_squeeze %dma_start3A_352 : memref<1x16384xf32, #tpu.memory_space<hbm>> -> memref<16384xf32, #tpu.memory_space<hbm>>
    tpu.enqueue_dma source(%arg10 : memref<16384xf32, #tpu.memory_space<vmem>>) target(%dma_start3A_353 : memref<16384xf32, #tpu.memory_space<hbm>>) target_semaphore(%arg13 : memref<!tpu.dma_semaphore, #tpu.memory_space<semaphore_mem>>)
    %dma_wait3A_354 = arith.constant 0 : i32
    %dma_wait3A_355 = tpu.memref_slice %arg5[%add3A_347, %dma_wait3A_354] : memref<1024x32768xf32, #tpu.memory_space<hbm>> -> memref<1x16384xf32, #tpu.memory_space<hbm>>
    %dma_wait3A_356 = tpu.memref_squeeze %dma_wait3A_355 : memref<1x16384xf32, #tpu.memory_space<hbm>> -> memref<16384xf32, #tpu.memory_space<hbm>>
    %dma_wait3A_357 = arith.constant 0 : i32
    %dma_wait3A_358 = tpu.memref_slice %arg5[%add3A_347, %dma_wait3A_357] : memref<1024x32768xf32, #tpu.memory_space<hbm>> -> memref<1x16384xf32, #tpu.memory_space<hbm>>
    %dma_wait3A_359 = tpu.memref_squeeze %dma_wait3A_358 : memref<1x16384xf32, #tpu.memory_space<hbm>> -> memref<16384xf32, #tpu.memory_space<hbm>>
    tpu.wait_dma2 semaphore(%arg13 : memref<!tpu.dma_semaphore, #tpu.memory_space<semaphore_mem>>) src(%arg10 : memref<16384xf32, #tpu.memory_space<vmem>>) dst(%dma_wait3A_359 : memref<16384xf32, #tpu.memory_space<hbm>>)
    %add3A_360 = arith.constant 5 : i32
    %add3A_361 = arith.addi %mul3A_2, %add3A_360 : i32
    %dma_start3A_362 = arith.constant 0 : i32
    %dma_start3A_363 = tpu.memref_slice %arg2[%add3A_361, %dma_start3A_362] : memref<1024x32768xf32, #tpu.memory_space<hbm>> -> memref<1x16384xf32, #tpu.memory_space<hbm>>
    %dma_start3A_364 = tpu.memref_squeeze %dma_start3A_363 : memref<1x16384xf32, #tpu.memory_space<hbm>> -> memref<16384xf32, #tpu.memory_space<hbm>>
    %dma_start3A_365 = arith.constant 0 : i32
    %dma_start3A_366 = tpu.memref_slice %arg2[%add3A_361, %dma_start3A_365] : memref<1024x32768xf32, #tpu.memory_space<hbm>> -> memref<1x16384xf32, #tpu.memory_space<hbm>>
    %dma_start3A_367 = tpu.memref_squeeze %dma_start3A_366 : memref<1x16384xf32, #tpu.memory_space<hbm>> -> memref<16384xf32, #tpu.memory_space<hbm>>
    tpu.enqueue_dma source(%dma_start3A_367 : memref<16384xf32, #tpu.memory_space<hbm>>) target(%arg10 : memref<16384xf32, #tpu.memory_space<vmem>>) target_semaphore(%arg12 : memref<!tpu.dma_semaphore, #tpu.memory_space<semaphore_mem>>)
    %dma_wait3A_368 = arith.constant 16384 : i32
    %dma_wait3A_369 = tpu.memref_slice %arg2[%add3A_217, %dma_wait3A_368] : memref<1024x32768xf32, #tpu.memory_space<hbm>> -> memref<1x16384xf32, #tpu.memory_space<hbm>>
    %dma_wait3A_370 = tpu.memref_squeeze %dma_wait3A_369 : memref<1x16384xf32, #tpu.memory_space<hbm>> -> memref<16384xf32, #tpu.memory_space<hbm>>
    %dma_wait3A_371 = arith.constant 16384 : i32
    %dma_wait3A_372 = tpu.memref_slice %arg2[%add3A_217, %dma_wait3A_371] : memref<1024x32768xf32, #tpu.memory_space<hbm>> -> memref<1x16384xf32, #tpu.memory_space<hbm>>
    %dma_wait3A_373 = tpu.memref_squeeze %dma_wait3A_372 : memref<1x16384xf32, #tpu.memory_space<hbm>> -> memref<16384xf32, #tpu.memory_space<hbm>>
    tpu.wait_dma2 semaphore(%arg12 : memref<!tpu.dma_semaphore, #tpu.memory_space<semaphore_mem>>) src(%dma_wait3A_373 : memref<16384xf32, #tpu.memory_space<hbm>>) dst(%arg11 : memref<16384xf32, #tpu.memory_space<vmem>>)
    %eq3A_374 = arith.constant 3 : i32
    %eq3A_375 = vector.broadcast %eq3A_374 : i32 to vector<16xi32>
    %eq3A_376 = arith.cmpi eq, %iota3A, %eq3A_375 : vector<16xi32>
    %ge3A_377 = arith.constant 16384 : i32
    %ge3A_378 = vector.broadcast %ge3A_377 : i32 to vector<16xi32>
    %ge3A_379 = arith.cmpi sge, %get3A_3, %ge3A_378 : vector<16xi32>
    %and3A_380 = arith.andi %eq3A_376, %ge3A_379 : vector<16xi1>
    %lt3A_381 = arith.constant 32768 : i32
    %lt3A_382 = vector.broadcast %lt3A_381 : i32 to vector<16xi32>
    %lt3A_383 = arith.cmpi slt, %get3A_3, %lt3A_382 : vector<16xi32>
    %and3A_384 = arith.andi %and3A_380, %lt3A_383 : vector<16xi1>
    %sub3A_385 = arith.constant 16384 : i32
    %sub3A_386 = vector.broadcast %sub3A_385 : i32 to vector<16xi32>
    %sub3A_387 = arith.subi %get3A_3, %sub3A_386 : vector<16xi32>
    %jit3A_388 = arith.constant 0 : i32
    %jit3A_389 = arith.constant 16383 : i32
    %max3A_390 = vector.broadcast %jit3A_388 : i32 to vector<16xi32>
    %max3A_391 = arith.maxsi %max3A_390, %sub3A_387 : vector<16xi32>
    %min3A_392 = vector.broadcast %jit3A_389 : i32 to vector<16xi32>
    %min3A_393 = arith.minsi %min3A_392, %max3A_391 : vector<16xi32>
    tpu.vector_store_idx %arg11[%min3A_393], %get3A_7 masked %and3A_384 {add = true} : memref<16384xf32, #tpu.memory_space<vmem>>[vector<16xi32>], vector<16xf32>, vector<16xi1>
    %add3A_394 = arith.constant 3 : i32
    %add3A_395 = arith.addi %mul3A_2, %add3A_394 : i32
    %dma_start3A_396 = arith.constant 16384 : i32
    %dma_start3A_397 = tpu.memref_slice %arg5[%add3A_395, %dma_start3A_396] : memref<1024x32768xf32, #tpu.memory_space<hbm>> -> memref<1x16384xf32, #tpu.memory_space<hbm>>
    %dma_start3A_398 = tpu.memref_squeeze %dma_start3A_397 : memref<1x16384xf32, #tpu.memory_space<hbm>> -> memref<16384xf32, #tpu.memory_space<hbm>>
    %dma_start3A_399 = arith.constant 16384 : i32
    %dma_start3A_400 = tpu.memref_slice %arg5[%add3A_395, %dma_start3A_399] : memref<1024x32768xf32, #tpu.memory_space<hbm>> -> memref<1x16384xf32, #tpu.memory_space<hbm>>
    %dma_start3A_401 = tpu.memref_squeeze %dma_start3A_400 : memref<1x16384xf32, #tpu.memory_space<hbm>> -> memref<16384xf32, #tpu.memory_space<hbm>>
    tpu.enqueue_dma source(%arg11 : memref<16384xf32, #tpu.memory_space<vmem>>) target(%dma_start3A_401 : memref<16384xf32, #tpu.memory_space<hbm>>) target_semaphore(%arg13 : memref<!tpu.dma_semaphore, #tpu.memory_space<semaphore_mem>>)
    %dma_wait3A_402 = arith.constant 16384 : i32
    %dma_wait3A_403 = tpu.memref_slice %arg5[%add3A_395, %dma_wait3A_402] : memref<1024x32768xf32, #tpu.memory_space<hbm>> -> memref<1x16384xf32, #tpu.memory_space<hbm>>
    %dma_wait3A_404 = tpu.memref_squeeze %dma_wait3A_403 : memref<1x16384xf32, #tpu.memory_space<hbm>> -> memref<16384xf32, #tpu.memory_space<hbm>>
    %dma_wait3A_405 = arith.constant 16384 : i32
    %dma_wait3A_406 = tpu.memref_slice %arg5[%add3A_395, %dma_wait3A_405] : memref<1024x32768xf32, #tpu.memory_space<hbm>> -> memref<1x16384xf32, #tpu.memory_space<hbm>>
    %dma_wait3A_407 = tpu.memref_squeeze %dma_wait3A_406 : memref<1x16384xf32, #tpu.memory_space<hbm>> -> memref<16384xf32, #tpu.memory_space<hbm>>
    tpu.wait_dma2 semaphore(%arg13 : memref<!tpu.dma_semaphore, #tpu.memory_space<semaphore_mem>>) src(%arg11 : memref<16384xf32, #tpu.memory_space<vmem>>) dst(%dma_wait3A_407 : memref<16384xf32, #tpu.memory_space<hbm>>)
    %add3A_408 = arith.constant 5 : i32
    %add3A_409 = arith.addi %mul3A_2, %add3A_408 : i32
    %dma_start3A_410 = arith.constant 16384 : i32
    %dma_start3A_411 = tpu.memref_slice %arg2[%add3A_409, %dma_start3A_410] : memref<1024x32768xf32, #tpu.memory_space<hbm>> -> memref<1x16384xf32, #tpu.memory_space<hbm>>
    %dma_start3A_412 = tpu.memref_squeeze %dma_start3A_411 : memref<1x16384xf32, #tpu.memory_space<hbm>> -> memref<16384xf32, #tpu.memory_space<hbm>>
    %dma_start3A_413 = arith.constant 16384 : i32
    %dma_start3A_414 = tpu.memref_slice %arg2[%add3A_409, %dma_start3A_413] : memref<1024x32768xf32, #tpu.memory_space<hbm>> -> memref<1x16384xf32, #tpu.memory_space<hbm>>
    %dma_start3A_415 = tpu.memref_squeeze %dma_start3A_414 : memref<1x16384xf32, #tpu.memory_space<hbm>> -> memref<16384xf32, #tpu.memory_space<hbm>>
    tpu.enqueue_dma source(%dma_start3A_415 : memref<16384xf32, #tpu.memory_space<hbm>>) target(%arg11 : memref<16384xf32, #tpu.memory_space<vmem>>) target_semaphore(%arg12 : memref<!tpu.dma_semaphore, #tpu.memory_space<semaphore_mem>>)
    %dma_wait3A_416 = arith.constant 0 : i32
    %dma_wait3A_417 = tpu.memref_slice %arg2[%add3A_265, %dma_wait3A_416] : memref<1024x32768xf32, #tpu.memory_space<hbm>> -> memref<1x16384xf32, #tpu.memory_space<hbm>>
    %dma_wait3A_418 = tpu.memref_squeeze %dma_wait3A_417 : memref<1x16384xf32, #tpu.memory_space<hbm>> -> memref<16384xf32, #tpu.memory_space<hbm>>
    %dma_wait3A_419 = arith.constant 0 : i32
    %dma_wait3A_420 = tpu.memref_slice %arg2[%add3A_265, %dma_wait3A_419] : memref<1024x32768xf32, #tpu.memory_space<hbm>> -> memref<1x16384xf32, #tpu.memory_space<hbm>>
    %dma_wait3A_421 = tpu.memref_squeeze %dma_wait3A_420 : memref<1x16384xf32, #tpu.memory_space<hbm>> -> memref<16384xf32, #tpu.memory_space<hbm>>
    tpu.wait_dma2 semaphore(%arg12 : memref<!tpu.dma_semaphore, #tpu.memory_space<semaphore_mem>>) src(%dma_wait3A_421 : memref<16384xf32, #tpu.memory_space<hbm>>) dst(%arg8 : memref<16384xf32, #tpu.memory_space<vmem>>)
    %eq3A_422 = arith.constant 4 : i32
    %eq3A_423 = vector.broadcast %eq3A_422 : i32 to vector<16xi32>
    %eq3A_424 = arith.cmpi eq, %iota3A, %eq3A_423 : vector<16xi32>
    %ge3A_425 = arith.constant 0 : i32
    %ge3A_426 = vector.broadcast %ge3A_425 : i32 to vector<16xi32>
    %ge3A_427 = arith.cmpi sge, %get3A_3, %ge3A_426 : vector<16xi32>
    %and3A_428 = arith.andi %eq3A_424, %ge3A_427 : vector<16xi1>
    %lt3A_429 = arith.constant 16384 : i32
    %lt3A_430 = vector.broadcast %lt3A_429 : i32 to vector<16xi32>
    %lt3A_431 = arith.cmpi slt, %get3A_3, %lt3A_430 : vector<16xi32>
    %and3A_432 = arith.andi %and3A_428, %lt3A_431 : vector<16xi1>
    %sub3A_433 = arith.constant 0 : i32
    %sub3A_434 = vector.broadcast %sub3A_433 : i32 to vector<16xi32>
    %sub3A_435 = arith.subi %get3A_3, %sub3A_434 : vector<16xi32>
    %jit3A_436 = arith.constant 0 : i32
    %jit3A_437 = arith.constant 16383 : i32
    %max3A_438 = vector.broadcast %jit3A_436 : i32 to vector<16xi32>
    %max3A_439 = arith.maxsi %max3A_438, %sub3A_435 : vector<16xi32>
    %min3A_440 = vector.broadcast %jit3A_437 : i32 to vector<16xi32>
    %min3A_441 = arith.minsi %min3A_440, %max3A_439 : vector<16xi32>
    tpu.vector_store_idx %arg8[%min3A_441], %get3A_7 masked %and3A_432 {add = true} : memref<16384xf32, #tpu.memory_space<vmem>>[vector<16xi32>], vector<16xf32>, vector<16xi1>
    %add3A_442 = arith.constant 4 : i32
    %add3A_443 = arith.addi %mul3A_2, %add3A_442 : i32
    %dma_start3A_444 = arith.constant 0 : i32
    %dma_start3A_445 = tpu.memref_slice %arg5[%add3A_443, %dma_start3A_444] : memref<1024x32768xf32, #tpu.memory_space<hbm>> -> memref<1x16384xf32, #tpu.memory_space<hbm>>
    %dma_start3A_446 = tpu.memref_squeeze %dma_start3A_445 : memref<1x16384xf32, #tpu.memory_space<hbm>> -> memref<16384xf32, #tpu.memory_space<hbm>>
    %dma_start3A_447 = arith.constant 0 : i32
    %dma_start3A_448 = tpu.memref_slice %arg5[%add3A_443, %dma_start3A_447] : memref<1024x32768xf32, #tpu.memory_space<hbm>> -> memref<1x16384xf32, #tpu.memory_space<hbm>>
    %dma_start3A_449 = tpu.memref_squeeze %dma_start3A_448 : memref<1x16384xf32, #tpu.memory_space<hbm>> -> memref<16384xf32, #tpu.memory_space<hbm>>
    tpu.enqueue_dma source(%arg8 : memref<16384xf32, #tpu.memory_space<vmem>>) target(%dma_start3A_449 : memref<16384xf32, #tpu.memory_space<hbm>>) target_semaphore(%arg13 : memref<!tpu.dma_semaphore, #tpu.memory_space<semaphore_mem>>)
    %dma_wait3A_450 = arith.constant 0 : i32
    %dma_wait3A_451 = tpu.memref_slice %arg5[%add3A_443, %dma_wait3A_450] : memref<1024x32768xf32, #tpu.memory_space<hbm>> -> memref<1x16384xf32, #tpu.memory_space<hbm>>
    %dma_wait3A_452 = tpu.memref_squeeze %dma_wait3A_451 : memref<1x16384xf32, #tpu.memory_space<hbm>> -> memref<16384xf32, #tpu.memory_space<hbm>>
    %dma_wait3A_453 = arith.constant 0 : i32
    %dma_wait3A_454 = tpu.memref_slice %arg5[%add3A_443, %dma_wait3A_453] : memref<1024x32768xf32, #tpu.memory_space<hbm>> -> memref<1x16384xf32, #tpu.memory_space<hbm>>
    %dma_wait3A_455 = tpu.memref_squeeze %dma_wait3A_454 : memref<1x16384xf32, #tpu.memory_space<hbm>> -> memref<16384xf32, #tpu.memory_space<hbm>>
    tpu.wait_dma2 semaphore(%arg13 : memref<!tpu.dma_semaphore, #tpu.memory_space<semaphore_mem>>) src(%arg8 : memref<16384xf32, #tpu.memory_space<vmem>>) dst(%dma_wait3A_455 : memref<16384xf32, #tpu.memory_space<hbm>>)
    %add3A_456 = arith.constant 6 : i32
    %add3A_457 = arith.addi %mul3A_2, %add3A_456 : i32
    %dma_start3A_458 = arith.constant 0 : i32
    %dma_start3A_459 = tpu.memref_slice %arg2[%add3A_457, %dma_start3A_458] : memref<1024x32768xf32, #tpu.memory_space<hbm>> -> memref<1x16384xf32, #tpu.memory_space<hbm>>
    %dma_start3A_460 = tpu.memref_squeeze %dma_start3A_459 : memref<1x16384xf32, #tpu.memory_space<hbm>> -> memref<16384xf32, #tpu.memory_space<hbm>>
    %dma_start3A_461 = arith.constant 0 : i32
    %dma_start3A_462 = tpu.memref_slice %arg2[%add3A_457, %dma_start3A_461] : memref<1024x32768xf32, #tpu.memory_space<hbm>> -> memref<1x16384xf32, #tpu.memory_space<hbm>>
    %dma_start3A_463 = tpu.memref_squeeze %dma_start3A_462 : memref<1x16384xf32, #tpu.memory_space<hbm>> -> memref<16384xf32, #tpu.memory_space<hbm>>
    tpu.enqueue_dma source(%dma_start3A_463 : memref<16384xf32, #tpu.memory_space<hbm>>) target(%arg8 : memref<16384xf32, #tpu.memory_space<vmem>>) target_semaphore(%arg12 : memref<!tpu.dma_semaphore, #tpu.memory_space<semaphore_mem>>)
    %dma_wait3A_464 = arith.constant 16384 : i32
    %dma_wait3A_465 = tpu.memref_slice %arg2[%add3A_313, %dma_wait3A_464] : memref<1024x32768xf32, #tpu.memory_space<hbm>> -> memref<1x16384xf32, #tpu.memory_space<hbm>>
    %dma_wait3A_466 = tpu.memref_squeeze %dma_wait3A_465 : memref<1x16384xf32, #tpu.memory_space<hbm>> -> memref<16384xf32, #tpu.memory_space<hbm>>
    %dma_wait3A_467 = arith.constant 16384 : i32
    %dma_wait3A_468 = tpu.memref_slice %arg2[%add3A_313, %dma_wait3A_467] : memref<1024x32768xf32, #tpu.memory_space<hbm>> -> memref<1x16384xf32, #tpu.memory_space<hbm>>
    %dma_wait3A_469 = tpu.memref_squeeze %dma_wait3A_468 : memref<1x16384xf32, #tpu.memory_space<hbm>> -> memref<16384xf32, #tpu.memory_space<hbm>>
    tpu.wait_dma2 semaphore(%arg12 : memref<!tpu.dma_semaphore, #tpu.memory_space<semaphore_mem>>) src(%dma_wait3A_469 : memref<16384xf32, #tpu.memory_space<hbm>>) dst(%arg9 : memref<16384xf32, #tpu.memory_space<vmem>>)
    %eq3A_470 = arith.constant 4 : i32
    %eq3A_471 = vector.broadcast %eq3A_470 : i32 to vector<16xi32>
    %eq3A_472 = arith.cmpi eq, %iota3A, %eq3A_471 : vector<16xi32>
    %ge3A_473 = arith.constant 16384 : i32
    %ge3A_474 = vector.broadcast %ge3A_473 : i32 to vector<16xi32>
    %ge3A_475 = arith.cmpi sge, %get3A_3, %ge3A_474 : vector<16xi32>
    %and3A_476 = arith.andi %eq3A_472, %ge3A_475 : vector<16xi1>
    %lt3A_477 = arith.constant 32768 : i32
    %lt3A_478 = vector.broadcast %lt3A_477 : i32 to vector<16xi32>
    %lt3A_479 = arith.cmpi slt, %get3A_3, %lt3A_478 : vector<16xi32>
    %and3A_480 = arith.andi %and3A_476, %lt3A_479 : vector<16xi1>
    %sub3A_481 = arith.constant 16384 : i32
    %sub3A_482 = vector.broadcast %sub3A_481 : i32 to vector<16xi32>
    %sub3A_483 = arith.subi %get3A_3, %sub3A_482 : vector<16xi32>
    %jit3A_484 = arith.constant 0 : i32
    %jit3A_485 = arith.constant 16383 : i32
    %max3A_486 = vector.broadcast %jit3A_484 : i32 to vector<16xi32>
    %max3A_487 = arith.maxsi %max3A_486, %sub3A_483 : vector<16xi32>
    %min3A_488 = vector.broadcast %jit3A_485 : i32 to vector<16xi32>
    %min3A_489 = arith.minsi %min3A_488, %max3A_487 : vector<16xi32>
    tpu.vector_store_idx %arg9[%min3A_489], %get3A_7 masked %and3A_480 {add = true} : memref<16384xf32, #tpu.memory_space<vmem>>[vector<16xi32>], vector<16xf32>, vector<16xi1>
    %add3A_490 = arith.constant 4 : i32
    %add3A_491 = arith.addi %mul3A_2, %add3A_490 : i32
    %dma_start3A_492 = arith.constant 16384 : i32
    %dma_start3A_493 = tpu.memref_slice %arg5[%add3A_491, %dma_start3A_492] : memref<1024x32768xf32, #tpu.memory_space<hbm>> -> memref<1x16384xf32, #tpu.memory_space<hbm>>
    %dma_start3A_494 = tpu.memref_squeeze %dma_start3A_493 : memref<1x16384xf32, #tpu.memory_space<hbm>> -> memref<16384xf32, #tpu.memory_space<hbm>>
    %dma_start3A_495 = arith.constant 16384 : i32
    %dma_start3A_496 = tpu.memref_slice %arg5[%add3A_491, %dma_start3A_495] : memref<1024x32768xf32, #tpu.memory_space<hbm>> -> memref<1x16384xf32, #tpu.memory_space<hbm>>
    %dma_start3A_497 = tpu.memref_squeeze %dma_start3A_496 : memref<1x16384xf32, #tpu.memory_space<hbm>> -> memref<16384xf32, #tpu.memory_space<hbm>>
    tpu.enqueue_dma source(%arg9 : memref<16384xf32, #tpu.memory_space<vmem>>) target(%dma_start3A_497 : memref<16384xf32, #tpu.memory_space<hbm>>) target_semaphore(%arg13 : memref<!tpu.dma_semaphore, #tpu.memory_space<semaphore_mem>>)
    %dma_wait3A_498 = arith.constant 16384 : i32
    %dma_wait3A_499 = tpu.memref_slice %arg5[%add3A_491, %dma_wait3A_498] : memref<1024x32768xf32, #tpu.memory_space<hbm>> -> memref<1x16384xf32, #tpu.memory_space<hbm>>
    %dma_wait3A_500 = tpu.memref_squeeze %dma_wait3A_499 : memref<1x16384xf32, #tpu.memory_space<hbm>> -> memref<16384xf32, #tpu.memory_space<hbm>>
    %dma_wait3A_501 = arith.constant 16384 : i32
    %dma_wait3A_502 = tpu.memref_slice %arg5[%add3A_491, %dma_wait3A_501] : memref<1024x32768xf32, #tpu.memory_space<hbm>> -> memref<1x16384xf32, #tpu.memory_space<hbm>>
    %dma_wait3A_503 = tpu.memref_squeeze %dma_wait3A_502 : memref<1x16384xf32, #tpu.memory_space<hbm>> -> memref<16384xf32, #tpu.memory_space<hbm>>
    tpu.wait_dma2 semaphore(%arg13 : memref<!tpu.dma_semaphore, #tpu.memory_space<semaphore_mem>>) src(%arg9 : memref<16384xf32, #tpu.memory_space<vmem>>) dst(%dma_wait3A_503 : memref<16384xf32, #tpu.memory_space<hbm>>)
    %add3A_504 = arith.constant 6 : i32
    %add3A_505 = arith.addi %mul3A_2, %add3A_504 : i32
    %dma_start3A_506 = arith.constant 16384 : i32
    %dma_start3A_507 = tpu.memref_slice %arg2[%add3A_505, %dma_start3A_506] : memref<1024x32768xf32, #tpu.memory_space<hbm>> -> memref<1x16384xf32, #tpu.memory_space<hbm>>
    %dma_start3A_508 = tpu.memref_squeeze %dma_start3A_507 : memref<1x16384xf32, #tpu.memory_space<hbm>> -> memref<16384xf32, #tpu.memory_space<hbm>>
    %dma_start3A_509 = arith.constant 16384 : i32
    %dma_start3A_510 = tpu.memref_slice %arg2[%add3A_505, %dma_start3A_509] : memref<1024x32768xf32, #tpu.memory_space<hbm>> -> memref<1x16384xf32, #tpu.memory_space<hbm>>
    %dma_start3A_511 = tpu.memref_squeeze %dma_start3A_510 : memref<1x16384xf32, #tpu.memory_space<hbm>> -> memref<16384xf32, #tpu.memory_space<hbm>>
    tpu.enqueue_dma source(%dma_start3A_511 : memref<16384xf32, #tpu.memory_space<hbm>>) target(%arg9 : memref<16384xf32, #tpu.memory_space<vmem>>) target_semaphore(%arg12 : memref<!tpu.dma_semaphore, #tpu.memory_space<semaphore_mem>>)
    %dma_wait3A_512 = arith.constant 0 : i32
    %dma_wait3A_513 = tpu.memref_slice %arg2[%add3A_361, %dma_wait3A_512] : memref<1024x32768xf32, #tpu.memory_space<hbm>> -> memref<1x16384xf32, #tpu.memory_space<hbm>>
    %dma_wait3A_514 = tpu.memref_squeeze %dma_wait3A_513 : memref<1x16384xf32, #tpu.memory_space<hbm>> -> memref<16384xf32, #tpu.memory_space<hbm>>
    %dma_wait3A_515 = arith.constant 0 : i32
    %dma_wait3A_516 = tpu.memref_slice %arg2[%add3A_361, %dma_wait3A_515] : memref<1024x32768xf32, #tpu.memory_space<hbm>> -> memref<1x16384xf32, #tpu.memory_space<hbm>>
    %dma_wait3A_517 = tpu.memref_squeeze %dma_wait3A_516 : memref<1x16384xf32, #tpu.memory_space<hbm>> -> memref<16384xf32, #tpu.memory_space<hbm>>
    tpu.wait_dma2 semaphore(%arg12 : memref<!tpu.dma_semaphore, #tpu.memory_space<semaphore_mem>>) src(%dma_wait3A_517 : memref<16384xf32, #tpu.memory_space<hbm>>) dst(%arg10 : memref<16384xf32, #tpu.memory_space<vmem>>)
    %eq3A_518 = arith.constant 5 : i32
    %eq3A_519 = vector.broadcast %eq3A_518 : i32 to vector<16xi32>
    %eq3A_520 = arith.cmpi eq, %iota3A, %eq3A_519 : vector<16xi32>
    %ge3A_521 = arith.constant 0 : i32
    %ge3A_522 = vector.broadcast %ge3A_521 : i32 to vector<16xi32>
    %ge3A_523 = arith.cmpi sge, %get3A_3, %ge3A_522 : vector<16xi32>
    %and3A_524 = arith.andi %eq3A_520, %ge3A_523 : vector<16xi1>
    %lt3A_525 = arith.constant 16384 : i32
    %lt3A_526 = vector.broadcast %lt3A_525 : i32 to vector<16xi32>
    %lt3A_527 = arith.cmpi slt, %get3A_3, %lt3A_526 : vector<16xi32>
    %and3A_528 = arith.andi %and3A_524, %lt3A_527 : vector<16xi1>
    %sub3A_529 = arith.constant 0 : i32
    %sub3A_530 = vector.broadcast %sub3A_529 : i32 to vector<16xi32>
    %sub3A_531 = arith.subi %get3A_3, %sub3A_530 : vector<16xi32>
    %jit3A_532 = arith.constant 0 : i32
    %jit3A_533 = arith.constant 16383 : i32
    %max3A_534 = vector.broadcast %jit3A_532 : i32 to vector<16xi32>
    %max3A_535 = arith.maxsi %max3A_534, %sub3A_531 : vector<16xi32>
    %min3A_536 = vector.broadcast %jit3A_533 : i32 to vector<16xi32>
    %min3A_537 = arith.minsi %min3A_536, %max3A_535 : vector<16xi32>
    tpu.vector_store_idx %arg10[%min3A_537], %get3A_7 masked %and3A_528 {add = true} : memref<16384xf32, #tpu.memory_space<vmem>>[vector<16xi32>], vector<16xf32>, vector<16xi1>
    %add3A_538 = arith.constant 5 : i32
    %add3A_539 = arith.addi %mul3A_2, %add3A_538 : i32
    %dma_start3A_540 = arith.constant 0 : i32
    %dma_start3A_541 = tpu.memref_slice %arg5[%add3A_539, %dma_start3A_540] : memref<1024x32768xf32, #tpu.memory_space<hbm>> -> memref<1x16384xf32, #tpu.memory_space<hbm>>
    %dma_start3A_542 = tpu.memref_squeeze %dma_start3A_541 : memref<1x16384xf32, #tpu.memory_space<hbm>> -> memref<16384xf32, #tpu.memory_space<hbm>>
    %dma_start3A_543 = arith.constant 0 : i32
    %dma_start3A_544 = tpu.memref_slice %arg5[%add3A_539, %dma_start3A_543] : memref<1024x32768xf32, #tpu.memory_space<hbm>> -> memref<1x16384xf32, #tpu.memory_space<hbm>>
    %dma_start3A_545 = tpu.memref_squeeze %dma_start3A_544 : memref<1x16384xf32, #tpu.memory_space<hbm>> -> memref<16384xf32, #tpu.memory_space<hbm>>
    tpu.enqueue_dma source(%arg10 : memref<16384xf32, #tpu.memory_space<vmem>>) target(%dma_start3A_545 : memref<16384xf32, #tpu.memory_space<hbm>>) target_semaphore(%arg13 : memref<!tpu.dma_semaphore, #tpu.memory_space<semaphore_mem>>)
    %dma_wait3A_546 = arith.constant 0 : i32
    %dma_wait3A_547 = tpu.memref_slice %arg5[%add3A_539, %dma_wait3A_546] : memref<1024x32768xf32, #tpu.memory_space<hbm>> -> memref<1x16384xf32, #tpu.memory_space<hbm>>
    %dma_wait3A_548 = tpu.memref_squeeze %dma_wait3A_547 : memref<1x16384xf32, #tpu.memory_space<hbm>> -> memref<16384xf32, #tpu.memory_space<hbm>>
    %dma_wait3A_549 = arith.constant 0 : i32
    %dma_wait3A_550 = tpu.memref_slice %arg5[%add3A_539, %dma_wait3A_549] : memref<1024x32768xf32, #tpu.memory_space<hbm>> -> memref<1x16384xf32, #tpu.memory_space<hbm>>
    %dma_wait3A_551 = tpu.memref_squeeze %dma_wait3A_550 : memref<1x16384xf32, #tpu.memory_space<hbm>> -> memref<16384xf32, #tpu.memory_space<hbm>>
    tpu.wait_dma2 semaphore(%arg13 : memref<!tpu.dma_semaphore, #tpu.memory_space<semaphore_mem>>) src(%arg10 : memref<16384xf32, #tpu.memory_space<vmem>>) dst(%dma_wait3A_551 : memref<16384xf32, #tpu.memory_space<hbm>>)
    %add3A_552 = arith.constant 7 : i32
    %add3A_553 = arith.addi %mul3A_2, %add3A_552 : i32
    %dma_start3A_554 = arith.constant 0 : i32
    %dma_start3A_555 = tpu.memref_slice %arg2[%add3A_553, %dma_start3A_554] : memref<1024x32768xf32, #tpu.memory_space<hbm>> -> memref<1x16384xf32, #tpu.memory_space<hbm>>
    %dma_start3A_556 = tpu.memref_squeeze %dma_start3A_555 : memref<1x16384xf32, #tpu.memory_space<hbm>> -> memref<16384xf32, #tpu.memory_space<hbm>>
    %dma_start3A_557 = arith.constant 0 : i32
    %dma_start3A_558 = tpu.memref_slice %arg2[%add3A_553, %dma_start3A_557] : memref<1024x32768xf32, #tpu.memory_space<hbm>> -> memref<1x16384xf32, #tpu.memory_space<hbm>>
    %dma_start3A_559 = tpu.memref_squeeze %dma_start3A_558 : memref<1x16384xf32, #tpu.memory_space<hbm>> -> memref<16384xf32, #tpu.memory_space<hbm>>
    tpu.enqueue_dma source(%dma_start3A_559 : memref<16384xf32, #tpu.memory_space<hbm>>) target(%arg10 : memref<16384xf32, #tpu.memory_space<vmem>>) target_semaphore(%arg12 : memref<!tpu.dma_semaphore, #tpu.memory_space<semaphore_mem>>)
    %dma_wait3A_560 = arith.constant 16384 : i32
    %dma_wait3A_561 = tpu.memref_slice %arg2[%add3A_409, %dma_wait3A_560] : memref<1024x32768xf32, #tpu.memory_space<hbm>> -> memref<1x16384xf32, #tpu.memory_space<hbm>>
    %dma_wait3A_562 = tpu.memref_squeeze %dma_wait3A_561 : memref<1x16384xf32, #tpu.memory_space<hbm>> -> memref<16384xf32, #tpu.memory_space<hbm>>
    %dma_wait3A_563 = arith.constant 16384 : i32
    %dma_wait3A_564 = tpu.memref_slice %arg2[%add3A_409, %dma_wait3A_563] : memref<1024x32768xf32, #tpu.memory_space<hbm>> -> memref<1x16384xf32, #tpu.memory_space<hbm>>
    %dma_wait3A_565 = tpu.memref_squeeze %dma_wait3A_564 : memref<1x16384xf32, #tpu.memory_space<hbm>> -> memref<16384xf32, #tpu.memory_space<hbm>>
    tpu.wait_dma2 semaphore(%arg12 : memref<!tpu.dma_semaphore, #tpu.memory_space<semaphore_mem>>) src(%dma_wait3A_565 : memref<16384xf32, #tpu.memory_space<hbm>>) dst(%arg11 : memref<16384xf32, #tpu.memory_space<vmem>>)
    %eq3A_566 = arith.constant 5 : i32
    %eq3A_567 = vector.broadcast %eq3A_566 : i32 to vector<16xi32>
    %eq3A_568 = arith.cmpi eq, %iota3A, %eq3A_567 : vector<16xi32>
    %ge3A_569 = arith.constant 16384 : i32
    %ge3A_570 = vector.broadcast %ge3A_569 : i32 to vector<16xi32>
    %ge3A_571 = arith.cmpi sge, %get3A_3, %ge3A_570 : vector<16xi32>
    %and3A_572 = arith.andi %eq3A_568, %ge3A_571 : vector<16xi1>
    %lt3A_573 = arith.constant 32768 : i32
    %lt3A_574 = vector.broadcast %lt3A_573 : i32 to vector<16xi32>
    %lt3A_575 = arith.cmpi slt, %get3A_3, %lt3A_574 : vector<16xi32>
    %and3A_576 = arith.andi %and3A_572, %lt3A_575 : vector<16xi1>
    %sub3A_577 = arith.constant 16384 : i32
    %sub3A_578 = vector.broadcast %sub3A_577 : i32 to vector<16xi32>
    %sub3A_579 = arith.subi %get3A_3, %sub3A_578 : vector<16xi32>
    %jit3A_580 = arith.constant 0 : i32
    %jit3A_581 = arith.constant 16383 : i32
    %max3A_582 = vector.broadcast %jit3A_580 : i32 to vector<16xi32>
    %max3A_583 = arith.maxsi %max3A_582, %sub3A_579 : vector<16xi32>
    %min3A_584 = vector.broadcast %jit3A_581 : i32 to vector<16xi32>
    %min3A_585 = arith.minsi %min3A_584, %max3A_583 : vector<16xi32>
    tpu.vector_store_idx %arg11[%min3A_585], %get3A_7 masked %and3A_576 {add = true} : memref<16384xf32, #tpu.memory_space<vmem>>[vector<16xi32>], vector<16xf32>, vector<16xi1>
    %add3A_586 = arith.constant 5 : i32
    %add3A_587 = arith.addi %mul3A_2, %add3A_586 : i32
    %dma_start3A_588 = arith.constant 16384 : i32
    %dma_start3A_589 = tpu.memref_slice %arg5[%add3A_587, %dma_start3A_588] : memref<1024x32768xf32, #tpu.memory_space<hbm>> -> memref<1x16384xf32, #tpu.memory_space<hbm>>
    %dma_start3A_590 = tpu.memref_squeeze %dma_start3A_589 : memref<1x16384xf32, #tpu.memory_space<hbm>> -> memref<16384xf32, #tpu.memory_space<hbm>>
    %dma_start3A_591 = arith.constant 16384 : i32
    %dma_start3A_592 = tpu.memref_slice %arg5[%add3A_587, %dma_start3A_591] : memref<1024x32768xf32, #tpu.memory_space<hbm>> -> memref<1x16384xf32, #tpu.memory_space<hbm>>
    %dma_start3A_593 = tpu.memref_squeeze %dma_start3A_592 : memref<1x16384xf32, #tpu.memory_space<hbm>> -> memref<16384xf32, #tpu.memory_space<hbm>>
    tpu.enqueue_dma source(%arg11 : memref<16384xf32, #tpu.memory_space<vmem>>) target(%dma_start3A_593 : memref<16384xf32, #tpu.memory_space<hbm>>) target_semaphore(%arg13 : memref<!tpu.dma_semaphore, #tpu.memory_space<semaphore_mem>>)
    %dma_wait3A_594 = arith.constant 16384 : i32
    %dma_wait3A_595 = tpu.memref_slice %arg5[%add3A_587, %dma_wait3A_594] : memref<1024x32768xf32, #tpu.memory_space<hbm>> -> memref<1x16384xf32, #tpu.memory_space<hbm>>
    %dma_wait3A_596 = tpu.memref_squeeze %dma_wait3A_595 : memref<1x16384xf32, #tpu.memory_space<hbm>> -> memref<16384xf32, #tpu.memory_space<hbm>>
    %dma_wait3A_597 = arith.constant 16384 : i32
    %dma_wait3A_598 = tpu.memref_slice %arg5[%add3A_587, %dma_wait3A_597] : memref<1024x32768xf32, #tpu.memory_space<hbm>> -> memref<1x16384xf32, #tpu.memory_space<hbm>>
    %dma_wait3A_599 = tpu.memref_squeeze %dma_wait3A_598 : memref<1x16384xf32, #tpu.memory_space<hbm>> -> memref<16384xf32, #tpu.memory_space<hbm>>
    tpu.wait_dma2 semaphore(%arg13 : memref<!tpu.dma_semaphore, #tpu.memory_space<semaphore_mem>>) src(%arg11 : memref<16384xf32, #tpu.memory_space<vmem>>) dst(%dma_wait3A_599 : memref<16384xf32, #tpu.memory_space<hbm>>)
    %add3A_600 = arith.constant 7 : i32
    %add3A_601 = arith.addi %mul3A_2, %add3A_600 : i32
    %dma_start3A_602 = arith.constant 16384 : i32
    %dma_start3A_603 = tpu.memref_slice %arg2[%add3A_601, %dma_start3A_602] : memref<1024x32768xf32, #tpu.memory_space<hbm>> -> memref<1x16384xf32, #tpu.memory_space<hbm>>
    %dma_start3A_604 = tpu.memref_squeeze %dma_start3A_603 : memref<1x16384xf32, #tpu.memory_space<hbm>> -> memref<16384xf32, #tpu.memory_space<hbm>>
    %dma_start3A_605 = arith.constant 16384 : i32
    %dma_start3A_606 = tpu.memref_slice %arg2[%add3A_601, %dma_start3A_605] : memref<1024x32768xf32, #tpu.memory_space<hbm>> -> memref<1x16384xf32, #tpu.memory_space<hbm>>
    %dma_start3A_607 = tpu.memref_squeeze %dma_start3A_606 : memref<1x16384xf32, #tpu.memory_space<hbm>> -> memref<16384xf32, #tpu.memory_space<hbm>>
    tpu.enqueue_dma source(%dma_start3A_607 : memref<16384xf32, #tpu.memory_space<hbm>>) target(%arg11 : memref<16384xf32, #tpu.memory_space<vmem>>) target_semaphore(%arg12 : memref<!tpu.dma_semaphore, #tpu.memory_space<semaphore_mem>>)
    %dma_wait3A_608 = arith.constant 0 : i32
    %dma_wait3A_609 = tpu.memref_slice %arg2[%add3A_457, %dma_wait3A_608] : memref<1024x32768xf32, #tpu.memory_space<hbm>> -> memref<1x16384xf32, #tpu.memory_space<hbm>>
    %dma_wait3A_610 = tpu.memref_squeeze %dma_wait3A_609 : memref<1x16384xf32, #tpu.memory_space<hbm>> -> memref<16384xf32, #tpu.memory_space<hbm>>
    %dma_wait3A_611 = arith.constant 0 : i32
    %dma_wait3A_612 = tpu.memref_slice %arg2[%add3A_457, %dma_wait3A_611] : memref<1024x32768xf32, #tpu.memory_space<hbm>> -> memref<1x16384xf32, #tpu.memory_space<hbm>>
    %dma_wait3A_613 = tpu.memref_squeeze %dma_wait3A_612 : memref<1x16384xf32, #tpu.memory_space<hbm>> -> memref<16384xf32, #tpu.memory_space<hbm>>
    tpu.wait_dma2 semaphore(%arg12 : memref<!tpu.dma_semaphore, #tpu.memory_space<semaphore_mem>>) src(%dma_wait3A_613 : memref<16384xf32, #tpu.memory_space<hbm>>) dst(%arg8 : memref<16384xf32, #tpu.memory_space<vmem>>)
    %eq3A_614 = arith.constant 6 : i32
    %eq3A_615 = vector.broadcast %eq3A_614 : i32 to vector<16xi32>
    %eq3A_616 = arith.cmpi eq, %iota3A, %eq3A_615 : vector<16xi32>
    %ge3A_617 = arith.constant 0 : i32
    %ge3A_618 = vector.broadcast %ge3A_617 : i32 to vector<16xi32>
    %ge3A_619 = arith.cmpi sge, %get3A_3, %ge3A_618 : vector<16xi32>
    %and3A_620 = arith.andi %eq3A_616, %ge3A_619 : vector<16xi1>
    %lt3A_621 = arith.constant 16384 : i32
    %lt3A_622 = vector.broadcast %lt3A_621 : i32 to vector<16xi32>
    %lt3A_623 = arith.cmpi slt, %get3A_3, %lt3A_622 : vector<16xi32>
    %and3A_624 = arith.andi %and3A_620, %lt3A_623 : vector<16xi1>
    %sub3A_625 = arith.constant 0 : i32
    %sub3A_626 = vector.broadcast %sub3A_625 : i32 to vector<16xi32>
    %sub3A_627 = arith.subi %get3A_3, %sub3A_626 : vector<16xi32>
    %jit3A_628 = arith.constant 0 : i32
    %jit3A_629 = arith.constant 16383 : i32
    %max3A_630 = vector.broadcast %jit3A_628 : i32 to vector<16xi32>
    %max3A_631 = arith.maxsi %max3A_630, %sub3A_627 : vector<16xi32>
    %min3A_632 = vector.broadcast %jit3A_629 : i32 to vector<16xi32>
    %min3A_633 = arith.minsi %min3A_632, %max3A_631 : vector<16xi32>
    tpu.vector_store_idx %arg8[%min3A_633], %get3A_7 masked %and3A_624 {add = true} : memref<16384xf32, #tpu.memory_space<vmem>>[vector<16xi32>], vector<16xf32>, vector<16xi1>
    %add3A_634 = arith.constant 6 : i32
    %add3A_635 = arith.addi %mul3A_2, %add3A_634 : i32
    %dma_start3A_636 = arith.constant 0 : i32
    %dma_start3A_637 = tpu.memref_slice %arg5[%add3A_635, %dma_start3A_636] : memref<1024x32768xf32, #tpu.memory_space<hbm>> -> memref<1x16384xf32, #tpu.memory_space<hbm>>
    %dma_start3A_638 = tpu.memref_squeeze %dma_start3A_637 : memref<1x16384xf32, #tpu.memory_space<hbm>> -> memref<16384xf32, #tpu.memory_space<hbm>>
    %dma_start3A_639 = arith.constant 0 : i32
    %dma_start3A_640 = tpu.memref_slice %arg5[%add3A_635, %dma_start3A_639] : memref<1024x32768xf32, #tpu.memory_space<hbm>> -> memref<1x16384xf32, #tpu.memory_space<hbm>>
    %dma_start3A_641 = tpu.memref_squeeze %dma_start3A_640 : memref<1x16384xf32, #tpu.memory_space<hbm>> -> memref<16384xf32, #tpu.memory_space<hbm>>
    tpu.enqueue_dma source(%arg8 : memref<16384xf32, #tpu.memory_space<vmem>>) target(%dma_start3A_641 : memref<16384xf32, #tpu.memory_space<hbm>>) target_semaphore(%arg13 : memref<!tpu.dma_semaphore, #tpu.memory_space<semaphore_mem>>)
    %dma_wait3A_642 = arith.constant 0 : i32
    %dma_wait3A_643 = tpu.memref_slice %arg5[%add3A_635, %dma_wait3A_642] : memref<1024x32768xf32, #tpu.memory_space<hbm>> -> memref<1x16384xf32, #tpu.memory_space<hbm>>
    %dma_wait3A_644 = tpu.memref_squeeze %dma_wait3A_643 : memref<1x16384xf32, #tpu.memory_space<hbm>> -> memref<16384xf32, #tpu.memory_space<hbm>>
    %dma_wait3A_645 = arith.constant 0 : i32
    %dma_wait3A_646 = tpu.memref_slice %arg5[%add3A_635, %dma_wait3A_645] : memref<1024x32768xf32, #tpu.memory_space<hbm>> -> memref<1x16384xf32, #tpu.memory_space<hbm>>
    %dma_wait3A_647 = tpu.memref_squeeze %dma_wait3A_646 : memref<1x16384xf32, #tpu.memory_space<hbm>> -> memref<16384xf32, #tpu.memory_space<hbm>>
    tpu.wait_dma2 semaphore(%arg13 : memref<!tpu.dma_semaphore, #tpu.memory_space<semaphore_mem>>) src(%arg8 : memref<16384xf32, #tpu.memory_space<vmem>>) dst(%dma_wait3A_647 : memref<16384xf32, #tpu.memory_space<hbm>>)
    %add3A_648 = arith.constant 8 : i32
    %add3A_649 = arith.addi %mul3A_2, %add3A_648 : i32
    %dma_start3A_650 = arith.constant 0 : i32
    %dma_start3A_651 = tpu.memref_slice %arg2[%add3A_649, %dma_start3A_650] : memref<1024x32768xf32, #tpu.memory_space<hbm>> -> memref<1x16384xf32, #tpu.memory_space<hbm>>
    %dma_start3A_652 = tpu.memref_squeeze %dma_start3A_651 : memref<1x16384xf32, #tpu.memory_space<hbm>> -> memref<16384xf32, #tpu.memory_space<hbm>>
    %dma_start3A_653 = arith.constant 0 : i32
    %dma_start3A_654 = tpu.memref_slice %arg2[%add3A_649, %dma_start3A_653] : memref<1024x32768xf32, #tpu.memory_space<hbm>> -> memref<1x16384xf32, #tpu.memory_space<hbm>>
    %dma_start3A_655 = tpu.memref_squeeze %dma_start3A_654 : memref<1x16384xf32, #tpu.memory_space<hbm>> -> memref<16384xf32, #tpu.memory_space<hbm>>
    tpu.enqueue_dma source(%dma_start3A_655 : memref<16384xf32, #tpu.memory_space<hbm>>) target(%arg8 : memref<16384xf32, #tpu.memory_space<vmem>>) target_semaphore(%arg12 : memref<!tpu.dma_semaphore, #tpu.memory_space<semaphore_mem>>)
    %dma_wait3A_656 = arith.constant 16384 : i32
    %dma_wait3A_657 = tpu.memref_slice %arg2[%add3A_505, %dma_wait3A_656] : memref<1024x32768xf32, #tpu.memory_space<hbm>> -> memref<1x16384xf32, #tpu.memory_space<hbm>>
    %dma_wait3A_658 = tpu.memref_squeeze %dma_wait3A_657 : memref<1x16384xf32, #tpu.memory_space<hbm>> -> memref<16384xf32, #tpu.memory_space<hbm>>
    %dma_wait3A_659 = arith.constant 16384 : i32
    %dma_wait3A_660 = tpu.memref_slice %arg2[%add3A_505, %dma_wait3A_659] : memref<1024x32768xf32, #tpu.memory_space<hbm>> -> memref<1x16384xf32, #tpu.memory_space<hbm>>
    %dma_wait3A_661 = tpu.memref_squeeze %dma_wait3A_660 : memref<1x16384xf32, #tpu.memory_space<hbm>> -> memref<16384xf32, #tpu.memory_space<hbm>>
    tpu.wait_dma2 semaphore(%arg12 : memref<!tpu.dma_semaphore, #tpu.memory_space<semaphore_mem>>) src(%dma_wait3A_661 : memref<16384xf32, #tpu.memory_space<hbm>>) dst(%arg9 : memref<16384xf32, #tpu.memory_space<vmem>>)
    %eq3A_662 = arith.constant 6 : i32
    %eq3A_663 = vector.broadcast %eq3A_662 : i32 to vector<16xi32>
    %eq3A_664 = arith.cmpi eq, %iota3A, %eq3A_663 : vector<16xi32>
    %ge3A_665 = arith.constant 16384 : i32
    %ge3A_666 = vector.broadcast %ge3A_665 : i32 to vector<16xi32>
    %ge3A_667 = arith.cmpi sge, %get3A_3, %ge3A_666 : vector<16xi32>
    %and3A_668 = arith.andi %eq3A_664, %ge3A_667 : vector<16xi1>
    %lt3A_669 = arith.constant 32768 : i32
    %lt3A_670 = vector.broadcast %lt3A_669 : i32 to vector<16xi32>
    %lt3A_671 = arith.cmpi slt, %get3A_3, %lt3A_670 : vector<16xi32>
    %and3A_672 = arith.andi %and3A_668, %lt3A_671 : vector<16xi1>
    %sub3A_673 = arith.constant 16384 : i32
    %sub3A_674 = vector.broadcast %sub3A_673 : i32 to vector<16xi32>
    %sub3A_675 = arith.subi %get3A_3, %sub3A_674 : vector<16xi32>
    %jit3A_676 = arith.constant 0 : i32
    %jit3A_677 = arith.constant 16383 : i32
    %max3A_678 = vector.broadcast %jit3A_676 : i32 to vector<16xi32>
    %max3A_679 = arith.maxsi %max3A_678, %sub3A_675 : vector<16xi32>
    %min3A_680 = vector.broadcast %jit3A_677 : i32 to vector<16xi32>
    %min3A_681 = arith.minsi %min3A_680, %max3A_679 : vector<16xi32>
    tpu.vector_store_idx %arg9[%min3A_681], %get3A_7 masked %and3A_672 {add = true} : memref<16384xf32, #tpu.memory_space<vmem>>[vector<16xi32>], vector<16xf32>, vector<16xi1>
    %add3A_682 = arith.constant 6 : i32
    %add3A_683 = arith.addi %mul3A_2, %add3A_682 : i32
    %dma_start3A_684 = arith.constant 16384 : i32
    %dma_start3A_685 = tpu.memref_slice %arg5[%add3A_683, %dma_start3A_684] : memref<1024x32768xf32, #tpu.memory_space<hbm>> -> memref<1x16384xf32, #tpu.memory_space<hbm>>
    %dma_start3A_686 = tpu.memref_squeeze %dma_start3A_685 : memref<1x16384xf32, #tpu.memory_space<hbm>> -> memref<16384xf32, #tpu.memory_space<hbm>>
    %dma_start3A_687 = arith.constant 16384 : i32
    %dma_start3A_688 = tpu.memref_slice %arg5[%add3A_683, %dma_start3A_687] : memref<1024x32768xf32, #tpu.memory_space<hbm>> -> memref<1x16384xf32, #tpu.memory_space<hbm>>
    %dma_start3A_689 = tpu.memref_squeeze %dma_start3A_688 : memref<1x16384xf32, #tpu.memory_space<hbm>> -> memref<16384xf32, #tpu.memory_space<hbm>>
    tpu.enqueue_dma source(%arg9 : memref<16384xf32, #tpu.memory_space<vmem>>) target(%dma_start3A_689 : memref<16384xf32, #tpu.memory_space<hbm>>) target_semaphore(%arg13 : memref<!tpu.dma_semaphore, #tpu.memory_space<semaphore_mem>>)
    %dma_wait3A_690 = arith.constant 16384 : i32
    %dma_wait3A_691 = tpu.memref_slice %arg5[%add3A_683, %dma_wait3A_690] : memref<1024x32768xf32, #tpu.memory_space<hbm>> -> memref<1x16384xf32, #tpu.memory_space<hbm>>
    %dma_wait3A_692 = tpu.memref_squeeze %dma_wait3A_691 : memref<1x16384xf32, #tpu.memory_space<hbm>> -> memref<16384xf32, #tpu.memory_space<hbm>>
    %dma_wait3A_693 = arith.constant 16384 : i32
    %dma_wait3A_694 = tpu.memref_slice %arg5[%add3A_683, %dma_wait3A_693] : memref<1024x32768xf32, #tpu.memory_space<hbm>> -> memref<1x16384xf32, #tpu.memory_space<hbm>>
    %dma_wait3A_695 = tpu.memref_squeeze %dma_wait3A_694 : memref<1x16384xf32, #tpu.memory_space<hbm>> -> memref<16384xf32, #tpu.memory_space<hbm>>
    tpu.wait_dma2 semaphore(%arg13 : memref<!tpu.dma_semaphore, #tpu.memory_space<semaphore_mem>>) src(%arg9 : memref<16384xf32, #tpu.memory_space<vmem>>) dst(%dma_wait3A_695 : memref<16384xf32, #tpu.memory_space<hbm>>)
    %add3A_696 = arith.constant 8 : i32
    %add3A_697 = arith.addi %mul3A_2, %add3A_696 : i32
    %dma_start3A_698 = arith.constant 16384 : i32
    %dma_start3A_699 = tpu.memref_slice %arg2[%add3A_697, %dma_start3A_698] : memref<1024x32768xf32, #tpu.memory_space<hbm>> -> memref<1x16384xf32, #tpu.memory_space<hbm>>
    %dma_start3A_700 = tpu.memref_squeeze %dma_start3A_699 : memref<1x16384xf32, #tpu.memory_space<hbm>> -> memref<16384xf32, #tpu.memory_space<hbm>>
    %dma_start3A_701 = arith.constant 16384 : i32
    %dma_start3A_702 = tpu.memref_slice %arg2[%add3A_697, %dma_start3A_701] : memref<1024x32768xf32, #tpu.memory_space<hbm>> -> memref<1x16384xf32, #tpu.memory_space<hbm>>
    %dma_start3A_703 = tpu.memref_squeeze %dma_start3A_702 : memref<1x16384xf32, #tpu.memory_space<hbm>> -> memref<16384xf32, #tpu.memory_space<hbm>>
    tpu.enqueue_dma source(%dma_start3A_703 : memref<16384xf32, #tpu.memory_space<hbm>>) target(%arg9 : memref<16384xf32, #tpu.memory_space<vmem>>) target_semaphore(%arg12 : memref<!tpu.dma_semaphore, #tpu.memory_space<semaphore_mem>>)
    %dma_wait3A_704 = arith.constant 0 : i32
    %dma_wait3A_705 = tpu.memref_slice %arg2[%add3A_553, %dma_wait3A_704] : memref<1024x32768xf32, #tpu.memory_space<hbm>> -> memref<1x16384xf32, #tpu.memory_space<hbm>>
    %dma_wait3A_706 = tpu.memref_squeeze %dma_wait3A_705 : memref<1x16384xf32, #tpu.memory_space<hbm>> -> memref<16384xf32, #tpu.memory_space<hbm>>
    %dma_wait3A_707 = arith.constant 0 : i32
    %dma_wait3A_708 = tpu.memref_slice %arg2[%add3A_553, %dma_wait3A_707] : memref<1024x32768xf32, #tpu.memory_space<hbm>> -> memref<1x16384xf32, #tpu.memory_space<hbm>>
    %dma_wait3A_709 = tpu.memref_squeeze %dma_wait3A_708 : memref<1x16384xf32, #tpu.memory_space<hbm>> -> memref<16384xf32, #tpu.memory_space<hbm>>
    tpu.wait_dma2 semaphore(%arg12 : memref<!tpu.dma_semaphore, #tpu.memory_space<semaphore_mem>>) src(%dma_wait3A_709 : memref<16384xf32, #tpu.memory_space<hbm>>) dst(%arg10 : memref<16384xf32, #tpu.memory_space<vmem>>)
    %eq3A_710 = arith.constant 7 : i32
    %eq3A_711 = vector.broadcast %eq3A_710 : i32 to vector<16xi32>
    %eq3A_712 = arith.cmpi eq, %iota3A, %eq3A_711 : vector<16xi32>
    %ge3A_713 = arith.constant 0 : i32
    %ge3A_714 = vector.broadcast %ge3A_713 : i32 to vector<16xi32>
    %ge3A_715 = arith.cmpi sge, %get3A_3, %ge3A_714 : vector<16xi32>
    %and3A_716 = arith.andi %eq3A_712, %ge3A_715 : vector<16xi1>
    %lt3A_717 = arith.constant 16384 : i32
    %lt3A_718 = vector.broadcast %lt3A_717 : i32 to vector<16xi32>
    %lt3A_719 = arith.cmpi slt, %get3A_3, %lt3A_718 : vector<16xi32>
    %and3A_720 = arith.andi %and3A_716, %lt3A_719 : vector<16xi1>
    %sub3A_721 = arith.constant 0 : i32
    %sub3A_722 = vector.broadcast %sub3A_721 : i32 to vector<16xi32>
    %sub3A_723 = arith.subi %get3A_3, %sub3A_722 : vector<16xi32>
    %jit3A_724 = arith.constant 0 : i32
    %jit3A_725 = arith.constant 16383 : i32
    %max3A_726 = vector.broadcast %jit3A_724 : i32 to vector<16xi32>
    %max3A_727 = arith.maxsi %max3A_726, %sub3A_723 : vector<16xi32>
    %min3A_728 = vector.broadcast %jit3A_725 : i32 to vector<16xi32>
    %min3A_729 = arith.minsi %min3A_728, %max3A_727 : vector<16xi32>
    tpu.vector_store_idx %arg10[%min3A_729], %get3A_7 masked %and3A_720 {add = true} : memref<16384xf32, #tpu.memory_space<vmem>>[vector<16xi32>], vector<16xf32>, vector<16xi1>
    %add3A_730 = arith.constant 7 : i32
    %add3A_731 = arith.addi %mul3A_2, %add3A_730 : i32
    %dma_start3A_732 = arith.constant 0 : i32
    %dma_start3A_733 = tpu.memref_slice %arg5[%add3A_731, %dma_start3A_732] : memref<1024x32768xf32, #tpu.memory_space<hbm>> -> memref<1x16384xf32, #tpu.memory_space<hbm>>
    %dma_start3A_734 = tpu.memref_squeeze %dma_start3A_733 : memref<1x16384xf32, #tpu.memory_space<hbm>> -> memref<16384xf32, #tpu.memory_space<hbm>>
    %dma_start3A_735 = arith.constant 0 : i32
    %dma_start3A_736 = tpu.memref_slice %arg5[%add3A_731, %dma_start3A_735] : memref<1024x32768xf32, #tpu.memory_space<hbm>> -> memref<1x16384xf32, #tpu.memory_space<hbm>>
    %dma_start3A_737 = tpu.memref_squeeze %dma_start3A_736 : memref<1x16384xf32, #tpu.memory_space<hbm>> -> memref<16384xf32, #tpu.memory_space<hbm>>
    tpu.enqueue_dma source(%arg10 : memref<16384xf32, #tpu.memory_space<vmem>>) target(%dma_start3A_737 : memref<16384xf32, #tpu.memory_space<hbm>>) target_semaphore(%arg13 : memref<!tpu.dma_semaphore, #tpu.memory_space<semaphore_mem>>)
    %dma_wait3A_738 = arith.constant 0 : i32
    %dma_wait3A_739 = tpu.memref_slice %arg5[%add3A_731, %dma_wait3A_738] : memref<1024x32768xf32, #tpu.memory_space<hbm>> -> memref<1x16384xf32, #tpu.memory_space<hbm>>
    %dma_wait3A_740 = tpu.memref_squeeze %dma_wait3A_739 : memref<1x16384xf32, #tpu.memory_space<hbm>> -> memref<16384xf32, #tpu.memory_space<hbm>>
    %dma_wait3A_741 = arith.constant 0 : i32
    %dma_wait3A_742 = tpu.memref_slice %arg5[%add3A_731, %dma_wait3A_741] : memref<1024x32768xf32, #tpu.memory_space<hbm>> -> memref<1x16384xf32, #tpu.memory_space<hbm>>
    %dma_wait3A_743 = tpu.memref_squeeze %dma_wait3A_742 : memref<1x16384xf32, #tpu.memory_space<hbm>> -> memref<16384xf32, #tpu.memory_space<hbm>>
    tpu.wait_dma2 semaphore(%arg13 : memref<!tpu.dma_semaphore, #tpu.memory_space<semaphore_mem>>) src(%arg10 : memref<16384xf32, #tpu.memory_space<vmem>>) dst(%dma_wait3A_743 : memref<16384xf32, #tpu.memory_space<hbm>>)
    %add3A_744 = arith.constant 9 : i32
    %add3A_745 = arith.addi %mul3A_2, %add3A_744 : i32
    %dma_start3A_746 = arith.constant 0 : i32
    %dma_start3A_747 = tpu.memref_slice %arg2[%add3A_745, %dma_start3A_746] : memref<1024x32768xf32, #tpu.memory_space<hbm>> -> memref<1x16384xf32, #tpu.memory_space<hbm>>
    %dma_start3A_748 = tpu.memref_squeeze %dma_start3A_747 : memref<1x16384xf32, #tpu.memory_space<hbm>> -> memref<16384xf32, #tpu.memory_space<hbm>>
    %dma_start3A_749 = arith.constant 0 : i32
    %dma_start3A_750 = tpu.memref_slice %arg2[%add3A_745, %dma_start3A_749] : memref<1024x32768xf32, #tpu.memory_space<hbm>> -> memref<1x16384xf32, #tpu.memory_space<hbm>>
    %dma_start3A_751 = tpu.memref_squeeze %dma_start3A_750 : memref<1x16384xf32, #tpu.memory_space<hbm>> -> memref<16384xf32, #tpu.memory_space<hbm>>
    tpu.enqueue_dma source(%dma_start3A_751 : memref<16384xf32, #tpu.memory_space<hbm>>) target(%arg10 : memref<16384xf32, #tpu.memory_space<vmem>>) target_semaphore(%arg12 : memref<!tpu.dma_semaphore, #tpu.memory_space<semaphore_mem>>)
    %dma_wait3A_752 = arith.constant 16384 : i32
    %dma_wait3A_753 = tpu.memref_slice %arg2[%add3A_601, %dma_wait3A_752] : memref<1024x32768xf32, #tpu.memory_space<hbm>> -> memref<1x16384xf32, #tpu.memory_space<hbm>>
    %dma_wait3A_754 = tpu.memref_squeeze %dma_wait3A_753 : memref<1x16384xf32, #tpu.memory_space<hbm>> -> memref<16384xf32, #tpu.memory_space<hbm>>
    %dma_wait3A_755 = arith.constant 16384 : i32
    %dma_wait3A_756 = tpu.memref_slice %arg2[%add3A_601, %dma_wait3A_755] : memref<1024x32768xf32, #tpu.memory_space<hbm>> -> memref<1x16384xf32, #tpu.memory_space<hbm>>
    %dma_wait3A_757 = tpu.memref_squeeze %dma_wait3A_756 : memref<1x16384xf32, #tpu.memory_space<hbm>> -> memref<16384xf32, #tpu.memory_space<hbm>>
    tpu.wait_dma2 semaphore(%arg12 : memref<!tpu.dma_semaphore, #tpu.memory_space<semaphore_mem>>) src(%dma_wait3A_757 : memref<16384xf32, #tpu.memory_space<hbm>>) dst(%arg11 : memref<16384xf32, #tpu.memory_space<vmem>>)
    %eq3A_758 = arith.constant 7 : i32
    %eq3A_759 = vector.broadcast %eq3A_758 : i32 to vector<16xi32>
    %eq3A_760 = arith.cmpi eq, %iota3A, %eq3A_759 : vector<16xi32>
    %ge3A_761 = arith.constant 16384 : i32
    %ge3A_762 = vector.broadcast %ge3A_761 : i32 to vector<16xi32>
    %ge3A_763 = arith.cmpi sge, %get3A_3, %ge3A_762 : vector<16xi32>
    %and3A_764 = arith.andi %eq3A_760, %ge3A_763 : vector<16xi1>
    %lt3A_765 = arith.constant 32768 : i32
    %lt3A_766 = vector.broadcast %lt3A_765 : i32 to vector<16xi32>
    %lt3A_767 = arith.cmpi slt, %get3A_3, %lt3A_766 : vector<16xi32>
    %and3A_768 = arith.andi %and3A_764, %lt3A_767 : vector<16xi1>
    %sub3A_769 = arith.constant 16384 : i32
    %sub3A_770 = vector.broadcast %sub3A_769 : i32 to vector<16xi32>
    %sub3A_771 = arith.subi %get3A_3, %sub3A_770 : vector<16xi32>
    %jit3A_772 = arith.constant 0 : i32
    %jit3A_773 = arith.constant 16383 : i32
    %max3A_774 = vector.broadcast %jit3A_772 : i32 to vector<16xi32>
    %max3A_775 = arith.maxsi %max3A_774, %sub3A_771 : vector<16xi32>
    %min3A_776 = vector.broadcast %jit3A_773 : i32 to vector<16xi32>
    %min3A_777 = arith.minsi %min3A_776, %max3A_775 : vector<16xi32>
    tpu.vector_store_idx %arg11[%min3A_777], %get3A_7 masked %and3A_768 {add = true} : memref<16384xf32, #tpu.memory_space<vmem>>[vector<16xi32>], vector<16xf32>, vector<16xi1>
    %add3A_778 = arith.constant 7 : i32
    %add3A_779 = arith.addi %mul3A_2, %add3A_778 : i32
    %dma_start3A_780 = arith.constant 16384 : i32
    %dma_start3A_781 = tpu.memref_slice %arg5[%add3A_779, %dma_start3A_780] : memref<1024x32768xf32, #tpu.memory_space<hbm>> -> memref<1x16384xf32, #tpu.memory_space<hbm>>
    %dma_start3A_782 = tpu.memref_squeeze %dma_start3A_781 : memref<1x16384xf32, #tpu.memory_space<hbm>> -> memref<16384xf32, #tpu.memory_space<hbm>>
    %dma_start3A_783 = arith.constant 16384 : i32
    %dma_start3A_784 = tpu.memref_slice %arg5[%add3A_779, %dma_start3A_783] : memref<1024x32768xf32, #tpu.memory_space<hbm>> -> memref<1x16384xf32, #tpu.memory_space<hbm>>
    %dma_start3A_785 = tpu.memref_squeeze %dma_start3A_784 : memref<1x16384xf32, #tpu.memory_space<hbm>> -> memref<16384xf32, #tpu.memory_space<hbm>>
    tpu.enqueue_dma source(%arg11 : memref<16384xf32, #tpu.memory_space<vmem>>) target(%dma_start3A_785 : memref<16384xf32, #tpu.memory_space<hbm>>) target_semaphore(%arg13 : memref<!tpu.dma_semaphore, #tpu.memory_space<semaphore_mem>>)
    %dma_wait3A_786 = arith.constant 16384 : i32
    %dma_wait3A_787 = tpu.memref_slice %arg5[%add3A_779, %dma_wait3A_786] : memref<1024x32768xf32, #tpu.memory_space<hbm>> -> memref<1x16384xf32, #tpu.memory_space<hbm>>
    %dma_wait3A_788 = tpu.memref_squeeze %dma_wait3A_787 : memref<1x16384xf32, #tpu.memory_space<hbm>> -> memref<16384xf32, #tpu.memory_space<hbm>>
    %dma_wait3A_789 = arith.constant 16384 : i32
    %dma_wait3A_790 = tpu.memref_slice %arg5[%add3A_779, %dma_wait3A_789] : memref<1024x32768xf32, #tpu.memory_space<hbm>> -> memref<1x16384xf32, #tpu.memory_space<hbm>>
    %dma_wait3A_791 = tpu.memref_squeeze %dma_wait3A_790 : memref<1x16384xf32, #tpu.memory_space<hbm>> -> memref<16384xf32, #tpu.memory_space<hbm>>
    tpu.wait_dma2 semaphore(%arg13 : memref<!tpu.dma_semaphore, #tpu.memory_space<semaphore_mem>>) src(%arg11 : memref<16384xf32, #tpu.memory_space<vmem>>) dst(%dma_wait3A_791 : memref<16384xf32, #tpu.memory_space<hbm>>)
    %add3A_792 = arith.constant 9 : i32
    %add3A_793 = arith.addi %mul3A_2, %add3A_792 : i32
    %dma_start3A_794 = arith.constant 16384 : i32
    %dma_start3A_795 = tpu.memref_slice %arg2[%add3A_793, %dma_start3A_794] : memref<1024x32768xf32, #tpu.memory_space<hbm>> -> memref<1x16384xf32, #tpu.memory_space<hbm>>
    %dma_start3A_796 = tpu.memref_squeeze %dma_start3A_795 : memref<1x16384xf32, #tpu.memory_space<hbm>> -> memref<16384xf32, #tpu.memory_space<hbm>>
    %dma_start3A_797 = arith.constant 16384 : i32
    %dma_start3A_798 = tpu.memref_slice %arg2[%add3A_793, %dma_start3A_797] : memref<1024x32768xf32, #tpu.memory_space<hbm>> -> memref<1x16384xf32, #tpu.memory_space<hbm>>
    %dma_start3A_799 = tpu.memref_squeeze %dma_start3A_798 : memref<1x16384xf32, #tpu.memory_space<hbm>> -> memref<16384xf32, #tpu.memory_space<hbm>>
    tpu.enqueue_dma source(%dma_start3A_799 : memref<16384xf32, #tpu.memory_space<hbm>>) target(%arg11 : memref<16384xf32, #tpu.memory_space<vmem>>) target_semaphore(%arg12 : memref<!tpu.dma_semaphore, #tpu.memory_space<semaphore_mem>>)
    %dma_wait3A_800 = arith.constant 0 : i32
    %dma_wait3A_801 = tpu.memref_slice %arg2[%add3A_649, %dma_wait3A_800] : memref<1024x32768xf32, #tpu.memory_space<hbm>> -> memref<1x16384xf32, #tpu.memory_space<hbm>>
    %dma_wait3A_802 = tpu.memref_squeeze %dma_wait3A_801 : memref<1x16384xf32, #tpu.memory_space<hbm>> -> memref<16384xf32, #tpu.memory_space<hbm>>
    %dma_wait3A_803 = arith.constant 0 : i32
    %dma_wait3A_804 = tpu.memref_slice %arg2[%add3A_649, %dma_wait3A_803] : memref<1024x32768xf32, #tpu.memory_space<hbm>> -> memref<1x16384xf32, #tpu.memory_space<hbm>>
    %dma_wait3A_805 = tpu.memref_squeeze %dma_wait3A_804 : memref<1x16384xf32, #tpu.memory_space<hbm>> -> memref<16384xf32, #tpu.memory_space<hbm>>
    tpu.wait_dma2 semaphore(%arg12 : memref<!tpu.dma_semaphore, #tpu.memory_space<semaphore_mem>>) src(%dma_wait3A_805 : memref<16384xf32, #tpu.memory_space<hbm>>) dst(%arg8 : memref<16384xf32, #tpu.memory_space<vmem>>)
    %eq3A_806 = arith.constant 8 : i32
    %eq3A_807 = vector.broadcast %eq3A_806 : i32 to vector<16xi32>
    %eq3A_808 = arith.cmpi eq, %iota3A, %eq3A_807 : vector<16xi32>
    %ge3A_809 = arith.constant 0 : i32
    %ge3A_810 = vector.broadcast %ge3A_809 : i32 to vector<16xi32>
    %ge3A_811 = arith.cmpi sge, %get3A_3, %ge3A_810 : vector<16xi32>
    %and3A_812 = arith.andi %eq3A_808, %ge3A_811 : vector<16xi1>
    %lt3A_813 = arith.constant 16384 : i32
    %lt3A_814 = vector.broadcast %lt3A_813 : i32 to vector<16xi32>
    %lt3A_815 = arith.cmpi slt, %get3A_3, %lt3A_814 : vector<16xi32>
    %and3A_816 = arith.andi %and3A_812, %lt3A_815 : vector<16xi1>
    %sub3A_817 = arith.constant 0 : i32
    %sub3A_818 = vector.broadcast %sub3A_817 : i32 to vector<16xi32>
    %sub3A_819 = arith.subi %get3A_3, %sub3A_818 : vector<16xi32>
    %jit3A_820 = arith.constant 0 : i32
    %jit3A_821 = arith.constant 16383 : i32
    %max3A_822 = vector.broadcast %jit3A_820 : i32 to vector<16xi32>
    %max3A_823 = arith.maxsi %max3A_822, %sub3A_819 : vector<16xi32>
    %min3A_824 = vector.broadcast %jit3A_821 : i32 to vector<16xi32>
    %min3A_825 = arith.minsi %min3A_824, %max3A_823 : vector<16xi32>
    tpu.vector_store_idx %arg8[%min3A_825], %get3A_7 masked %and3A_816 {add = true} : memref<16384xf32, #tpu.memory_space<vmem>>[vector<16xi32>], vector<16xf32>, vector<16xi1>
    %add3A_826 = arith.constant 8 : i32
    %add3A_827 = arith.addi %mul3A_2, %add3A_826 : i32
    %dma_start3A_828 = arith.constant 0 : i32
    %dma_start3A_829 = tpu.memref_slice %arg5[%add3A_827, %dma_start3A_828] : memref<1024x32768xf32, #tpu.memory_space<hbm>> -> memref<1x16384xf32, #tpu.memory_space<hbm>>
    %dma_start3A_830 = tpu.memref_squeeze %dma_start3A_829 : memref<1x16384xf32, #tpu.memory_space<hbm>> -> memref<16384xf32, #tpu.memory_space<hbm>>
    %dma_start3A_831 = arith.constant 0 : i32
    %dma_start3A_832 = tpu.memref_slice %arg5[%add3A_827, %dma_start3A_831] : memref<1024x32768xf32, #tpu.memory_space<hbm>> -> memref<1x16384xf32, #tpu.memory_space<hbm>>
    %dma_start3A_833 = tpu.memref_squeeze %dma_start3A_832 : memref<1x16384xf32, #tpu.memory_space<hbm>> -> memref<16384xf32, #tpu.memory_space<hbm>>
    tpu.enqueue_dma source(%arg8 : memref<16384xf32, #tpu.memory_space<vmem>>) target(%dma_start3A_833 : memref<16384xf32, #tpu.memory_space<hbm>>) target_semaphore(%arg13 : memref<!tpu.dma_semaphore, #tpu.memory_space<semaphore_mem>>)
    %dma_wait3A_834 = arith.constant 0 : i32
    %dma_wait3A_835 = tpu.memref_slice %arg5[%add3A_827, %dma_wait3A_834] : memref<1024x32768xf32, #tpu.memory_space<hbm>> -> memref<1x16384xf32, #tpu.memory_space<hbm>>
    %dma_wait3A_836 = tpu.memref_squeeze %dma_wait3A_835 : memref<1x16384xf32, #tpu.memory_space<hbm>> -> memref<16384xf32, #tpu.memory_space<hbm>>
    %dma_wait3A_837 = arith.constant 0 : i32
    %dma_wait3A_838 = tpu.memref_slice %arg5[%add3A_827, %dma_wait3A_837] : memref<1024x32768xf32, #tpu.memory_space<hbm>> -> memref<1x16384xf32, #tpu.memory_space<hbm>>
    %dma_wait3A_839 = tpu.memref_squeeze %dma_wait3A_838 : memref<1x16384xf32, #tpu.memory_space<hbm>> -> memref<16384xf32, #tpu.memory_space<hbm>>
    tpu.wait_dma2 semaphore(%arg13 : memref<!tpu.dma_semaphore, #tpu.memory_space<semaphore_mem>>) src(%arg8 : memref<16384xf32, #tpu.memory_space<vmem>>) dst(%dma_wait3A_839 : memref<16384xf32, #tpu.memory_space<hbm>>)
    %add3A_840 = arith.constant 10 : i32
    %add3A_841 = arith.addi %mul3A_2, %add3A_840 : i32
    %dma_start3A_842 = arith.constant 0 : i32
    %dma_start3A_843 = tpu.memref_slice %arg2[%add3A_841, %dma_start3A_842] : memref<1024x32768xf32, #tpu.memory_space<hbm>> -> memref<1x16384xf32, #tpu.memory_space<hbm>>
    %dma_start3A_844 = tpu.memref_squeeze %dma_start3A_843 : memref<1x16384xf32, #tpu.memory_space<hbm>> -> memref<16384xf32, #tpu.memory_space<hbm>>
    %dma_start3A_845 = arith.constant 0 : i32
    %dma_start3A_846 = tpu.memref_slice %arg2[%add3A_841, %dma_start3A_845] : memref<1024x32768xf32, #tpu.memory_space<hbm>> -> memref<1x16384xf32, #tpu.memory_space<hbm>>
    %dma_start3A_847 = tpu.memref_squeeze %dma_start3A_846 : memref<1x16384xf32, #tpu.memory_space<hbm>> -> memref<16384xf32, #tpu.memory_space<hbm>>
    tpu.enqueue_dma source(%dma_start3A_847 : memref<16384xf32, #tpu.memory_space<hbm>>) target(%arg8 : memref<16384xf32, #tpu.memory_space<vmem>>) target_semaphore(%arg12 : memref<!tpu.dma_semaphore, #tpu.memory_space<semaphore_mem>>)
    %dma_wait3A_848 = arith.constant 16384 : i32
    %dma_wait3A_849 = tpu.memref_slice %arg2[%add3A_697, %dma_wait3A_848] : memref<1024x32768xf32, #tpu.memory_space<hbm>> -> memref<1x16384xf32, #tpu.memory_space<hbm>>
    %dma_wait3A_850 = tpu.memref_squeeze %dma_wait3A_849 : memref<1x16384xf32, #tpu.memory_space<hbm>> -> memref<16384xf32, #tpu.memory_space<hbm>>
    %dma_wait3A_851 = arith.constant 16384 : i32
    %dma_wait3A_852 = tpu.memref_slice %arg2[%add3A_697, %dma_wait3A_851] : memref<1024x32768xf32, #tpu.memory_space<hbm>> -> memref<1x16384xf32, #tpu.memory_space<hbm>>
    %dma_wait3A_853 = tpu.memref_squeeze %dma_wait3A_852 : memref<1x16384xf32, #tpu.memory_space<hbm>> -> memref<16384xf32, #tpu.memory_space<hbm>>
    tpu.wait_dma2 semaphore(%arg12 : memref<!tpu.dma_semaphore, #tpu.memory_space<semaphore_mem>>) src(%dma_wait3A_853 : memref<16384xf32, #tpu.memory_space<hbm>>) dst(%arg9 : memref<16384xf32, #tpu.memory_space<vmem>>)
    %eq3A_854 = arith.constant 8 : i32
    %eq3A_855 = vector.broadcast %eq3A_854 : i32 to vector<16xi32>
    %eq3A_856 = arith.cmpi eq, %iota3A, %eq3A_855 : vector<16xi32>
    %ge3A_857 = arith.constant 16384 : i32
    %ge3A_858 = vector.broadcast %ge3A_857 : i32 to vector<16xi32>
    %ge3A_859 = arith.cmpi sge, %get3A_3, %ge3A_858 : vector<16xi32>
    %and3A_860 = arith.andi %eq3A_856, %ge3A_859 : vector<16xi1>
    %lt3A_861 = arith.constant 32768 : i32
    %lt3A_862 = vector.broadcast %lt3A_861 : i32 to vector<16xi32>
    %lt3A_863 = arith.cmpi slt, %get3A_3, %lt3A_862 : vector<16xi32>
    %and3A_864 = arith.andi %and3A_860, %lt3A_863 : vector<16xi1>
    %sub3A_865 = arith.constant 16384 : i32
    %sub3A_866 = vector.broadcast %sub3A_865 : i32 to vector<16xi32>
    %sub3A_867 = arith.subi %get3A_3, %sub3A_866 : vector<16xi32>
    %jit3A_868 = arith.constant 0 : i32
    %jit3A_869 = arith.constant 16383 : i32
    %max3A_870 = vector.broadcast %jit3A_868 : i32 to vector<16xi32>
    %max3A_871 = arith.maxsi %max3A_870, %sub3A_867 : vector<16xi32>
    %min3A_872 = vector.broadcast %jit3A_869 : i32 to vector<16xi32>
    %min3A_873 = arith.minsi %min3A_872, %max3A_871 : vector<16xi32>
    tpu.vector_store_idx %arg9[%min3A_873], %get3A_7 masked %and3A_864 {add = true} : memref<16384xf32, #tpu.memory_space<vmem>>[vector<16xi32>], vector<16xf32>, vector<16xi1>
    %add3A_874 = arith.constant 8 : i32
    %add3A_875 = arith.addi %mul3A_2, %add3A_874 : i32
    %dma_start3A_876 = arith.constant 16384 : i32
    %dma_start3A_877 = tpu.memref_slice %arg5[%add3A_875, %dma_start3A_876] : memref<1024x32768xf32, #tpu.memory_space<hbm>> -> memref<1x16384xf32, #tpu.memory_space<hbm>>
    %dma_start3A_878 = tpu.memref_squeeze %dma_start3A_877 : memref<1x16384xf32, #tpu.memory_space<hbm>> -> memref<16384xf32, #tpu.memory_space<hbm>>
    %dma_start3A_879 = arith.constant 16384 : i32
    %dma_start3A_880 = tpu.memref_slice %arg5[%add3A_875, %dma_start3A_879] : memref<1024x32768xf32, #tpu.memory_space<hbm>> -> memref<1x16384xf32, #tpu.memory_space<hbm>>
    %dma_start3A_881 = tpu.memref_squeeze %dma_start3A_880 : memref<1x16384xf32, #tpu.memory_space<hbm>> -> memref<16384xf32, #tpu.memory_space<hbm>>
    tpu.enqueue_dma source(%arg9 : memref<16384xf32, #tpu.memory_space<vmem>>) target(%dma_start3A_881 : memref<16384xf32, #tpu.memory_space<hbm>>) target_semaphore(%arg13 : memref<!tpu.dma_semaphore, #tpu.memory_space<semaphore_mem>>)
    %dma_wait3A_882 = arith.constant 16384 : i32
    %dma_wait3A_883 = tpu.memref_slice %arg5[%add3A_875, %dma_wait3A_882] : memref<1024x32768xf32, #tpu.memory_space<hbm>> -> memref<1x16384xf32, #tpu.memory_space<hbm>>
    %dma_wait3A_884 = tpu.memref_squeeze %dma_wait3A_883 : memref<1x16384xf32, #tpu.memory_space<hbm>> -> memref<16384xf32, #tpu.memory_space<hbm>>
    %dma_wait3A_885 = arith.constant 16384 : i32
    %dma_wait3A_886 = tpu.memref_slice %arg5[%add3A_875, %dma_wait3A_885] : memref<1024x32768xf32, #tpu.memory_space<hbm>> -> memref<1x16384xf32, #tpu.memory_space<hbm>>
    %dma_wait3A_887 = tpu.memref_squeeze %dma_wait3A_886 : memref<1x16384xf32, #tpu.memory_space<hbm>> -> memref<16384xf32, #tpu.memory_space<hbm>>
    tpu.wait_dma2 semaphore(%arg13 : memref<!tpu.dma_semaphore, #tpu.memory_space<semaphore_mem>>) src(%arg9 : memref<16384xf32, #tpu.memory_space<vmem>>) dst(%dma_wait3A_887 : memref<16384xf32, #tpu.memory_space<hbm>>)
    %add3A_888 = arith.constant 10 : i32
    %add3A_889 = arith.addi %mul3A_2, %add3A_888 : i32
    %dma_start3A_890 = arith.constant 16384 : i32
    %dma_start3A_891 = tpu.memref_slice %arg2[%add3A_889, %dma_start3A_890] : memref<1024x32768xf32, #tpu.memory_space<hbm>> -> memref<1x16384xf32, #tpu.memory_space<hbm>>
    %dma_start3A_892 = tpu.memref_squeeze %dma_start3A_891 : memref<1x16384xf32, #tpu.memory_space<hbm>> -> memref<16384xf32, #tpu.memory_space<hbm>>
    %dma_start3A_893 = arith.constant 16384 : i32
    %dma_start3A_894 = tpu.memref_slice %arg2[%add3A_889, %dma_start3A_893] : memref<1024x32768xf32, #tpu.memory_space<hbm>> -> memref<1x16384xf32, #tpu.memory_space<hbm>>
    %dma_start3A_895 = tpu.memref_squeeze %dma_start3A_894 : memref<1x16384xf32, #tpu.memory_space<hbm>> -> memref<16384xf32, #tpu.memory_space<hbm>>
    tpu.enqueue_dma source(%dma_start3A_895 : memref<16384xf32, #tpu.memory_space<hbm>>) target(%arg9 : memref<16384xf32, #tpu.memory_space<vmem>>) target_semaphore(%arg12 : memref<!tpu.dma_semaphore, #tpu.memory_space<semaphore_mem>>)
    %dma_wait3A_896 = arith.constant 0 : i32
    %dma_wait3A_897 = tpu.memref_slice %arg2[%add3A_745, %dma_wait3A_896] : memref<1024x32768xf32, #tpu.memory_space<hbm>> -> memref<1x16384xf32, #tpu.memory_space<hbm>>
    %dma_wait3A_898 = tpu.memref_squeeze %dma_wait3A_897 : memref<1x16384xf32, #tpu.memory_space<hbm>> -> memref<16384xf32, #tpu.memory_space<hbm>>
    %dma_wait3A_899 = arith.constant 0 : i32
    %dma_wait3A_900 = tpu.memref_slice %arg2[%add3A_745, %dma_wait3A_899] : memref<1024x32768xf32, #tpu.memory_space<hbm>> -> memref<1x16384xf32, #tpu.memory_space<hbm>>
    %dma_wait3A_901 = tpu.memref_squeeze %dma_wait3A_900 : memref<1x16384xf32, #tpu.memory_space<hbm>> -> memref<16384xf32, #tpu.memory_space<hbm>>
    tpu.wait_dma2 semaphore(%arg12 : memref<!tpu.dma_semaphore, #tpu.memory_space<semaphore_mem>>) src(%dma_wait3A_901 : memref<16384xf32, #tpu.memory_space<hbm>>) dst(%arg10 : memref<16384xf32, #tpu.memory_space<vmem>>)
    %eq3A_902 = arith.constant 9 : i32
    %eq3A_903 = vector.broadcast %eq3A_902 : i32 to vector<16xi32>
    %eq3A_904 = arith.cmpi eq, %iota3A, %eq3A_903 : vector<16xi32>
    %ge3A_905 = arith.constant 0 : i32
    %ge3A_906 = vector.broadcast %ge3A_905 : i32 to vector<16xi32>
    %ge3A_907 = arith.cmpi sge, %get3A_3, %ge3A_906 : vector<16xi32>
    %and3A_908 = arith.andi %eq3A_904, %ge3A_907 : vector<16xi1>
    %lt3A_909 = arith.constant 16384 : i32
    %lt3A_910 = vector.broadcast %lt3A_909 : i32 to vector<16xi32>
    %lt3A_911 = arith.cmpi slt, %get3A_3, %lt3A_910 : vector<16xi32>
    %and3A_912 = arith.andi %and3A_908, %lt3A_911 : vector<16xi1>
    %sub3A_913 = arith.constant 0 : i32
    %sub3A_914 = vector.broadcast %sub3A_913 : i32 to vector<16xi32>
    %sub3A_915 = arith.subi %get3A_3, %sub3A_914 : vector<16xi32>
    %jit3A_916 = arith.constant 0 : i32
    %jit3A_917 = arith.constant 16383 : i32
    %max3A_918 = vector.broadcast %jit3A_916 : i32 to vector<16xi32>
    %max3A_919 = arith.maxsi %max3A_918, %sub3A_915 : vector<16xi32>
    %min3A_920 = vector.broadcast %jit3A_917 : i32 to vector<16xi32>
    %min3A_921 = arith.minsi %min3A_920, %max3A_919 : vector<16xi32>
    tpu.vector_store_idx %arg10[%min3A_921], %get3A_7 masked %and3A_912 {add = true} : memref<16384xf32, #tpu.memory_space<vmem>>[vector<16xi32>], vector<16xf32>, vector<16xi1>
    %add3A_922 = arith.constant 9 : i32
    %add3A_923 = arith.addi %mul3A_2, %add3A_922 : i32
    %dma_start3A_924 = arith.constant 0 : i32
    %dma_start3A_925 = tpu.memref_slice %arg5[%add3A_923, %dma_start3A_924] : memref<1024x32768xf32, #tpu.memory_space<hbm>> -> memref<1x16384xf32, #tpu.memory_space<hbm>>
    %dma_start3A_926 = tpu.memref_squeeze %dma_start3A_925 : memref<1x16384xf32, #tpu.memory_space<hbm>> -> memref<16384xf32, #tpu.memory_space<hbm>>
    %dma_start3A_927 = arith.constant 0 : i32
    %dma_start3A_928 = tpu.memref_slice %arg5[%add3A_923, %dma_start3A_927] : memref<1024x32768xf32, #tpu.memory_space<hbm>> -> memref<1x16384xf32, #tpu.memory_space<hbm>>
    %dma_start3A_929 = tpu.memref_squeeze %dma_start3A_928 : memref<1x16384xf32, #tpu.memory_space<hbm>> -> memref<16384xf32, #tpu.memory_space<hbm>>
    tpu.enqueue_dma source(%arg10 : memref<16384xf32, #tpu.memory_space<vmem>>) target(%dma_start3A_929 : memref<16384xf32, #tpu.memory_space<hbm>>) target_semaphore(%arg13 : memref<!tpu.dma_semaphore, #tpu.memory_space<semaphore_mem>>)
    %dma_wait3A_930 = arith.constant 0 : i32
    %dma_wait3A_931 = tpu.memref_slice %arg5[%add3A_923, %dma_wait3A_930] : memref<1024x32768xf32, #tpu.memory_space<hbm>> -> memref<1x16384xf32, #tpu.memory_space<hbm>>
    %dma_wait3A_932 = tpu.memref_squeeze %dma_wait3A_931 : memref<1x16384xf32, #tpu.memory_space<hbm>> -> memref<16384xf32, #tpu.memory_space<hbm>>
    %dma_wait3A_933 = arith.constant 0 : i32
    %dma_wait3A_934 = tpu.memref_slice %arg5[%add3A_923, %dma_wait3A_933] : memref<1024x32768xf32, #tpu.memory_space<hbm>> -> memref<1x16384xf32, #tpu.memory_space<hbm>>
    %dma_wait3A_935 = tpu.memref_squeeze %dma_wait3A_934 : memref<1x16384xf32, #tpu.memory_space<hbm>> -> memref<16384xf32, #tpu.memory_space<hbm>>
    tpu.wait_dma2 semaphore(%arg13 : memref<!tpu.dma_semaphore, #tpu.memory_space<semaphore_mem>>) src(%arg10 : memref<16384xf32, #tpu.memory_space<vmem>>) dst(%dma_wait3A_935 : memref<16384xf32, #tpu.memory_space<hbm>>)
    %add3A_936 = arith.constant 11 : i32
    %add3A_937 = arith.addi %mul3A_2, %add3A_936 : i32
    %dma_start3A_938 = arith.constant 0 : i32
    %dma_start3A_939 = tpu.memref_slice %arg2[%add3A_937, %dma_start3A_938] : memref<1024x32768xf32, #tpu.memory_space<hbm>> -> memref<1x16384xf32, #tpu.memory_space<hbm>>
    %dma_start3A_940 = tpu.memref_squeeze %dma_start3A_939 : memref<1x16384xf32, #tpu.memory_space<hbm>> -> memref<16384xf32, #tpu.memory_space<hbm>>
    %dma_start3A_941 = arith.constant 0 : i32
    %dma_start3A_942 = tpu.memref_slice %arg2[%add3A_937, %dma_start3A_941] : memref<1024x32768xf32, #tpu.memory_space<hbm>> -> memref<1x16384xf32, #tpu.memory_space<hbm>>
    %dma_start3A_943 = tpu.memref_squeeze %dma_start3A_942 : memref<1x16384xf32, #tpu.memory_space<hbm>> -> memref<16384xf32, #tpu.memory_space<hbm>>
    tpu.enqueue_dma source(%dma_start3A_943 : memref<16384xf32, #tpu.memory_space<hbm>>) target(%arg10 : memref<16384xf32, #tpu.memory_space<vmem>>) target_semaphore(%arg12 : memref<!tpu.dma_semaphore, #tpu.memory_space<semaphore_mem>>)
    %dma_wait3A_944 = arith.constant 16384 : i32
    %dma_wait3A_945 = tpu.memref_slice %arg2[%add3A_793, %dma_wait3A_944] : memref<1024x32768xf32, #tpu.memory_space<hbm>> -> memref<1x16384xf32, #tpu.memory_space<hbm>>
    %dma_wait3A_946 = tpu.memref_squeeze %dma_wait3A_945 : memref<1x16384xf32, #tpu.memory_space<hbm>> -> memref<16384xf32, #tpu.memory_space<hbm>>
    %dma_wait3A_947 = arith.constant 16384 : i32
    %dma_wait3A_948 = tpu.memref_slice %arg2[%add3A_793, %dma_wait3A_947] : memref<1024x32768xf32, #tpu.memory_space<hbm>> -> memref<1x16384xf32, #tpu.memory_space<hbm>>
    %dma_wait3A_949 = tpu.memref_squeeze %dma_wait3A_948 : memref<1x16384xf32, #tpu.memory_space<hbm>> -> memref<16384xf32, #tpu.memory_space<hbm>>
    tpu.wait_dma2 semaphore(%arg12 : memref<!tpu.dma_semaphore, #tpu.memory_space<semaphore_mem>>) src(%dma_wait3A_949 : memref<16384xf32, #tpu.memory_space<hbm>>) dst(%arg11 : memref<16384xf32, #tpu.memory_space<vmem>>)
    %eq3A_950 = arith.constant 9 : i32
    %eq3A_951 = vector.broadcast %eq3A_950 : i32 to vector<16xi32>
    %eq3A_952 = arith.cmpi eq, %iota3A, %eq3A_951 : vector<16xi32>
    %ge3A_953 = arith.constant 16384 : i32
    %ge3A_954 = vector.broadcast %ge3A_953 : i32 to vector<16xi32>
    %ge3A_955 = arith.cmpi sge, %get3A_3, %ge3A_954 : vector<16xi32>
    %and3A_956 = arith.andi %eq3A_952, %ge3A_955 : vector<16xi1>
    %lt3A_957 = arith.constant 32768 : i32
    %lt3A_958 = vector.broadcast %lt3A_957 : i32 to vector<16xi32>
    %lt3A_959 = arith.cmpi slt, %get3A_3, %lt3A_958 : vector<16xi32>
    %and3A_960 = arith.andi %and3A_956, %lt3A_959 : vector<16xi1>
    %sub3A_961 = arith.constant 16384 : i32
    %sub3A_962 = vector.broadcast %sub3A_961 : i32 to vector<16xi32>
    %sub3A_963 = arith.subi %get3A_3, %sub3A_962 : vector<16xi32>
    %jit3A_964 = arith.constant 0 : i32
    %jit3A_965 = arith.constant 16383 : i32
    %max3A_966 = vector.broadcast %jit3A_964 : i32 to vector<16xi32>
    %max3A_967 = arith.maxsi %max3A_966, %sub3A_963 : vector<16xi32>
    %min3A_968 = vector.broadcast %jit3A_965 : i32 to vector<16xi32>
    %min3A_969 = arith.minsi %min3A_968, %max3A_967 : vector<16xi32>
    tpu.vector_store_idx %arg11[%min3A_969], %get3A_7 masked %and3A_960 {add = true} : memref<16384xf32, #tpu.memory_space<vmem>>[vector<16xi32>], vector<16xf32>, vector<16xi1>
    %add3A_970 = arith.constant 9 : i32
    %add3A_971 = arith.addi %mul3A_2, %add3A_970 : i32
    %dma_start3A_972 = arith.constant 16384 : i32
    %dma_start3A_973 = tpu.memref_slice %arg5[%add3A_971, %dma_start3A_972] : memref<1024x32768xf32, #tpu.memory_space<hbm>> -> memref<1x16384xf32, #tpu.memory_space<hbm>>
    %dma_start3A_974 = tpu.memref_squeeze %dma_start3A_973 : memref<1x16384xf32, #tpu.memory_space<hbm>> -> memref<16384xf32, #tpu.memory_space<hbm>>
    %dma_start3A_975 = arith.constant 16384 : i32
    %dma_start3A_976 = tpu.memref_slice %arg5[%add3A_971, %dma_start3A_975] : memref<1024x32768xf32, #tpu.memory_space<hbm>> -> memref<1x16384xf32, #tpu.memory_space<hbm>>
    %dma_start3A_977 = tpu.memref_squeeze %dma_start3A_976 : memref<1x16384xf32, #tpu.memory_space<hbm>> -> memref<16384xf32, #tpu.memory_space<hbm>>
    tpu.enqueue_dma source(%arg11 : memref<16384xf32, #tpu.memory_space<vmem>>) target(%dma_start3A_977 : memref<16384xf32, #tpu.memory_space<hbm>>) target_semaphore(%arg13 : memref<!tpu.dma_semaphore, #tpu.memory_space<semaphore_mem>>)
    %dma_wait3A_978 = arith.constant 16384 : i32
    %dma_wait3A_979 = tpu.memref_slice %arg5[%add3A_971, %dma_wait3A_978] : memref<1024x32768xf32, #tpu.memory_space<hbm>> -> memref<1x16384xf32, #tpu.memory_space<hbm>>
    %dma_wait3A_980 = tpu.memref_squeeze %dma_wait3A_979 : memref<1x16384xf32, #tpu.memory_space<hbm>> -> memref<16384xf32, #tpu.memory_space<hbm>>
    %dma_wait3A_981 = arith.constant 16384 : i32
    %dma_wait3A_982 = tpu.memref_slice %arg5[%add3A_971, %dma_wait3A_981] : memref<1024x32768xf32, #tpu.memory_space<hbm>> -> memref<1x16384xf32, #tpu.memory_space<hbm>>
    %dma_wait3A_983 = tpu.memref_squeeze %dma_wait3A_982 : memref<1x16384xf32, #tpu.memory_space<hbm>> -> memref<16384xf32, #tpu.memory_space<hbm>>
    tpu.wait_dma2 semaphore(%arg13 : memref<!tpu.dma_semaphore, #tpu.memory_space<semaphore_mem>>) src(%arg11 : memref<16384xf32, #tpu.memory_space<vmem>>) dst(%dma_wait3A_983 : memref<16384xf32, #tpu.memory_space<hbm>>)
    %add3A_984 = arith.constant 11 : i32
    %add3A_985 = arith.addi %mul3A_2, %add3A_984 : i32
    %dma_start3A_986 = arith.constant 16384 : i32
    %dma_start3A_987 = tpu.memref_slice %arg2[%add3A_985, %dma_start3A_986] : memref<1024x32768xf32, #tpu.memory_space<hbm>> -> memref<1x16384xf32, #tpu.memory_space<hbm>>
    %dma_start3A_988 = tpu.memref_squeeze %dma_start3A_987 : memref<1x16384xf32, #tpu.memory_space<hbm>> -> memref<16384xf32, #tpu.memory_space<hbm>>
    %dma_start3A_989 = arith.constant 16384 : i32
    %dma_start3A_990 = tpu.memref_slice %arg2[%add3A_985, %dma_start3A_989] : memref<1024x32768xf32, #tpu.memory_space<hbm>> -> memref<1x16384xf32, #tpu.memory_space<hbm>>
    %dma_start3A_991 = tpu.memref_squeeze %dma_start3A_990 : memref<1x16384xf32, #tpu.memory_space<hbm>> -> memref<16384xf32, #tpu.memory_space<hbm>>
    tpu.enqueue_dma source(%dma_start3A_991 : memref<16384xf32, #tpu.memory_space<hbm>>) target(%arg11 : memref<16384xf32, #tpu.memory_space<vmem>>) target_semaphore(%arg12 : memref<!tpu.dma_semaphore, #tpu.memory_space<semaphore_mem>>)
    %dma_wait3A_992 = arith.constant 0 : i32
    %dma_wait3A_993 = tpu.memref_slice %arg2[%add3A_841, %dma_wait3A_992] : memref<1024x32768xf32, #tpu.memory_space<hbm>> -> memref<1x16384xf32, #tpu.memory_space<hbm>>
    %dma_wait3A_994 = tpu.memref_squeeze %dma_wait3A_993 : memref<1x16384xf32, #tpu.memory_space<hbm>> -> memref<16384xf32, #tpu.memory_space<hbm>>
    %dma_wait3A_995 = arith.constant 0 : i32
    %dma_wait3A_996 = tpu.memref_slice %arg2[%add3A_841, %dma_wait3A_995] : memref<1024x32768xf32, #tpu.memory_space<hbm>> -> memref<1x16384xf32, #tpu.memory_space<hbm>>
    %dma_wait3A_997 = tpu.memref_squeeze %dma_wait3A_996 : memref<1x16384xf32, #tpu.memory_space<hbm>> -> memref<16384xf32, #tpu.memory_space<hbm>>
    tpu.wait_dma2 semaphore(%arg12 : memref<!tpu.dma_semaphore, #tpu.memory_space<semaphore_mem>>) src(%dma_wait3A_997 : memref<16384xf32, #tpu.memory_space<hbm>>) dst(%arg8 : memref<16384xf32, #tpu.memory_space<vmem>>)
    %eq3A_998 = arith.constant 10 : i32
    %eq3A_999 = vector.broadcast %eq3A_998 : i32 to vector<16xi32>
    %eq3A_1000 = arith.cmpi eq, %iota3A, %eq3A_999 : vector<16xi32>
    %ge3A_1001 = arith.constant 0 : i32
    %ge3A_1002 = vector.broadcast %ge3A_1001 : i32 to vector<16xi32>
    %ge3A_1003 = arith.cmpi sge, %get3A_3, %ge3A_1002 : vector<16xi32>
    %and3A_1004 = arith.andi %eq3A_1000, %ge3A_1003 : vector<16xi1>
    %lt3A_1005 = arith.constant 16384 : i32
    %lt3A_1006 = vector.broadcast %lt3A_1005 : i32 to vector<16xi32>
    %lt3A_1007 = arith.cmpi slt, %get3A_3, %lt3A_1006 : vector<16xi32>
    %and3A_1008 = arith.andi %and3A_1004, %lt3A_1007 : vector<16xi1>
    %sub3A_1009 = arith.constant 0 : i32
    %sub3A_1010 = vector.broadcast %sub3A_1009 : i32 to vector<16xi32>
    %sub3A_1011 = arith.subi %get3A_3, %sub3A_1010 : vector<16xi32>
    %jit3A_1012 = arith.constant 0 : i32
    %jit3A_1013 = arith.constant 16383 : i32
    %max3A_1014 = vector.broadcast %jit3A_1012 : i32 to vector<16xi32>
    %max3A_1015 = arith.maxsi %max3A_1014, %sub3A_1011 : vector<16xi32>
    %min3A_1016 = vector.broadcast %jit3A_1013 : i32 to vector<16xi32>
    %min3A_1017 = arith.minsi %min3A_1016, %max3A_1015 : vector<16xi32>
    tpu.vector_store_idx %arg8[%min3A_1017], %get3A_7 masked %and3A_1008 {add = true} : memref<16384xf32, #tpu.memory_space<vmem>>[vector<16xi32>], vector<16xf32>, vector<16xi1>
    %add3A_1018 = arith.constant 10 : i32
    %add3A_1019 = arith.addi %mul3A_2, %add3A_1018 : i32
    %dma_start3A_1020 = arith.constant 0 : i32
    %dma_start3A_1021 = tpu.memref_slice %arg5[%add3A_1019, %dma_start3A_1020] : memref<1024x32768xf32, #tpu.memory_space<hbm>> -> memref<1x16384xf32, #tpu.memory_space<hbm>>
    %dma_start3A_1022 = tpu.memref_squeeze %dma_start3A_1021 : memref<1x16384xf32, #tpu.memory_space<hbm>> -> memref<16384xf32, #tpu.memory_space<hbm>>
    %dma_start3A_1023 = arith.constant 0 : i32
    %dma_start3A_1024 = tpu.memref_slice %arg5[%add3A_1019, %dma_start3A_1023] : memref<1024x32768xf32, #tpu.memory_space<hbm>> -> memref<1x16384xf32, #tpu.memory_space<hbm>>
    %dma_start3A_1025 = tpu.memref_squeeze %dma_start3A_1024 : memref<1x16384xf32, #tpu.memory_space<hbm>> -> memref<16384xf32, #tpu.memory_space<hbm>>
    tpu.enqueue_dma source(%arg8 : memref<16384xf32, #tpu.memory_space<vmem>>) target(%dma_start3A_1025 : memref<16384xf32, #tpu.memory_space<hbm>>) target_semaphore(%arg13 : memref<!tpu.dma_semaphore, #tpu.memory_space<semaphore_mem>>)
    %dma_wait3A_1026 = arith.constant 0 : i32
    %dma_wait3A_1027 = tpu.memref_slice %arg5[%add3A_1019, %dma_wait3A_1026] : memref<1024x32768xf32, #tpu.memory_space<hbm>> -> memref<1x16384xf32, #tpu.memory_space<hbm>>
    %dma_wait3A_1028 = tpu.memref_squeeze %dma_wait3A_1027 : memref<1x16384xf32, #tpu.memory_space<hbm>> -> memref<16384xf32, #tpu.memory_space<hbm>>
    %dma_wait3A_1029 = arith.constant 0 : i32
    %dma_wait3A_1030 = tpu.memref_slice %arg5[%add3A_1019, %dma_wait3A_1029] : memref<1024x32768xf32, #tpu.memory_space<hbm>> -> memref<1x16384xf32, #tpu.memory_space<hbm>>
    %dma_wait3A_1031 = tpu.memref_squeeze %dma_wait3A_1030 : memref<1x16384xf32, #tpu.memory_space<hbm>> -> memref<16384xf32, #tpu.memory_space<hbm>>
    tpu.wait_dma2 semaphore(%arg13 : memref<!tpu.dma_semaphore, #tpu.memory_space<semaphore_mem>>) src(%arg8 : memref<16384xf32, #tpu.memory_space<vmem>>) dst(%dma_wait3A_1031 : memref<16384xf32, #tpu.memory_space<hbm>>)
    %add3A_1032 = arith.constant 12 : i32
    %add3A_1033 = arith.addi %mul3A_2, %add3A_1032 : i32
    %dma_start3A_1034 = arith.constant 0 : i32
    %dma_start3A_1035 = tpu.memref_slice %arg2[%add3A_1033, %dma_start3A_1034] : memref<1024x32768xf32, #tpu.memory_space<hbm>> -> memref<1x16384xf32, #tpu.memory_space<hbm>>
    %dma_start3A_1036 = tpu.memref_squeeze %dma_start3A_1035 : memref<1x16384xf32, #tpu.memory_space<hbm>> -> memref<16384xf32, #tpu.memory_space<hbm>>
    %dma_start3A_1037 = arith.constant 0 : i32
    %dma_start3A_1038 = tpu.memref_slice %arg2[%add3A_1033, %dma_start3A_1037] : memref<1024x32768xf32, #tpu.memory_space<hbm>> -> memref<1x16384xf32, #tpu.memory_space<hbm>>
    %dma_start3A_1039 = tpu.memref_squeeze %dma_start3A_1038 : memref<1x16384xf32, #tpu.memory_space<hbm>> -> memref<16384xf32, #tpu.memory_space<hbm>>
    tpu.enqueue_dma source(%dma_start3A_1039 : memref<16384xf32, #tpu.memory_space<hbm>>) target(%arg8 : memref<16384xf32, #tpu.memory_space<vmem>>) target_semaphore(%arg12 : memref<!tpu.dma_semaphore, #tpu.memory_space<semaphore_mem>>)
    %dma_wait3A_1040 = arith.constant 16384 : i32
    %dma_wait3A_1041 = tpu.memref_slice %arg2[%add3A_889, %dma_wait3A_1040] : memref<1024x32768xf32, #tpu.memory_space<hbm>> -> memref<1x16384xf32, #tpu.memory_space<hbm>>
    %dma_wait3A_1042 = tpu.memref_squeeze %dma_wait3A_1041 : memref<1x16384xf32, #tpu.memory_space<hbm>> -> memref<16384xf32, #tpu.memory_space<hbm>>
    %dma_wait3A_1043 = arith.constant 16384 : i32
    %dma_wait3A_1044 = tpu.memref_slice %arg2[%add3A_889, %dma_wait3A_1043] : memref<1024x32768xf32, #tpu.memory_space<hbm>> -> memref<1x16384xf32, #tpu.memory_space<hbm>>
    %dma_wait3A_1045 = tpu.memref_squeeze %dma_wait3A_1044 : memref<1x16384xf32, #tpu.memory_space<hbm>> -> memref<16384xf32, #tpu.memory_space<hbm>>
    tpu.wait_dma2 semaphore(%arg12 : memref<!tpu.dma_semaphore, #tpu.memory_space<semaphore_mem>>) src(%dma_wait3A_1045 : memref<16384xf32, #tpu.memory_space<hbm>>) dst(%arg9 : memref<16384xf32, #tpu.memory_space<vmem>>)
    %eq3A_1046 = arith.constant 10 : i32
    %eq3A_1047 = vector.broadcast %eq3A_1046 : i32 to vector<16xi32>
    %eq3A_1048 = arith.cmpi eq, %iota3A, %eq3A_1047 : vector<16xi32>
    %ge3A_1049 = arith.constant 16384 : i32
    %ge3A_1050 = vector.broadcast %ge3A_1049 : i32 to vector<16xi32>
    %ge3A_1051 = arith.cmpi sge, %get3A_3, %ge3A_1050 : vector<16xi32>
    %and3A_1052 = arith.andi %eq3A_1048, %ge3A_1051 : vector<16xi1>
    %lt3A_1053 = arith.constant 32768 : i32
    %lt3A_1054 = vector.broadcast %lt3A_1053 : i32 to vector<16xi32>
    %lt3A_1055 = arith.cmpi slt, %get3A_3, %lt3A_1054 : vector<16xi32>
    %and3A_1056 = arith.andi %and3A_1052, %lt3A_1055 : vector<16xi1>
    %sub3A_1057 = arith.constant 16384 : i32
    %sub3A_1058 = vector.broadcast %sub3A_1057 : i32 to vector<16xi32>
    %sub3A_1059 = arith.subi %get3A_3, %sub3A_1058 : vector<16xi32>
    %jit3A_1060 = arith.constant 0 : i32
    %jit3A_1061 = arith.constant 16383 : i32
    %max3A_1062 = vector.broadcast %jit3A_1060 : i32 to vector<16xi32>
    %max3A_1063 = arith.maxsi %max3A_1062, %sub3A_1059 : vector<16xi32>
    %min3A_1064 = vector.broadcast %jit3A_1061 : i32 to vector<16xi32>
    %min3A_1065 = arith.minsi %min3A_1064, %max3A_1063 : vector<16xi32>
    tpu.vector_store_idx %arg9[%min3A_1065], %get3A_7 masked %and3A_1056 {add = true} : memref<16384xf32, #tpu.memory_space<vmem>>[vector<16xi32>], vector<16xf32>, vector<16xi1>
    %add3A_1066 = arith.constant 10 : i32
    %add3A_1067 = arith.addi %mul3A_2, %add3A_1066 : i32
    %dma_start3A_1068 = arith.constant 16384 : i32
    %dma_start3A_1069 = tpu.memref_slice %arg5[%add3A_1067, %dma_start3A_1068] : memref<1024x32768xf32, #tpu.memory_space<hbm>> -> memref<1x16384xf32, #tpu.memory_space<hbm>>
    %dma_start3A_1070 = tpu.memref_squeeze %dma_start3A_1069 : memref<1x16384xf32, #tpu.memory_space<hbm>> -> memref<16384xf32, #tpu.memory_space<hbm>>
    %dma_start3A_1071 = arith.constant 16384 : i32
    %dma_start3A_1072 = tpu.memref_slice %arg5[%add3A_1067, %dma_start3A_1071] : memref<1024x32768xf32, #tpu.memory_space<hbm>> -> memref<1x16384xf32, #tpu.memory_space<hbm>>
    %dma_start3A_1073 = tpu.memref_squeeze %dma_start3A_1072 : memref<1x16384xf32, #tpu.memory_space<hbm>> -> memref<16384xf32, #tpu.memory_space<hbm>>
    tpu.enqueue_dma source(%arg9 : memref<16384xf32, #tpu.memory_space<vmem>>) target(%dma_start3A_1073 : memref<16384xf32, #tpu.memory_space<hbm>>) target_semaphore(%arg13 : memref<!tpu.dma_semaphore, #tpu.memory_space<semaphore_mem>>)
    %dma_wait3A_1074 = arith.constant 16384 : i32
    %dma_wait3A_1075 = tpu.memref_slice %arg5[%add3A_1067, %dma_wait3A_1074] : memref<1024x32768xf32, #tpu.memory_space<hbm>> -> memref<1x16384xf32, #tpu.memory_space<hbm>>
    %dma_wait3A_1076 = tpu.memref_squeeze %dma_wait3A_1075 : memref<1x16384xf32, #tpu.memory_space<hbm>> -> memref<16384xf32, #tpu.memory_space<hbm>>
    %dma_wait3A_1077 = arith.constant 16384 : i32
    %dma_wait3A_1078 = tpu.memref_slice %arg5[%add3A_1067, %dma_wait3A_1077] : memref<1024x32768xf32, #tpu.memory_space<hbm>> -> memref<1x16384xf32, #tpu.memory_space<hbm>>
    %dma_wait3A_1079 = tpu.memref_squeeze %dma_wait3A_1078 : memref<1x16384xf32, #tpu.memory_space<hbm>> -> memref<16384xf32, #tpu.memory_space<hbm>>
    tpu.wait_dma2 semaphore(%arg13 : memref<!tpu.dma_semaphore, #tpu.memory_space<semaphore_mem>>) src(%arg9 : memref<16384xf32, #tpu.memory_space<vmem>>) dst(%dma_wait3A_1079 : memref<16384xf32, #tpu.memory_space<hbm>>)
    %add3A_1080 = arith.constant 12 : i32
    %add3A_1081 = arith.addi %mul3A_2, %add3A_1080 : i32
    %dma_start3A_1082 = arith.constant 16384 : i32
    %dma_start3A_1083 = tpu.memref_slice %arg2[%add3A_1081, %dma_start3A_1082] : memref<1024x32768xf32, #tpu.memory_space<hbm>> -> memref<1x16384xf32, #tpu.memory_space<hbm>>
    %dma_start3A_1084 = tpu.memref_squeeze %dma_start3A_1083 : memref<1x16384xf32, #tpu.memory_space<hbm>> -> memref<16384xf32, #tpu.memory_space<hbm>>
    %dma_start3A_1085 = arith.constant 16384 : i32
    %dma_start3A_1086 = tpu.memref_slice %arg2[%add3A_1081, %dma_start3A_1085] : memref<1024x32768xf32, #tpu.memory_space<hbm>> -> memref<1x16384xf32, #tpu.memory_space<hbm>>
    %dma_start3A_1087 = tpu.memref_squeeze %dma_start3A_1086 : memref<1x16384xf32, #tpu.memory_space<hbm>> -> memref<16384xf32, #tpu.memory_space<hbm>>
    tpu.enqueue_dma source(%dma_start3A_1087 : memref<16384xf32, #tpu.memory_space<hbm>>) target(%arg9 : memref<16384xf32, #tpu.memory_space<vmem>>) target_semaphore(%arg12 : memref<!tpu.dma_semaphore, #tpu.memory_space<semaphore_mem>>)
    %dma_wait3A_1088 = arith.constant 0 : i32
    %dma_wait3A_1089 = tpu.memref_slice %arg2[%add3A_937, %dma_wait3A_1088] : memref<1024x32768xf32, #tpu.memory_space<hbm>> -> memref<1x16384xf32, #tpu.memory_space<hbm>>
    %dma_wait3A_1090 = tpu.memref_squeeze %dma_wait3A_1089 : memref<1x16384xf32, #tpu.memory_space<hbm>> -> memref<16384xf32, #tpu.memory_space<hbm>>
    %dma_wait3A_1091 = arith.constant 0 : i32
    %dma_wait3A_1092 = tpu.memref_slice %arg2[%add3A_937, %dma_wait3A_1091] : memref<1024x32768xf32, #tpu.memory_space<hbm>> -> memref<1x16384xf32, #tpu.memory_space<hbm>>
    %dma_wait3A_1093 = tpu.memref_squeeze %dma_wait3A_1092 : memref<1x16384xf32, #tpu.memory_space<hbm>> -> memref<16384xf32, #tpu.memory_space<hbm>>
    tpu.wait_dma2 semaphore(%arg12 : memref<!tpu.dma_semaphore, #tpu.memory_space<semaphore_mem>>) src(%dma_wait3A_1093 : memref<16384xf32, #tpu.memory_space<hbm>>) dst(%arg10 : memref<16384xf32, #tpu.memory_space<vmem>>)
    %eq3A_1094 = arith.constant 11 : i32
    %eq3A_1095 = vector.broadcast %eq3A_1094 : i32 to vector<16xi32>
    %eq3A_1096 = arith.cmpi eq, %iota3A, %eq3A_1095 : vector<16xi32>
    %ge3A_1097 = arith.constant 0 : i32
    %ge3A_1098 = vector.broadcast %ge3A_1097 : i32 to vector<16xi32>
    %ge3A_1099 = arith.cmpi sge, %get3A_3, %ge3A_1098 : vector<16xi32>
    %and3A_1100 = arith.andi %eq3A_1096, %ge3A_1099 : vector<16xi1>
    %lt3A_1101 = arith.constant 16384 : i32
    %lt3A_1102 = vector.broadcast %lt3A_1101 : i32 to vector<16xi32>
    %lt3A_1103 = arith.cmpi slt, %get3A_3, %lt3A_1102 : vector<16xi32>
    %and3A_1104 = arith.andi %and3A_1100, %lt3A_1103 : vector<16xi1>
    %sub3A_1105 = arith.constant 0 : i32
    %sub3A_1106 = vector.broadcast %sub3A_1105 : i32 to vector<16xi32>
    %sub3A_1107 = arith.subi %get3A_3, %sub3A_1106 : vector<16xi32>
    %jit3A_1108 = arith.constant 0 : i32
    %jit3A_1109 = arith.constant 16383 : i32
    %max3A_1110 = vector.broadcast %jit3A_1108 : i32 to vector<16xi32>
    %max3A_1111 = arith.maxsi %max3A_1110, %sub3A_1107 : vector<16xi32>
    %min3A_1112 = vector.broadcast %jit3A_1109 : i32 to vector<16xi32>
    %min3A_1113 = arith.minsi %min3A_1112, %max3A_1111 : vector<16xi32>
    tpu.vector_store_idx %arg10[%min3A_1113], %get3A_7 masked %and3A_1104 {add = true} : memref<16384xf32, #tpu.memory_space<vmem>>[vector<16xi32>], vector<16xf32>, vector<16xi1>
    %add3A_1114 = arith.constant 11 : i32
    %add3A_1115 = arith.addi %mul3A_2, %add3A_1114 : i32
    %dma_start3A_1116 = arith.constant 0 : i32
    %dma_start3A_1117 = tpu.memref_slice %arg5[%add3A_1115, %dma_start3A_1116] : memref<1024x32768xf32, #tpu.memory_space<hbm>> -> memref<1x16384xf32, #tpu.memory_space<hbm>>
    %dma_start3A_1118 = tpu.memref_squeeze %dma_start3A_1117 : memref<1x16384xf32, #tpu.memory_space<hbm>> -> memref<16384xf32, #tpu.memory_space<hbm>>
    %dma_start3A_1119 = arith.constant 0 : i32
    %dma_start3A_1120 = tpu.memref_slice %arg5[%add3A_1115, %dma_start3A_1119] : memref<1024x32768xf32, #tpu.memory_space<hbm>> -> memref<1x16384xf32, #tpu.memory_space<hbm>>
    %dma_start3A_1121 = tpu.memref_squeeze %dma_start3A_1120 : memref<1x16384xf32, #tpu.memory_space<hbm>> -> memref<16384xf32, #tpu.memory_space<hbm>>
    tpu.enqueue_dma source(%arg10 : memref<16384xf32, #tpu.memory_space<vmem>>) target(%dma_start3A_1121 : memref<16384xf32, #tpu.memory_space<hbm>>) target_semaphore(%arg13 : memref<!tpu.dma_semaphore, #tpu.memory_space<semaphore_mem>>)
    %dma_wait3A_1122 = arith.constant 0 : i32
    %dma_wait3A_1123 = tpu.memref_slice %arg5[%add3A_1115, %dma_wait3A_1122] : memref<1024x32768xf32, #tpu.memory_space<hbm>> -> memref<1x16384xf32, #tpu.memory_space<hbm>>
    %dma_wait3A_1124 = tpu.memref_squeeze %dma_wait3A_1123 : memref<1x16384xf32, #tpu.memory_space<hbm>> -> memref<16384xf32, #tpu.memory_space<hbm>>
    %dma_wait3A_1125 = arith.constant 0 : i32
    %dma_wait3A_1126 = tpu.memref_slice %arg5[%add3A_1115, %dma_wait3A_1125] : memref<1024x32768xf32, #tpu.memory_space<hbm>> -> memref<1x16384xf32, #tpu.memory_space<hbm>>
    %dma_wait3A_1127 = tpu.memref_squeeze %dma_wait3A_1126 : memref<1x16384xf32, #tpu.memory_space<hbm>> -> memref<16384xf32, #tpu.memory_space<hbm>>
    tpu.wait_dma2 semaphore(%arg13 : memref<!tpu.dma_semaphore, #tpu.memory_space<semaphore_mem>>) src(%arg10 : memref<16384xf32, #tpu.memory_space<vmem>>) dst(%dma_wait3A_1127 : memref<16384xf32, #tpu.memory_space<hbm>>)
    %add3A_1128 = arith.constant 13 : i32
    %add3A_1129 = arith.addi %mul3A_2, %add3A_1128 : i32
    %dma_start3A_1130 = arith.constant 0 : i32
    %dma_start3A_1131 = tpu.memref_slice %arg2[%add3A_1129, %dma_start3A_1130] : memref<1024x32768xf32, #tpu.memory_space<hbm>> -> memref<1x16384xf32, #tpu.memory_space<hbm>>
    %dma_start3A_1132 = tpu.memref_squeeze %dma_start3A_1131 : memref<1x16384xf32, #tpu.memory_space<hbm>> -> memref<16384xf32, #tpu.memory_space<hbm>>
    %dma_start3A_1133 = arith.constant 0 : i32
    %dma_start3A_1134 = tpu.memref_slice %arg2[%add3A_1129, %dma_start3A_1133] : memref<1024x32768xf32, #tpu.memory_space<hbm>> -> memref<1x16384xf32, #tpu.memory_space<hbm>>
    %dma_start3A_1135 = tpu.memref_squeeze %dma_start3A_1134 : memref<1x16384xf32, #tpu.memory_space<hbm>> -> memref<16384xf32, #tpu.memory_space<hbm>>
    tpu.enqueue_dma source(%dma_start3A_1135 : memref<16384xf32, #tpu.memory_space<hbm>>) target(%arg10 : memref<16384xf32, #tpu.memory_space<vmem>>) target_semaphore(%arg12 : memref<!tpu.dma_semaphore, #tpu.memory_space<semaphore_mem>>)
    %dma_wait3A_1136 = arith.constant 16384 : i32
    %dma_wait3A_1137 = tpu.memref_slice %arg2[%add3A_985, %dma_wait3A_1136] : memref<1024x32768xf32, #tpu.memory_space<hbm>> -> memref<1x16384xf32, #tpu.memory_space<hbm>>
    %dma_wait3A_1138 = tpu.memref_squeeze %dma_wait3A_1137 : memref<1x16384xf32, #tpu.memory_space<hbm>> -> memref<16384xf32, #tpu.memory_space<hbm>>
    %dma_wait3A_1139 = arith.constant 16384 : i32
    %dma_wait3A_1140 = tpu.memref_slice %arg2[%add3A_985, %dma_wait3A_1139] : memref<1024x32768xf32, #tpu.memory_space<hbm>> -> memref<1x16384xf32, #tpu.memory_space<hbm>>
    %dma_wait3A_1141 = tpu.memref_squeeze %dma_wait3A_1140 : memref<1x16384xf32, #tpu.memory_space<hbm>> -> memref<16384xf32, #tpu.memory_space<hbm>>
    tpu.wait_dma2 semaphore(%arg12 : memref<!tpu.dma_semaphore, #tpu.memory_space<semaphore_mem>>) src(%dma_wait3A_1141 : memref<16384xf32, #tpu.memory_space<hbm>>) dst(%arg11 : memref<16384xf32, #tpu.memory_space<vmem>>)
    %eq3A_1142 = arith.constant 11 : i32
    %eq3A_1143 = vector.broadcast %eq3A_1142 : i32 to vector<16xi32>
    %eq3A_1144 = arith.cmpi eq, %iota3A, %eq3A_1143 : vector<16xi32>
    %ge3A_1145 = arith.constant 16384 : i32
    %ge3A_1146 = vector.broadcast %ge3A_1145 : i32 to vector<16xi32>
    %ge3A_1147 = arith.cmpi sge, %get3A_3, %ge3A_1146 : vector<16xi32>
    %and3A_1148 = arith.andi %eq3A_1144, %ge3A_1147 : vector<16xi1>
    %lt3A_1149 = arith.constant 32768 : i32
    %lt3A_1150 = vector.broadcast %lt3A_1149 : i32 to vector<16xi32>
    %lt3A_1151 = arith.cmpi slt, %get3A_3, %lt3A_1150 : vector<16xi32>
    %and3A_1152 = arith.andi %and3A_1148, %lt3A_1151 : vector<16xi1>
    %sub3A_1153 = arith.constant 16384 : i32
    %sub3A_1154 = vector.broadcast %sub3A_1153 : i32 to vector<16xi32>
    %sub3A_1155 = arith.subi %get3A_3, %sub3A_1154 : vector<16xi32>
    %jit3A_1156 = arith.constant 0 : i32
    %jit3A_1157 = arith.constant 16383 : i32
    %max3A_1158 = vector.broadcast %jit3A_1156 : i32 to vector<16xi32>
    %max3A_1159 = arith.maxsi %max3A_1158, %sub3A_1155 : vector<16xi32>
    %min3A_1160 = vector.broadcast %jit3A_1157 : i32 to vector<16xi32>
    %min3A_1161 = arith.minsi %min3A_1160, %max3A_1159 : vector<16xi32>
    tpu.vector_store_idx %arg11[%min3A_1161], %get3A_7 masked %and3A_1152 {add = true} : memref<16384xf32, #tpu.memory_space<vmem>>[vector<16xi32>], vector<16xf32>, vector<16xi1>
    %add3A_1162 = arith.constant 11 : i32
    %add3A_1163 = arith.addi %mul3A_2, %add3A_1162 : i32
    %dma_start3A_1164 = arith.constant 16384 : i32
    %dma_start3A_1165 = tpu.memref_slice %arg5[%add3A_1163, %dma_start3A_1164] : memref<1024x32768xf32, #tpu.memory_space<hbm>> -> memref<1x16384xf32, #tpu.memory_space<hbm>>
    %dma_start3A_1166 = tpu.memref_squeeze %dma_start3A_1165 : memref<1x16384xf32, #tpu.memory_space<hbm>> -> memref<16384xf32, #tpu.memory_space<hbm>>
    %dma_start3A_1167 = arith.constant 16384 : i32
    %dma_start3A_1168 = tpu.memref_slice %arg5[%add3A_1163, %dma_start3A_1167] : memref<1024x32768xf32, #tpu.memory_space<hbm>> -> memref<1x16384xf32, #tpu.memory_space<hbm>>
    %dma_start3A_1169 = tpu.memref_squeeze %dma_start3A_1168 : memref<1x16384xf32, #tpu.memory_space<hbm>> -> memref<16384xf32, #tpu.memory_space<hbm>>
    tpu.enqueue_dma source(%arg11 : memref<16384xf32, #tpu.memory_space<vmem>>) target(%dma_start3A_1169 : memref<16384xf32, #tpu.memory_space<hbm>>) target_semaphore(%arg13 : memref<!tpu.dma_semaphore, #tpu.memory_space<semaphore_mem>>)
    %dma_wait3A_1170 = arith.constant 16384 : i32
    %dma_wait3A_1171 = tpu.memref_slice %arg5[%add3A_1163, %dma_wait3A_1170] : memref<1024x32768xf32, #tpu.memory_space<hbm>> -> memref<1x16384xf32, #tpu.memory_space<hbm>>
    %dma_wait3A_1172 = tpu.memref_squeeze %dma_wait3A_1171 : memref<1x16384xf32, #tpu.memory_space<hbm>> -> memref<16384xf32, #tpu.memory_space<hbm>>
    %dma_wait3A_1173 = arith.constant 16384 : i32
    %dma_wait3A_1174 = tpu.memref_slice %arg5[%add3A_1163, %dma_wait3A_1173] : memref<1024x32768xf32, #tpu.memory_space<hbm>> -> memref<1x16384xf32, #tpu.memory_space<hbm>>
    %dma_wait3A_1175 = tpu.memref_squeeze %dma_wait3A_1174 : memref<1x16384xf32, #tpu.memory_space<hbm>> -> memref<16384xf32, #tpu.memory_space<hbm>>
    tpu.wait_dma2 semaphore(%arg13 : memref<!tpu.dma_semaphore, #tpu.memory_space<semaphore_mem>>) src(%arg11 : memref<16384xf32, #tpu.memory_space<vmem>>) dst(%dma_wait3A_1175 : memref<16384xf32, #tpu.memory_space<hbm>>)
    %add3A_1176 = arith.constant 13 : i32
    %add3A_1177 = arith.addi %mul3A_2, %add3A_1176 : i32
    %dma_start3A_1178 = arith.constant 16384 : i32
    %dma_start3A_1179 = tpu.memref_slice %arg2[%add3A_1177, %dma_start3A_1178] : memref<1024x32768xf32, #tpu.memory_space<hbm>> -> memref<1x16384xf32, #tpu.memory_space<hbm>>
    %dma_start3A_1180 = tpu.memref_squeeze %dma_start3A_1179 : memref<1x16384xf32, #tpu.memory_space<hbm>> -> memref<16384xf32, #tpu.memory_space<hbm>>
    %dma_start3A_1181 = arith.constant 16384 : i32
    %dma_start3A_1182 = tpu.memref_slice %arg2[%add3A_1177, %dma_start3A_1181] : memref<1024x32768xf32, #tpu.memory_space<hbm>> -> memref<1x16384xf32, #tpu.memory_space<hbm>>
    %dma_start3A_1183 = tpu.memref_squeeze %dma_start3A_1182 : memref<1x16384xf32, #tpu.memory_space<hbm>> -> memref<16384xf32, #tpu.memory_space<hbm>>
    tpu.enqueue_dma source(%dma_start3A_1183 : memref<16384xf32, #tpu.memory_space<hbm>>) target(%arg11 : memref<16384xf32, #tpu.memory_space<vmem>>) target_semaphore(%arg12 : memref<!tpu.dma_semaphore, #tpu.memory_space<semaphore_mem>>)
    %dma_wait3A_1184 = arith.constant 0 : i32
    %dma_wait3A_1185 = tpu.memref_slice %arg2[%add3A_1033, %dma_wait3A_1184] : memref<1024x32768xf32, #tpu.memory_space<hbm>> -> memref<1x16384xf32, #tpu.memory_space<hbm>>
    %dma_wait3A_1186 = tpu.memref_squeeze %dma_wait3A_1185 : memref<1x16384xf32, #tpu.memory_space<hbm>> -> memref<16384xf32, #tpu.memory_space<hbm>>
    %dma_wait3A_1187 = arith.constant 0 : i32
    %dma_wait3A_1188 = tpu.memref_slice %arg2[%add3A_1033, %dma_wait3A_1187] : memref<1024x32768xf32, #tpu.memory_space<hbm>> -> memref<1x16384xf32, #tpu.memory_space<hbm>>
    %dma_wait3A_1189 = tpu.memref_squeeze %dma_wait3A_1188 : memref<1x16384xf32, #tpu.memory_space<hbm>> -> memref<16384xf32, #tpu.memory_space<hbm>>
    tpu.wait_dma2 semaphore(%arg12 : memref<!tpu.dma_semaphore, #tpu.memory_space<semaphore_mem>>) src(%dma_wait3A_1189 : memref<16384xf32, #tpu.memory_space<hbm>>) dst(%arg8 : memref<16384xf32, #tpu.memory_space<vmem>>)
    %eq3A_1190 = arith.constant 12 : i32
    %eq3A_1191 = vector.broadcast %eq3A_1190 : i32 to vector<16xi32>
    %eq3A_1192 = arith.cmpi eq, %iota3A, %eq3A_1191 : vector<16xi32>
    %ge3A_1193 = arith.constant 0 : i32
    %ge3A_1194 = vector.broadcast %ge3A_1193 : i32 to vector<16xi32>
    %ge3A_1195 = arith.cmpi sge, %get3A_3, %ge3A_1194 : vector<16xi32>
    %and3A_1196 = arith.andi %eq3A_1192, %ge3A_1195 : vector<16xi1>
    %lt3A_1197 = arith.constant 16384 : i32
    %lt3A_1198 = vector.broadcast %lt3A_1197 : i32 to vector<16xi32>
    %lt3A_1199 = arith.cmpi slt, %get3A_3, %lt3A_1198 : vector<16xi32>
    %and3A_1200 = arith.andi %and3A_1196, %lt3A_1199 : vector<16xi1>
    %sub3A_1201 = arith.constant 0 : i32
    %sub3A_1202 = vector.broadcast %sub3A_1201 : i32 to vector<16xi32>
    %sub3A_1203 = arith.subi %get3A_3, %sub3A_1202 : vector<16xi32>
    %jit3A_1204 = arith.constant 0 : i32
    %jit3A_1205 = arith.constant 16383 : i32
    %max3A_1206 = vector.broadcast %jit3A_1204 : i32 to vector<16xi32>
    %max3A_1207 = arith.maxsi %max3A_1206, %sub3A_1203 : vector<16xi32>
    %min3A_1208 = vector.broadcast %jit3A_1205 : i32 to vector<16xi32>
    %min3A_1209 = arith.minsi %min3A_1208, %max3A_1207 : vector<16xi32>
    tpu.vector_store_idx %arg8[%min3A_1209], %get3A_7 masked %and3A_1200 {add = true} : memref<16384xf32, #tpu.memory_space<vmem>>[vector<16xi32>], vector<16xf32>, vector<16xi1>
    %add3A_1210 = arith.constant 12 : i32
    %add3A_1211 = arith.addi %mul3A_2, %add3A_1210 : i32
    %dma_start3A_1212 = arith.constant 0 : i32
    %dma_start3A_1213 = tpu.memref_slice %arg5[%add3A_1211, %dma_start3A_1212] : memref<1024x32768xf32, #tpu.memory_space<hbm>> -> memref<1x16384xf32, #tpu.memory_space<hbm>>
    %dma_start3A_1214 = tpu.memref_squeeze %dma_start3A_1213 : memref<1x16384xf32, #tpu.memory_space<hbm>> -> memref<16384xf32, #tpu.memory_space<hbm>>
    %dma_start3A_1215 = arith.constant 0 : i32
    %dma_start3A_1216 = tpu.memref_slice %arg5[%add3A_1211, %dma_start3A_1215] : memref<1024x32768xf32, #tpu.memory_space<hbm>> -> memref<1x16384xf32, #tpu.memory_space<hbm>>
    %dma_start3A_1217 = tpu.memref_squeeze %dma_start3A_1216 : memref<1x16384xf32, #tpu.memory_space<hbm>> -> memref<16384xf32, #tpu.memory_space<hbm>>
    tpu.enqueue_dma source(%arg8 : memref<16384xf32, #tpu.memory_space<vmem>>) target(%dma_start3A_1217 : memref<16384xf32, #tpu.memory_space<hbm>>) target_semaphore(%arg13 : memref<!tpu.dma_semaphore, #tpu.memory_space<semaphore_mem>>)
    %dma_wait3A_1218 = arith.constant 0 : i32
    %dma_wait3A_1219 = tpu.memref_slice %arg5[%add3A_1211, %dma_wait3A_1218] : memref<1024x32768xf32, #tpu.memory_space<hbm>> -> memref<1x16384xf32, #tpu.memory_space<hbm>>
    %dma_wait3A_1220 = tpu.memref_squeeze %dma_wait3A_1219 : memref<1x16384xf32, #tpu.memory_space<hbm>> -> memref<16384xf32, #tpu.memory_space<hbm>>
    %dma_wait3A_1221 = arith.constant 0 : i32
    %dma_wait3A_1222 = tpu.memref_slice %arg5[%add3A_1211, %dma_wait3A_1221] : memref<1024x32768xf32, #tpu.memory_space<hbm>> -> memref<1x16384xf32, #tpu.memory_space<hbm>>
    %dma_wait3A_1223 = tpu.memref_squeeze %dma_wait3A_1222 : memref<1x16384xf32, #tpu.memory_space<hbm>> -> memref<16384xf32, #tpu.memory_space<hbm>>
    tpu.wait_dma2 semaphore(%arg13 : memref<!tpu.dma_semaphore, #tpu.memory_space<semaphore_mem>>) src(%arg8 : memref<16384xf32, #tpu.memory_space<vmem>>) dst(%dma_wait3A_1223 : memref<16384xf32, #tpu.memory_space<hbm>>)
    %add3A_1224 = arith.constant 14 : i32
    %add3A_1225 = arith.addi %mul3A_2, %add3A_1224 : i32
    %dma_start3A_1226 = arith.constant 0 : i32
    %dma_start3A_1227 = tpu.memref_slice %arg2[%add3A_1225, %dma_start3A_1226] : memref<1024x32768xf32, #tpu.memory_space<hbm>> -> memref<1x16384xf32, #tpu.memory_space<hbm>>
    %dma_start3A_1228 = tpu.memref_squeeze %dma_start3A_1227 : memref<1x16384xf32, #tpu.memory_space<hbm>> -> memref<16384xf32, #tpu.memory_space<hbm>>
    %dma_start3A_1229 = arith.constant 0 : i32
    %dma_start3A_1230 = tpu.memref_slice %arg2[%add3A_1225, %dma_start3A_1229] : memref<1024x32768xf32, #tpu.memory_space<hbm>> -> memref<1x16384xf32, #tpu.memory_space<hbm>>
    %dma_start3A_1231 = tpu.memref_squeeze %dma_start3A_1230 : memref<1x16384xf32, #tpu.memory_space<hbm>> -> memref<16384xf32, #tpu.memory_space<hbm>>
    tpu.enqueue_dma source(%dma_start3A_1231 : memref<16384xf32, #tpu.memory_space<hbm>>) target(%arg8 : memref<16384xf32, #tpu.memory_space<vmem>>) target_semaphore(%arg12 : memref<!tpu.dma_semaphore, #tpu.memory_space<semaphore_mem>>)
    %dma_wait3A_1232 = arith.constant 16384 : i32
    %dma_wait3A_1233 = tpu.memref_slice %arg2[%add3A_1081, %dma_wait3A_1232] : memref<1024x32768xf32, #tpu.memory_space<hbm>> -> memref<1x16384xf32, #tpu.memory_space<hbm>>
    %dma_wait3A_1234 = tpu.memref_squeeze %dma_wait3A_1233 : memref<1x16384xf32, #tpu.memory_space<hbm>> -> memref<16384xf32, #tpu.memory_space<hbm>>
    %dma_wait3A_1235 = arith.constant 16384 : i32
    %dma_wait3A_1236 = tpu.memref_slice %arg2[%add3A_1081, %dma_wait3A_1235] : memref<1024x32768xf32, #tpu.memory_space<hbm>> -> memref<1x16384xf32, #tpu.memory_space<hbm>>
    %dma_wait3A_1237 = tpu.memref_squeeze %dma_wait3A_1236 : memref<1x16384xf32, #tpu.memory_space<hbm>> -> memref<16384xf32, #tpu.memory_space<hbm>>
    tpu.wait_dma2 semaphore(%arg12 : memref<!tpu.dma_semaphore, #tpu.memory_space<semaphore_mem>>) src(%dma_wait3A_1237 : memref<16384xf32, #tpu.memory_space<hbm>>) dst(%arg9 : memref<16384xf32, #tpu.memory_space<vmem>>)
    %eq3A_1238 = arith.constant 12 : i32
    %eq3A_1239 = vector.broadcast %eq3A_1238 : i32 to vector<16xi32>
    %eq3A_1240 = arith.cmpi eq, %iota3A, %eq3A_1239 : vector<16xi32>
    %ge3A_1241 = arith.constant 16384 : i32
    %ge3A_1242 = vector.broadcast %ge3A_1241 : i32 to vector<16xi32>
    %ge3A_1243 = arith.cmpi sge, %get3A_3, %ge3A_1242 : vector<16xi32>
    %and3A_1244 = arith.andi %eq3A_1240, %ge3A_1243 : vector<16xi1>
    %lt3A_1245 = arith.constant 32768 : i32
    %lt3A_1246 = vector.broadcast %lt3A_1245 : i32 to vector<16xi32>
    %lt3A_1247 = arith.cmpi slt, %get3A_3, %lt3A_1246 : vector<16xi32>
    %and3A_1248 = arith.andi %and3A_1244, %lt3A_1247 : vector<16xi1>
    %sub3A_1249 = arith.constant 16384 : i32
    %sub3A_1250 = vector.broadcast %sub3A_1249 : i32 to vector<16xi32>
    %sub3A_1251 = arith.subi %get3A_3, %sub3A_1250 : vector<16xi32>
    %jit3A_1252 = arith.constant 0 : i32
    %jit3A_1253 = arith.constant 16383 : i32
    %max3A_1254 = vector.broadcast %jit3A_1252 : i32 to vector<16xi32>
    %max3A_1255 = arith.maxsi %max3A_1254, %sub3A_1251 : vector<16xi32>
    %min3A_1256 = vector.broadcast %jit3A_1253 : i32 to vector<16xi32>
    %min3A_1257 = arith.minsi %min3A_1256, %max3A_1255 : vector<16xi32>
    tpu.vector_store_idx %arg9[%min3A_1257], %get3A_7 masked %and3A_1248 {add = true} : memref<16384xf32, #tpu.memory_space<vmem>>[vector<16xi32>], vector<16xf32>, vector<16xi1>
    %add3A_1258 = arith.constant 12 : i32
    %add3A_1259 = arith.addi %mul3A_2, %add3A_1258 : i32
    %dma_start3A_1260 = arith.constant 16384 : i32
    %dma_start3A_1261 = tpu.memref_slice %arg5[%add3A_1259, %dma_start3A_1260] : memref<1024x32768xf32, #tpu.memory_space<hbm>> -> memref<1x16384xf32, #tpu.memory_space<hbm>>
    %dma_start3A_1262 = tpu.memref_squeeze %dma_start3A_1261 : memref<1x16384xf32, #tpu.memory_space<hbm>> -> memref<16384xf32, #tpu.memory_space<hbm>>
    %dma_start3A_1263 = arith.constant 16384 : i32
    %dma_start3A_1264 = tpu.memref_slice %arg5[%add3A_1259, %dma_start3A_1263] : memref<1024x32768xf32, #tpu.memory_space<hbm>> -> memref<1x16384xf32, #tpu.memory_space<hbm>>
    %dma_start3A_1265 = tpu.memref_squeeze %dma_start3A_1264 : memref<1x16384xf32, #tpu.memory_space<hbm>> -> memref<16384xf32, #tpu.memory_space<hbm>>
    tpu.enqueue_dma source(%arg9 : memref<16384xf32, #tpu.memory_space<vmem>>) target(%dma_start3A_1265 : memref<16384xf32, #tpu.memory_space<hbm>>) target_semaphore(%arg13 : memref<!tpu.dma_semaphore, #tpu.memory_space<semaphore_mem>>)
    %dma_wait3A_1266 = arith.constant 16384 : i32
    %dma_wait3A_1267 = tpu.memref_slice %arg5[%add3A_1259, %dma_wait3A_1266] : memref<1024x32768xf32, #tpu.memory_space<hbm>> -> memref<1x16384xf32, #tpu.memory_space<hbm>>
    %dma_wait3A_1268 = tpu.memref_squeeze %dma_wait3A_1267 : memref<1x16384xf32, #tpu.memory_space<hbm>> -> memref<16384xf32, #tpu.memory_space<hbm>>
    %dma_wait3A_1269 = arith.constant 16384 : i32
    %dma_wait3A_1270 = tpu.memref_slice %arg5[%add3A_1259, %dma_wait3A_1269] : memref<1024x32768xf32, #tpu.memory_space<hbm>> -> memref<1x16384xf32, #tpu.memory_space<hbm>>
    %dma_wait3A_1271 = tpu.memref_squeeze %dma_wait3A_1270 : memref<1x16384xf32, #tpu.memory_space<hbm>> -> memref<16384xf32, #tpu.memory_space<hbm>>
    tpu.wait_dma2 semaphore(%arg13 : memref<!tpu.dma_semaphore, #tpu.memory_space<semaphore_mem>>) src(%arg9 : memref<16384xf32, #tpu.memory_space<vmem>>) dst(%dma_wait3A_1271 : memref<16384xf32, #tpu.memory_space<hbm>>)
    %add3A_1272 = arith.constant 14 : i32
    %add3A_1273 = arith.addi %mul3A_2, %add3A_1272 : i32
    %dma_start3A_1274 = arith.constant 16384 : i32
    %dma_start3A_1275 = tpu.memref_slice %arg2[%add3A_1273, %dma_start3A_1274] : memref<1024x32768xf32, #tpu.memory_space<hbm>> -> memref<1x16384xf32, #tpu.memory_space<hbm>>
    %dma_start3A_1276 = tpu.memref_squeeze %dma_start3A_1275 : memref<1x16384xf32, #tpu.memory_space<hbm>> -> memref<16384xf32, #tpu.memory_space<hbm>>
    %dma_start3A_1277 = arith.constant 16384 : i32
    %dma_start3A_1278 = tpu.memref_slice %arg2[%add3A_1273, %dma_start3A_1277] : memref<1024x32768xf32, #tpu.memory_space<hbm>> -> memref<1x16384xf32, #tpu.memory_space<hbm>>
    %dma_start3A_1279 = tpu.memref_squeeze %dma_start3A_1278 : memref<1x16384xf32, #tpu.memory_space<hbm>> -> memref<16384xf32, #tpu.memory_space<hbm>>
    tpu.enqueue_dma source(%dma_start3A_1279 : memref<16384xf32, #tpu.memory_space<hbm>>) target(%arg9 : memref<16384xf32, #tpu.memory_space<vmem>>) target_semaphore(%arg12 : memref<!tpu.dma_semaphore, #tpu.memory_space<semaphore_mem>>)
    %dma_wait3A_1280 = arith.constant 0 : i32
    %dma_wait3A_1281 = tpu.memref_slice %arg2[%add3A_1129, %dma_wait3A_1280] : memref<1024x32768xf32, #tpu.memory_space<hbm>> -> memref<1x16384xf32, #tpu.memory_space<hbm>>
    %dma_wait3A_1282 = tpu.memref_squeeze %dma_wait3A_1281 : memref<1x16384xf32, #tpu.memory_space<hbm>> -> memref<16384xf32, #tpu.memory_space<hbm>>
    %dma_wait3A_1283 = arith.constant 0 : i32
    %dma_wait3A_1284 = tpu.memref_slice %arg2[%add3A_1129, %dma_wait3A_1283] : memref<1024x32768xf32, #tpu.memory_space<hbm>> -> memref<1x16384xf32, #tpu.memory_space<hbm>>
    %dma_wait3A_1285 = tpu.memref_squeeze %dma_wait3A_1284 : memref<1x16384xf32, #tpu.memory_space<hbm>> -> memref<16384xf32, #tpu.memory_space<hbm>>
    tpu.wait_dma2 semaphore(%arg12 : memref<!tpu.dma_semaphore, #tpu.memory_space<semaphore_mem>>) src(%dma_wait3A_1285 : memref<16384xf32, #tpu.memory_space<hbm>>) dst(%arg10 : memref<16384xf32, #tpu.memory_space<vmem>>)
    %eq3A_1286 = arith.constant 13 : i32
    %eq3A_1287 = vector.broadcast %eq3A_1286 : i32 to vector<16xi32>
    %eq3A_1288 = arith.cmpi eq, %iota3A, %eq3A_1287 : vector<16xi32>
    %ge3A_1289 = arith.constant 0 : i32
    %ge3A_1290 = vector.broadcast %ge3A_1289 : i32 to vector<16xi32>
    %ge3A_1291 = arith.cmpi sge, %get3A_3, %ge3A_1290 : vector<16xi32>
    %and3A_1292 = arith.andi %eq3A_1288, %ge3A_1291 : vector<16xi1>
    %lt3A_1293 = arith.constant 16384 : i32
    %lt3A_1294 = vector.broadcast %lt3A_1293 : i32 to vector<16xi32>
    %lt3A_1295 = arith.cmpi slt, %get3A_3, %lt3A_1294 : vector<16xi32>
    %and3A_1296 = arith.andi %and3A_1292, %lt3A_1295 : vector<16xi1>
    %sub3A_1297 = arith.constant 0 : i32
    %sub3A_1298 = vector.broadcast %sub3A_1297 : i32 to vector<16xi32>
    %sub3A_1299 = arith.subi %get3A_3, %sub3A_1298 : vector<16xi32>
    %jit3A_1300 = arith.constant 0 : i32
    %jit3A_1301 = arith.constant 16383 : i32
    %max3A_1302 = vector.broadcast %jit3A_1300 : i32 to vector<16xi32>
    %max3A_1303 = arith.maxsi %max3A_1302, %sub3A_1299 : vector<16xi32>
    %min3A_1304 = vector.broadcast %jit3A_1301 : i32 to vector<16xi32>
    %min3A_1305 = arith.minsi %min3A_1304, %max3A_1303 : vector<16xi32>
    tpu.vector_store_idx %arg10[%min3A_1305], %get3A_7 masked %and3A_1296 {add = true} : memref<16384xf32, #tpu.memory_space<vmem>>[vector<16xi32>], vector<16xf32>, vector<16xi1>
    %add3A_1306 = arith.constant 13 : i32
    %add3A_1307 = arith.addi %mul3A_2, %add3A_1306 : i32
    %dma_start3A_1308 = arith.constant 0 : i32
    %dma_start3A_1309 = tpu.memref_slice %arg5[%add3A_1307, %dma_start3A_1308] : memref<1024x32768xf32, #tpu.memory_space<hbm>> -> memref<1x16384xf32, #tpu.memory_space<hbm>>
    %dma_start3A_1310 = tpu.memref_squeeze %dma_start3A_1309 : memref<1x16384xf32, #tpu.memory_space<hbm>> -> memref<16384xf32, #tpu.memory_space<hbm>>
    %dma_start3A_1311 = arith.constant 0 : i32
    %dma_start3A_1312 = tpu.memref_slice %arg5[%add3A_1307, %dma_start3A_1311] : memref<1024x32768xf32, #tpu.memory_space<hbm>> -> memref<1x16384xf32, #tpu.memory_space<hbm>>
    %dma_start3A_1313 = tpu.memref_squeeze %dma_start3A_1312 : memref<1x16384xf32, #tpu.memory_space<hbm>> -> memref<16384xf32, #tpu.memory_space<hbm>>
    tpu.enqueue_dma source(%arg10 : memref<16384xf32, #tpu.memory_space<vmem>>) target(%dma_start3A_1313 : memref<16384xf32, #tpu.memory_space<hbm>>) target_semaphore(%arg13 : memref<!tpu.dma_semaphore, #tpu.memory_space<semaphore_mem>>)
    %dma_wait3A_1314 = arith.constant 0 : i32
    %dma_wait3A_1315 = tpu.memref_slice %arg5[%add3A_1307, %dma_wait3A_1314] : memref<1024x32768xf32, #tpu.memory_space<hbm>> -> memref<1x16384xf32, #tpu.memory_space<hbm>>
    %dma_wait3A_1316 = tpu.memref_squeeze %dma_wait3A_1315 : memref<1x16384xf32, #tpu.memory_space<hbm>> -> memref<16384xf32, #tpu.memory_space<hbm>>
    %dma_wait3A_1317 = arith.constant 0 : i32
    %dma_wait3A_1318 = tpu.memref_slice %arg5[%add3A_1307, %dma_wait3A_1317] : memref<1024x32768xf32, #tpu.memory_space<hbm>> -> memref<1x16384xf32, #tpu.memory_space<hbm>>
    %dma_wait3A_1319 = tpu.memref_squeeze %dma_wait3A_1318 : memref<1x16384xf32, #tpu.memory_space<hbm>> -> memref<16384xf32, #tpu.memory_space<hbm>>
    tpu.wait_dma2 semaphore(%arg13 : memref<!tpu.dma_semaphore, #tpu.memory_space<semaphore_mem>>) src(%arg10 : memref<16384xf32, #tpu.memory_space<vmem>>) dst(%dma_wait3A_1319 : memref<16384xf32, #tpu.memory_space<hbm>>)
    %add3A_1320 = arith.constant 15 : i32
    %add3A_1321 = arith.addi %mul3A_2, %add3A_1320 : i32
    %dma_start3A_1322 = arith.constant 0 : i32
    %dma_start3A_1323 = tpu.memref_slice %arg2[%add3A_1321, %dma_start3A_1322] : memref<1024x32768xf32, #tpu.memory_space<hbm>> -> memref<1x16384xf32, #tpu.memory_space<hbm>>
    %dma_start3A_1324 = tpu.memref_squeeze %dma_start3A_1323 : memref<1x16384xf32, #tpu.memory_space<hbm>> -> memref<16384xf32, #tpu.memory_space<hbm>>
    %dma_start3A_1325 = arith.constant 0 : i32
    %dma_start3A_1326 = tpu.memref_slice %arg2[%add3A_1321, %dma_start3A_1325] : memref<1024x32768xf32, #tpu.memory_space<hbm>> -> memref<1x16384xf32, #tpu.memory_space<hbm>>
    %dma_start3A_1327 = tpu.memref_squeeze %dma_start3A_1326 : memref<1x16384xf32, #tpu.memory_space<hbm>> -> memref<16384xf32, #tpu.memory_space<hbm>>
    tpu.enqueue_dma source(%dma_start3A_1327 : memref<16384xf32, #tpu.memory_space<hbm>>) target(%arg10 : memref<16384xf32, #tpu.memory_space<vmem>>) target_semaphore(%arg12 : memref<!tpu.dma_semaphore, #tpu.memory_space<semaphore_mem>>)
    %dma_wait3A_1328 = arith.constant 16384 : i32
    %dma_wait3A_1329 = tpu.memref_slice %arg2[%add3A_1177, %dma_wait3A_1328] : memref<1024x32768xf32, #tpu.memory_space<hbm>> -> memref<1x16384xf32, #tpu.memory_space<hbm>>
    %dma_wait3A_1330 = tpu.memref_squeeze %dma_wait3A_1329 : memref<1x16384xf32, #tpu.memory_space<hbm>> -> memref<16384xf32, #tpu.memory_space<hbm>>
    %dma_wait3A_1331 = arith.constant 16384 : i32
    %dma_wait3A_1332 = tpu.memref_slice %arg2[%add3A_1177, %dma_wait3A_1331] : memref<1024x32768xf32, #tpu.memory_space<hbm>> -> memref<1x16384xf32, #tpu.memory_space<hbm>>
    %dma_wait3A_1333 = tpu.memref_squeeze %dma_wait3A_1332 : memref<1x16384xf32, #tpu.memory_space<hbm>> -> memref<16384xf32, #tpu.memory_space<hbm>>
    tpu.wait_dma2 semaphore(%arg12 : memref<!tpu.dma_semaphore, #tpu.memory_space<semaphore_mem>>) src(%dma_wait3A_1333 : memref<16384xf32, #tpu.memory_space<hbm>>) dst(%arg11 : memref<16384xf32, #tpu.memory_space<vmem>>)
    %eq3A_1334 = arith.constant 13 : i32
    %eq3A_1335 = vector.broadcast %eq3A_1334 : i32 to vector<16xi32>
    %eq3A_1336 = arith.cmpi eq, %iota3A, %eq3A_1335 : vector<16xi32>
    %ge3A_1337 = arith.constant 16384 : i32
    %ge3A_1338 = vector.broadcast %ge3A_1337 : i32 to vector<16xi32>
    %ge3A_1339 = arith.cmpi sge, %get3A_3, %ge3A_1338 : vector<16xi32>
    %and3A_1340 = arith.andi %eq3A_1336, %ge3A_1339 : vector<16xi1>
    %lt3A_1341 = arith.constant 32768 : i32
    %lt3A_1342 = vector.broadcast %lt3A_1341 : i32 to vector<16xi32>
    %lt3A_1343 = arith.cmpi slt, %get3A_3, %lt3A_1342 : vector<16xi32>
    %and3A_1344 = arith.andi %and3A_1340, %lt3A_1343 : vector<16xi1>
    %sub3A_1345 = arith.constant 16384 : i32
    %sub3A_1346 = vector.broadcast %sub3A_1345 : i32 to vector<16xi32>
    %sub3A_1347 = arith.subi %get3A_3, %sub3A_1346 : vector<16xi32>
    %jit3A_1348 = arith.constant 0 : i32
    %jit3A_1349 = arith.constant 16383 : i32
    %max3A_1350 = vector.broadcast %jit3A_1348 : i32 to vector<16xi32>
    %max3A_1351 = arith.maxsi %max3A_1350, %sub3A_1347 : vector<16xi32>
    %min3A_1352 = vector.broadcast %jit3A_1349 : i32 to vector<16xi32>
    %min3A_1353 = arith.minsi %min3A_1352, %max3A_1351 : vector<16xi32>
    tpu.vector_store_idx %arg11[%min3A_1353], %get3A_7 masked %and3A_1344 {add = true} : memref<16384xf32, #tpu.memory_space<vmem>>[vector<16xi32>], vector<16xf32>, vector<16xi1>
    %add3A_1354 = arith.constant 13 : i32
    %add3A_1355 = arith.addi %mul3A_2, %add3A_1354 : i32
    %dma_start3A_1356 = arith.constant 16384 : i32
    %dma_start3A_1357 = tpu.memref_slice %arg5[%add3A_1355, %dma_start3A_1356] : memref<1024x32768xf32, #tpu.memory_space<hbm>> -> memref<1x16384xf32, #tpu.memory_space<hbm>>
    %dma_start3A_1358 = tpu.memref_squeeze %dma_start3A_1357 : memref<1x16384xf32, #tpu.memory_space<hbm>> -> memref<16384xf32, #tpu.memory_space<hbm>>
    %dma_start3A_1359 = arith.constant 16384 : i32
    %dma_start3A_1360 = tpu.memref_slice %arg5[%add3A_1355, %dma_start3A_1359] : memref<1024x32768xf32, #tpu.memory_space<hbm>> -> memref<1x16384xf32, #tpu.memory_space<hbm>>
    %dma_start3A_1361 = tpu.memref_squeeze %dma_start3A_1360 : memref<1x16384xf32, #tpu.memory_space<hbm>> -> memref<16384xf32, #tpu.memory_space<hbm>>
    tpu.enqueue_dma source(%arg11 : memref<16384xf32, #tpu.memory_space<vmem>>) target(%dma_start3A_1361 : memref<16384xf32, #tpu.memory_space<hbm>>) target_semaphore(%arg13 : memref<!tpu.dma_semaphore, #tpu.memory_space<semaphore_mem>>)
    %dma_wait3A_1362 = arith.constant 16384 : i32
    %dma_wait3A_1363 = tpu.memref_slice %arg5[%add3A_1355, %dma_wait3A_1362] : memref<1024x32768xf32, #tpu.memory_space<hbm>> -> memref<1x16384xf32, #tpu.memory_space<hbm>>
    %dma_wait3A_1364 = tpu.memref_squeeze %dma_wait3A_1363 : memref<1x16384xf32, #tpu.memory_space<hbm>> -> memref<16384xf32, #tpu.memory_space<hbm>>
    %dma_wait3A_1365 = arith.constant 16384 : i32
    %dma_wait3A_1366 = tpu.memref_slice %arg5[%add3A_1355, %dma_wait3A_1365] : memref<1024x32768xf32, #tpu.memory_space<hbm>> -> memref<1x16384xf32, #tpu.memory_space<hbm>>
    %dma_wait3A_1367 = tpu.memref_squeeze %dma_wait3A_1366 : memref<1x16384xf32, #tpu.memory_space<hbm>> -> memref<16384xf32, #tpu.memory_space<hbm>>
    tpu.wait_dma2 semaphore(%arg13 : memref<!tpu.dma_semaphore, #tpu.memory_space<semaphore_mem>>) src(%arg11 : memref<16384xf32, #tpu.memory_space<vmem>>) dst(%dma_wait3A_1367 : memref<16384xf32, #tpu.memory_space<hbm>>)
    %add3A_1368 = arith.constant 15 : i32
    %add3A_1369 = arith.addi %mul3A_2, %add3A_1368 : i32
    %dma_start3A_1370 = arith.constant 16384 : i32
    %dma_start3A_1371 = tpu.memref_slice %arg2[%add3A_1369, %dma_start3A_1370] : memref<1024x32768xf32, #tpu.memory_space<hbm>> -> memref<1x16384xf32, #tpu.memory_space<hbm>>
    %dma_start3A_1372 = tpu.memref_squeeze %dma_start3A_1371 : memref<1x16384xf32, #tpu.memory_space<hbm>> -> memref<16384xf32, #tpu.memory_space<hbm>>
    %dma_start3A_1373 = arith.constant 16384 : i32
    %dma_start3A_1374 = tpu.memref_slice %arg2[%add3A_1369, %dma_start3A_1373] : memref<1024x32768xf32, #tpu.memory_space<hbm>> -> memref<1x16384xf32, #tpu.memory_space<hbm>>
    %dma_start3A_1375 = tpu.memref_squeeze %dma_start3A_1374 : memref<1x16384xf32, #tpu.memory_space<hbm>> -> memref<16384xf32, #tpu.memory_space<hbm>>
    tpu.enqueue_dma source(%dma_start3A_1375 : memref<16384xf32, #tpu.memory_space<hbm>>) target(%arg11 : memref<16384xf32, #tpu.memory_space<vmem>>) target_semaphore(%arg12 : memref<!tpu.dma_semaphore, #tpu.memory_space<semaphore_mem>>)
    %dma_wait3A_1376 = arith.constant 0 : i32
    %dma_wait3A_1377 = tpu.memref_slice %arg2[%add3A_1225, %dma_wait3A_1376] : memref<1024x32768xf32, #tpu.memory_space<hbm>> -> memref<1x16384xf32, #tpu.memory_space<hbm>>
    %dma_wait3A_1378 = tpu.memref_squeeze %dma_wait3A_1377 : memref<1x16384xf32, #tpu.memory_space<hbm>> -> memref<16384xf32, #tpu.memory_space<hbm>>
    %dma_wait3A_1379 = arith.constant 0 : i32
    %dma_wait3A_1380 = tpu.memref_slice %arg2[%add3A_1225, %dma_wait3A_1379] : memref<1024x32768xf32, #tpu.memory_space<hbm>> -> memref<1x16384xf32, #tpu.memory_space<hbm>>
    %dma_wait3A_1381 = tpu.memref_squeeze %dma_wait3A_1380 : memref<1x16384xf32, #tpu.memory_space<hbm>> -> memref<16384xf32, #tpu.memory_space<hbm>>
    tpu.wait_dma2 semaphore(%arg12 : memref<!tpu.dma_semaphore, #tpu.memory_space<semaphore_mem>>) src(%dma_wait3A_1381 : memref<16384xf32, #tpu.memory_space<hbm>>) dst(%arg8 : memref<16384xf32, #tpu.memory_space<vmem>>)
    %eq3A_1382 = arith.constant 14 : i32
    %eq3A_1383 = vector.broadcast %eq3A_1382 : i32 to vector<16xi32>
    %eq3A_1384 = arith.cmpi eq, %iota3A, %eq3A_1383 : vector<16xi32>
    %ge3A_1385 = arith.constant 0 : i32
    %ge3A_1386 = vector.broadcast %ge3A_1385 : i32 to vector<16xi32>
    %ge3A_1387 = arith.cmpi sge, %get3A_3, %ge3A_1386 : vector<16xi32>
    %and3A_1388 = arith.andi %eq3A_1384, %ge3A_1387 : vector<16xi1>
    %lt3A_1389 = arith.constant 16384 : i32
    %lt3A_1390 = vector.broadcast %lt3A_1389 : i32 to vector<16xi32>
    %lt3A_1391 = arith.cmpi slt, %get3A_3, %lt3A_1390 : vector<16xi32>
    %and3A_1392 = arith.andi %and3A_1388, %lt3A_1391 : vector<16xi1>
    %sub3A_1393 = arith.constant 0 : i32
    %sub3A_1394 = vector.broadcast %sub3A_1393 : i32 to vector<16xi32>
    %sub3A_1395 = arith.subi %get3A_3, %sub3A_1394 : vector<16xi32>
    %jit3A_1396 = arith.constant 0 : i32
    %jit3A_1397 = arith.constant 16383 : i32
    %max3A_1398 = vector.broadcast %jit3A_1396 : i32 to vector<16xi32>
    %max3A_1399 = arith.maxsi %max3A_1398, %sub3A_1395 : vector<16xi32>
    %min3A_1400 = vector.broadcast %jit3A_1397 : i32 to vector<16xi32>
    %min3A_1401 = arith.minsi %min3A_1400, %max3A_1399 : vector<16xi32>
    tpu.vector_store_idx %arg8[%min3A_1401], %get3A_7 masked %and3A_1392 {add = true} : memref<16384xf32, #tpu.memory_space<vmem>>[vector<16xi32>], vector<16xf32>, vector<16xi1>
    %add3A_1402 = arith.constant 14 : i32
    %add3A_1403 = arith.addi %mul3A_2, %add3A_1402 : i32
    %dma_start3A_1404 = arith.constant 0 : i32
    %dma_start3A_1405 = tpu.memref_slice %arg5[%add3A_1403, %dma_start3A_1404] : memref<1024x32768xf32, #tpu.memory_space<hbm>> -> memref<1x16384xf32, #tpu.memory_space<hbm>>
    %dma_start3A_1406 = tpu.memref_squeeze %dma_start3A_1405 : memref<1x16384xf32, #tpu.memory_space<hbm>> -> memref<16384xf32, #tpu.memory_space<hbm>>
    %dma_start3A_1407 = arith.constant 0 : i32
    %dma_start3A_1408 = tpu.memref_slice %arg5[%add3A_1403, %dma_start3A_1407] : memref<1024x32768xf32, #tpu.memory_space<hbm>> -> memref<1x16384xf32, #tpu.memory_space<hbm>>
    %dma_start3A_1409 = tpu.memref_squeeze %dma_start3A_1408 : memref<1x16384xf32, #tpu.memory_space<hbm>> -> memref<16384xf32, #tpu.memory_space<hbm>>
    tpu.enqueue_dma source(%arg8 : memref<16384xf32, #tpu.memory_space<vmem>>) target(%dma_start3A_1409 : memref<16384xf32, #tpu.memory_space<hbm>>) target_semaphore(%arg13 : memref<!tpu.dma_semaphore, #tpu.memory_space<semaphore_mem>>)
    %dma_wait3A_1410 = arith.constant 0 : i32
    %dma_wait3A_1411 = tpu.memref_slice %arg5[%add3A_1403, %dma_wait3A_1410] : memref<1024x32768xf32, #tpu.memory_space<hbm>> -> memref<1x16384xf32, #tpu.memory_space<hbm>>
    %dma_wait3A_1412 = tpu.memref_squeeze %dma_wait3A_1411 : memref<1x16384xf32, #tpu.memory_space<hbm>> -> memref<16384xf32, #tpu.memory_space<hbm>>
    %dma_wait3A_1413 = arith.constant 0 : i32
    %dma_wait3A_1414 = tpu.memref_slice %arg5[%add3A_1403, %dma_wait3A_1413] : memref<1024x32768xf32, #tpu.memory_space<hbm>> -> memref<1x16384xf32, #tpu.memory_space<hbm>>
    %dma_wait3A_1415 = tpu.memref_squeeze %dma_wait3A_1414 : memref<1x16384xf32, #tpu.memory_space<hbm>> -> memref<16384xf32, #tpu.memory_space<hbm>>
    tpu.wait_dma2 semaphore(%arg13 : memref<!tpu.dma_semaphore, #tpu.memory_space<semaphore_mem>>) src(%arg8 : memref<16384xf32, #tpu.memory_space<vmem>>) dst(%dma_wait3A_1415 : memref<16384xf32, #tpu.memory_space<hbm>>)
    %add3A_1416 = arith.constant 16 : i32
    %add3A_1417 = arith.addi %mul3A_2, %add3A_1416 : i32
    %dma_start3A_1418 = arith.constant 0 : i32
    %dma_start3A_1419 = tpu.memref_slice %arg2[%add3A_1417, %dma_start3A_1418] : memref<1024x32768xf32, #tpu.memory_space<hbm>> -> memref<1x16384xf32, #tpu.memory_space<hbm>>
    %dma_start3A_1420 = tpu.memref_squeeze %dma_start3A_1419 : memref<1x16384xf32, #tpu.memory_space<hbm>> -> memref<16384xf32, #tpu.memory_space<hbm>>
    %dma_start3A_1421 = arith.constant 0 : i32
    %dma_start3A_1422 = tpu.memref_slice %arg2[%add3A_1417, %dma_start3A_1421] : memref<1024x32768xf32, #tpu.memory_space<hbm>> -> memref<1x16384xf32, #tpu.memory_space<hbm>>
    %dma_start3A_1423 = tpu.memref_squeeze %dma_start3A_1422 : memref<1x16384xf32, #tpu.memory_space<hbm>> -> memref<16384xf32, #tpu.memory_space<hbm>>
    tpu.enqueue_dma source(%dma_start3A_1423 : memref<16384xf32, #tpu.memory_space<hbm>>) target(%arg8 : memref<16384xf32, #tpu.memory_space<vmem>>) target_semaphore(%arg12 : memref<!tpu.dma_semaphore, #tpu.memory_space<semaphore_mem>>)
    %dma_wait3A_1424 = arith.constant 16384 : i32
    %dma_wait3A_1425 = tpu.memref_slice %arg2[%add3A_1273, %dma_wait3A_1424] : memref<1024x32768xf32, #tpu.memory_space<hbm>> -> memref<1x16384xf32, #tpu.memory_space<hbm>>
    %dma_wait3A_1426 = tpu.memref_squeeze %dma_wait3A_1425 : memref<1x16384xf32, #tpu.memory_space<hbm>> -> memref<16384xf32, #tpu.memory_space<hbm>>
    %dma_wait3A_1427 = arith.constant 16384 : i32
    %dma_wait3A_1428 = tpu.memref_slice %arg2[%add3A_1273, %dma_wait3A_1427] : memref<1024x32768xf32, #tpu.memory_space<hbm>> -> memref<1x16384xf32, #tpu.memory_space<hbm>>
    %dma_wait3A_1429 = tpu.memref_squeeze %dma_wait3A_1428 : memref<1x16384xf32, #tpu.memory_space<hbm>> -> memref<16384xf32, #tpu.memory_space<hbm>>
    tpu.wait_dma2 semaphore(%arg12 : memref<!tpu.dma_semaphore, #tpu.memory_space<semaphore_mem>>) src(%dma_wait3A_1429 : memref<16384xf32, #tpu.memory_space<hbm>>) dst(%arg9 : memref<16384xf32, #tpu.memory_space<vmem>>)
    %eq3A_1430 = arith.constant 14 : i32
    %eq3A_1431 = vector.broadcast %eq3A_1430 : i32 to vector<16xi32>
    %eq3A_1432 = arith.cmpi eq, %iota3A, %eq3A_1431 : vector<16xi32>
    %ge3A_1433 = arith.constant 16384 : i32
    %ge3A_1434 = vector.broadcast %ge3A_1433 : i32 to vector<16xi32>
    %ge3A_1435 = arith.cmpi sge, %get3A_3, %ge3A_1434 : vector<16xi32>
    %and3A_1436 = arith.andi %eq3A_1432, %ge3A_1435 : vector<16xi1>
    %lt3A_1437 = arith.constant 32768 : i32
    %lt3A_1438 = vector.broadcast %lt3A_1437 : i32 to vector<16xi32>
    %lt3A_1439 = arith.cmpi slt, %get3A_3, %lt3A_1438 : vector<16xi32>
    %and3A_1440 = arith.andi %and3A_1436, %lt3A_1439 : vector<16xi1>
    %sub3A_1441 = arith.constant 16384 : i32
    %sub3A_1442 = vector.broadcast %sub3A_1441 : i32 to vector<16xi32>
    %sub3A_1443 = arith.subi %get3A_3, %sub3A_1442 : vector<16xi32>
    %jit3A_1444 = arith.constant 0 : i32
    %jit3A_1445 = arith.constant 16383 : i32
    %max3A_1446 = vector.broadcast %jit3A_1444 : i32 to vector<16xi32>
    %max3A_1447 = arith.maxsi %max3A_1446, %sub3A_1443 : vector<16xi32>
    %min3A_1448 = vector.broadcast %jit3A_1445 : i32 to vector<16xi32>
    %min3A_1449 = arith.minsi %min3A_1448, %max3A_1447 : vector<16xi32>
    tpu.vector_store_idx %arg9[%min3A_1449], %get3A_7 masked %and3A_1440 {add = true} : memref<16384xf32, #tpu.memory_space<vmem>>[vector<16xi32>], vector<16xf32>, vector<16xi1>
    %add3A_1450 = arith.constant 14 : i32
    %add3A_1451 = arith.addi %mul3A_2, %add3A_1450 : i32
    %dma_start3A_1452 = arith.constant 16384 : i32
    %dma_start3A_1453 = tpu.memref_slice %arg5[%add3A_1451, %dma_start3A_1452] : memref<1024x32768xf32, #tpu.memory_space<hbm>> -> memref<1x16384xf32, #tpu.memory_space<hbm>>
    %dma_start3A_1454 = tpu.memref_squeeze %dma_start3A_1453 : memref<1x16384xf32, #tpu.memory_space<hbm>> -> memref<16384xf32, #tpu.memory_space<hbm>>
    %dma_start3A_1455 = arith.constant 16384 : i32
    %dma_start3A_1456 = tpu.memref_slice %arg5[%add3A_1451, %dma_start3A_1455] : memref<1024x32768xf32, #tpu.memory_space<hbm>> -> memref<1x16384xf32, #tpu.memory_space<hbm>>
    %dma_start3A_1457 = tpu.memref_squeeze %dma_start3A_1456 : memref<1x16384xf32, #tpu.memory_space<hbm>> -> memref<16384xf32, #tpu.memory_space<hbm>>
    tpu.enqueue_dma source(%arg9 : memref<16384xf32, #tpu.memory_space<vmem>>) target(%dma_start3A_1457 : memref<16384xf32, #tpu.memory_space<hbm>>) target_semaphore(%arg13 : memref<!tpu.dma_semaphore, #tpu.memory_space<semaphore_mem>>)
    %dma_wait3A_1458 = arith.constant 16384 : i32
    %dma_wait3A_1459 = tpu.memref_slice %arg5[%add3A_1451, %dma_wait3A_1458] : memref<1024x32768xf32, #tpu.memory_space<hbm>> -> memref<1x16384xf32, #tpu.memory_space<hbm>>
    %dma_wait3A_1460 = tpu.memref_squeeze %dma_wait3A_1459 : memref<1x16384xf32, #tpu.memory_space<hbm>> -> memref<16384xf32, #tpu.memory_space<hbm>>
    %dma_wait3A_1461 = arith.constant 16384 : i32
    %dma_wait3A_1462 = tpu.memref_slice %arg5[%add3A_1451, %dma_wait3A_1461] : memref<1024x32768xf32, #tpu.memory_space<hbm>> -> memref<1x16384xf32, #tpu.memory_space<hbm>>
    %dma_wait3A_1463 = tpu.memref_squeeze %dma_wait3A_1462 : memref<1x16384xf32, #tpu.memory_space<hbm>> -> memref<16384xf32, #tpu.memory_space<hbm>>
    tpu.wait_dma2 semaphore(%arg13 : memref<!tpu.dma_semaphore, #tpu.memory_space<semaphore_mem>>) src(%arg9 : memref<16384xf32, #tpu.memory_space<vmem>>) dst(%dma_wait3A_1463 : memref<16384xf32, #tpu.memory_space<hbm>>)
    %add3A_1464 = arith.constant 16 : i32
    %add3A_1465 = arith.addi %mul3A_2, %add3A_1464 : i32
    %dma_start3A_1466 = arith.constant 16384 : i32
    %dma_start3A_1467 = tpu.memref_slice %arg2[%add3A_1465, %dma_start3A_1466] : memref<1024x32768xf32, #tpu.memory_space<hbm>> -> memref<1x16384xf32, #tpu.memory_space<hbm>>
    %dma_start3A_1468 = tpu.memref_squeeze %dma_start3A_1467 : memref<1x16384xf32, #tpu.memory_space<hbm>> -> memref<16384xf32, #tpu.memory_space<hbm>>
    %dma_start3A_1469 = arith.constant 16384 : i32
    %dma_start3A_1470 = tpu.memref_slice %arg2[%add3A_1465, %dma_start3A_1469] : memref<1024x32768xf32, #tpu.memory_space<hbm>> -> memref<1x16384xf32, #tpu.memory_space<hbm>>
    %dma_start3A_1471 = tpu.memref_squeeze %dma_start3A_1470 : memref<1x16384xf32, #tpu.memory_space<hbm>> -> memref<16384xf32, #tpu.memory_space<hbm>>
    tpu.enqueue_dma source(%dma_start3A_1471 : memref<16384xf32, #tpu.memory_space<hbm>>) target(%arg9 : memref<16384xf32, #tpu.memory_space<vmem>>) target_semaphore(%arg12 : memref<!tpu.dma_semaphore, #tpu.memory_space<semaphore_mem>>)
    %dma_wait3A_1472 = arith.constant 0 : i32
    %dma_wait3A_1473 = tpu.memref_slice %arg2[%add3A_1321, %dma_wait3A_1472] : memref<1024x32768xf32, #tpu.memory_space<hbm>> -> memref<1x16384xf32, #tpu.memory_space<hbm>>
    %dma_wait3A_1474 = tpu.memref_squeeze %dma_wait3A_1473 : memref<1x16384xf32, #tpu.memory_space<hbm>> -> memref<16384xf32, #tpu.memory_space<hbm>>
    %dma_wait3A_1475 = arith.constant 0 : i32
    %dma_wait3A_1476 = tpu.memref_slice %arg2[%add3A_1321, %dma_wait3A_1475] : memref<1024x32768xf32, #tpu.memory_space<hbm>> -> memref<1x16384xf32, #tpu.memory_space<hbm>>
    %dma_wait3A_1477 = tpu.memref_squeeze %dma_wait3A_1476 : memref<1x16384xf32, #tpu.memory_space<hbm>> -> memref<16384xf32, #tpu.memory_space<hbm>>
    tpu.wait_dma2 semaphore(%arg12 : memref<!tpu.dma_semaphore, #tpu.memory_space<semaphore_mem>>) src(%dma_wait3A_1477 : memref<16384xf32, #tpu.memory_space<hbm>>) dst(%arg10 : memref<16384xf32, #tpu.memory_space<vmem>>)
    %eq3A_1478 = arith.constant 15 : i32
    %eq3A_1479 = vector.broadcast %eq3A_1478 : i32 to vector<16xi32>
    %eq3A_1480 = arith.cmpi eq, %iota3A, %eq3A_1479 : vector<16xi32>
    %ge3A_1481 = arith.constant 0 : i32
    %ge3A_1482 = vector.broadcast %ge3A_1481 : i32 to vector<16xi32>
    %ge3A_1483 = arith.cmpi sge, %get3A_3, %ge3A_1482 : vector<16xi32>
    %and3A_1484 = arith.andi %eq3A_1480, %ge3A_1483 : vector<16xi1>
    %lt3A_1485 = arith.constant 16384 : i32
    %lt3A_1486 = vector.broadcast %lt3A_1485 : i32 to vector<16xi32>
    %lt3A_1487 = arith.cmpi slt, %get3A_3, %lt3A_1486 : vector<16xi32>
    %and3A_1488 = arith.andi %and3A_1484, %lt3A_1487 : vector<16xi1>
    %sub3A_1489 = arith.constant 0 : i32
    %sub3A_1490 = vector.broadcast %sub3A_1489 : i32 to vector<16xi32>
    %sub3A_1491 = arith.subi %get3A_3, %sub3A_1490 : vector<16xi32>
    %jit3A_1492 = arith.constant 0 : i32
    %jit3A_1493 = arith.constant 16383 : i32
    %max3A_1494 = vector.broadcast %jit3A_1492 : i32 to vector<16xi32>
    %max3A_1495 = arith.maxsi %max3A_1494, %sub3A_1491 : vector<16xi32>
    %min3A_1496 = vector.broadcast %jit3A_1493 : i32 to vector<16xi32>
    %min3A_1497 = arith.minsi %min3A_1496, %max3A_1495 : vector<16xi32>
    tpu.vector_store_idx %arg10[%min3A_1497], %get3A_7 masked %and3A_1488 {add = true} : memref<16384xf32, #tpu.memory_space<vmem>>[vector<16xi32>], vector<16xf32>, vector<16xi1>
    %add3A_1498 = arith.constant 15 : i32
    %add3A_1499 = arith.addi %mul3A_2, %add3A_1498 : i32
    %dma_start3A_1500 = arith.constant 0 : i32
    %dma_start3A_1501 = tpu.memref_slice %arg5[%add3A_1499, %dma_start3A_1500] : memref<1024x32768xf32, #tpu.memory_space<hbm>> -> memref<1x16384xf32, #tpu.memory_space<hbm>>
    %dma_start3A_1502 = tpu.memref_squeeze %dma_start3A_1501 : memref<1x16384xf32, #tpu.memory_space<hbm>> -> memref<16384xf32, #tpu.memory_space<hbm>>
    %dma_start3A_1503 = arith.constant 0 : i32
    %dma_start3A_1504 = tpu.memref_slice %arg5[%add3A_1499, %dma_start3A_1503] : memref<1024x32768xf32, #tpu.memory_space<hbm>> -> memref<1x16384xf32, #tpu.memory_space<hbm>>
    %dma_start3A_1505 = tpu.memref_squeeze %dma_start3A_1504 : memref<1x16384xf32, #tpu.memory_space<hbm>> -> memref<16384xf32, #tpu.memory_space<hbm>>
    tpu.enqueue_dma source(%arg10 : memref<16384xf32, #tpu.memory_space<vmem>>) target(%dma_start3A_1505 : memref<16384xf32, #tpu.memory_space<hbm>>) target_semaphore(%arg13 : memref<!tpu.dma_semaphore, #tpu.memory_space<semaphore_mem>>)
    %dma_wait3A_1506 = arith.constant 0 : i32
    %dma_wait3A_1507 = tpu.memref_slice %arg5[%add3A_1499, %dma_wait3A_1506] : memref<1024x32768xf32, #tpu.memory_space<hbm>> -> memref<1x16384xf32, #tpu.memory_space<hbm>>
    %dma_wait3A_1508 = tpu.memref_squeeze %dma_wait3A_1507 : memref<1x16384xf32, #tpu.memory_space<hbm>> -> memref<16384xf32, #tpu.memory_space<hbm>>
    %dma_wait3A_1509 = arith.constant 0 : i32
    %dma_wait3A_1510 = tpu.memref_slice %arg5[%add3A_1499, %dma_wait3A_1509] : memref<1024x32768xf32, #tpu.memory_space<hbm>> -> memref<1x16384xf32, #tpu.memory_space<hbm>>
    %dma_wait3A_1511 = tpu.memref_squeeze %dma_wait3A_1510 : memref<1x16384xf32, #tpu.memory_space<hbm>> -> memref<16384xf32, #tpu.memory_space<hbm>>
    tpu.wait_dma2 semaphore(%arg13 : memref<!tpu.dma_semaphore, #tpu.memory_space<semaphore_mem>>) src(%arg10 : memref<16384xf32, #tpu.memory_space<vmem>>) dst(%dma_wait3A_1511 : memref<16384xf32, #tpu.memory_space<hbm>>)
    %add3A_1512 = arith.constant 17 : i32
    %add3A_1513 = arith.addi %mul3A_2, %add3A_1512 : i32
    %dma_start3A_1514 = arith.constant 0 : i32
    %dma_start3A_1515 = tpu.memref_slice %arg2[%add3A_1513, %dma_start3A_1514] : memref<1024x32768xf32, #tpu.memory_space<hbm>> -> memref<1x16384xf32, #tpu.memory_space<hbm>>
    %dma_start3A_1516 = tpu.memref_squeeze %dma_start3A_1515 : memref<1x16384xf32, #tpu.memory_space<hbm>> -> memref<16384xf32, #tpu.memory_space<hbm>>
    %dma_start3A_1517 = arith.constant 0 : i32
    %dma_start3A_1518 = tpu.memref_slice %arg2[%add3A_1513, %dma_start3A_1517] : memref<1024x32768xf32, #tpu.memory_space<hbm>> -> memref<1x16384xf32, #tpu.memory_space<hbm>>
    %dma_start3A_1519 = tpu.memref_squeeze %dma_start3A_1518 : memref<1x16384xf32, #tpu.memory_space<hbm>> -> memref<16384xf32, #tpu.memory_space<hbm>>
    tpu.enqueue_dma source(%dma_start3A_1519 : memref<16384xf32, #tpu.memory_space<hbm>>) target(%arg10 : memref<16384xf32, #tpu.memory_space<vmem>>) target_semaphore(%arg12 : memref<!tpu.dma_semaphore, #tpu.memory_space<semaphore_mem>>)
    %dma_wait3A_1520 = arith.constant 16384 : i32
    %dma_wait3A_1521 = tpu.memref_slice %arg2[%add3A_1369, %dma_wait3A_1520] : memref<1024x32768xf32, #tpu.memory_space<hbm>> -> memref<1x16384xf32, #tpu.memory_space<hbm>>
    %dma_wait3A_1522 = tpu.memref_squeeze %dma_wait3A_1521 : memref<1x16384xf32, #tpu.memory_space<hbm>> -> memref<16384xf32, #tpu.memory_space<hbm>>
    %dma_wait3A_1523 = arith.constant 16384 : i32
    %dma_wait3A_1524 = tpu.memref_slice %arg2[%add3A_1369, %dma_wait3A_1523] : memref<1024x32768xf32, #tpu.memory_space<hbm>> -> memref<1x16384xf32, #tpu.memory_space<hbm>>
    %dma_wait3A_1525 = tpu.memref_squeeze %dma_wait3A_1524 : memref<1x16384xf32, #tpu.memory_space<hbm>> -> memref<16384xf32, #tpu.memory_space<hbm>>
    tpu.wait_dma2 semaphore(%arg12 : memref<!tpu.dma_semaphore, #tpu.memory_space<semaphore_mem>>) src(%dma_wait3A_1525 : memref<16384xf32, #tpu.memory_space<hbm>>) dst(%arg11 : memref<16384xf32, #tpu.memory_space<vmem>>)
    %eq3A_1526 = arith.constant 15 : i32
    %eq3A_1527 = vector.broadcast %eq3A_1526 : i32 to vector<16xi32>
    %eq3A_1528 = arith.cmpi eq, %iota3A, %eq3A_1527 : vector<16xi32>
    %ge3A_1529 = arith.constant 16384 : i32
    %ge3A_1530 = vector.broadcast %ge3A_1529 : i32 to vector<16xi32>
    %ge3A_1531 = arith.cmpi sge, %get3A_3, %ge3A_1530 : vector<16xi32>
    %and3A_1532 = arith.andi %eq3A_1528, %ge3A_1531 : vector<16xi1>
    %lt3A_1533 = arith.constant 32768 : i32
    %lt3A_1534 = vector.broadcast %lt3A_1533 : i32 to vector<16xi32>
    %lt3A_1535 = arith.cmpi slt, %get3A_3, %lt3A_1534 : vector<16xi32>
    %and3A_1536 = arith.andi %and3A_1532, %lt3A_1535 : vector<16xi1>
    %sub3A_1537 = arith.constant 16384 : i32
    %sub3A_1538 = vector.broadcast %sub3A_1537 : i32 to vector<16xi32>
    %sub3A_1539 = arith.subi %get3A_3, %sub3A_1538 : vector<16xi32>
    %jit3A_1540 = arith.constant 0 : i32
    %jit3A_1541 = arith.constant 16383 : i32
    %max3A_1542 = vector.broadcast %jit3A_1540 : i32 to vector<16xi32>
    %max3A_1543 = arith.maxsi %max3A_1542, %sub3A_1539 : vector<16xi32>
    %min3A_1544 = vector.broadcast %jit3A_1541 : i32 to vector<16xi32>
    %min3A_1545 = arith.minsi %min3A_1544, %max3A_1543 : vector<16xi32>
    tpu.vector_store_idx %arg11[%min3A_1545], %get3A_7 masked %and3A_1536 {add = true} : memref<16384xf32, #tpu.memory_space<vmem>>[vector<16xi32>], vector<16xf32>, vector<16xi1>
    %add3A_1546 = arith.constant 15 : i32
    %add3A_1547 = arith.addi %mul3A_2, %add3A_1546 : i32
    %dma_start3A_1548 = arith.constant 16384 : i32
    %dma_start3A_1549 = tpu.memref_slice %arg5[%add3A_1547, %dma_start3A_1548] : memref<1024x32768xf32, #tpu.memory_space<hbm>> -> memref<1x16384xf32, #tpu.memory_space<hbm>>
    %dma_start3A_1550 = tpu.memref_squeeze %dma_start3A_1549 : memref<1x16384xf32, #tpu.memory_space<hbm>> -> memref<16384xf32, #tpu.memory_space<hbm>>
    %dma_start3A_1551 = arith.constant 16384 : i32
    %dma_start3A_1552 = tpu.memref_slice %arg5[%add3A_1547, %dma_start3A_1551] : memref<1024x32768xf32, #tpu.memory_space<hbm>> -> memref<1x16384xf32, #tpu.memory_space<hbm>>
    %dma_start3A_1553 = tpu.memref_squeeze %dma_start3A_1552 : memref<1x16384xf32, #tpu.memory_space<hbm>> -> memref<16384xf32, #tpu.memory_space<hbm>>
    tpu.enqueue_dma source(%arg11 : memref<16384xf32, #tpu.memory_space<vmem>>) target(%dma_start3A_1553 : memref<16384xf32, #tpu.memory_space<hbm>>) target_semaphore(%arg13 : memref<!tpu.dma_semaphore, #tpu.memory_space<semaphore_mem>>)
    %dma_wait3A_1554 = arith.constant 16384 : i32
    %dma_wait3A_1555 = tpu.memref_slice %arg5[%add3A_1547, %dma_wait3A_1554] : memref<1024x32768xf32, #tpu.memory_space<hbm>> -> memref<1x16384xf32, #tpu.memory_space<hbm>>
    %dma_wait3A_1556 = tpu.memref_squeeze %dma_wait3A_1555 : memref<1x16384xf32, #tpu.memory_space<hbm>> -> memref<16384xf32, #tpu.memory_space<hbm>>
    %dma_wait3A_1557 = arith.constant 16384 : i32
    %dma_wait3A_1558 = tpu.memref_slice %arg5[%add3A_1547, %dma_wait3A_1557] : memref<1024x32768xf32, #tpu.memory_space<hbm>> -> memref<1x16384xf32, #tpu.memory_space<hbm>>
    %dma_wait3A_1559 = tpu.memref_squeeze %dma_wait3A_1558 : memref<1x16384xf32, #tpu.memory_space<hbm>> -> memref<16384xf32, #tpu.memory_space<hbm>>
    tpu.wait_dma2 semaphore(%arg13 : memref<!tpu.dma_semaphore, #tpu.memory_space<semaphore_mem>>) src(%arg11 : memref<16384xf32, #tpu.memory_space<vmem>>) dst(%dma_wait3A_1559 : memref<16384xf32, #tpu.memory_space<hbm>>)
    %add3A_1560 = arith.constant 17 : i32
    %add3A_1561 = arith.addi %mul3A_2, %add3A_1560 : i32
    %dma_start3A_1562 = arith.constant 16384 : i32
    %dma_start3A_1563 = tpu.memref_slice %arg2[%add3A_1561, %dma_start3A_1562] : memref<1024x32768xf32, #tpu.memory_space<hbm>> -> memref<1x16384xf32, #tpu.memory_space<hbm>>
    %dma_start3A_1564 = tpu.memref_squeeze %dma_start3A_1563 : memref<1x16384xf32, #tpu.memory_space<hbm>> -> memref<16384xf32, #tpu.memory_space<hbm>>
    %dma_start3A_1565 = arith.constant 16384 : i32
    %dma_start3A_1566 = tpu.memref_slice %arg2[%add3A_1561, %dma_start3A_1565] : memref<1024x32768xf32, #tpu.memory_space<hbm>> -> memref<1x16384xf32, #tpu.memory_space<hbm>>
    %dma_start3A_1567 = tpu.memref_squeeze %dma_start3A_1566 : memref<1x16384xf32, #tpu.memory_space<hbm>> -> memref<16384xf32, #tpu.memory_space<hbm>>
    tpu.enqueue_dma source(%dma_start3A_1567 : memref<16384xf32, #tpu.memory_space<hbm>>) target(%arg11 : memref<16384xf32, #tpu.memory_space<vmem>>) target_semaphore(%arg12 : memref<!tpu.dma_semaphore, #tpu.memory_space<semaphore_mem>>)
    %dma_wait3A_1568 = arith.constant 0 : i32
    %dma_wait3A_1569 = tpu.memref_slice %arg2[%add3A_1417, %dma_wait3A_1568] : memref<1024x32768xf32, #tpu.memory_space<hbm>> -> memref<1x16384xf32, #tpu.memory_space<hbm>>
    %dma_wait3A_1570 = tpu.memref_squeeze %dma_wait3A_1569 : memref<1x16384xf32, #tpu.memory_space<hbm>> -> memref<16384xf32, #tpu.memory_space<hbm>>
    %dma_wait3A_1571 = arith.constant 0 : i32
    %dma_wait3A_1572 = tpu.memref_slice %arg2[%add3A_1417, %dma_wait3A_1571] : memref<1024x32768xf32, #tpu.memory_space<hbm>> -> memref<1x16384xf32, #tpu.memory_space<hbm>>
    %dma_wait3A_1573 = tpu.memref_squeeze %dma_wait3A_1572 : memref<1x16384xf32, #tpu.memory_space<hbm>> -> memref<16384xf32, #tpu.memory_space<hbm>>
    tpu.wait_dma2 semaphore(%arg12 : memref<!tpu.dma_semaphore, #tpu.memory_space<semaphore_mem>>) src(%dma_wait3A_1573 : memref<16384xf32, #tpu.memory_space<hbm>>) dst(%arg8 : memref<16384xf32, #tpu.memory_space<vmem>>)
    %eq3A_1574 = arith.constant 0 : i32
    %eq3A_1575 = vector.broadcast %eq3A_1574 : i32 to vector<16xi32>
    %eq3A_1576 = arith.cmpi eq, %iota3A, %eq3A_1575 : vector<16xi32>
    %ge3A_1577 = arith.constant 0 : i32
    %ge3A_1578 = vector.broadcast %ge3A_1577 : i32 to vector<16xi32>
    %ge3A_1579 = arith.cmpi sge, %get3A_5, %ge3A_1578 : vector<16xi32>
    %and3A_1580 = arith.andi %eq3A_1576, %ge3A_1579 : vector<16xi1>
    %lt3A_1581 = arith.constant 16384 : i32
    %lt3A_1582 = vector.broadcast %lt3A_1581 : i32 to vector<16xi32>
    %lt3A_1583 = arith.cmpi slt, %get3A_5, %lt3A_1582 : vector<16xi32>
    %and3A_1584 = arith.andi %and3A_1580, %lt3A_1583 : vector<16xi1>
    %sub3A_1585 = arith.constant 0 : i32
    %sub3A_1586 = vector.broadcast %sub3A_1585 : i32 to vector<16xi32>
    %sub3A_1587 = arith.subi %get3A_5, %sub3A_1586 : vector<16xi32>
    %jit3A_1588 = arith.constant 0 : i32
    %jit3A_1589 = arith.constant 16383 : i32
    %max3A_1590 = vector.broadcast %jit3A_1588 : i32 to vector<16xi32>
    %max3A_1591 = arith.maxsi %max3A_1590, %sub3A_1587 : vector<16xi32>
    %min3A_1592 = vector.broadcast %jit3A_1589 : i32 to vector<16xi32>
    %min3A_1593 = arith.minsi %min3A_1592, %max3A_1591 : vector<16xi32>
    tpu.vector_store_idx %arg8[%min3A_1593], %get3A_9 masked %and3A_1584 {add = true} : memref<16384xf32, #tpu.memory_space<vmem>>[vector<16xi32>], vector<16xf32>, vector<16xi1>
    %add3A_1594 = arith.constant 16 : i32
    %add3A_1595 = arith.addi %mul3A_2, %add3A_1594 : i32
    %dma_start3A_1596 = arith.constant 0 : i32
    %dma_start3A_1597 = tpu.memref_slice %arg5[%add3A_1595, %dma_start3A_1596] : memref<1024x32768xf32, #tpu.memory_space<hbm>> -> memref<1x16384xf32, #tpu.memory_space<hbm>>
    %dma_start3A_1598 = tpu.memref_squeeze %dma_start3A_1597 : memref<1x16384xf32, #tpu.memory_space<hbm>> -> memref<16384xf32, #tpu.memory_space<hbm>>
    %dma_start3A_1599 = arith.constant 0 : i32
    %dma_start3A_1600 = tpu.memref_slice %arg5[%add3A_1595, %dma_start3A_1599] : memref<1024x32768xf32, #tpu.memory_space<hbm>> -> memref<1x16384xf32, #tpu.memory_space<hbm>>
    %dma_start3A_1601 = tpu.memref_squeeze %dma_start3A_1600 : memref<1x16384xf32, #tpu.memory_space<hbm>> -> memref<16384xf32, #tpu.memory_space<hbm>>
    tpu.enqueue_dma source(%arg8 : memref<16384xf32, #tpu.memory_space<vmem>>) target(%dma_start3A_1601 : memref<16384xf32, #tpu.memory_space<hbm>>) target_semaphore(%arg13 : memref<!tpu.dma_semaphore, #tpu.memory_space<semaphore_mem>>)
    %dma_wait3A_1602 = arith.constant 0 : i32
    %dma_wait3A_1603 = tpu.memref_slice %arg5[%add3A_1595, %dma_wait3A_1602] : memref<1024x32768xf32, #tpu.memory_space<hbm>> -> memref<1x16384xf32, #tpu.memory_space<hbm>>
    %dma_wait3A_1604 = tpu.memref_squeeze %dma_wait3A_1603 : memref<1x16384xf32, #tpu.memory_space<hbm>> -> memref<16384xf32, #tpu.memory_space<hbm>>
    %dma_wait3A_1605 = arith.constant 0 : i32
    %dma_wait3A_1606 = tpu.memref_slice %arg5[%add3A_1595, %dma_wait3A_1605] : memref<1024x32768xf32, #tpu.memory_space<hbm>> -> memref<1x16384xf32, #tpu.memory_space<hbm>>
    %dma_wait3A_1607 = tpu.memref_squeeze %dma_wait3A_1606 : memref<1x16384xf32, #tpu.memory_space<hbm>> -> memref<16384xf32, #tpu.memory_space<hbm>>
    tpu.wait_dma2 semaphore(%arg13 : memref<!tpu.dma_semaphore, #tpu.memory_space<semaphore_mem>>) src(%arg8 : memref<16384xf32, #tpu.memory_space<vmem>>) dst(%dma_wait3A_1607 : memref<16384xf32, #tpu.memory_space<hbm>>)
    %add3A_1608 = arith.constant 18 : i32
    %add3A_1609 = arith.addi %mul3A_2, %add3A_1608 : i32
    %dma_start3A_1610 = arith.constant 0 : i32
    %dma_start3A_1611 = tpu.memref_slice %arg2[%add3A_1609, %dma_start3A_1610] : memref<1024x32768xf32, #tpu.memory_space<hbm>> -> memref<1x16384xf32, #tpu.memory_space<hbm>>
    %dma_start3A_1612 = tpu.memref_squeeze %dma_start3A_1611 : memref<1x16384xf32, #tpu.memory_space<hbm>> -> memref<16384xf32, #tpu.memory_space<hbm>>
    %dma_start3A_1613 = arith.constant 0 : i32
    %dma_start3A_1614 = tpu.memref_slice %arg2[%add3A_1609, %dma_start3A_1613] : memref<1024x32768xf32, #tpu.memory_space<hbm>> -> memref<1x16384xf32, #tpu.memory_space<hbm>>
    %dma_start3A_1615 = tpu.memref_squeeze %dma_start3A_1614 : memref<1x16384xf32, #tpu.memory_space<hbm>> -> memref<16384xf32, #tpu.memory_space<hbm>>
    tpu.enqueue_dma source(%dma_start3A_1615 : memref<16384xf32, #tpu.memory_space<hbm>>) target(%arg8 : memref<16384xf32, #tpu.memory_space<vmem>>) target_semaphore(%arg12 : memref<!tpu.dma_semaphore, #tpu.memory_space<semaphore_mem>>)
    %dma_wait3A_1616 = arith.constant 16384 : i32
    %dma_wait3A_1617 = tpu.memref_slice %arg2[%add3A_1465, %dma_wait3A_1616] : memref<1024x32768xf32, #tpu.memory_space<hbm>> -> memref<1x16384xf32, #tpu.memory_space<hbm>>
    %dma_wait3A_1618 = tpu.memref_squeeze %dma_wait3A_1617 : memref<1x16384xf32, #tpu.memory_space<hbm>> -> memref<16384xf32, #tpu.memory_space<hbm>>
    %dma_wait3A_1619 = arith.constant 16384 : i32
    %dma_wait3A_1620 = tpu.memref_slice %arg2[%add3A_1465, %dma_wait3A_1619] : memref<1024x32768xf32, #tpu.memory_space<hbm>> -> memref<1x16384xf32, #tpu.memory_space<hbm>>
    %dma_wait3A_1621 = tpu.memref_squeeze %dma_wait3A_1620 : memref<1x16384xf32, #tpu.memory_space<hbm>> -> memref<16384xf32, #tpu.memory_space<hbm>>
    tpu.wait_dma2 semaphore(%arg12 : memref<!tpu.dma_semaphore, #tpu.memory_space<semaphore_mem>>) src(%dma_wait3A_1621 : memref<16384xf32, #tpu.memory_space<hbm>>) dst(%arg9 : memref<16384xf32, #tpu.memory_space<vmem>>)
    %eq3A_1622 = arith.constant 0 : i32
    %eq3A_1623 = vector.broadcast %eq3A_1622 : i32 to vector<16xi32>
    %eq3A_1624 = arith.cmpi eq, %iota3A, %eq3A_1623 : vector<16xi32>
    %ge3A_1625 = arith.constant 16384 : i32
    %ge3A_1626 = vector.broadcast %ge3A_1625 : i32 to vector<16xi32>
    %ge3A_1627 = arith.cmpi sge, %get3A_5, %ge3A_1626 : vector<16xi32>
    %and3A_1628 = arith.andi %eq3A_1624, %ge3A_1627 : vector<16xi1>
    %lt3A_1629 = arith.constant 32768 : i32
    %lt3A_1630 = vector.broadcast %lt3A_1629 : i32 to vector<16xi32>
    %lt3A_1631 = arith.cmpi slt, %get3A_5, %lt3A_1630 : vector<16xi32>
    %and3A_1632 = arith.andi %and3A_1628, %lt3A_1631 : vector<16xi1>
    %sub3A_1633 = arith.constant 16384 : i32
    %sub3A_1634 = vector.broadcast %sub3A_1633 : i32 to vector<16xi32>
    %sub3A_1635 = arith.subi %get3A_5, %sub3A_1634 : vector<16xi32>
    %jit3A_1636 = arith.constant 0 : i32
    %jit3A_1637 = arith.constant 16383 : i32
    %max3A_1638 = vector.broadcast %jit3A_1636 : i32 to vector<16xi32>
    %max3A_1639 = arith.maxsi %max3A_1638, %sub3A_1635 : vector<16xi32>
    %min3A_1640 = vector.broadcast %jit3A_1637 : i32 to vector<16xi32>
    %min3A_1641 = arith.minsi %min3A_1640, %max3A_1639 : vector<16xi32>
    tpu.vector_store_idx %arg9[%min3A_1641], %get3A_9 masked %and3A_1632 {add = true} : memref<16384xf32, #tpu.memory_space<vmem>>[vector<16xi32>], vector<16xf32>, vector<16xi1>
    %add3A_1642 = arith.constant 16 : i32
    %add3A_1643 = arith.addi %mul3A_2, %add3A_1642 : i32
    %dma_start3A_1644 = arith.constant 16384 : i32
    %dma_start3A_1645 = tpu.memref_slice %arg5[%add3A_1643, %dma_start3A_1644] : memref<1024x32768xf32, #tpu.memory_space<hbm>> -> memref<1x16384xf32, #tpu.memory_space<hbm>>
    %dma_start3A_1646 = tpu.memref_squeeze %dma_start3A_1645 : memref<1x16384xf32, #tpu.memory_space<hbm>> -> memref<16384xf32, #tpu.memory_space<hbm>>
    %dma_start3A_1647 = arith.constant 16384 : i32
    %dma_start3A_1648 = tpu.memref_slice %arg5[%add3A_1643, %dma_start3A_1647] : memref<1024x32768xf32, #tpu.memory_space<hbm>> -> memref<1x16384xf32, #tpu.memory_space<hbm>>
    %dma_start3A_1649 = tpu.memref_squeeze %dma_start3A_1648 : memref<1x16384xf32, #tpu.memory_space<hbm>> -> memref<16384xf32, #tpu.memory_space<hbm>>
    tpu.enqueue_dma source(%arg9 : memref<16384xf32, #tpu.memory_space<vmem>>) target(%dma_start3A_1649 : memref<16384xf32, #tpu.memory_space<hbm>>) target_semaphore(%arg13 : memref<!tpu.dma_semaphore, #tpu.memory_space<semaphore_mem>>)
    %dma_wait3A_1650 = arith.constant 16384 : i32
    %dma_wait3A_1651 = tpu.memref_slice %arg5[%add3A_1643, %dma_wait3A_1650] : memref<1024x32768xf32, #tpu.memory_space<hbm>> -> memref<1x16384xf32, #tpu.memory_space<hbm>>
    %dma_wait3A_1652 = tpu.memref_squeeze %dma_wait3A_1651 : memref<1x16384xf32, #tpu.memory_space<hbm>> -> memref<16384xf32, #tpu.memory_space<hbm>>
    %dma_wait3A_1653 = arith.constant 16384 : i32
    %dma_wait3A_1654 = tpu.memref_slice %arg5[%add3A_1643, %dma_wait3A_1653] : memref<1024x32768xf32, #tpu.memory_space<hbm>> -> memref<1x16384xf32, #tpu.memory_space<hbm>>
    %dma_wait3A_1655 = tpu.memref_squeeze %dma_wait3A_1654 : memref<1x16384xf32, #tpu.memory_space<hbm>> -> memref<16384xf32, #tpu.memory_space<hbm>>
    tpu.wait_dma2 semaphore(%arg13 : memref<!tpu.dma_semaphore, #tpu.memory_space<semaphore_mem>>) src(%arg9 : memref<16384xf32, #tpu.memory_space<vmem>>) dst(%dma_wait3A_1655 : memref<16384xf32, #tpu.memory_space<hbm>>)
    %add3A_1656 = arith.constant 18 : i32
    %add3A_1657 = arith.addi %mul3A_2, %add3A_1656 : i32
    %dma_start3A_1658 = arith.constant 16384 : i32
    %dma_start3A_1659 = tpu.memref_slice %arg2[%add3A_1657, %dma_start3A_1658] : memref<1024x32768xf32, #tpu.memory_space<hbm>> -> memref<1x16384xf32, #tpu.memory_space<hbm>>
    %dma_start3A_1660 = tpu.memref_squeeze %dma_start3A_1659 : memref<1x16384xf32, #tpu.memory_space<hbm>> -> memref<16384xf32, #tpu.memory_space<hbm>>
    %dma_start3A_1661 = arith.constant 16384 : i32
    %dma_start3A_1662 = tpu.memref_slice %arg2[%add3A_1657, %dma_start3A_1661] : memref<1024x32768xf32, #tpu.memory_space<hbm>> -> memref<1x16384xf32, #tpu.memory_space<hbm>>
    %dma_start3A_1663 = tpu.memref_squeeze %dma_start3A_1662 : memref<1x16384xf32, #tpu.memory_space<hbm>> -> memref<16384xf32, #tpu.memory_space<hbm>>
    tpu.enqueue_dma source(%dma_start3A_1663 : memref<16384xf32, #tpu.memory_space<hbm>>) target(%arg9 : memref<16384xf32, #tpu.memory_space<vmem>>) target_semaphore(%arg12 : memref<!tpu.dma_semaphore, #tpu.memory_space<semaphore_mem>>)
    %dma_wait3A_1664 = arith.constant 0 : i32
    %dma_wait3A_1665 = tpu.memref_slice %arg2[%add3A_1513, %dma_wait3A_1664] : memref<1024x32768xf32, #tpu.memory_space<hbm>> -> memref<1x16384xf32, #tpu.memory_space<hbm>>
    %dma_wait3A_1666 = tpu.memref_squeeze %dma_wait3A_1665 : memref<1x16384xf32, #tpu.memory_space<hbm>> -> memref<16384xf32, #tpu.memory_space<hbm>>
    %dma_wait3A_1667 = arith.constant 0 : i32
    %dma_wait3A_1668 = tpu.memref_slice %arg2[%add3A_1513, %dma_wait3A_1667] : memref<1024x32768xf32, #tpu.memory_space<hbm>> -> memref<1x16384xf32, #tpu.memory_space<hbm>>
    %dma_wait3A_1669 = tpu.memref_squeeze %dma_wait3A_1668 : memref<1x16384xf32, #tpu.memory_space<hbm>> -> memref<16384xf32, #tpu.memory_space<hbm>>
    tpu.wait_dma2 semaphore(%arg12 : memref<!tpu.dma_semaphore, #tpu.memory_space<semaphore_mem>>) src(%dma_wait3A_1669 : memref<16384xf32, #tpu.memory_space<hbm>>) dst(%arg10 : memref<16384xf32, #tpu.memory_space<vmem>>)
    %eq3A_1670 = arith.constant 1 : i32
    %eq3A_1671 = vector.broadcast %eq3A_1670 : i32 to vector<16xi32>
    %eq3A_1672 = arith.cmpi eq, %iota3A, %eq3A_1671 : vector<16xi32>
    %ge3A_1673 = arith.constant 0 : i32
    %ge3A_1674 = vector.broadcast %ge3A_1673 : i32 to vector<16xi32>
    %ge3A_1675 = arith.cmpi sge, %get3A_5, %ge3A_1674 : vector<16xi32>
    %and3A_1676 = arith.andi %eq3A_1672, %ge3A_1675 : vector<16xi1>
    %lt3A_1677 = arith.constant 16384 : i32
    %lt3A_1678 = vector.broadcast %lt3A_1677 : i32 to vector<16xi32>
    %lt3A_1679 = arith.cmpi slt, %get3A_5, %lt3A_1678 : vector<16xi32>
    %and3A_1680 = arith.andi %and3A_1676, %lt3A_1679 : vector<16xi1>
    %sub3A_1681 = arith.constant 0 : i32
    %sub3A_1682 = vector.broadcast %sub3A_1681 : i32 to vector<16xi32>
    %sub3A_1683 = arith.subi %get3A_5, %sub3A_1682 : vector<16xi32>
    %jit3A_1684 = arith.constant 0 : i32
    %jit3A_1685 = arith.constant 16383 : i32
    %max3A_1686 = vector.broadcast %jit3A_1684 : i32 to vector<16xi32>
    %max3A_1687 = arith.maxsi %max3A_1686, %sub3A_1683 : vector<16xi32>
    %min3A_1688 = vector.broadcast %jit3A_1685 : i32 to vector<16xi32>
    %min3A_1689 = arith.minsi %min3A_1688, %max3A_1687 : vector<16xi32>
    tpu.vector_store_idx %arg10[%min3A_1689], %get3A_9 masked %and3A_1680 {add = true} : memref<16384xf32, #tpu.memory_space<vmem>>[vector<16xi32>], vector<16xf32>, vector<16xi1>
    %add3A_1690 = arith.constant 17 : i32
    %add3A_1691 = arith.addi %mul3A_2, %add3A_1690 : i32
    %dma_start3A_1692 = arith.constant 0 : i32
    %dma_start3A_1693 = tpu.memref_slice %arg5[%add3A_1691, %dma_start3A_1692] : memref<1024x32768xf32, #tpu.memory_space<hbm>> -> memref<1x16384xf32, #tpu.memory_space<hbm>>
    %dma_start3A_1694 = tpu.memref_squeeze %dma_start3A_1693 : memref<1x16384xf32, #tpu.memory_space<hbm>> -> memref<16384xf32, #tpu.memory_space<hbm>>
    %dma_start3A_1695 = arith.constant 0 : i32
    %dma_start3A_1696 = tpu.memref_slice %arg5[%add3A_1691, %dma_start3A_1695] : memref<1024x32768xf32, #tpu.memory_space<hbm>> -> memref<1x16384xf32, #tpu.memory_space<hbm>>
    %dma_start3A_1697 = tpu.memref_squeeze %dma_start3A_1696 : memref<1x16384xf32, #tpu.memory_space<hbm>> -> memref<16384xf32, #tpu.memory_space<hbm>>
    tpu.enqueue_dma source(%arg10 : memref<16384xf32, #tpu.memory_space<vmem>>) target(%dma_start3A_1697 : memref<16384xf32, #tpu.memory_space<hbm>>) target_semaphore(%arg13 : memref<!tpu.dma_semaphore, #tpu.memory_space<semaphore_mem>>)
    %dma_wait3A_1698 = arith.constant 0 : i32
    %dma_wait3A_1699 = tpu.memref_slice %arg5[%add3A_1691, %dma_wait3A_1698] : memref<1024x32768xf32, #tpu.memory_space<hbm>> -> memref<1x16384xf32, #tpu.memory_space<hbm>>
    %dma_wait3A_1700 = tpu.memref_squeeze %dma_wait3A_1699 : memref<1x16384xf32, #tpu.memory_space<hbm>> -> memref<16384xf32, #tpu.memory_space<hbm>>
    %dma_wait3A_1701 = arith.constant 0 : i32
    %dma_wait3A_1702 = tpu.memref_slice %arg5[%add3A_1691, %dma_wait3A_1701] : memref<1024x32768xf32, #tpu.memory_space<hbm>> -> memref<1x16384xf32, #tpu.memory_space<hbm>>
    %dma_wait3A_1703 = tpu.memref_squeeze %dma_wait3A_1702 : memref<1x16384xf32, #tpu.memory_space<hbm>> -> memref<16384xf32, #tpu.memory_space<hbm>>
    tpu.wait_dma2 semaphore(%arg13 : memref<!tpu.dma_semaphore, #tpu.memory_space<semaphore_mem>>) src(%arg10 : memref<16384xf32, #tpu.memory_space<vmem>>) dst(%dma_wait3A_1703 : memref<16384xf32, #tpu.memory_space<hbm>>)
    %add3A_1704 = arith.constant 19 : i32
    %add3A_1705 = arith.addi %mul3A_2, %add3A_1704 : i32
    %dma_start3A_1706 = arith.constant 0 : i32
    %dma_start3A_1707 = tpu.memref_slice %arg2[%add3A_1705, %dma_start3A_1706] : memref<1024x32768xf32, #tpu.memory_space<hbm>> -> memref<1x16384xf32, #tpu.memory_space<hbm>>
    %dma_start3A_1708 = tpu.memref_squeeze %dma_start3A_1707 : memref<1x16384xf32, #tpu.memory_space<hbm>> -> memref<16384xf32, #tpu.memory_space<hbm>>
    %dma_start3A_1709 = arith.constant 0 : i32
    %dma_start3A_1710 = tpu.memref_slice %arg2[%add3A_1705, %dma_start3A_1709] : memref<1024x32768xf32, #tpu.memory_space<hbm>> -> memref<1x16384xf32, #tpu.memory_space<hbm>>
    %dma_start3A_1711 = tpu.memref_squeeze %dma_start3A_1710 : memref<1x16384xf32, #tpu.memory_space<hbm>> -> memref<16384xf32, #tpu.memory_space<hbm>>
    tpu.enqueue_dma source(%dma_start3A_1711 : memref<16384xf32, #tpu.memory_space<hbm>>) target(%arg10 : memref<16384xf32, #tpu.memory_space<vmem>>) target_semaphore(%arg12 : memref<!tpu.dma_semaphore, #tpu.memory_space<semaphore_mem>>)
    %dma_wait3A_1712 = arith.constant 16384 : i32
    %dma_wait3A_1713 = tpu.memref_slice %arg2[%add3A_1561, %dma_wait3A_1712] : memref<1024x32768xf32, #tpu.memory_space<hbm>> -> memref<1x16384xf32, #tpu.memory_space<hbm>>
    %dma_wait3A_1714 = tpu.memref_squeeze %dma_wait3A_1713 : memref<1x16384xf32, #tpu.memory_space<hbm>> -> memref<16384xf32, #tpu.memory_space<hbm>>
    %dma_wait3A_1715 = arith.constant 16384 : i32
    %dma_wait3A_1716 = tpu.memref_slice %arg2[%add3A_1561, %dma_wait3A_1715] : memref<1024x32768xf32, #tpu.memory_space<hbm>> -> memref<1x16384xf32, #tpu.memory_space<hbm>>
    %dma_wait3A_1717 = tpu.memref_squeeze %dma_wait3A_1716 : memref<1x16384xf32, #tpu.memory_space<hbm>> -> memref<16384xf32, #tpu.memory_space<hbm>>
    tpu.wait_dma2 semaphore(%arg12 : memref<!tpu.dma_semaphore, #tpu.memory_space<semaphore_mem>>) src(%dma_wait3A_1717 : memref<16384xf32, #tpu.memory_space<hbm>>) dst(%arg11 : memref<16384xf32, #tpu.memory_space<vmem>>)
    %eq3A_1718 = arith.constant 1 : i32
    %eq3A_1719 = vector.broadcast %eq3A_1718 : i32 to vector<16xi32>
    %eq3A_1720 = arith.cmpi eq, %iota3A, %eq3A_1719 : vector<16xi32>
    %ge3A_1721 = arith.constant 16384 : i32
    %ge3A_1722 = vector.broadcast %ge3A_1721 : i32 to vector<16xi32>
    %ge3A_1723 = arith.cmpi sge, %get3A_5, %ge3A_1722 : vector<16xi32>
    %and3A_1724 = arith.andi %eq3A_1720, %ge3A_1723 : vector<16xi1>
    %lt3A_1725 = arith.constant 32768 : i32
    %lt3A_1726 = vector.broadcast %lt3A_1725 : i32 to vector<16xi32>
    %lt3A_1727 = arith.cmpi slt, %get3A_5, %lt3A_1726 : vector<16xi32>
    %and3A_1728 = arith.andi %and3A_1724, %lt3A_1727 : vector<16xi1>
    %sub3A_1729 = arith.constant 16384 : i32
    %sub3A_1730 = vector.broadcast %sub3A_1729 : i32 to vector<16xi32>
    %sub3A_1731 = arith.subi %get3A_5, %sub3A_1730 : vector<16xi32>
    %jit3A_1732 = arith.constant 0 : i32
    %jit3A_1733 = arith.constant 16383 : i32
    %max3A_1734 = vector.broadcast %jit3A_1732 : i32 to vector<16xi32>
    %max3A_1735 = arith.maxsi %max3A_1734, %sub3A_1731 : vector<16xi32>
    %min3A_1736 = vector.broadcast %jit3A_1733 : i32 to vector<16xi32>
    %min3A_1737 = arith.minsi %min3A_1736, %max3A_1735 : vector<16xi32>
    tpu.vector_store_idx %arg11[%min3A_1737], %get3A_9 masked %and3A_1728 {add = true} : memref<16384xf32, #tpu.memory_space<vmem>>[vector<16xi32>], vector<16xf32>, vector<16xi1>
    %add3A_1738 = arith.constant 17 : i32
    %add3A_1739 = arith.addi %mul3A_2, %add3A_1738 : i32
    %dma_start3A_1740 = arith.constant 16384 : i32
    %dma_start3A_1741 = tpu.memref_slice %arg5[%add3A_1739, %dma_start3A_1740] : memref<1024x32768xf32, #tpu.memory_space<hbm>> -> memref<1x16384xf32, #tpu.memory_space<hbm>>
    %dma_start3A_1742 = tpu.memref_squeeze %dma_start3A_1741 : memref<1x16384xf32, #tpu.memory_space<hbm>> -> memref<16384xf32, #tpu.memory_space<hbm>>
    %dma_start3A_1743 = arith.constant 16384 : i32
    %dma_start3A_1744 = tpu.memref_slice %arg5[%add3A_1739, %dma_start3A_1743] : memref<1024x32768xf32, #tpu.memory_space<hbm>> -> memref<1x16384xf32, #tpu.memory_space<hbm>>
    %dma_start3A_1745 = tpu.memref_squeeze %dma_start3A_1744 : memref<1x16384xf32, #tpu.memory_space<hbm>> -> memref<16384xf32, #tpu.memory_space<hbm>>
    tpu.enqueue_dma source(%arg11 : memref<16384xf32, #tpu.memory_space<vmem>>) target(%dma_start3A_1745 : memref<16384xf32, #tpu.memory_space<hbm>>) target_semaphore(%arg13 : memref<!tpu.dma_semaphore, #tpu.memory_space<semaphore_mem>>)
    %dma_wait3A_1746 = arith.constant 16384 : i32
    %dma_wait3A_1747 = tpu.memref_slice %arg5[%add3A_1739, %dma_wait3A_1746] : memref<1024x32768xf32, #tpu.memory_space<hbm>> -> memref<1x16384xf32, #tpu.memory_space<hbm>>
    %dma_wait3A_1748 = tpu.memref_squeeze %dma_wait3A_1747 : memref<1x16384xf32, #tpu.memory_space<hbm>> -> memref<16384xf32, #tpu.memory_space<hbm>>
    %dma_wait3A_1749 = arith.constant 16384 : i32
    %dma_wait3A_1750 = tpu.memref_slice %arg5[%add3A_1739, %dma_wait3A_1749] : memref<1024x32768xf32, #tpu.memory_space<hbm>> -> memref<1x16384xf32, #tpu.memory_space<hbm>>
    %dma_wait3A_1751 = tpu.memref_squeeze %dma_wait3A_1750 : memref<1x16384xf32, #tpu.memory_space<hbm>> -> memref<16384xf32, #tpu.memory_space<hbm>>
    tpu.wait_dma2 semaphore(%arg13 : memref<!tpu.dma_semaphore, #tpu.memory_space<semaphore_mem>>) src(%arg11 : memref<16384xf32, #tpu.memory_space<vmem>>) dst(%dma_wait3A_1751 : memref<16384xf32, #tpu.memory_space<hbm>>)
    %add3A_1752 = arith.constant 19 : i32
    %add3A_1753 = arith.addi %mul3A_2, %add3A_1752 : i32
    %dma_start3A_1754 = arith.constant 16384 : i32
    %dma_start3A_1755 = tpu.memref_slice %arg2[%add3A_1753, %dma_start3A_1754] : memref<1024x32768xf32, #tpu.memory_space<hbm>> -> memref<1x16384xf32, #tpu.memory_space<hbm>>
    %dma_start3A_1756 = tpu.memref_squeeze %dma_start3A_1755 : memref<1x16384xf32, #tpu.memory_space<hbm>> -> memref<16384xf32, #tpu.memory_space<hbm>>
    %dma_start3A_1757 = arith.constant 16384 : i32
    %dma_start3A_1758 = tpu.memref_slice %arg2[%add3A_1753, %dma_start3A_1757] : memref<1024x32768xf32, #tpu.memory_space<hbm>> -> memref<1x16384xf32, #tpu.memory_space<hbm>>
    %dma_start3A_1759 = tpu.memref_squeeze %dma_start3A_1758 : memref<1x16384xf32, #tpu.memory_space<hbm>> -> memref<16384xf32, #tpu.memory_space<hbm>>
    tpu.enqueue_dma source(%dma_start3A_1759 : memref<16384xf32, #tpu.memory_space<hbm>>) target(%arg11 : memref<16384xf32, #tpu.memory_space<vmem>>) target_semaphore(%arg12 : memref<!tpu.dma_semaphore, #tpu.memory_space<semaphore_mem>>)
    %dma_wait3A_1760 = arith.constant 0 : i32
    %dma_wait3A_1761 = tpu.memref_slice %arg2[%add3A_1609, %dma_wait3A_1760] : memref<1024x32768xf32, #tpu.memory_space<hbm>> -> memref<1x16384xf32, #tpu.memory_space<hbm>>
    %dma_wait3A_1762 = tpu.memref_squeeze %dma_wait3A_1761 : memref<1x16384xf32, #tpu.memory_space<hbm>> -> memref<16384xf32, #tpu.memory_space<hbm>>
    %dma_wait3A_1763 = arith.constant 0 : i32
    %dma_wait3A_1764 = tpu.memref_slice %arg2[%add3A_1609, %dma_wait3A_1763] : memref<1024x32768xf32, #tpu.memory_space<hbm>> -> memref<1x16384xf32, #tpu.memory_space<hbm>>
    %dma_wait3A_1765 = tpu.memref_squeeze %dma_wait3A_1764 : memref<1x16384xf32, #tpu.memory_space<hbm>> -> memref<16384xf32, #tpu.memory_space<hbm>>
    tpu.wait_dma2 semaphore(%arg12 : memref<!tpu.dma_semaphore, #tpu.memory_space<semaphore_mem>>) src(%dma_wait3A_1765 : memref<16384xf32, #tpu.memory_space<hbm>>) dst(%arg8 : memref<16384xf32, #tpu.memory_space<vmem>>)
    %eq3A_1766 = arith.constant 2 : i32
    %eq3A_1767 = vector.broadcast %eq3A_1766 : i32 to vector<16xi32>
    %eq3A_1768 = arith.cmpi eq, %iota3A, %eq3A_1767 : vector<16xi32>
    %ge3A_1769 = arith.constant 0 : i32
    %ge3A_1770 = vector.broadcast %ge3A_1769 : i32 to vector<16xi32>
    %ge3A_1771 = arith.cmpi sge, %get3A_5, %ge3A_1770 : vector<16xi32>
    %and3A_1772 = arith.andi %eq3A_1768, %ge3A_1771 : vector<16xi1>
    %lt3A_1773 = arith.constant 16384 : i32
    %lt3A_1774 = vector.broadcast %lt3A_1773 : i32 to vector<16xi32>
    %lt3A_1775 = arith.cmpi slt, %get3A_5, %lt3A_1774 : vector<16xi32>
    %and3A_1776 = arith.andi %and3A_1772, %lt3A_1775 : vector<16xi1>
    %sub3A_1777 = arith.constant 0 : i32
    %sub3A_1778 = vector.broadcast %sub3A_1777 : i32 to vector<16xi32>
    %sub3A_1779 = arith.subi %get3A_5, %sub3A_1778 : vector<16xi32>
    %jit3A_1780 = arith.constant 0 : i32
    %jit3A_1781 = arith.constant 16383 : i32
    %max3A_1782 = vector.broadcast %jit3A_1780 : i32 to vector<16xi32>
    %max3A_1783 = arith.maxsi %max3A_1782, %sub3A_1779 : vector<16xi32>
    %min3A_1784 = vector.broadcast %jit3A_1781 : i32 to vector<16xi32>
    %min3A_1785 = arith.minsi %min3A_1784, %max3A_1783 : vector<16xi32>
    tpu.vector_store_idx %arg8[%min3A_1785], %get3A_9 masked %and3A_1776 {add = true} : memref<16384xf32, #tpu.memory_space<vmem>>[vector<16xi32>], vector<16xf32>, vector<16xi1>
    %add3A_1786 = arith.constant 18 : i32
    %add3A_1787 = arith.addi %mul3A_2, %add3A_1786 : i32
    %dma_start3A_1788 = arith.constant 0 : i32
    %dma_start3A_1789 = tpu.memref_slice %arg5[%add3A_1787, %dma_start3A_1788] : memref<1024x32768xf32, #tpu.memory_space<hbm>> -> memref<1x16384xf32, #tpu.memory_space<hbm>>
    %dma_start3A_1790 = tpu.memref_squeeze %dma_start3A_1789 : memref<1x16384xf32, #tpu.memory_space<hbm>> -> memref<16384xf32, #tpu.memory_space<hbm>>
    %dma_start3A_1791 = arith.constant 0 : i32
    %dma_start3A_1792 = tpu.memref_slice %arg5[%add3A_1787, %dma_start3A_1791] : memref<1024x32768xf32, #tpu.memory_space<hbm>> -> memref<1x16384xf32, #tpu.memory_space<hbm>>
    %dma_start3A_1793 = tpu.memref_squeeze %dma_start3A_1792 : memref<1x16384xf32, #tpu.memory_space<hbm>> -> memref<16384xf32, #tpu.memory_space<hbm>>
    tpu.enqueue_dma source(%arg8 : memref<16384xf32, #tpu.memory_space<vmem>>) target(%dma_start3A_1793 : memref<16384xf32, #tpu.memory_space<hbm>>) target_semaphore(%arg13 : memref<!tpu.dma_semaphore, #tpu.memory_space<semaphore_mem>>)
    %dma_wait3A_1794 = arith.constant 0 : i32
    %dma_wait3A_1795 = tpu.memref_slice %arg5[%add3A_1787, %dma_wait3A_1794] : memref<1024x32768xf32, #tpu.memory_space<hbm>> -> memref<1x16384xf32, #tpu.memory_space<hbm>>
    %dma_wait3A_1796 = tpu.memref_squeeze %dma_wait3A_1795 : memref<1x16384xf32, #tpu.memory_space<hbm>> -> memref<16384xf32, #tpu.memory_space<hbm>>
    %dma_wait3A_1797 = arith.constant 0 : i32
    %dma_wait3A_1798 = tpu.memref_slice %arg5[%add3A_1787, %dma_wait3A_1797] : memref<1024x32768xf32, #tpu.memory_space<hbm>> -> memref<1x16384xf32, #tpu.memory_space<hbm>>
    %dma_wait3A_1799 = tpu.memref_squeeze %dma_wait3A_1798 : memref<1x16384xf32, #tpu.memory_space<hbm>> -> memref<16384xf32, #tpu.memory_space<hbm>>
    tpu.wait_dma2 semaphore(%arg13 : memref<!tpu.dma_semaphore, #tpu.memory_space<semaphore_mem>>) src(%arg8 : memref<16384xf32, #tpu.memory_space<vmem>>) dst(%dma_wait3A_1799 : memref<16384xf32, #tpu.memory_space<hbm>>)
    %add3A_1800 = arith.constant 20 : i32
    %add3A_1801 = arith.addi %mul3A_2, %add3A_1800 : i32
    %dma_start3A_1802 = arith.constant 0 : i32
    %dma_start3A_1803 = tpu.memref_slice %arg2[%add3A_1801, %dma_start3A_1802] : memref<1024x32768xf32, #tpu.memory_space<hbm>> -> memref<1x16384xf32, #tpu.memory_space<hbm>>
    %dma_start3A_1804 = tpu.memref_squeeze %dma_start3A_1803 : memref<1x16384xf32, #tpu.memory_space<hbm>> -> memref<16384xf32, #tpu.memory_space<hbm>>
    %dma_start3A_1805 = arith.constant 0 : i32
    %dma_start3A_1806 = tpu.memref_slice %arg2[%add3A_1801, %dma_start3A_1805] : memref<1024x32768xf32, #tpu.memory_space<hbm>> -> memref<1x16384xf32, #tpu.memory_space<hbm>>
    %dma_start3A_1807 = tpu.memref_squeeze %dma_start3A_1806 : memref<1x16384xf32, #tpu.memory_space<hbm>> -> memref<16384xf32, #tpu.memory_space<hbm>>
    tpu.enqueue_dma source(%dma_start3A_1807 : memref<16384xf32, #tpu.memory_space<hbm>>) target(%arg8 : memref<16384xf32, #tpu.memory_space<vmem>>) target_semaphore(%arg12 : memref<!tpu.dma_semaphore, #tpu.memory_space<semaphore_mem>>)
    %dma_wait3A_1808 = arith.constant 16384 : i32
    %dma_wait3A_1809 = tpu.memref_slice %arg2[%add3A_1657, %dma_wait3A_1808] : memref<1024x32768xf32, #tpu.memory_space<hbm>> -> memref<1x16384xf32, #tpu.memory_space<hbm>>
    %dma_wait3A_1810 = tpu.memref_squeeze %dma_wait3A_1809 : memref<1x16384xf32, #tpu.memory_space<hbm>> -> memref<16384xf32, #tpu.memory_space<hbm>>
    %dma_wait3A_1811 = arith.constant 16384 : i32
    %dma_wait3A_1812 = tpu.memref_slice %arg2[%add3A_1657, %dma_wait3A_1811] : memref<1024x32768xf32, #tpu.memory_space<hbm>> -> memref<1x16384xf32, #tpu.memory_space<hbm>>
    %dma_wait3A_1813 = tpu.memref_squeeze %dma_wait3A_1812 : memref<1x16384xf32, #tpu.memory_space<hbm>> -> memref<16384xf32, #tpu.memory_space<hbm>>
    tpu.wait_dma2 semaphore(%arg12 : memref<!tpu.dma_semaphore, #tpu.memory_space<semaphore_mem>>) src(%dma_wait3A_1813 : memref<16384xf32, #tpu.memory_space<hbm>>) dst(%arg9 : memref<16384xf32, #tpu.memory_space<vmem>>)
    %eq3A_1814 = arith.constant 2 : i32
    %eq3A_1815 = vector.broadcast %eq3A_1814 : i32 to vector<16xi32>
    %eq3A_1816 = arith.cmpi eq, %iota3A, %eq3A_1815 : vector<16xi32>
    %ge3A_1817 = arith.constant 16384 : i32
    %ge3A_1818 = vector.broadcast %ge3A_1817 : i32 to vector<16xi32>
    %ge3A_1819 = arith.cmpi sge, %get3A_5, %ge3A_1818 : vector<16xi32>
    %and3A_1820 = arith.andi %eq3A_1816, %ge3A_1819 : vector<16xi1>
    %lt3A_1821 = arith.constant 32768 : i32
    %lt3A_1822 = vector.broadcast %lt3A_1821 : i32 to vector<16xi32>
    %lt3A_1823 = arith.cmpi slt, %get3A_5, %lt3A_1822 : vector<16xi32>
    %and3A_1824 = arith.andi %and3A_1820, %lt3A_1823 : vector<16xi1>
    %sub3A_1825 = arith.constant 16384 : i32
    %sub3A_1826 = vector.broadcast %sub3A_1825 : i32 to vector<16xi32>
    %sub3A_1827 = arith.subi %get3A_5, %sub3A_1826 : vector<16xi32>
    %jit3A_1828 = arith.constant 0 : i32
    %jit3A_1829 = arith.constant 16383 : i32
    %max3A_1830 = vector.broadcast %jit3A_1828 : i32 to vector<16xi32>
    %max3A_1831 = arith.maxsi %max3A_1830, %sub3A_1827 : vector<16xi32>
    %min3A_1832 = vector.broadcast %jit3A_1829 : i32 to vector<16xi32>
    %min3A_1833 = arith.minsi %min3A_1832, %max3A_1831 : vector<16xi32>
    tpu.vector_store_idx %arg9[%min3A_1833], %get3A_9 masked %and3A_1824 {add = true} : memref<16384xf32, #tpu.memory_space<vmem>>[vector<16xi32>], vector<16xf32>, vector<16xi1>
    %add3A_1834 = arith.constant 18 : i32
    %add3A_1835 = arith.addi %mul3A_2, %add3A_1834 : i32
    %dma_start3A_1836 = arith.constant 16384 : i32
    %dma_start3A_1837 = tpu.memref_slice %arg5[%add3A_1835, %dma_start3A_1836] : memref<1024x32768xf32, #tpu.memory_space<hbm>> -> memref<1x16384xf32, #tpu.memory_space<hbm>>
    %dma_start3A_1838 = tpu.memref_squeeze %dma_start3A_1837 : memref<1x16384xf32, #tpu.memory_space<hbm>> -> memref<16384xf32, #tpu.memory_space<hbm>>
    %dma_start3A_1839 = arith.constant 16384 : i32
    %dma_start3A_1840 = tpu.memref_slice %arg5[%add3A_1835, %dma_start3A_1839] : memref<1024x32768xf32, #tpu.memory_space<hbm>> -> memref<1x16384xf32, #tpu.memory_space<hbm>>
    %dma_start3A_1841 = tpu.memref_squeeze %dma_start3A_1840 : memref<1x16384xf32, #tpu.memory_space<hbm>> -> memref<16384xf32, #tpu.memory_space<hbm>>
    tpu.enqueue_dma source(%arg9 : memref<16384xf32, #tpu.memory_space<vmem>>) target(%dma_start3A_1841 : memref<16384xf32, #tpu.memory_space<hbm>>) target_semaphore(%arg13 : memref<!tpu.dma_semaphore, #tpu.memory_space<semaphore_mem>>)
    %dma_wait3A_1842 = arith.constant 16384 : i32
    %dma_wait3A_1843 = tpu.memref_slice %arg5[%add3A_1835, %dma_wait3A_1842] : memref<1024x32768xf32, #tpu.memory_space<hbm>> -> memref<1x16384xf32, #tpu.memory_space<hbm>>
    %dma_wait3A_1844 = tpu.memref_squeeze %dma_wait3A_1843 : memref<1x16384xf32, #tpu.memory_space<hbm>> -> memref<16384xf32, #tpu.memory_space<hbm>>
    %dma_wait3A_1845 = arith.constant 16384 : i32
    %dma_wait3A_1846 = tpu.memref_slice %arg5[%add3A_1835, %dma_wait3A_1845] : memref<1024x32768xf32, #tpu.memory_space<hbm>> -> memref<1x16384xf32, #tpu.memory_space<hbm>>
    %dma_wait3A_1847 = tpu.memref_squeeze %dma_wait3A_1846 : memref<1x16384xf32, #tpu.memory_space<hbm>> -> memref<16384xf32, #tpu.memory_space<hbm>>
    tpu.wait_dma2 semaphore(%arg13 : memref<!tpu.dma_semaphore, #tpu.memory_space<semaphore_mem>>) src(%arg9 : memref<16384xf32, #tpu.memory_space<vmem>>) dst(%dma_wait3A_1847 : memref<16384xf32, #tpu.memory_space<hbm>>)
    %add3A_1848 = arith.constant 20 : i32
    %add3A_1849 = arith.addi %mul3A_2, %add3A_1848 : i32
    %dma_start3A_1850 = arith.constant 16384 : i32
    %dma_start3A_1851 = tpu.memref_slice %arg2[%add3A_1849, %dma_start3A_1850] : memref<1024x32768xf32, #tpu.memory_space<hbm>> -> memref<1x16384xf32, #tpu.memory_space<hbm>>
    %dma_start3A_1852 = tpu.memref_squeeze %dma_start3A_1851 : memref<1x16384xf32, #tpu.memory_space<hbm>> -> memref<16384xf32, #tpu.memory_space<hbm>>
    %dma_start3A_1853 = arith.constant 16384 : i32
    %dma_start3A_1854 = tpu.memref_slice %arg2[%add3A_1849, %dma_start3A_1853] : memref<1024x32768xf32, #tpu.memory_space<hbm>> -> memref<1x16384xf32, #tpu.memory_space<hbm>>
    %dma_start3A_1855 = tpu.memref_squeeze %dma_start3A_1854 : memref<1x16384xf32, #tpu.memory_space<hbm>> -> memref<16384xf32, #tpu.memory_space<hbm>>
    tpu.enqueue_dma source(%dma_start3A_1855 : memref<16384xf32, #tpu.memory_space<hbm>>) target(%arg9 : memref<16384xf32, #tpu.memory_space<vmem>>) target_semaphore(%arg12 : memref<!tpu.dma_semaphore, #tpu.memory_space<semaphore_mem>>)
    %dma_wait3A_1856 = arith.constant 0 : i32
    %dma_wait3A_1857 = tpu.memref_slice %arg2[%add3A_1705, %dma_wait3A_1856] : memref<1024x32768xf32, #tpu.memory_space<hbm>> -> memref<1x16384xf32, #tpu.memory_space<hbm>>
    %dma_wait3A_1858 = tpu.memref_squeeze %dma_wait3A_1857 : memref<1x16384xf32, #tpu.memory_space<hbm>> -> memref<16384xf32, #tpu.memory_space<hbm>>
    %dma_wait3A_1859 = arith.constant 0 : i32
    %dma_wait3A_1860 = tpu.memref_slice %arg2[%add3A_1705, %dma_wait3A_1859] : memref<1024x32768xf32, #tpu.memory_space<hbm>> -> memref<1x16384xf32, #tpu.memory_space<hbm>>
    %dma_wait3A_1861 = tpu.memref_squeeze %dma_wait3A_1860 : memref<1x16384xf32, #tpu.memory_space<hbm>> -> memref<16384xf32, #tpu.memory_space<hbm>>
    tpu.wait_dma2 semaphore(%arg12 : memref<!tpu.dma_semaphore, #tpu.memory_space<semaphore_mem>>) src(%dma_wait3A_1861 : memref<16384xf32, #tpu.memory_space<hbm>>) dst(%arg10 : memref<16384xf32, #tpu.memory_space<vmem>>)
    %eq3A_1862 = arith.constant 3 : i32
    %eq3A_1863 = vector.broadcast %eq3A_1862 : i32 to vector<16xi32>
    %eq3A_1864 = arith.cmpi eq, %iota3A, %eq3A_1863 : vector<16xi32>
    %ge3A_1865 = arith.constant 0 : i32
    %ge3A_1866 = vector.broadcast %ge3A_1865 : i32 to vector<16xi32>
    %ge3A_1867 = arith.cmpi sge, %get3A_5, %ge3A_1866 : vector<16xi32>
    %and3A_1868 = arith.andi %eq3A_1864, %ge3A_1867 : vector<16xi1>
    %lt3A_1869 = arith.constant 16384 : i32
    %lt3A_1870 = vector.broadcast %lt3A_1869 : i32 to vector<16xi32>
    %lt3A_1871 = arith.cmpi slt, %get3A_5, %lt3A_1870 : vector<16xi32>
    %and3A_1872 = arith.andi %and3A_1868, %lt3A_1871 : vector<16xi1>
    %sub3A_1873 = arith.constant 0 : i32
    %sub3A_1874 = vector.broadcast %sub3A_1873 : i32 to vector<16xi32>
    %sub3A_1875 = arith.subi %get3A_5, %sub3A_1874 : vector<16xi32>
    %jit3A_1876 = arith.constant 0 : i32
    %jit3A_1877 = arith.constant 16383 : i32
    %max3A_1878 = vector.broadcast %jit3A_1876 : i32 to vector<16xi32>
    %max3A_1879 = arith.maxsi %max3A_1878, %sub3A_1875 : vector<16xi32>
    %min3A_1880 = vector.broadcast %jit3A_1877 : i32 to vector<16xi32>
    %min3A_1881 = arith.minsi %min3A_1880, %max3A_1879 : vector<16xi32>
    tpu.vector_store_idx %arg10[%min3A_1881], %get3A_9 masked %and3A_1872 {add = true} : memref<16384xf32, #tpu.memory_space<vmem>>[vector<16xi32>], vector<16xf32>, vector<16xi1>
    %add3A_1882 = arith.constant 19 : i32
    %add3A_1883 = arith.addi %mul3A_2, %add3A_1882 : i32
    %dma_start3A_1884 = arith.constant 0 : i32
    %dma_start3A_1885 = tpu.memref_slice %arg5[%add3A_1883, %dma_start3A_1884] : memref<1024x32768xf32, #tpu.memory_space<hbm>> -> memref<1x16384xf32, #tpu.memory_space<hbm>>
    %dma_start3A_1886 = tpu.memref_squeeze %dma_start3A_1885 : memref<1x16384xf32, #tpu.memory_space<hbm>> -> memref<16384xf32, #tpu.memory_space<hbm>>
    %dma_start3A_1887 = arith.constant 0 : i32
    %dma_start3A_1888 = tpu.memref_slice %arg5[%add3A_1883, %dma_start3A_1887] : memref<1024x32768xf32, #tpu.memory_space<hbm>> -> memref<1x16384xf32, #tpu.memory_space<hbm>>
    %dma_start3A_1889 = tpu.memref_squeeze %dma_start3A_1888 : memref<1x16384xf32, #tpu.memory_space<hbm>> -> memref<16384xf32, #tpu.memory_space<hbm>>
    tpu.enqueue_dma source(%arg10 : memref<16384xf32, #tpu.memory_space<vmem>>) target(%dma_start3A_1889 : memref<16384xf32, #tpu.memory_space<hbm>>) target_semaphore(%arg13 : memref<!tpu.dma_semaphore, #tpu.memory_space<semaphore_mem>>)
    %dma_wait3A_1890 = arith.constant 0 : i32
    %dma_wait3A_1891 = tpu.memref_slice %arg5[%add3A_1883, %dma_wait3A_1890] : memref<1024x32768xf32, #tpu.memory_space<hbm>> -> memref<1x16384xf32, #tpu.memory_space<hbm>>
    %dma_wait3A_1892 = tpu.memref_squeeze %dma_wait3A_1891 : memref<1x16384xf32, #tpu.memory_space<hbm>> -> memref<16384xf32, #tpu.memory_space<hbm>>
    %dma_wait3A_1893 = arith.constant 0 : i32
    %dma_wait3A_1894 = tpu.memref_slice %arg5[%add3A_1883, %dma_wait3A_1893] : memref<1024x32768xf32, #tpu.memory_space<hbm>> -> memref<1x16384xf32, #tpu.memory_space<hbm>>
    %dma_wait3A_1895 = tpu.memref_squeeze %dma_wait3A_1894 : memref<1x16384xf32, #tpu.memory_space<hbm>> -> memref<16384xf32, #tpu.memory_space<hbm>>
    tpu.wait_dma2 semaphore(%arg13 : memref<!tpu.dma_semaphore, #tpu.memory_space<semaphore_mem>>) src(%arg10 : memref<16384xf32, #tpu.memory_space<vmem>>) dst(%dma_wait3A_1895 : memref<16384xf32, #tpu.memory_space<hbm>>)
    %add3A_1896 = arith.constant 21 : i32
    %add3A_1897 = arith.addi %mul3A_2, %add3A_1896 : i32
    %dma_start3A_1898 = arith.constant 0 : i32
    %dma_start3A_1899 = tpu.memref_slice %arg2[%add3A_1897, %dma_start3A_1898] : memref<1024x32768xf32, #tpu.memory_space<hbm>> -> memref<1x16384xf32, #tpu.memory_space<hbm>>
    %dma_start3A_1900 = tpu.memref_squeeze %dma_start3A_1899 : memref<1x16384xf32, #tpu.memory_space<hbm>> -> memref<16384xf32, #tpu.memory_space<hbm>>
    %dma_start3A_1901 = arith.constant 0 : i32
    %dma_start3A_1902 = tpu.memref_slice %arg2[%add3A_1897, %dma_start3A_1901] : memref<1024x32768xf32, #tpu.memory_space<hbm>> -> memref<1x16384xf32, #tpu.memory_space<hbm>>
    %dma_start3A_1903 = tpu.memref_squeeze %dma_start3A_1902 : memref<1x16384xf32, #tpu.memory_space<hbm>> -> memref<16384xf32, #tpu.memory_space<hbm>>
    tpu.enqueue_dma source(%dma_start3A_1903 : memref<16384xf32, #tpu.memory_space<hbm>>) target(%arg10 : memref<16384xf32, #tpu.memory_space<vmem>>) target_semaphore(%arg12 : memref<!tpu.dma_semaphore, #tpu.memory_space<semaphore_mem>>)
    %dma_wait3A_1904 = arith.constant 16384 : i32
    %dma_wait3A_1905 = tpu.memref_slice %arg2[%add3A_1753, %dma_wait3A_1904] : memref<1024x32768xf32, #tpu.memory_space<hbm>> -> memref<1x16384xf32, #tpu.memory_space<hbm>>
    %dma_wait3A_1906 = tpu.memref_squeeze %dma_wait3A_1905 : memref<1x16384xf32, #tpu.memory_space<hbm>> -> memref<16384xf32, #tpu.memory_space<hbm>>
    %dma_wait3A_1907 = arith.constant 16384 : i32
    %dma_wait3A_1908 = tpu.memref_slice %arg2[%add3A_1753, %dma_wait3A_1907] : memref<1024x32768xf32, #tpu.memory_space<hbm>> -> memref<1x16384xf32, #tpu.memory_space<hbm>>
    %dma_wait3A_1909 = tpu.memref_squeeze %dma_wait3A_1908 : memref<1x16384xf32, #tpu.memory_space<hbm>> -> memref<16384xf32, #tpu.memory_space<hbm>>
    tpu.wait_dma2 semaphore(%arg12 : memref<!tpu.dma_semaphore, #tpu.memory_space<semaphore_mem>>) src(%dma_wait3A_1909 : memref<16384xf32, #tpu.memory_space<hbm>>) dst(%arg11 : memref<16384xf32, #tpu.memory_space<vmem>>)
    %eq3A_1910 = arith.constant 3 : i32
    %eq3A_1911 = vector.broadcast %eq3A_1910 : i32 to vector<16xi32>
    %eq3A_1912 = arith.cmpi eq, %iota3A, %eq3A_1911 : vector<16xi32>
    %ge3A_1913 = arith.constant 16384 : i32
    %ge3A_1914 = vector.broadcast %ge3A_1913 : i32 to vector<16xi32>
    %ge3A_1915 = arith.cmpi sge, %get3A_5, %ge3A_1914 : vector<16xi32>
    %and3A_1916 = arith.andi %eq3A_1912, %ge3A_1915 : vector<16xi1>
    %lt3A_1917 = arith.constant 32768 : i32
    %lt3A_1918 = vector.broadcast %lt3A_1917 : i32 to vector<16xi32>
    %lt3A_1919 = arith.cmpi slt, %get3A_5, %lt3A_1918 : vector<16xi32>
    %and3A_1920 = arith.andi %and3A_1916, %lt3A_1919 : vector<16xi1>
    %sub3A_1921 = arith.constant 16384 : i32
    %sub3A_1922 = vector.broadcast %sub3A_1921 : i32 to vector<16xi32>
    %sub3A_1923 = arith.subi %get3A_5, %sub3A_1922 : vector<16xi32>
    %jit3A_1924 = arith.constant 0 : i32
    %jit3A_1925 = arith.constant 16383 : i32
    %max3A_1926 = vector.broadcast %jit3A_1924 : i32 to vector<16xi32>
    %max3A_1927 = arith.maxsi %max3A_1926, %sub3A_1923 : vector<16xi32>
    %min3A_1928 = vector.broadcast %jit3A_1925 : i32 to vector<16xi32>
    %min3A_1929 = arith.minsi %min3A_1928, %max3A_1927 : vector<16xi32>
    tpu.vector_store_idx %arg11[%min3A_1929], %get3A_9 masked %and3A_1920 {add = true} : memref<16384xf32, #tpu.memory_space<vmem>>[vector<16xi32>], vector<16xf32>, vector<16xi1>
    %add3A_1930 = arith.constant 19 : i32
    %add3A_1931 = arith.addi %mul3A_2, %add3A_1930 : i32
    %dma_start3A_1932 = arith.constant 16384 : i32
    %dma_start3A_1933 = tpu.memref_slice %arg5[%add3A_1931, %dma_start3A_1932] : memref<1024x32768xf32, #tpu.memory_space<hbm>> -> memref<1x16384xf32, #tpu.memory_space<hbm>>
    %dma_start3A_1934 = tpu.memref_squeeze %dma_start3A_1933 : memref<1x16384xf32, #tpu.memory_space<hbm>> -> memref<16384xf32, #tpu.memory_space<hbm>>
    %dma_start3A_1935 = arith.constant 16384 : i32
    %dma_start3A_1936 = tpu.memref_slice %arg5[%add3A_1931, %dma_start3A_1935] : memref<1024x32768xf32, #tpu.memory_space<hbm>> -> memref<1x16384xf32, #tpu.memory_space<hbm>>
    %dma_start3A_1937 = tpu.memref_squeeze %dma_start3A_1936 : memref<1x16384xf32, #tpu.memory_space<hbm>> -> memref<16384xf32, #tpu.memory_space<hbm>>
    tpu.enqueue_dma source(%arg11 : memref<16384xf32, #tpu.memory_space<vmem>>) target(%dma_start3A_1937 : memref<16384xf32, #tpu.memory_space<hbm>>) target_semaphore(%arg13 : memref<!tpu.dma_semaphore, #tpu.memory_space<semaphore_mem>>)
    %dma_wait3A_1938 = arith.constant 16384 : i32
    %dma_wait3A_1939 = tpu.memref_slice %arg5[%add3A_1931, %dma_wait3A_1938] : memref<1024x32768xf32, #tpu.memory_space<hbm>> -> memref<1x16384xf32, #tpu.memory_space<hbm>>
    %dma_wait3A_1940 = tpu.memref_squeeze %dma_wait3A_1939 : memref<1x16384xf32, #tpu.memory_space<hbm>> -> memref<16384xf32, #tpu.memory_space<hbm>>
    %dma_wait3A_1941 = arith.constant 16384 : i32
    %dma_wait3A_1942 = tpu.memref_slice %arg5[%add3A_1931, %dma_wait3A_1941] : memref<1024x32768xf32, #tpu.memory_space<hbm>> -> memref<1x16384xf32, #tpu.memory_space<hbm>>
    %dma_wait3A_1943 = tpu.memref_squeeze %dma_wait3A_1942 : memref<1x16384xf32, #tpu.memory_space<hbm>> -> memref<16384xf32, #tpu.memory_space<hbm>>
    tpu.wait_dma2 semaphore(%arg13 : memref<!tpu.dma_semaphore, #tpu.memory_space<semaphore_mem>>) src(%arg11 : memref<16384xf32, #tpu.memory_space<vmem>>) dst(%dma_wait3A_1943 : memref<16384xf32, #tpu.memory_space<hbm>>)
    %add3A_1944 = arith.constant 21 : i32
    %add3A_1945 = arith.addi %mul3A_2, %add3A_1944 : i32
    %dma_start3A_1946 = arith.constant 16384 : i32
    %dma_start3A_1947 = tpu.memref_slice %arg2[%add3A_1945, %dma_start3A_1946] : memref<1024x32768xf32, #tpu.memory_space<hbm>> -> memref<1x16384xf32, #tpu.memory_space<hbm>>
    %dma_start3A_1948 = tpu.memref_squeeze %dma_start3A_1947 : memref<1x16384xf32, #tpu.memory_space<hbm>> -> memref<16384xf32, #tpu.memory_space<hbm>>
    %dma_start3A_1949 = arith.constant 16384 : i32
    %dma_start3A_1950 = tpu.memref_slice %arg2[%add3A_1945, %dma_start3A_1949] : memref<1024x32768xf32, #tpu.memory_space<hbm>> -> memref<1x16384xf32, #tpu.memory_space<hbm>>
    %dma_start3A_1951 = tpu.memref_squeeze %dma_start3A_1950 : memref<1x16384xf32, #tpu.memory_space<hbm>> -> memref<16384xf32, #tpu.memory_space<hbm>>
    tpu.enqueue_dma source(%dma_start3A_1951 : memref<16384xf32, #tpu.memory_space<hbm>>) target(%arg11 : memref<16384xf32, #tpu.memory_space<vmem>>) target_semaphore(%arg12 : memref<!tpu.dma_semaphore, #tpu.memory_space<semaphore_mem>>)
    %dma_wait3A_1952 = arith.constant 0 : i32
    %dma_wait3A_1953 = tpu.memref_slice %arg2[%add3A_1801, %dma_wait3A_1952] : memref<1024x32768xf32, #tpu.memory_space<hbm>> -> memref<1x16384xf32, #tpu.memory_space<hbm>>
    %dma_wait3A_1954 = tpu.memref_squeeze %dma_wait3A_1953 : memref<1x16384xf32, #tpu.memory_space<hbm>> -> memref<16384xf32, #tpu.memory_space<hbm>>
    %dma_wait3A_1955 = arith.constant 0 : i32
    %dma_wait3A_1956 = tpu.memref_slice %arg2[%add3A_1801, %dma_wait3A_1955] : memref<1024x32768xf32, #tpu.memory_space<hbm>> -> memref<1x16384xf32, #tpu.memory_space<hbm>>
    %dma_wait3A_1957 = tpu.memref_squeeze %dma_wait3A_1956 : memref<1x16384xf32, #tpu.memory_space<hbm>> -> memref<16384xf32, #tpu.memory_space<hbm>>
    tpu.wait_dma2 semaphore(%arg12 : memref<!tpu.dma_semaphore, #tpu.memory_space<semaphore_mem>>) src(%dma_wait3A_1957 : memref<16384xf32, #tpu.memory_space<hbm>>) dst(%arg8 : memref<16384xf32, #tpu.memory_space<vmem>>)
    %eq3A_1958 = arith.constant 4 : i32
    %eq3A_1959 = vector.broadcast %eq3A_1958 : i32 to vector<16xi32>
    %eq3A_1960 = arith.cmpi eq, %iota3A, %eq3A_1959 : vector<16xi32>
    %ge3A_1961 = arith.constant 0 : i32
    %ge3A_1962 = vector.broadcast %ge3A_1961 : i32 to vector<16xi32>
    %ge3A_1963 = arith.cmpi sge, %get3A_5, %ge3A_1962 : vector<16xi32>
    %and3A_1964 = arith.andi %eq3A_1960, %ge3A_1963 : vector<16xi1>
    %lt3A_1965 = arith.constant 16384 : i32
    %lt3A_1966 = vector.broadcast %lt3A_1965 : i32 to vector<16xi32>
    %lt3A_1967 = arith.cmpi slt, %get3A_5, %lt3A_1966 : vector<16xi32>
    %and3A_1968 = arith.andi %and3A_1964, %lt3A_1967 : vector<16xi1>
    %sub3A_1969 = arith.constant 0 : i32
    %sub3A_1970 = vector.broadcast %sub3A_1969 : i32 to vector<16xi32>
    %sub3A_1971 = arith.subi %get3A_5, %sub3A_1970 : vector<16xi32>
    %jit3A_1972 = arith.constant 0 : i32
    %jit3A_1973 = arith.constant 16383 : i32
    %max3A_1974 = vector.broadcast %jit3A_1972 : i32 to vector<16xi32>
    %max3A_1975 = arith.maxsi %max3A_1974, %sub3A_1971 : vector<16xi32>
    %min3A_1976 = vector.broadcast %jit3A_1973 : i32 to vector<16xi32>
    %min3A_1977 = arith.minsi %min3A_1976, %max3A_1975 : vector<16xi32>
    tpu.vector_store_idx %arg8[%min3A_1977], %get3A_9 masked %and3A_1968 {add = true} : memref<16384xf32, #tpu.memory_space<vmem>>[vector<16xi32>], vector<16xf32>, vector<16xi1>
    %add3A_1978 = arith.constant 20 : i32
    %add3A_1979 = arith.addi %mul3A_2, %add3A_1978 : i32
    %dma_start3A_1980 = arith.constant 0 : i32
    %dma_start3A_1981 = tpu.memref_slice %arg5[%add3A_1979, %dma_start3A_1980] : memref<1024x32768xf32, #tpu.memory_space<hbm>> -> memref<1x16384xf32, #tpu.memory_space<hbm>>
    %dma_start3A_1982 = tpu.memref_squeeze %dma_start3A_1981 : memref<1x16384xf32, #tpu.memory_space<hbm>> -> memref<16384xf32, #tpu.memory_space<hbm>>
    %dma_start3A_1983 = arith.constant 0 : i32
    %dma_start3A_1984 = tpu.memref_slice %arg5[%add3A_1979, %dma_start3A_1983] : memref<1024x32768xf32, #tpu.memory_space<hbm>> -> memref<1x16384xf32, #tpu.memory_space<hbm>>
    %dma_start3A_1985 = tpu.memref_squeeze %dma_start3A_1984 : memref<1x16384xf32, #tpu.memory_space<hbm>> -> memref<16384xf32, #tpu.memory_space<hbm>>
    tpu.enqueue_dma source(%arg8 : memref<16384xf32, #tpu.memory_space<vmem>>) target(%dma_start3A_1985 : memref<16384xf32, #tpu.memory_space<hbm>>) target_semaphore(%arg13 : memref<!tpu.dma_semaphore, #tpu.memory_space<semaphore_mem>>)
    %dma_wait3A_1986 = arith.constant 0 : i32
    %dma_wait3A_1987 = tpu.memref_slice %arg5[%add3A_1979, %dma_wait3A_1986] : memref<1024x32768xf32, #tpu.memory_space<hbm>> -> memref<1x16384xf32, #tpu.memory_space<hbm>>
    %dma_wait3A_1988 = tpu.memref_squeeze %dma_wait3A_1987 : memref<1x16384xf32, #tpu.memory_space<hbm>> -> memref<16384xf32, #tpu.memory_space<hbm>>
    %dma_wait3A_1989 = arith.constant 0 : i32
    %dma_wait3A_1990 = tpu.memref_slice %arg5[%add3A_1979, %dma_wait3A_1989] : memref<1024x32768xf32, #tpu.memory_space<hbm>> -> memref<1x16384xf32, #tpu.memory_space<hbm>>
    %dma_wait3A_1991 = tpu.memref_squeeze %dma_wait3A_1990 : memref<1x16384xf32, #tpu.memory_space<hbm>> -> memref<16384xf32, #tpu.memory_space<hbm>>
    tpu.wait_dma2 semaphore(%arg13 : memref<!tpu.dma_semaphore, #tpu.memory_space<semaphore_mem>>) src(%arg8 : memref<16384xf32, #tpu.memory_space<vmem>>) dst(%dma_wait3A_1991 : memref<16384xf32, #tpu.memory_space<hbm>>)
    %add3A_1992 = arith.constant 22 : i32
    %add3A_1993 = arith.addi %mul3A_2, %add3A_1992 : i32
    %dma_start3A_1994 = arith.constant 0 : i32
    %dma_start3A_1995 = tpu.memref_slice %arg2[%add3A_1993, %dma_start3A_1994] : memref<1024x32768xf32, #tpu.memory_space<hbm>> -> memref<1x16384xf32, #tpu.memory_space<hbm>>
    %dma_start3A_1996 = tpu.memref_squeeze %dma_start3A_1995 : memref<1x16384xf32, #tpu.memory_space<hbm>> -> memref<16384xf32, #tpu.memory_space<hbm>>
    %dma_start3A_1997 = arith.constant 0 : i32
    %dma_start3A_1998 = tpu.memref_slice %arg2[%add3A_1993, %dma_start3A_1997] : memref<1024x32768xf32, #tpu.memory_space<hbm>> -> memref<1x16384xf32, #tpu.memory_space<hbm>>
    %dma_start3A_1999 = tpu.memref_squeeze %dma_start3A_1998 : memref<1x16384xf32, #tpu.memory_space<hbm>> -> memref<16384xf32, #tpu.memory_space<hbm>>
    tpu.enqueue_dma source(%dma_start3A_1999 : memref<16384xf32, #tpu.memory_space<hbm>>) target(%arg8 : memref<16384xf32, #tpu.memory_space<vmem>>) target_semaphore(%arg12 : memref<!tpu.dma_semaphore, #tpu.memory_space<semaphore_mem>>)
    %dma_wait3A_2000 = arith.constant 16384 : i32
    %dma_wait3A_2001 = tpu.memref_slice %arg2[%add3A_1849, %dma_wait3A_2000] : memref<1024x32768xf32, #tpu.memory_space<hbm>> -> memref<1x16384xf32, #tpu.memory_space<hbm>>
    %dma_wait3A_2002 = tpu.memref_squeeze %dma_wait3A_2001 : memref<1x16384xf32, #tpu.memory_space<hbm>> -> memref<16384xf32, #tpu.memory_space<hbm>>
    %dma_wait3A_2003 = arith.constant 16384 : i32
    %dma_wait3A_2004 = tpu.memref_slice %arg2[%add3A_1849, %dma_wait3A_2003] : memref<1024x32768xf32, #tpu.memory_space<hbm>> -> memref<1x16384xf32, #tpu.memory_space<hbm>>
    %dma_wait3A_2005 = tpu.memref_squeeze %dma_wait3A_2004 : memref<1x16384xf32, #tpu.memory_space<hbm>> -> memref<16384xf32, #tpu.memory_space<hbm>>
    tpu.wait_dma2 semaphore(%arg12 : memref<!tpu.dma_semaphore, #tpu.memory_space<semaphore_mem>>) src(%dma_wait3A_2005 : memref<16384xf32, #tpu.memory_space<hbm>>) dst(%arg9 : memref<16384xf32, #tpu.memory_space<vmem>>)
    %eq3A_2006 = arith.constant 4 : i32
    %eq3A_2007 = vector.broadcast %eq3A_2006 : i32 to vector<16xi32>
    %eq3A_2008 = arith.cmpi eq, %iota3A, %eq3A_2007 : vector<16xi32>
    %ge3A_2009 = arith.constant 16384 : i32
    %ge3A_2010 = vector.broadcast %ge3A_2009 : i32 to vector<16xi32>
    %ge3A_2011 = arith.cmpi sge, %get3A_5, %ge3A_2010 : vector<16xi32>
    %and3A_2012 = arith.andi %eq3A_2008, %ge3A_2011 : vector<16xi1>
    %lt3A_2013 = arith.constant 32768 : i32
    %lt3A_2014 = vector.broadcast %lt3A_2013 : i32 to vector<16xi32>
    %lt3A_2015 = arith.cmpi slt, %get3A_5, %lt3A_2014 : vector<16xi32>
    %and3A_2016 = arith.andi %and3A_2012, %lt3A_2015 : vector<16xi1>
    %sub3A_2017 = arith.constant 16384 : i32
    %sub3A_2018 = vector.broadcast %sub3A_2017 : i32 to vector<16xi32>
    %sub3A_2019 = arith.subi %get3A_5, %sub3A_2018 : vector<16xi32>
    %jit3A_2020 = arith.constant 0 : i32
    %jit3A_2021 = arith.constant 16383 : i32
    %max3A_2022 = vector.broadcast %jit3A_2020 : i32 to vector<16xi32>
    %max3A_2023 = arith.maxsi %max3A_2022, %sub3A_2019 : vector<16xi32>
    %min3A_2024 = vector.broadcast %jit3A_2021 : i32 to vector<16xi32>
    %min3A_2025 = arith.minsi %min3A_2024, %max3A_2023 : vector<16xi32>
    tpu.vector_store_idx %arg9[%min3A_2025], %get3A_9 masked %and3A_2016 {add = true} : memref<16384xf32, #tpu.memory_space<vmem>>[vector<16xi32>], vector<16xf32>, vector<16xi1>
    %add3A_2026 = arith.constant 20 : i32
    %add3A_2027 = arith.addi %mul3A_2, %add3A_2026 : i32
    %dma_start3A_2028 = arith.constant 16384 : i32
    %dma_start3A_2029 = tpu.memref_slice %arg5[%add3A_2027, %dma_start3A_2028] : memref<1024x32768xf32, #tpu.memory_space<hbm>> -> memref<1x16384xf32, #tpu.memory_space<hbm>>
    %dma_start3A_2030 = tpu.memref_squeeze %dma_start3A_2029 : memref<1x16384xf32, #tpu.memory_space<hbm>> -> memref<16384xf32, #tpu.memory_space<hbm>>
    %dma_start3A_2031 = arith.constant 16384 : i32
    %dma_start3A_2032 = tpu.memref_slice %arg5[%add3A_2027, %dma_start3A_2031] : memref<1024x32768xf32, #tpu.memory_space<hbm>> -> memref<1x16384xf32, #tpu.memory_space<hbm>>
    %dma_start3A_2033 = tpu.memref_squeeze %dma_start3A_2032 : memref<1x16384xf32, #tpu.memory_space<hbm>> -> memref<16384xf32, #tpu.memory_space<hbm>>
    tpu.enqueue_dma source(%arg9 : memref<16384xf32, #tpu.memory_space<vmem>>) target(%dma_start3A_2033 : memref<16384xf32, #tpu.memory_space<hbm>>) target_semaphore(%arg13 : memref<!tpu.dma_semaphore, #tpu.memory_space<semaphore_mem>>)
    %dma_wait3A_2034 = arith.constant 16384 : i32
    %dma_wait3A_2035 = tpu.memref_slice %arg5[%add3A_2027, %dma_wait3A_2034] : memref<1024x32768xf32, #tpu.memory_space<hbm>> -> memref<1x16384xf32, #tpu.memory_space<hbm>>
    %dma_wait3A_2036 = tpu.memref_squeeze %dma_wait3A_2035 : memref<1x16384xf32, #tpu.memory_space<hbm>> -> memref<16384xf32, #tpu.memory_space<hbm>>
    %dma_wait3A_2037 = arith.constant 16384 : i32
    %dma_wait3A_2038 = tpu.memref_slice %arg5[%add3A_2027, %dma_wait3A_2037] : memref<1024x32768xf32, #tpu.memory_space<hbm>> -> memref<1x16384xf32, #tpu.memory_space<hbm>>
    %dma_wait3A_2039 = tpu.memref_squeeze %dma_wait3A_2038 : memref<1x16384xf32, #tpu.memory_space<hbm>> -> memref<16384xf32, #tpu.memory_space<hbm>>
    tpu.wait_dma2 semaphore(%arg13 : memref<!tpu.dma_semaphore, #tpu.memory_space<semaphore_mem>>) src(%arg9 : memref<16384xf32, #tpu.memory_space<vmem>>) dst(%dma_wait3A_2039 : memref<16384xf32, #tpu.memory_space<hbm>>)
    %add3A_2040 = arith.constant 22 : i32
    %add3A_2041 = arith.addi %mul3A_2, %add3A_2040 : i32
    %dma_start3A_2042 = arith.constant 16384 : i32
    %dma_start3A_2043 = tpu.memref_slice %arg2[%add3A_2041, %dma_start3A_2042] : memref<1024x32768xf32, #tpu.memory_space<hbm>> -> memref<1x16384xf32, #tpu.memory_space<hbm>>
    %dma_start3A_2044 = tpu.memref_squeeze %dma_start3A_2043 : memref<1x16384xf32, #tpu.memory_space<hbm>> -> memref<16384xf32, #tpu.memory_space<hbm>>
    %dma_start3A_2045 = arith.constant 16384 : i32
    %dma_start3A_2046 = tpu.memref_slice %arg2[%add3A_2041, %dma_start3A_2045] : memref<1024x32768xf32, #tpu.memory_space<hbm>> -> memref<1x16384xf32, #tpu.memory_space<hbm>>
    %dma_start3A_2047 = tpu.memref_squeeze %dma_start3A_2046 : memref<1x16384xf32, #tpu.memory_space<hbm>> -> memref<16384xf32, #tpu.memory_space<hbm>>
    tpu.enqueue_dma source(%dma_start3A_2047 : memref<16384xf32, #tpu.memory_space<hbm>>) target(%arg9 : memref<16384xf32, #tpu.memory_space<vmem>>) target_semaphore(%arg12 : memref<!tpu.dma_semaphore, #tpu.memory_space<semaphore_mem>>)
    %dma_wait3A_2048 = arith.constant 0 : i32
    %dma_wait3A_2049 = tpu.memref_slice %arg2[%add3A_1897, %dma_wait3A_2048] : memref<1024x32768xf32, #tpu.memory_space<hbm>> -> memref<1x16384xf32, #tpu.memory_space<hbm>>
    %dma_wait3A_2050 = tpu.memref_squeeze %dma_wait3A_2049 : memref<1x16384xf32, #tpu.memory_space<hbm>> -> memref<16384xf32, #tpu.memory_space<hbm>>
    %dma_wait3A_2051 = arith.constant 0 : i32
    %dma_wait3A_2052 = tpu.memref_slice %arg2[%add3A_1897, %dma_wait3A_2051] : memref<1024x32768xf32, #tpu.memory_space<hbm>> -> memref<1x16384xf32, #tpu.memory_space<hbm>>
    %dma_wait3A_2053 = tpu.memref_squeeze %dma_wait3A_2052 : memref<1x16384xf32, #tpu.memory_space<hbm>> -> memref<16384xf32, #tpu.memory_space<hbm>>
    tpu.wait_dma2 semaphore(%arg12 : memref<!tpu.dma_semaphore, #tpu.memory_space<semaphore_mem>>) src(%dma_wait3A_2053 : memref<16384xf32, #tpu.memory_space<hbm>>) dst(%arg10 : memref<16384xf32, #tpu.memory_space<vmem>>)
    %eq3A_2054 = arith.constant 5 : i32
    %eq3A_2055 = vector.broadcast %eq3A_2054 : i32 to vector<16xi32>
    %eq3A_2056 = arith.cmpi eq, %iota3A, %eq3A_2055 : vector<16xi32>
    %ge3A_2057 = arith.constant 0 : i32
    %ge3A_2058 = vector.broadcast %ge3A_2057 : i32 to vector<16xi32>
    %ge3A_2059 = arith.cmpi sge, %get3A_5, %ge3A_2058 : vector<16xi32>
    %and3A_2060 = arith.andi %eq3A_2056, %ge3A_2059 : vector<16xi1>
    %lt3A_2061 = arith.constant 16384 : i32
    %lt3A_2062 = vector.broadcast %lt3A_2061 : i32 to vector<16xi32>
    %lt3A_2063 = arith.cmpi slt, %get3A_5, %lt3A_2062 : vector<16xi32>
    %and3A_2064 = arith.andi %and3A_2060, %lt3A_2063 : vector<16xi1>
    %sub3A_2065 = arith.constant 0 : i32
    %sub3A_2066 = vector.broadcast %sub3A_2065 : i32 to vector<16xi32>
    %sub3A_2067 = arith.subi %get3A_5, %sub3A_2066 : vector<16xi32>
    %jit3A_2068 = arith.constant 0 : i32
    %jit3A_2069 = arith.constant 16383 : i32
    %max3A_2070 = vector.broadcast %jit3A_2068 : i32 to vector<16xi32>
    %max3A_2071 = arith.maxsi %max3A_2070, %sub3A_2067 : vector<16xi32>
    %min3A_2072 = vector.broadcast %jit3A_2069 : i32 to vector<16xi32>
    %min3A_2073 = arith.minsi %min3A_2072, %max3A_2071 : vector<16xi32>
    tpu.vector_store_idx %arg10[%min3A_2073], %get3A_9 masked %and3A_2064 {add = true} : memref<16384xf32, #tpu.memory_space<vmem>>[vector<16xi32>], vector<16xf32>, vector<16xi1>
    %add3A_2074 = arith.constant 21 : i32
    %add3A_2075 = arith.addi %mul3A_2, %add3A_2074 : i32
    %dma_start3A_2076 = arith.constant 0 : i32
    %dma_start3A_2077 = tpu.memref_slice %arg5[%add3A_2075, %dma_start3A_2076] : memref<1024x32768xf32, #tpu.memory_space<hbm>> -> memref<1x16384xf32, #tpu.memory_space<hbm>>
    %dma_start3A_2078 = tpu.memref_squeeze %dma_start3A_2077 : memref<1x16384xf32, #tpu.memory_space<hbm>> -> memref<16384xf32, #tpu.memory_space<hbm>>
    %dma_start3A_2079 = arith.constant 0 : i32
    %dma_start3A_2080 = tpu.memref_slice %arg5[%add3A_2075, %dma_start3A_2079] : memref<1024x32768xf32, #tpu.memory_space<hbm>> -> memref<1x16384xf32, #tpu.memory_space<hbm>>
    %dma_start3A_2081 = tpu.memref_squeeze %dma_start3A_2080 : memref<1x16384xf32, #tpu.memory_space<hbm>> -> memref<16384xf32, #tpu.memory_space<hbm>>
    tpu.enqueue_dma source(%arg10 : memref<16384xf32, #tpu.memory_space<vmem>>) target(%dma_start3A_2081 : memref<16384xf32, #tpu.memory_space<hbm>>) target_semaphore(%arg13 : memref<!tpu.dma_semaphore, #tpu.memory_space<semaphore_mem>>)
    %dma_wait3A_2082 = arith.constant 0 : i32
    %dma_wait3A_2083 = tpu.memref_slice %arg5[%add3A_2075, %dma_wait3A_2082] : memref<1024x32768xf32, #tpu.memory_space<hbm>> -> memref<1x16384xf32, #tpu.memory_space<hbm>>
    %dma_wait3A_2084 = tpu.memref_squeeze %dma_wait3A_2083 : memref<1x16384xf32, #tpu.memory_space<hbm>> -> memref<16384xf32, #tpu.memory_space<hbm>>
    %dma_wait3A_2085 = arith.constant 0 : i32
    %dma_wait3A_2086 = tpu.memref_slice %arg5[%add3A_2075, %dma_wait3A_2085] : memref<1024x32768xf32, #tpu.memory_space<hbm>> -> memref<1x16384xf32, #tpu.memory_space<hbm>>
    %dma_wait3A_2087 = tpu.memref_squeeze %dma_wait3A_2086 : memref<1x16384xf32, #tpu.memory_space<hbm>> -> memref<16384xf32, #tpu.memory_space<hbm>>
    tpu.wait_dma2 semaphore(%arg13 : memref<!tpu.dma_semaphore, #tpu.memory_space<semaphore_mem>>) src(%arg10 : memref<16384xf32, #tpu.memory_space<vmem>>) dst(%dma_wait3A_2087 : memref<16384xf32, #tpu.memory_space<hbm>>)
    %add3A_2088 = arith.constant 23 : i32
    %add3A_2089 = arith.addi %mul3A_2, %add3A_2088 : i32
    %dma_start3A_2090 = arith.constant 0 : i32
    %dma_start3A_2091 = tpu.memref_slice %arg2[%add3A_2089, %dma_start3A_2090] : memref<1024x32768xf32, #tpu.memory_space<hbm>> -> memref<1x16384xf32, #tpu.memory_space<hbm>>
    %dma_start3A_2092 = tpu.memref_squeeze %dma_start3A_2091 : memref<1x16384xf32, #tpu.memory_space<hbm>> -> memref<16384xf32, #tpu.memory_space<hbm>>
    %dma_start3A_2093 = arith.constant 0 : i32
    %dma_start3A_2094 = tpu.memref_slice %arg2[%add3A_2089, %dma_start3A_2093] : memref<1024x32768xf32, #tpu.memory_space<hbm>> -> memref<1x16384xf32, #tpu.memory_space<hbm>>
    %dma_start3A_2095 = tpu.memref_squeeze %dma_start3A_2094 : memref<1x16384xf32, #tpu.memory_space<hbm>> -> memref<16384xf32, #tpu.memory_space<hbm>>
    tpu.enqueue_dma source(%dma_start3A_2095 : memref<16384xf32, #tpu.memory_space<hbm>>) target(%arg10 : memref<16384xf32, #tpu.memory_space<vmem>>) target_semaphore(%arg12 : memref<!tpu.dma_semaphore, #tpu.memory_space<semaphore_mem>>)
    %dma_wait3A_2096 = arith.constant 16384 : i32
    %dma_wait3A_2097 = tpu.memref_slice %arg2[%add3A_1945, %dma_wait3A_2096] : memref<1024x32768xf32, #tpu.memory_space<hbm>> -> memref<1x16384xf32, #tpu.memory_space<hbm>>
    %dma_wait3A_2098 = tpu.memref_squeeze %dma_wait3A_2097 : memref<1x16384xf32, #tpu.memory_space<hbm>> -> memref<16384xf32, #tpu.memory_space<hbm>>
    %dma_wait3A_2099 = arith.constant 16384 : i32
    %dma_wait3A_2100 = tpu.memref_slice %arg2[%add3A_1945, %dma_wait3A_2099] : memref<1024x32768xf32, #tpu.memory_space<hbm>> -> memref<1x16384xf32, #tpu.memory_space<hbm>>
    %dma_wait3A_2101 = tpu.memref_squeeze %dma_wait3A_2100 : memref<1x16384xf32, #tpu.memory_space<hbm>> -> memref<16384xf32, #tpu.memory_space<hbm>>
    tpu.wait_dma2 semaphore(%arg12 : memref<!tpu.dma_semaphore, #tpu.memory_space<semaphore_mem>>) src(%dma_wait3A_2101 : memref<16384xf32, #tpu.memory_space<hbm>>) dst(%arg11 : memref<16384xf32, #tpu.memory_space<vmem>>)
    %eq3A_2102 = arith.constant 5 : i32
    %eq3A_2103 = vector.broadcast %eq3A_2102 : i32 to vector<16xi32>
    %eq3A_2104 = arith.cmpi eq, %iota3A, %eq3A_2103 : vector<16xi32>
    %ge3A_2105 = arith.constant 16384 : i32
    %ge3A_2106 = vector.broadcast %ge3A_2105 : i32 to vector<16xi32>
    %ge3A_2107 = arith.cmpi sge, %get3A_5, %ge3A_2106 : vector<16xi32>
    %and3A_2108 = arith.andi %eq3A_2104, %ge3A_2107 : vector<16xi1>
    %lt3A_2109 = arith.constant 32768 : i32
    %lt3A_2110 = vector.broadcast %lt3A_2109 : i32 to vector<16xi32>
    %lt3A_2111 = arith.cmpi slt, %get3A_5, %lt3A_2110 : vector<16xi32>
    %and3A_2112 = arith.andi %and3A_2108, %lt3A_2111 : vector<16xi1>
    %sub3A_2113 = arith.constant 16384 : i32
    %sub3A_2114 = vector.broadcast %sub3A_2113 : i32 to vector<16xi32>
    %sub3A_2115 = arith.subi %get3A_5, %sub3A_2114 : vector<16xi32>
    %jit3A_2116 = arith.constant 0 : i32
    %jit3A_2117 = arith.constant 16383 : i32
    %max3A_2118 = vector.broadcast %jit3A_2116 : i32 to vector<16xi32>
    %max3A_2119 = arith.maxsi %max3A_2118, %sub3A_2115 : vector<16xi32>
    %min3A_2120 = vector.broadcast %jit3A_2117 : i32 to vector<16xi32>
    %min3A_2121 = arith.minsi %min3A_2120, %max3A_2119 : vector<16xi32>
    tpu.vector_store_idx %arg11[%min3A_2121], %get3A_9 masked %and3A_2112 {add = true} : memref<16384xf32, #tpu.memory_space<vmem>>[vector<16xi32>], vector<16xf32>, vector<16xi1>
    %add3A_2122 = arith.constant 21 : i32
    %add3A_2123 = arith.addi %mul3A_2, %add3A_2122 : i32
    %dma_start3A_2124 = arith.constant 16384 : i32
    %dma_start3A_2125 = tpu.memref_slice %arg5[%add3A_2123, %dma_start3A_2124] : memref<1024x32768xf32, #tpu.memory_space<hbm>> -> memref<1x16384xf32, #tpu.memory_space<hbm>>
    %dma_start3A_2126 = tpu.memref_squeeze %dma_start3A_2125 : memref<1x16384xf32, #tpu.memory_space<hbm>> -> memref<16384xf32, #tpu.memory_space<hbm>>
    %dma_start3A_2127 = arith.constant 16384 : i32
    %dma_start3A_2128 = tpu.memref_slice %arg5[%add3A_2123, %dma_start3A_2127] : memref<1024x32768xf32, #tpu.memory_space<hbm>> -> memref<1x16384xf32, #tpu.memory_space<hbm>>
    %dma_start3A_2129 = tpu.memref_squeeze %dma_start3A_2128 : memref<1x16384xf32, #tpu.memory_space<hbm>> -> memref<16384xf32, #tpu.memory_space<hbm>>
    tpu.enqueue_dma source(%arg11 : memref<16384xf32, #tpu.memory_space<vmem>>) target(%dma_start3A_2129 : memref<16384xf32, #tpu.memory_space<hbm>>) target_semaphore(%arg13 : memref<!tpu.dma_semaphore, #tpu.memory_space<semaphore_mem>>)
    %dma_wait3A_2130 = arith.constant 16384 : i32
    %dma_wait3A_2131 = tpu.memref_slice %arg5[%add3A_2123, %dma_wait3A_2130] : memref<1024x32768xf32, #tpu.memory_space<hbm>> -> memref<1x16384xf32, #tpu.memory_space<hbm>>
    %dma_wait3A_2132 = tpu.memref_squeeze %dma_wait3A_2131 : memref<1x16384xf32, #tpu.memory_space<hbm>> -> memref<16384xf32, #tpu.memory_space<hbm>>
    %dma_wait3A_2133 = arith.constant 16384 : i32
    %dma_wait3A_2134 = tpu.memref_slice %arg5[%add3A_2123, %dma_wait3A_2133] : memref<1024x32768xf32, #tpu.memory_space<hbm>> -> memref<1x16384xf32, #tpu.memory_space<hbm>>
    %dma_wait3A_2135 = tpu.memref_squeeze %dma_wait3A_2134 : memref<1x16384xf32, #tpu.memory_space<hbm>> -> memref<16384xf32, #tpu.memory_space<hbm>>
    tpu.wait_dma2 semaphore(%arg13 : memref<!tpu.dma_semaphore, #tpu.memory_space<semaphore_mem>>) src(%arg11 : memref<16384xf32, #tpu.memory_space<vmem>>) dst(%dma_wait3A_2135 : memref<16384xf32, #tpu.memory_space<hbm>>)
    %add3A_2136 = arith.constant 23 : i32
    %add3A_2137 = arith.addi %mul3A_2, %add3A_2136 : i32
    %dma_start3A_2138 = arith.constant 16384 : i32
    %dma_start3A_2139 = tpu.memref_slice %arg2[%add3A_2137, %dma_start3A_2138] : memref<1024x32768xf32, #tpu.memory_space<hbm>> -> memref<1x16384xf32, #tpu.memory_space<hbm>>
    %dma_start3A_2140 = tpu.memref_squeeze %dma_start3A_2139 : memref<1x16384xf32, #tpu.memory_space<hbm>> -> memref<16384xf32, #tpu.memory_space<hbm>>
    %dma_start3A_2141 = arith.constant 16384 : i32
    %dma_start3A_2142 = tpu.memref_slice %arg2[%add3A_2137, %dma_start3A_2141] : memref<1024x32768xf32, #tpu.memory_space<hbm>> -> memref<1x16384xf32, #tpu.memory_space<hbm>>
    %dma_start3A_2143 = tpu.memref_squeeze %dma_start3A_2142 : memref<1x16384xf32, #tpu.memory_space<hbm>> -> memref<16384xf32, #tpu.memory_space<hbm>>
    tpu.enqueue_dma source(%dma_start3A_2143 : memref<16384xf32, #tpu.memory_space<hbm>>) target(%arg11 : memref<16384xf32, #tpu.memory_space<vmem>>) target_semaphore(%arg12 : memref<!tpu.dma_semaphore, #tpu.memory_space<semaphore_mem>>)
    %dma_wait3A_2144 = arith.constant 0 : i32
    %dma_wait3A_2145 = tpu.memref_slice %arg2[%add3A_1993, %dma_wait3A_2144] : memref<1024x32768xf32, #tpu.memory_space<hbm>> -> memref<1x16384xf32, #tpu.memory_space<hbm>>
    %dma_wait3A_2146 = tpu.memref_squeeze %dma_wait3A_2145 : memref<1x16384xf32, #tpu.memory_space<hbm>> -> memref<16384xf32, #tpu.memory_space<hbm>>
    %dma_wait3A_2147 = arith.constant 0 : i32
    %dma_wait3A_2148 = tpu.memref_slice %arg2[%add3A_1993, %dma_wait3A_2147] : memref<1024x32768xf32, #tpu.memory_space<hbm>> -> memref<1x16384xf32, #tpu.memory_space<hbm>>
    %dma_wait3A_2149 = tpu.memref_squeeze %dma_wait3A_2148 : memref<1x16384xf32, #tpu.memory_space<hbm>> -> memref<16384xf32, #tpu.memory_space<hbm>>
    tpu.wait_dma2 semaphore(%arg12 : memref<!tpu.dma_semaphore, #tpu.memory_space<semaphore_mem>>) src(%dma_wait3A_2149 : memref<16384xf32, #tpu.memory_space<hbm>>) dst(%arg8 : memref<16384xf32, #tpu.memory_space<vmem>>)
    %eq3A_2150 = arith.constant 6 : i32
    %eq3A_2151 = vector.broadcast %eq3A_2150 : i32 to vector<16xi32>
    %eq3A_2152 = arith.cmpi eq, %iota3A, %eq3A_2151 : vector<16xi32>
    %ge3A_2153 = arith.constant 0 : i32
    %ge3A_2154 = vector.broadcast %ge3A_2153 : i32 to vector<16xi32>
    %ge3A_2155 = arith.cmpi sge, %get3A_5, %ge3A_2154 : vector<16xi32>
    %and3A_2156 = arith.andi %eq3A_2152, %ge3A_2155 : vector<16xi1>
    %lt3A_2157 = arith.constant 16384 : i32
    %lt3A_2158 = vector.broadcast %lt3A_2157 : i32 to vector<16xi32>
    %lt3A_2159 = arith.cmpi slt, %get3A_5, %lt3A_2158 : vector<16xi32>
    %and3A_2160 = arith.andi %and3A_2156, %lt3A_2159 : vector<16xi1>
    %sub3A_2161 = arith.constant 0 : i32
    %sub3A_2162 = vector.broadcast %sub3A_2161 : i32 to vector<16xi32>
    %sub3A_2163 = arith.subi %get3A_5, %sub3A_2162 : vector<16xi32>
    %jit3A_2164 = arith.constant 0 : i32
    %jit3A_2165 = arith.constant 16383 : i32
    %max3A_2166 = vector.broadcast %jit3A_2164 : i32 to vector<16xi32>
    %max3A_2167 = arith.maxsi %max3A_2166, %sub3A_2163 : vector<16xi32>
    %min3A_2168 = vector.broadcast %jit3A_2165 : i32 to vector<16xi32>
    %min3A_2169 = arith.minsi %min3A_2168, %max3A_2167 : vector<16xi32>
    tpu.vector_store_idx %arg8[%min3A_2169], %get3A_9 masked %and3A_2160 {add = true} : memref<16384xf32, #tpu.memory_space<vmem>>[vector<16xi32>], vector<16xf32>, vector<16xi1>
    %add3A_2170 = arith.constant 22 : i32
    %add3A_2171 = arith.addi %mul3A_2, %add3A_2170 : i32
    %dma_start3A_2172 = arith.constant 0 : i32
    %dma_start3A_2173 = tpu.memref_slice %arg5[%add3A_2171, %dma_start3A_2172] : memref<1024x32768xf32, #tpu.memory_space<hbm>> -> memref<1x16384xf32, #tpu.memory_space<hbm>>
    %dma_start3A_2174 = tpu.memref_squeeze %dma_start3A_2173 : memref<1x16384xf32, #tpu.memory_space<hbm>> -> memref<16384xf32, #tpu.memory_space<hbm>>
    %dma_start3A_2175 = arith.constant 0 : i32
    %dma_start3A_2176 = tpu.memref_slice %arg5[%add3A_2171, %dma_start3A_2175] : memref<1024x32768xf32, #tpu.memory_space<hbm>> -> memref<1x16384xf32, #tpu.memory_space<hbm>>
    %dma_start3A_2177 = tpu.memref_squeeze %dma_start3A_2176 : memref<1x16384xf32, #tpu.memory_space<hbm>> -> memref<16384xf32, #tpu.memory_space<hbm>>
    tpu.enqueue_dma source(%arg8 : memref<16384xf32, #tpu.memory_space<vmem>>) target(%dma_start3A_2177 : memref<16384xf32, #tpu.memory_space<hbm>>) target_semaphore(%arg13 : memref<!tpu.dma_semaphore, #tpu.memory_space<semaphore_mem>>)
    %dma_wait3A_2178 = arith.constant 0 : i32
    %dma_wait3A_2179 = tpu.memref_slice %arg5[%add3A_2171, %dma_wait3A_2178] : memref<1024x32768xf32, #tpu.memory_space<hbm>> -> memref<1x16384xf32, #tpu.memory_space<hbm>>
    %dma_wait3A_2180 = tpu.memref_squeeze %dma_wait3A_2179 : memref<1x16384xf32, #tpu.memory_space<hbm>> -> memref<16384xf32, #tpu.memory_space<hbm>>
    %dma_wait3A_2181 = arith.constant 0 : i32
    %dma_wait3A_2182 = tpu.memref_slice %arg5[%add3A_2171, %dma_wait3A_2181] : memref<1024x32768xf32, #tpu.memory_space<hbm>> -> memref<1x16384xf32, #tpu.memory_space<hbm>>
    %dma_wait3A_2183 = tpu.memref_squeeze %dma_wait3A_2182 : memref<1x16384xf32, #tpu.memory_space<hbm>> -> memref<16384xf32, #tpu.memory_space<hbm>>
    tpu.wait_dma2 semaphore(%arg13 : memref<!tpu.dma_semaphore, #tpu.memory_space<semaphore_mem>>) src(%arg8 : memref<16384xf32, #tpu.memory_space<vmem>>) dst(%dma_wait3A_2183 : memref<16384xf32, #tpu.memory_space<hbm>>)
    %add3A_2184 = arith.constant 24 : i32
    %add3A_2185 = arith.addi %mul3A_2, %add3A_2184 : i32
    %dma_start3A_2186 = arith.constant 0 : i32
    %dma_start3A_2187 = tpu.memref_slice %arg2[%add3A_2185, %dma_start3A_2186] : memref<1024x32768xf32, #tpu.memory_space<hbm>> -> memref<1x16384xf32, #tpu.memory_space<hbm>>
    %dma_start3A_2188 = tpu.memref_squeeze %dma_start3A_2187 : memref<1x16384xf32, #tpu.memory_space<hbm>> -> memref<16384xf32, #tpu.memory_space<hbm>>
    %dma_start3A_2189 = arith.constant 0 : i32
    %dma_start3A_2190 = tpu.memref_slice %arg2[%add3A_2185, %dma_start3A_2189] : memref<1024x32768xf32, #tpu.memory_space<hbm>> -> memref<1x16384xf32, #tpu.memory_space<hbm>>
    %dma_start3A_2191 = tpu.memref_squeeze %dma_start3A_2190 : memref<1x16384xf32, #tpu.memory_space<hbm>> -> memref<16384xf32, #tpu.memory_space<hbm>>
    tpu.enqueue_dma source(%dma_start3A_2191 : memref<16384xf32, #tpu.memory_space<hbm>>) target(%arg8 : memref<16384xf32, #tpu.memory_space<vmem>>) target_semaphore(%arg12 : memref<!tpu.dma_semaphore, #tpu.memory_space<semaphore_mem>>)
    %dma_wait3A_2192 = arith.constant 16384 : i32
    %dma_wait3A_2193 = tpu.memref_slice %arg2[%add3A_2041, %dma_wait3A_2192] : memref<1024x32768xf32, #tpu.memory_space<hbm>> -> memref<1x16384xf32, #tpu.memory_space<hbm>>
    %dma_wait3A_2194 = tpu.memref_squeeze %dma_wait3A_2193 : memref<1x16384xf32, #tpu.memory_space<hbm>> -> memref<16384xf32, #tpu.memory_space<hbm>>
    %dma_wait3A_2195 = arith.constant 16384 : i32
    %dma_wait3A_2196 = tpu.memref_slice %arg2[%add3A_2041, %dma_wait3A_2195] : memref<1024x32768xf32, #tpu.memory_space<hbm>> -> memref<1x16384xf32, #tpu.memory_space<hbm>>
    %dma_wait3A_2197 = tpu.memref_squeeze %dma_wait3A_2196 : memref<1x16384xf32, #tpu.memory_space<hbm>> -> memref<16384xf32, #tpu.memory_space<hbm>>
    tpu.wait_dma2 semaphore(%arg12 : memref<!tpu.dma_semaphore, #tpu.memory_space<semaphore_mem>>) src(%dma_wait3A_2197 : memref<16384xf32, #tpu.memory_space<hbm>>) dst(%arg9 : memref<16384xf32, #tpu.memory_space<vmem>>)
    %eq3A_2198 = arith.constant 6 : i32
    %eq3A_2199 = vector.broadcast %eq3A_2198 : i32 to vector<16xi32>
    %eq3A_2200 = arith.cmpi eq, %iota3A, %eq3A_2199 : vector<16xi32>
    %ge3A_2201 = arith.constant 16384 : i32
    %ge3A_2202 = vector.broadcast %ge3A_2201 : i32 to vector<16xi32>
    %ge3A_2203 = arith.cmpi sge, %get3A_5, %ge3A_2202 : vector<16xi32>
    %and3A_2204 = arith.andi %eq3A_2200, %ge3A_2203 : vector<16xi1>
    %lt3A_2205 = arith.constant 32768 : i32
    %lt3A_2206 = vector.broadcast %lt3A_2205 : i32 to vector<16xi32>
    %lt3A_2207 = arith.cmpi slt, %get3A_5, %lt3A_2206 : vector<16xi32>
    %and3A_2208 = arith.andi %and3A_2204, %lt3A_2207 : vector<16xi1>
    %sub3A_2209 = arith.constant 16384 : i32
    %sub3A_2210 = vector.broadcast %sub3A_2209 : i32 to vector<16xi32>
    %sub3A_2211 = arith.subi %get3A_5, %sub3A_2210 : vector<16xi32>
    %jit3A_2212 = arith.constant 0 : i32
    %jit3A_2213 = arith.constant 16383 : i32
    %max3A_2214 = vector.broadcast %jit3A_2212 : i32 to vector<16xi32>
    %max3A_2215 = arith.maxsi %max3A_2214, %sub3A_2211 : vector<16xi32>
    %min3A_2216 = vector.broadcast %jit3A_2213 : i32 to vector<16xi32>
    %min3A_2217 = arith.minsi %min3A_2216, %max3A_2215 : vector<16xi32>
    tpu.vector_store_idx %arg9[%min3A_2217], %get3A_9 masked %and3A_2208 {add = true} : memref<16384xf32, #tpu.memory_space<vmem>>[vector<16xi32>], vector<16xf32>, vector<16xi1>
    %add3A_2218 = arith.constant 22 : i32
    %add3A_2219 = arith.addi %mul3A_2, %add3A_2218 : i32
    %dma_start3A_2220 = arith.constant 16384 : i32
    %dma_start3A_2221 = tpu.memref_slice %arg5[%add3A_2219, %dma_start3A_2220] : memref<1024x32768xf32, #tpu.memory_space<hbm>> -> memref<1x16384xf32, #tpu.memory_space<hbm>>
    %dma_start3A_2222 = tpu.memref_squeeze %dma_start3A_2221 : memref<1x16384xf32, #tpu.memory_space<hbm>> -> memref<16384xf32, #tpu.memory_space<hbm>>
    %dma_start3A_2223 = arith.constant 16384 : i32
    %dma_start3A_2224 = tpu.memref_slice %arg5[%add3A_2219, %dma_start3A_2223] : memref<1024x32768xf32, #tpu.memory_space<hbm>> -> memref<1x16384xf32, #tpu.memory_space<hbm>>
    %dma_start3A_2225 = tpu.memref_squeeze %dma_start3A_2224 : memref<1x16384xf32, #tpu.memory_space<hbm>> -> memref<16384xf32, #tpu.memory_space<hbm>>
    tpu.enqueue_dma source(%arg9 : memref<16384xf32, #tpu.memory_space<vmem>>) target(%dma_start3A_2225 : memref<16384xf32, #tpu.memory_space<hbm>>) target_semaphore(%arg13 : memref<!tpu.dma_semaphore, #tpu.memory_space<semaphore_mem>>)
    %dma_wait3A_2226 = arith.constant 16384 : i32
    %dma_wait3A_2227 = tpu.memref_slice %arg5[%add3A_2219, %dma_wait3A_2226] : memref<1024x32768xf32, #tpu.memory_space<hbm>> -> memref<1x16384xf32, #tpu.memory_space<hbm>>
    %dma_wait3A_2228 = tpu.memref_squeeze %dma_wait3A_2227 : memref<1x16384xf32, #tpu.memory_space<hbm>> -> memref<16384xf32, #tpu.memory_space<hbm>>
    %dma_wait3A_2229 = arith.constant 16384 : i32
    %dma_wait3A_2230 = tpu.memref_slice %arg5[%add3A_2219, %dma_wait3A_2229] : memref<1024x32768xf32, #tpu.memory_space<hbm>> -> memref<1x16384xf32, #tpu.memory_space<hbm>>
    %dma_wait3A_2231 = tpu.memref_squeeze %dma_wait3A_2230 : memref<1x16384xf32, #tpu.memory_space<hbm>> -> memref<16384xf32, #tpu.memory_space<hbm>>
    tpu.wait_dma2 semaphore(%arg13 : memref<!tpu.dma_semaphore, #tpu.memory_space<semaphore_mem>>) src(%arg9 : memref<16384xf32, #tpu.memory_space<vmem>>) dst(%dma_wait3A_2231 : memref<16384xf32, #tpu.memory_space<hbm>>)
    %add3A_2232 = arith.constant 24 : i32
    %add3A_2233 = arith.addi %mul3A_2, %add3A_2232 : i32
    %dma_start3A_2234 = arith.constant 16384 : i32
    %dma_start3A_2235 = tpu.memref_slice %arg2[%add3A_2233, %dma_start3A_2234] : memref<1024x32768xf32, #tpu.memory_space<hbm>> -> memref<1x16384xf32, #tpu.memory_space<hbm>>
    %dma_start3A_2236 = tpu.memref_squeeze %dma_start3A_2235 : memref<1x16384xf32, #tpu.memory_space<hbm>> -> memref<16384xf32, #tpu.memory_space<hbm>>
    %dma_start3A_2237 = arith.constant 16384 : i32
    %dma_start3A_2238 = tpu.memref_slice %arg2[%add3A_2233, %dma_start3A_2237] : memref<1024x32768xf32, #tpu.memory_space<hbm>> -> memref<1x16384xf32, #tpu.memory_space<hbm>>
    %dma_start3A_2239 = tpu.memref_squeeze %dma_start3A_2238 : memref<1x16384xf32, #tpu.memory_space<hbm>> -> memref<16384xf32, #tpu.memory_space<hbm>>
    tpu.enqueue_dma source(%dma_start3A_2239 : memref<16384xf32, #tpu.memory_space<hbm>>) target(%arg9 : memref<16384xf32, #tpu.memory_space<vmem>>) target_semaphore(%arg12 : memref<!tpu.dma_semaphore, #tpu.memory_space<semaphore_mem>>)
    %dma_wait3A_2240 = arith.constant 0 : i32
    %dma_wait3A_2241 = tpu.memref_slice %arg2[%add3A_2089, %dma_wait3A_2240] : memref<1024x32768xf32, #tpu.memory_space<hbm>> -> memref<1x16384xf32, #tpu.memory_space<hbm>>
    %dma_wait3A_2242 = tpu.memref_squeeze %dma_wait3A_2241 : memref<1x16384xf32, #tpu.memory_space<hbm>> -> memref<16384xf32, #tpu.memory_space<hbm>>
    %dma_wait3A_2243 = arith.constant 0 : i32
    %dma_wait3A_2244 = tpu.memref_slice %arg2[%add3A_2089, %dma_wait3A_2243] : memref<1024x32768xf32, #tpu.memory_space<hbm>> -> memref<1x16384xf32, #tpu.memory_space<hbm>>
    %dma_wait3A_2245 = tpu.memref_squeeze %dma_wait3A_2244 : memref<1x16384xf32, #tpu.memory_space<hbm>> -> memref<16384xf32, #tpu.memory_space<hbm>>
    tpu.wait_dma2 semaphore(%arg12 : memref<!tpu.dma_semaphore, #tpu.memory_space<semaphore_mem>>) src(%dma_wait3A_2245 : memref<16384xf32, #tpu.memory_space<hbm>>) dst(%arg10 : memref<16384xf32, #tpu.memory_space<vmem>>)
    %eq3A_2246 = arith.constant 7 : i32
    %eq3A_2247 = vector.broadcast %eq3A_2246 : i32 to vector<16xi32>
    %eq3A_2248 = arith.cmpi eq, %iota3A, %eq3A_2247 : vector<16xi32>
    %ge3A_2249 = arith.constant 0 : i32
    %ge3A_2250 = vector.broadcast %ge3A_2249 : i32 to vector<16xi32>
    %ge3A_2251 = arith.cmpi sge, %get3A_5, %ge3A_2250 : vector<16xi32>
    %and3A_2252 = arith.andi %eq3A_2248, %ge3A_2251 : vector<16xi1>
    %lt3A_2253 = arith.constant 16384 : i32
    %lt3A_2254 = vector.broadcast %lt3A_2253 : i32 to vector<16xi32>
    %lt3A_2255 = arith.cmpi slt, %get3A_5, %lt3A_2254 : vector<16xi32>
    %and3A_2256 = arith.andi %and3A_2252, %lt3A_2255 : vector<16xi1>
    %sub3A_2257 = arith.constant 0 : i32
    %sub3A_2258 = vector.broadcast %sub3A_2257 : i32 to vector<16xi32>
    %sub3A_2259 = arith.subi %get3A_5, %sub3A_2258 : vector<16xi32>
    %jit3A_2260 = arith.constant 0 : i32
    %jit3A_2261 = arith.constant 16383 : i32
    %max3A_2262 = vector.broadcast %jit3A_2260 : i32 to vector<16xi32>
    %max3A_2263 = arith.maxsi %max3A_2262, %sub3A_2259 : vector<16xi32>
    %min3A_2264 = vector.broadcast %jit3A_2261 : i32 to vector<16xi32>
    %min3A_2265 = arith.minsi %min3A_2264, %max3A_2263 : vector<16xi32>
    tpu.vector_store_idx %arg10[%min3A_2265], %get3A_9 masked %and3A_2256 {add = true} : memref<16384xf32, #tpu.memory_space<vmem>>[vector<16xi32>], vector<16xf32>, vector<16xi1>
    %add3A_2266 = arith.constant 23 : i32
    %add3A_2267 = arith.addi %mul3A_2, %add3A_2266 : i32
    %dma_start3A_2268 = arith.constant 0 : i32
    %dma_start3A_2269 = tpu.memref_slice %arg5[%add3A_2267, %dma_start3A_2268] : memref<1024x32768xf32, #tpu.memory_space<hbm>> -> memref<1x16384xf32, #tpu.memory_space<hbm>>
    %dma_start3A_2270 = tpu.memref_squeeze %dma_start3A_2269 : memref<1x16384xf32, #tpu.memory_space<hbm>> -> memref<16384xf32, #tpu.memory_space<hbm>>
    %dma_start3A_2271 = arith.constant 0 : i32
    %dma_start3A_2272 = tpu.memref_slice %arg5[%add3A_2267, %dma_start3A_2271] : memref<1024x32768xf32, #tpu.memory_space<hbm>> -> memref<1x16384xf32, #tpu.memory_space<hbm>>
    %dma_start3A_2273 = tpu.memref_squeeze %dma_start3A_2272 : memref<1x16384xf32, #tpu.memory_space<hbm>> -> memref<16384xf32, #tpu.memory_space<hbm>>
    tpu.enqueue_dma source(%arg10 : memref<16384xf32, #tpu.memory_space<vmem>>) target(%dma_start3A_2273 : memref<16384xf32, #tpu.memory_space<hbm>>) target_semaphore(%arg13 : memref<!tpu.dma_semaphore, #tpu.memory_space<semaphore_mem>>)
    %dma_wait3A_2274 = arith.constant 0 : i32
    %dma_wait3A_2275 = tpu.memref_slice %arg5[%add3A_2267, %dma_wait3A_2274] : memref<1024x32768xf32, #tpu.memory_space<hbm>> -> memref<1x16384xf32, #tpu.memory_space<hbm>>
    %dma_wait3A_2276 = tpu.memref_squeeze %dma_wait3A_2275 : memref<1x16384xf32, #tpu.memory_space<hbm>> -> memref<16384xf32, #tpu.memory_space<hbm>>
    %dma_wait3A_2277 = arith.constant 0 : i32
    %dma_wait3A_2278 = tpu.memref_slice %arg5[%add3A_2267, %dma_wait3A_2277] : memref<1024x32768xf32, #tpu.memory_space<hbm>> -> memref<1x16384xf32, #tpu.memory_space<hbm>>
    %dma_wait3A_2279 = tpu.memref_squeeze %dma_wait3A_2278 : memref<1x16384xf32, #tpu.memory_space<hbm>> -> memref<16384xf32, #tpu.memory_space<hbm>>
    tpu.wait_dma2 semaphore(%arg13 : memref<!tpu.dma_semaphore, #tpu.memory_space<semaphore_mem>>) src(%arg10 : memref<16384xf32, #tpu.memory_space<vmem>>) dst(%dma_wait3A_2279 : memref<16384xf32, #tpu.memory_space<hbm>>)
    %add3A_2280 = arith.constant 25 : i32
    %add3A_2281 = arith.addi %mul3A_2, %add3A_2280 : i32
    %dma_start3A_2282 = arith.constant 0 : i32
    %dma_start3A_2283 = tpu.memref_slice %arg2[%add3A_2281, %dma_start3A_2282] : memref<1024x32768xf32, #tpu.memory_space<hbm>> -> memref<1x16384xf32, #tpu.memory_space<hbm>>
    %dma_start3A_2284 = tpu.memref_squeeze %dma_start3A_2283 : memref<1x16384xf32, #tpu.memory_space<hbm>> -> memref<16384xf32, #tpu.memory_space<hbm>>
    %dma_start3A_2285 = arith.constant 0 : i32
    %dma_start3A_2286 = tpu.memref_slice %arg2[%add3A_2281, %dma_start3A_2285] : memref<1024x32768xf32, #tpu.memory_space<hbm>> -> memref<1x16384xf32, #tpu.memory_space<hbm>>
    %dma_start3A_2287 = tpu.memref_squeeze %dma_start3A_2286 : memref<1x16384xf32, #tpu.memory_space<hbm>> -> memref<16384xf32, #tpu.memory_space<hbm>>
    tpu.enqueue_dma source(%dma_start3A_2287 : memref<16384xf32, #tpu.memory_space<hbm>>) target(%arg10 : memref<16384xf32, #tpu.memory_space<vmem>>) target_semaphore(%arg12 : memref<!tpu.dma_semaphore, #tpu.memory_space<semaphore_mem>>)
    %dma_wait3A_2288 = arith.constant 16384 : i32
    %dma_wait3A_2289 = tpu.memref_slice %arg2[%add3A_2137, %dma_wait3A_2288] : memref<1024x32768xf32, #tpu.memory_space<hbm>> -> memref<1x16384xf32, #tpu.memory_space<hbm>>
    %dma_wait3A_2290 = tpu.memref_squeeze %dma_wait3A_2289 : memref<1x16384xf32, #tpu.memory_space<hbm>> -> memref<16384xf32, #tpu.memory_space<hbm>>
    %dma_wait3A_2291 = arith.constant 16384 : i32
    %dma_wait3A_2292 = tpu.memref_slice %arg2[%add3A_2137, %dma_wait3A_2291] : memref<1024x32768xf32, #tpu.memory_space<hbm>> -> memref<1x16384xf32, #tpu.memory_space<hbm>>
    %dma_wait3A_2293 = tpu.memref_squeeze %dma_wait3A_2292 : memref<1x16384xf32, #tpu.memory_space<hbm>> -> memref<16384xf32, #tpu.memory_space<hbm>>
    tpu.wait_dma2 semaphore(%arg12 : memref<!tpu.dma_semaphore, #tpu.memory_space<semaphore_mem>>) src(%dma_wait3A_2293 : memref<16384xf32, #tpu.memory_space<hbm>>) dst(%arg11 : memref<16384xf32, #tpu.memory_space<vmem>>)
    %eq3A_2294 = arith.constant 7 : i32
    %eq3A_2295 = vector.broadcast %eq3A_2294 : i32 to vector<16xi32>
    %eq3A_2296 = arith.cmpi eq, %iota3A, %eq3A_2295 : vector<16xi32>
    %ge3A_2297 = arith.constant 16384 : i32
    %ge3A_2298 = vector.broadcast %ge3A_2297 : i32 to vector<16xi32>
    %ge3A_2299 = arith.cmpi sge, %get3A_5, %ge3A_2298 : vector<16xi32>
    %and3A_2300 = arith.andi %eq3A_2296, %ge3A_2299 : vector<16xi1>
    %lt3A_2301 = arith.constant 32768 : i32
    %lt3A_2302 = vector.broadcast %lt3A_2301 : i32 to vector<16xi32>
    %lt3A_2303 = arith.cmpi slt, %get3A_5, %lt3A_2302 : vector<16xi32>
    %and3A_2304 = arith.andi %and3A_2300, %lt3A_2303 : vector<16xi1>
    %sub3A_2305 = arith.constant 16384 : i32
    %sub3A_2306 = vector.broadcast %sub3A_2305 : i32 to vector<16xi32>
    %sub3A_2307 = arith.subi %get3A_5, %sub3A_2306 : vector<16xi32>
    %jit3A_2308 = arith.constant 0 : i32
    %jit3A_2309 = arith.constant 16383 : i32
    %max3A_2310 = vector.broadcast %jit3A_2308 : i32 to vector<16xi32>
    %max3A_2311 = arith.maxsi %max3A_2310, %sub3A_2307 : vector<16xi32>
    %min3A_2312 = vector.broadcast %jit3A_2309 : i32 to vector<16xi32>
    %min3A_2313 = arith.minsi %min3A_2312, %max3A_2311 : vector<16xi32>
    tpu.vector_store_idx %arg11[%min3A_2313], %get3A_9 masked %and3A_2304 {add = true} : memref<16384xf32, #tpu.memory_space<vmem>>[vector<16xi32>], vector<16xf32>, vector<16xi1>
    %add3A_2314 = arith.constant 23 : i32
    %add3A_2315 = arith.addi %mul3A_2, %add3A_2314 : i32
    %dma_start3A_2316 = arith.constant 16384 : i32
    %dma_start3A_2317 = tpu.memref_slice %arg5[%add3A_2315, %dma_start3A_2316] : memref<1024x32768xf32, #tpu.memory_space<hbm>> -> memref<1x16384xf32, #tpu.memory_space<hbm>>
    %dma_start3A_2318 = tpu.memref_squeeze %dma_start3A_2317 : memref<1x16384xf32, #tpu.memory_space<hbm>> -> memref<16384xf32, #tpu.memory_space<hbm>>
    %dma_start3A_2319 = arith.constant 16384 : i32
    %dma_start3A_2320 = tpu.memref_slice %arg5[%add3A_2315, %dma_start3A_2319] : memref<1024x32768xf32, #tpu.memory_space<hbm>> -> memref<1x16384xf32, #tpu.memory_space<hbm>>
    %dma_start3A_2321 = tpu.memref_squeeze %dma_start3A_2320 : memref<1x16384xf32, #tpu.memory_space<hbm>> -> memref<16384xf32, #tpu.memory_space<hbm>>
    tpu.enqueue_dma source(%arg11 : memref<16384xf32, #tpu.memory_space<vmem>>) target(%dma_start3A_2321 : memref<16384xf32, #tpu.memory_space<hbm>>) target_semaphore(%arg13 : memref<!tpu.dma_semaphore, #tpu.memory_space<semaphore_mem>>)
    %dma_wait3A_2322 = arith.constant 16384 : i32
    %dma_wait3A_2323 = tpu.memref_slice %arg5[%add3A_2315, %dma_wait3A_2322] : memref<1024x32768xf32, #tpu.memory_space<hbm>> -> memref<1x16384xf32, #tpu.memory_space<hbm>>
    %dma_wait3A_2324 = tpu.memref_squeeze %dma_wait3A_2323 : memref<1x16384xf32, #tpu.memory_space<hbm>> -> memref<16384xf32, #tpu.memory_space<hbm>>
    %dma_wait3A_2325 = arith.constant 16384 : i32
    %dma_wait3A_2326 = tpu.memref_slice %arg5[%add3A_2315, %dma_wait3A_2325] : memref<1024x32768xf32, #tpu.memory_space<hbm>> -> memref<1x16384xf32, #tpu.memory_space<hbm>>
    %dma_wait3A_2327 = tpu.memref_squeeze %dma_wait3A_2326 : memref<1x16384xf32, #tpu.memory_space<hbm>> -> memref<16384xf32, #tpu.memory_space<hbm>>
    tpu.wait_dma2 semaphore(%arg13 : memref<!tpu.dma_semaphore, #tpu.memory_space<semaphore_mem>>) src(%arg11 : memref<16384xf32, #tpu.memory_space<vmem>>) dst(%dma_wait3A_2327 : memref<16384xf32, #tpu.memory_space<hbm>>)
    %add3A_2328 = arith.constant 25 : i32
    %add3A_2329 = arith.addi %mul3A_2, %add3A_2328 : i32
    %dma_start3A_2330 = arith.constant 16384 : i32
    %dma_start3A_2331 = tpu.memref_slice %arg2[%add3A_2329, %dma_start3A_2330] : memref<1024x32768xf32, #tpu.memory_space<hbm>> -> memref<1x16384xf32, #tpu.memory_space<hbm>>
    %dma_start3A_2332 = tpu.memref_squeeze %dma_start3A_2331 : memref<1x16384xf32, #tpu.memory_space<hbm>> -> memref<16384xf32, #tpu.memory_space<hbm>>
    %dma_start3A_2333 = arith.constant 16384 : i32
    %dma_start3A_2334 = tpu.memref_slice %arg2[%add3A_2329, %dma_start3A_2333] : memref<1024x32768xf32, #tpu.memory_space<hbm>> -> memref<1x16384xf32, #tpu.memory_space<hbm>>
    %dma_start3A_2335 = tpu.memref_squeeze %dma_start3A_2334 : memref<1x16384xf32, #tpu.memory_space<hbm>> -> memref<16384xf32, #tpu.memory_space<hbm>>
    tpu.enqueue_dma source(%dma_start3A_2335 : memref<16384xf32, #tpu.memory_space<hbm>>) target(%arg11 : memref<16384xf32, #tpu.memory_space<vmem>>) target_semaphore(%arg12 : memref<!tpu.dma_semaphore, #tpu.memory_space<semaphore_mem>>)
    %dma_wait3A_2336 = arith.constant 0 : i32
    %dma_wait3A_2337 = tpu.memref_slice %arg2[%add3A_2185, %dma_wait3A_2336] : memref<1024x32768xf32, #tpu.memory_space<hbm>> -> memref<1x16384xf32, #tpu.memory_space<hbm>>
    %dma_wait3A_2338 = tpu.memref_squeeze %dma_wait3A_2337 : memref<1x16384xf32, #tpu.memory_space<hbm>> -> memref<16384xf32, #tpu.memory_space<hbm>>
    %dma_wait3A_2339 = arith.constant 0 : i32
    %dma_wait3A_2340 = tpu.memref_slice %arg2[%add3A_2185, %dma_wait3A_2339] : memref<1024x32768xf32, #tpu.memory_space<hbm>> -> memref<1x16384xf32, #tpu.memory_space<hbm>>
    %dma_wait3A_2341 = tpu.memref_squeeze %dma_wait3A_2340 : memref<1x16384xf32, #tpu.memory_space<hbm>> -> memref<16384xf32, #tpu.memory_space<hbm>>
    tpu.wait_dma2 semaphore(%arg12 : memref<!tpu.dma_semaphore, #tpu.memory_space<semaphore_mem>>) src(%dma_wait3A_2341 : memref<16384xf32, #tpu.memory_space<hbm>>) dst(%arg8 : memref<16384xf32, #tpu.memory_space<vmem>>)
    %eq3A_2342 = arith.constant 8 : i32
    %eq3A_2343 = vector.broadcast %eq3A_2342 : i32 to vector<16xi32>
    %eq3A_2344 = arith.cmpi eq, %iota3A, %eq3A_2343 : vector<16xi32>
    %ge3A_2345 = arith.constant 0 : i32
    %ge3A_2346 = vector.broadcast %ge3A_2345 : i32 to vector<16xi32>
    %ge3A_2347 = arith.cmpi sge, %get3A_5, %ge3A_2346 : vector<16xi32>
    %and3A_2348 = arith.andi %eq3A_2344, %ge3A_2347 : vector<16xi1>
    %lt3A_2349 = arith.constant 16384 : i32
    %lt3A_2350 = vector.broadcast %lt3A_2349 : i32 to vector<16xi32>
    %lt3A_2351 = arith.cmpi slt, %get3A_5, %lt3A_2350 : vector<16xi32>
    %and3A_2352 = arith.andi %and3A_2348, %lt3A_2351 : vector<16xi1>
    %sub3A_2353 = arith.constant 0 : i32
    %sub3A_2354 = vector.broadcast %sub3A_2353 : i32 to vector<16xi32>
    %sub3A_2355 = arith.subi %get3A_5, %sub3A_2354 : vector<16xi32>
    %jit3A_2356 = arith.constant 0 : i32
    %jit3A_2357 = arith.constant 16383 : i32
    %max3A_2358 = vector.broadcast %jit3A_2356 : i32 to vector<16xi32>
    %max3A_2359 = arith.maxsi %max3A_2358, %sub3A_2355 : vector<16xi32>
    %min3A_2360 = vector.broadcast %jit3A_2357 : i32 to vector<16xi32>
    %min3A_2361 = arith.minsi %min3A_2360, %max3A_2359 : vector<16xi32>
    tpu.vector_store_idx %arg8[%min3A_2361], %get3A_9 masked %and3A_2352 {add = true} : memref<16384xf32, #tpu.memory_space<vmem>>[vector<16xi32>], vector<16xf32>, vector<16xi1>
    %add3A_2362 = arith.constant 24 : i32
    %add3A_2363 = arith.addi %mul3A_2, %add3A_2362 : i32
    %dma_start3A_2364 = arith.constant 0 : i32
    %dma_start3A_2365 = tpu.memref_slice %arg5[%add3A_2363, %dma_start3A_2364] : memref<1024x32768xf32, #tpu.memory_space<hbm>> -> memref<1x16384xf32, #tpu.memory_space<hbm>>
    %dma_start3A_2366 = tpu.memref_squeeze %dma_start3A_2365 : memref<1x16384xf32, #tpu.memory_space<hbm>> -> memref<16384xf32, #tpu.memory_space<hbm>>
    %dma_start3A_2367 = arith.constant 0 : i32
    %dma_start3A_2368 = tpu.memref_slice %arg5[%add3A_2363, %dma_start3A_2367] : memref<1024x32768xf32, #tpu.memory_space<hbm>> -> memref<1x16384xf32, #tpu.memory_space<hbm>>
    %dma_start3A_2369 = tpu.memref_squeeze %dma_start3A_2368 : memref<1x16384xf32, #tpu.memory_space<hbm>> -> memref<16384xf32, #tpu.memory_space<hbm>>
    tpu.enqueue_dma source(%arg8 : memref<16384xf32, #tpu.memory_space<vmem>>) target(%dma_start3A_2369 : memref<16384xf32, #tpu.memory_space<hbm>>) target_semaphore(%arg13 : memref<!tpu.dma_semaphore, #tpu.memory_space<semaphore_mem>>)
    %dma_wait3A_2370 = arith.constant 0 : i32
    %dma_wait3A_2371 = tpu.memref_slice %arg5[%add3A_2363, %dma_wait3A_2370] : memref<1024x32768xf32, #tpu.memory_space<hbm>> -> memref<1x16384xf32, #tpu.memory_space<hbm>>
    %dma_wait3A_2372 = tpu.memref_squeeze %dma_wait3A_2371 : memref<1x16384xf32, #tpu.memory_space<hbm>> -> memref<16384xf32, #tpu.memory_space<hbm>>
    %dma_wait3A_2373 = arith.constant 0 : i32
    %dma_wait3A_2374 = tpu.memref_slice %arg5[%add3A_2363, %dma_wait3A_2373] : memref<1024x32768xf32, #tpu.memory_space<hbm>> -> memref<1x16384xf32, #tpu.memory_space<hbm>>
    %dma_wait3A_2375 = tpu.memref_squeeze %dma_wait3A_2374 : memref<1x16384xf32, #tpu.memory_space<hbm>> -> memref<16384xf32, #tpu.memory_space<hbm>>
    tpu.wait_dma2 semaphore(%arg13 : memref<!tpu.dma_semaphore, #tpu.memory_space<semaphore_mem>>) src(%arg8 : memref<16384xf32, #tpu.memory_space<vmem>>) dst(%dma_wait3A_2375 : memref<16384xf32, #tpu.memory_space<hbm>>)
    %add3A_2376 = arith.constant 26 : i32
    %add3A_2377 = arith.addi %mul3A_2, %add3A_2376 : i32
    %dma_start3A_2378 = arith.constant 0 : i32
    %dma_start3A_2379 = tpu.memref_slice %arg2[%add3A_2377, %dma_start3A_2378] : memref<1024x32768xf32, #tpu.memory_space<hbm>> -> memref<1x16384xf32, #tpu.memory_space<hbm>>
    %dma_start3A_2380 = tpu.memref_squeeze %dma_start3A_2379 : memref<1x16384xf32, #tpu.memory_space<hbm>> -> memref<16384xf32, #tpu.memory_space<hbm>>
    %dma_start3A_2381 = arith.constant 0 : i32
    %dma_start3A_2382 = tpu.memref_slice %arg2[%add3A_2377, %dma_start3A_2381] : memref<1024x32768xf32, #tpu.memory_space<hbm>> -> memref<1x16384xf32, #tpu.memory_space<hbm>>
    %dma_start3A_2383 = tpu.memref_squeeze %dma_start3A_2382 : memref<1x16384xf32, #tpu.memory_space<hbm>> -> memref<16384xf32, #tpu.memory_space<hbm>>
    tpu.enqueue_dma source(%dma_start3A_2383 : memref<16384xf32, #tpu.memory_space<hbm>>) target(%arg8 : memref<16384xf32, #tpu.memory_space<vmem>>) target_semaphore(%arg12 : memref<!tpu.dma_semaphore, #tpu.memory_space<semaphore_mem>>)
    %dma_wait3A_2384 = arith.constant 16384 : i32
    %dma_wait3A_2385 = tpu.memref_slice %arg2[%add3A_2233, %dma_wait3A_2384] : memref<1024x32768xf32, #tpu.memory_space<hbm>> -> memref<1x16384xf32, #tpu.memory_space<hbm>>
    %dma_wait3A_2386 = tpu.memref_squeeze %dma_wait3A_2385 : memref<1x16384xf32, #tpu.memory_space<hbm>> -> memref<16384xf32, #tpu.memory_space<hbm>>
    %dma_wait3A_2387 = arith.constant 16384 : i32
    %dma_wait3A_2388 = tpu.memref_slice %arg2[%add3A_2233, %dma_wait3A_2387] : memref<1024x32768xf32, #tpu.memory_space<hbm>> -> memref<1x16384xf32, #tpu.memory_space<hbm>>
    %dma_wait3A_2389 = tpu.memref_squeeze %dma_wait3A_2388 : memref<1x16384xf32, #tpu.memory_space<hbm>> -> memref<16384xf32, #tpu.memory_space<hbm>>
    tpu.wait_dma2 semaphore(%arg12 : memref<!tpu.dma_semaphore, #tpu.memory_space<semaphore_mem>>) src(%dma_wait3A_2389 : memref<16384xf32, #tpu.memory_space<hbm>>) dst(%arg9 : memref<16384xf32, #tpu.memory_space<vmem>>)
    %eq3A_2390 = arith.constant 8 : i32
    %eq3A_2391 = vector.broadcast %eq3A_2390 : i32 to vector<16xi32>
    %eq3A_2392 = arith.cmpi eq, %iota3A, %eq3A_2391 : vector<16xi32>
    %ge3A_2393 = arith.constant 16384 : i32
    %ge3A_2394 = vector.broadcast %ge3A_2393 : i32 to vector<16xi32>
    %ge3A_2395 = arith.cmpi sge, %get3A_5, %ge3A_2394 : vector<16xi32>
    %and3A_2396 = arith.andi %eq3A_2392, %ge3A_2395 : vector<16xi1>
    %lt3A_2397 = arith.constant 32768 : i32
    %lt3A_2398 = vector.broadcast %lt3A_2397 : i32 to vector<16xi32>
    %lt3A_2399 = arith.cmpi slt, %get3A_5, %lt3A_2398 : vector<16xi32>
    %and3A_2400 = arith.andi %and3A_2396, %lt3A_2399 : vector<16xi1>
    %sub3A_2401 = arith.constant 16384 : i32
    %sub3A_2402 = vector.broadcast %sub3A_2401 : i32 to vector<16xi32>
    %sub3A_2403 = arith.subi %get3A_5, %sub3A_2402 : vector<16xi32>
    %jit3A_2404 = arith.constant 0 : i32
    %jit3A_2405 = arith.constant 16383 : i32
    %max3A_2406 = vector.broadcast %jit3A_2404 : i32 to vector<16xi32>
    %max3A_2407 = arith.maxsi %max3A_2406, %sub3A_2403 : vector<16xi32>
    %min3A_2408 = vector.broadcast %jit3A_2405 : i32 to vector<16xi32>
    %min3A_2409 = arith.minsi %min3A_2408, %max3A_2407 : vector<16xi32>
    tpu.vector_store_idx %arg9[%min3A_2409], %get3A_9 masked %and3A_2400 {add = true} : memref<16384xf32, #tpu.memory_space<vmem>>[vector<16xi32>], vector<16xf32>, vector<16xi1>
    %add3A_2410 = arith.constant 24 : i32
    %add3A_2411 = arith.addi %mul3A_2, %add3A_2410 : i32
    %dma_start3A_2412 = arith.constant 16384 : i32
    %dma_start3A_2413 = tpu.memref_slice %arg5[%add3A_2411, %dma_start3A_2412] : memref<1024x32768xf32, #tpu.memory_space<hbm>> -> memref<1x16384xf32, #tpu.memory_space<hbm>>
    %dma_start3A_2414 = tpu.memref_squeeze %dma_start3A_2413 : memref<1x16384xf32, #tpu.memory_space<hbm>> -> memref<16384xf32, #tpu.memory_space<hbm>>
    %dma_start3A_2415 = arith.constant 16384 : i32
    %dma_start3A_2416 = tpu.memref_slice %arg5[%add3A_2411, %dma_start3A_2415] : memref<1024x32768xf32, #tpu.memory_space<hbm>> -> memref<1x16384xf32, #tpu.memory_space<hbm>>
    %dma_start3A_2417 = tpu.memref_squeeze %dma_start3A_2416 : memref<1x16384xf32, #tpu.memory_space<hbm>> -> memref<16384xf32, #tpu.memory_space<hbm>>
    tpu.enqueue_dma source(%arg9 : memref<16384xf32, #tpu.memory_space<vmem>>) target(%dma_start3A_2417 : memref<16384xf32, #tpu.memory_space<hbm>>) target_semaphore(%arg13 : memref<!tpu.dma_semaphore, #tpu.memory_space<semaphore_mem>>)
    %dma_wait3A_2418 = arith.constant 16384 : i32
    %dma_wait3A_2419 = tpu.memref_slice %arg5[%add3A_2411, %dma_wait3A_2418] : memref<1024x32768xf32, #tpu.memory_space<hbm>> -> memref<1x16384xf32, #tpu.memory_space<hbm>>
    %dma_wait3A_2420 = tpu.memref_squeeze %dma_wait3A_2419 : memref<1x16384xf32, #tpu.memory_space<hbm>> -> memref<16384xf32, #tpu.memory_space<hbm>>
    %dma_wait3A_2421 = arith.constant 16384 : i32
    %dma_wait3A_2422 = tpu.memref_slice %arg5[%add3A_2411, %dma_wait3A_2421] : memref<1024x32768xf32, #tpu.memory_space<hbm>> -> memref<1x16384xf32, #tpu.memory_space<hbm>>
    %dma_wait3A_2423 = tpu.memref_squeeze %dma_wait3A_2422 : memref<1x16384xf32, #tpu.memory_space<hbm>> -> memref<16384xf32, #tpu.memory_space<hbm>>
    tpu.wait_dma2 semaphore(%arg13 : memref<!tpu.dma_semaphore, #tpu.memory_space<semaphore_mem>>) src(%arg9 : memref<16384xf32, #tpu.memory_space<vmem>>) dst(%dma_wait3A_2423 : memref<16384xf32, #tpu.memory_space<hbm>>)
    %add3A_2424 = arith.constant 26 : i32
    %add3A_2425 = arith.addi %mul3A_2, %add3A_2424 : i32
    %dma_start3A_2426 = arith.constant 16384 : i32
    %dma_start3A_2427 = tpu.memref_slice %arg2[%add3A_2425, %dma_start3A_2426] : memref<1024x32768xf32, #tpu.memory_space<hbm>> -> memref<1x16384xf32, #tpu.memory_space<hbm>>
    %dma_start3A_2428 = tpu.memref_squeeze %dma_start3A_2427 : memref<1x16384xf32, #tpu.memory_space<hbm>> -> memref<16384xf32, #tpu.memory_space<hbm>>
    %dma_start3A_2429 = arith.constant 16384 : i32
    %dma_start3A_2430 = tpu.memref_slice %arg2[%add3A_2425, %dma_start3A_2429] : memref<1024x32768xf32, #tpu.memory_space<hbm>> -> memref<1x16384xf32, #tpu.memory_space<hbm>>
    %dma_start3A_2431 = tpu.memref_squeeze %dma_start3A_2430 : memref<1x16384xf32, #tpu.memory_space<hbm>> -> memref<16384xf32, #tpu.memory_space<hbm>>
    tpu.enqueue_dma source(%dma_start3A_2431 : memref<16384xf32, #tpu.memory_space<hbm>>) target(%arg9 : memref<16384xf32, #tpu.memory_space<vmem>>) target_semaphore(%arg12 : memref<!tpu.dma_semaphore, #tpu.memory_space<semaphore_mem>>)
    %dma_wait3A_2432 = arith.constant 0 : i32
    %dma_wait3A_2433 = tpu.memref_slice %arg2[%add3A_2281, %dma_wait3A_2432] : memref<1024x32768xf32, #tpu.memory_space<hbm>> -> memref<1x16384xf32, #tpu.memory_space<hbm>>
    %dma_wait3A_2434 = tpu.memref_squeeze %dma_wait3A_2433 : memref<1x16384xf32, #tpu.memory_space<hbm>> -> memref<16384xf32, #tpu.memory_space<hbm>>
    %dma_wait3A_2435 = arith.constant 0 : i32
    %dma_wait3A_2436 = tpu.memref_slice %arg2[%add3A_2281, %dma_wait3A_2435] : memref<1024x32768xf32, #tpu.memory_space<hbm>> -> memref<1x16384xf32, #tpu.memory_space<hbm>>
    %dma_wait3A_2437 = tpu.memref_squeeze %dma_wait3A_2436 : memref<1x16384xf32, #tpu.memory_space<hbm>> -> memref<16384xf32, #tpu.memory_space<hbm>>
    tpu.wait_dma2 semaphore(%arg12 : memref<!tpu.dma_semaphore, #tpu.memory_space<semaphore_mem>>) src(%dma_wait3A_2437 : memref<16384xf32, #tpu.memory_space<hbm>>) dst(%arg10 : memref<16384xf32, #tpu.memory_space<vmem>>)
    %eq3A_2438 = arith.constant 9 : i32
    %eq3A_2439 = vector.broadcast %eq3A_2438 : i32 to vector<16xi32>
    %eq3A_2440 = arith.cmpi eq, %iota3A, %eq3A_2439 : vector<16xi32>
    %ge3A_2441 = arith.constant 0 : i32
    %ge3A_2442 = vector.broadcast %ge3A_2441 : i32 to vector<16xi32>
    %ge3A_2443 = arith.cmpi sge, %get3A_5, %ge3A_2442 : vector<16xi32>
    %and3A_2444 = arith.andi %eq3A_2440, %ge3A_2443 : vector<16xi1>
    %lt3A_2445 = arith.constant 16384 : i32
    %lt3A_2446 = vector.broadcast %lt3A_2445 : i32 to vector<16xi32>
    %lt3A_2447 = arith.cmpi slt, %get3A_5, %lt3A_2446 : vector<16xi32>
    %and3A_2448 = arith.andi %and3A_2444, %lt3A_2447 : vector<16xi1>
    %sub3A_2449 = arith.constant 0 : i32
    %sub3A_2450 = vector.broadcast %sub3A_2449 : i32 to vector<16xi32>
    %sub3A_2451 = arith.subi %get3A_5, %sub3A_2450 : vector<16xi32>
    %jit3A_2452 = arith.constant 0 : i32
    %jit3A_2453 = arith.constant 16383 : i32
    %max3A_2454 = vector.broadcast %jit3A_2452 : i32 to vector<16xi32>
    %max3A_2455 = arith.maxsi %max3A_2454, %sub3A_2451 : vector<16xi32>
    %min3A_2456 = vector.broadcast %jit3A_2453 : i32 to vector<16xi32>
    %min3A_2457 = arith.minsi %min3A_2456, %max3A_2455 : vector<16xi32>
    tpu.vector_store_idx %arg10[%min3A_2457], %get3A_9 masked %and3A_2448 {add = true} : memref<16384xf32, #tpu.memory_space<vmem>>[vector<16xi32>], vector<16xf32>, vector<16xi1>
    %add3A_2458 = arith.constant 25 : i32
    %add3A_2459 = arith.addi %mul3A_2, %add3A_2458 : i32
    %dma_start3A_2460 = arith.constant 0 : i32
    %dma_start3A_2461 = tpu.memref_slice %arg5[%add3A_2459, %dma_start3A_2460] : memref<1024x32768xf32, #tpu.memory_space<hbm>> -> memref<1x16384xf32, #tpu.memory_space<hbm>>
    %dma_start3A_2462 = tpu.memref_squeeze %dma_start3A_2461 : memref<1x16384xf32, #tpu.memory_space<hbm>> -> memref<16384xf32, #tpu.memory_space<hbm>>
    %dma_start3A_2463 = arith.constant 0 : i32
    %dma_start3A_2464 = tpu.memref_slice %arg5[%add3A_2459, %dma_start3A_2463] : memref<1024x32768xf32, #tpu.memory_space<hbm>> -> memref<1x16384xf32, #tpu.memory_space<hbm>>
    %dma_start3A_2465 = tpu.memref_squeeze %dma_start3A_2464 : memref<1x16384xf32, #tpu.memory_space<hbm>> -> memref<16384xf32, #tpu.memory_space<hbm>>
    tpu.enqueue_dma source(%arg10 : memref<16384xf32, #tpu.memory_space<vmem>>) target(%dma_start3A_2465 : memref<16384xf32, #tpu.memory_space<hbm>>) target_semaphore(%arg13 : memref<!tpu.dma_semaphore, #tpu.memory_space<semaphore_mem>>)
    %dma_wait3A_2466 = arith.constant 0 : i32
    %dma_wait3A_2467 = tpu.memref_slice %arg5[%add3A_2459, %dma_wait3A_2466] : memref<1024x32768xf32, #tpu.memory_space<hbm>> -> memref<1x16384xf32, #tpu.memory_space<hbm>>
    %dma_wait3A_2468 = tpu.memref_squeeze %dma_wait3A_2467 : memref<1x16384xf32, #tpu.memory_space<hbm>> -> memref<16384xf32, #tpu.memory_space<hbm>>
    %dma_wait3A_2469 = arith.constant 0 : i32
    %dma_wait3A_2470 = tpu.memref_slice %arg5[%add3A_2459, %dma_wait3A_2469] : memref<1024x32768xf32, #tpu.memory_space<hbm>> -> memref<1x16384xf32, #tpu.memory_space<hbm>>
    %dma_wait3A_2471 = tpu.memref_squeeze %dma_wait3A_2470 : memref<1x16384xf32, #tpu.memory_space<hbm>> -> memref<16384xf32, #tpu.memory_space<hbm>>
    tpu.wait_dma2 semaphore(%arg13 : memref<!tpu.dma_semaphore, #tpu.memory_space<semaphore_mem>>) src(%arg10 : memref<16384xf32, #tpu.memory_space<vmem>>) dst(%dma_wait3A_2471 : memref<16384xf32, #tpu.memory_space<hbm>>)
    %add3A_2472 = arith.constant 27 : i32
    %add3A_2473 = arith.addi %mul3A_2, %add3A_2472 : i32
    %dma_start3A_2474 = arith.constant 0 : i32
    %dma_start3A_2475 = tpu.memref_slice %arg2[%add3A_2473, %dma_start3A_2474] : memref<1024x32768xf32, #tpu.memory_space<hbm>> -> memref<1x16384xf32, #tpu.memory_space<hbm>>
    %dma_start3A_2476 = tpu.memref_squeeze %dma_start3A_2475 : memref<1x16384xf32, #tpu.memory_space<hbm>> -> memref<16384xf32, #tpu.memory_space<hbm>>
    %dma_start3A_2477 = arith.constant 0 : i32
    %dma_start3A_2478 = tpu.memref_slice %arg2[%add3A_2473, %dma_start3A_2477] : memref<1024x32768xf32, #tpu.memory_space<hbm>> -> memref<1x16384xf32, #tpu.memory_space<hbm>>
    %dma_start3A_2479 = tpu.memref_squeeze %dma_start3A_2478 : memref<1x16384xf32, #tpu.memory_space<hbm>> -> memref<16384xf32, #tpu.memory_space<hbm>>
    tpu.enqueue_dma source(%dma_start3A_2479 : memref<16384xf32, #tpu.memory_space<hbm>>) target(%arg10 : memref<16384xf32, #tpu.memory_space<vmem>>) target_semaphore(%arg12 : memref<!tpu.dma_semaphore, #tpu.memory_space<semaphore_mem>>)
    %dma_wait3A_2480 = arith.constant 16384 : i32
    %dma_wait3A_2481 = tpu.memref_slice %arg2[%add3A_2329, %dma_wait3A_2480] : memref<1024x32768xf32, #tpu.memory_space<hbm>> -> memref<1x16384xf32, #tpu.memory_space<hbm>>
    %dma_wait3A_2482 = tpu.memref_squeeze %dma_wait3A_2481 : memref<1x16384xf32, #tpu.memory_space<hbm>> -> memref<16384xf32, #tpu.memory_space<hbm>>
    %dma_wait3A_2483 = arith.constant 16384 : i32
    %dma_wait3A_2484 = tpu.memref_slice %arg2[%add3A_2329, %dma_wait3A_2483] : memref<1024x32768xf32, #tpu.memory_space<hbm>> -> memref<1x16384xf32, #tpu.memory_space<hbm>>
    %dma_wait3A_2485 = tpu.memref_squeeze %dma_wait3A_2484 : memref<1x16384xf32, #tpu.memory_space<hbm>> -> memref<16384xf32, #tpu.memory_space<hbm>>
    tpu.wait_dma2 semaphore(%arg12 : memref<!tpu.dma_semaphore, #tpu.memory_space<semaphore_mem>>) src(%dma_wait3A_2485 : memref<16384xf32, #tpu.memory_space<hbm>>) dst(%arg11 : memref<16384xf32, #tpu.memory_space<vmem>>)
    %eq3A_2486 = arith.constant 9 : i32
    %eq3A_2487 = vector.broadcast %eq3A_2486 : i32 to vector<16xi32>
    %eq3A_2488 = arith.cmpi eq, %iota3A, %eq3A_2487 : vector<16xi32>
    %ge3A_2489 = arith.constant 16384 : i32
    %ge3A_2490 = vector.broadcast %ge3A_2489 : i32 to vector<16xi32>
    %ge3A_2491 = arith.cmpi sge, %get3A_5, %ge3A_2490 : vector<16xi32>
    %and3A_2492 = arith.andi %eq3A_2488, %ge3A_2491 : vector<16xi1>
    %lt3A_2493 = arith.constant 32768 : i32
    %lt3A_2494 = vector.broadcast %lt3A_2493 : i32 to vector<16xi32>
    %lt3A_2495 = arith.cmpi slt, %get3A_5, %lt3A_2494 : vector<16xi32>
    %and3A_2496 = arith.andi %and3A_2492, %lt3A_2495 : vector<16xi1>
    %sub3A_2497 = arith.constant 16384 : i32
    %sub3A_2498 = vector.broadcast %sub3A_2497 : i32 to vector<16xi32>
    %sub3A_2499 = arith.subi %get3A_5, %sub3A_2498 : vector<16xi32>
    %jit3A_2500 = arith.constant 0 : i32
    %jit3A_2501 = arith.constant 16383 : i32
    %max3A_2502 = vector.broadcast %jit3A_2500 : i32 to vector<16xi32>
    %max3A_2503 = arith.maxsi %max3A_2502, %sub3A_2499 : vector<16xi32>
    %min3A_2504 = vector.broadcast %jit3A_2501 : i32 to vector<16xi32>
    %min3A_2505 = arith.minsi %min3A_2504, %max3A_2503 : vector<16xi32>
    tpu.vector_store_idx %arg11[%min3A_2505], %get3A_9 masked %and3A_2496 {add = true} : memref<16384xf32, #tpu.memory_space<vmem>>[vector<16xi32>], vector<16xf32>, vector<16xi1>
    %add3A_2506 = arith.constant 25 : i32
    %add3A_2507 = arith.addi %mul3A_2, %add3A_2506 : i32
    %dma_start3A_2508 = arith.constant 16384 : i32
    %dma_start3A_2509 = tpu.memref_slice %arg5[%add3A_2507, %dma_start3A_2508] : memref<1024x32768xf32, #tpu.memory_space<hbm>> -> memref<1x16384xf32, #tpu.memory_space<hbm>>
    %dma_start3A_2510 = tpu.memref_squeeze %dma_start3A_2509 : memref<1x16384xf32, #tpu.memory_space<hbm>> -> memref<16384xf32, #tpu.memory_space<hbm>>
    %dma_start3A_2511 = arith.constant 16384 : i32
    %dma_start3A_2512 = tpu.memref_slice %arg5[%add3A_2507, %dma_start3A_2511] : memref<1024x32768xf32, #tpu.memory_space<hbm>> -> memref<1x16384xf32, #tpu.memory_space<hbm>>
    %dma_start3A_2513 = tpu.memref_squeeze %dma_start3A_2512 : memref<1x16384xf32, #tpu.memory_space<hbm>> -> memref<16384xf32, #tpu.memory_space<hbm>>
    tpu.enqueue_dma source(%arg11 : memref<16384xf32, #tpu.memory_space<vmem>>) target(%dma_start3A_2513 : memref<16384xf32, #tpu.memory_space<hbm>>) target_semaphore(%arg13 : memref<!tpu.dma_semaphore, #tpu.memory_space<semaphore_mem>>)
    %dma_wait3A_2514 = arith.constant 16384 : i32
    %dma_wait3A_2515 = tpu.memref_slice %arg5[%add3A_2507, %dma_wait3A_2514] : memref<1024x32768xf32, #tpu.memory_space<hbm>> -> memref<1x16384xf32, #tpu.memory_space<hbm>>
    %dma_wait3A_2516 = tpu.memref_squeeze %dma_wait3A_2515 : memref<1x16384xf32, #tpu.memory_space<hbm>> -> memref<16384xf32, #tpu.memory_space<hbm>>
    %dma_wait3A_2517 = arith.constant 16384 : i32
    %dma_wait3A_2518 = tpu.memref_slice %arg5[%add3A_2507, %dma_wait3A_2517] : memref<1024x32768xf32, #tpu.memory_space<hbm>> -> memref<1x16384xf32, #tpu.memory_space<hbm>>
    %dma_wait3A_2519 = tpu.memref_squeeze %dma_wait3A_2518 : memref<1x16384xf32, #tpu.memory_space<hbm>> -> memref<16384xf32, #tpu.memory_space<hbm>>
    tpu.wait_dma2 semaphore(%arg13 : memref<!tpu.dma_semaphore, #tpu.memory_space<semaphore_mem>>) src(%arg11 : memref<16384xf32, #tpu.memory_space<vmem>>) dst(%dma_wait3A_2519 : memref<16384xf32, #tpu.memory_space<hbm>>)
    %add3A_2520 = arith.constant 27 : i32
    %add3A_2521 = arith.addi %mul3A_2, %add3A_2520 : i32
    %dma_start3A_2522 = arith.constant 16384 : i32
    %dma_start3A_2523 = tpu.memref_slice %arg2[%add3A_2521, %dma_start3A_2522] : memref<1024x32768xf32, #tpu.memory_space<hbm>> -> memref<1x16384xf32, #tpu.memory_space<hbm>>
    %dma_start3A_2524 = tpu.memref_squeeze %dma_start3A_2523 : memref<1x16384xf32, #tpu.memory_space<hbm>> -> memref<16384xf32, #tpu.memory_space<hbm>>
    %dma_start3A_2525 = arith.constant 16384 : i32
    %dma_start3A_2526 = tpu.memref_slice %arg2[%add3A_2521, %dma_start3A_2525] : memref<1024x32768xf32, #tpu.memory_space<hbm>> -> memref<1x16384xf32, #tpu.memory_space<hbm>>
    %dma_start3A_2527 = tpu.memref_squeeze %dma_start3A_2526 : memref<1x16384xf32, #tpu.memory_space<hbm>> -> memref<16384xf32, #tpu.memory_space<hbm>>
    tpu.enqueue_dma source(%dma_start3A_2527 : memref<16384xf32, #tpu.memory_space<hbm>>) target(%arg11 : memref<16384xf32, #tpu.memory_space<vmem>>) target_semaphore(%arg12 : memref<!tpu.dma_semaphore, #tpu.memory_space<semaphore_mem>>)
    %dma_wait3A_2528 = arith.constant 0 : i32
    %dma_wait3A_2529 = tpu.memref_slice %arg2[%add3A_2377, %dma_wait3A_2528] : memref<1024x32768xf32, #tpu.memory_space<hbm>> -> memref<1x16384xf32, #tpu.memory_space<hbm>>
    %dma_wait3A_2530 = tpu.memref_squeeze %dma_wait3A_2529 : memref<1x16384xf32, #tpu.memory_space<hbm>> -> memref<16384xf32, #tpu.memory_space<hbm>>
    %dma_wait3A_2531 = arith.constant 0 : i32
    %dma_wait3A_2532 = tpu.memref_slice %arg2[%add3A_2377, %dma_wait3A_2531] : memref<1024x32768xf32, #tpu.memory_space<hbm>> -> memref<1x16384xf32, #tpu.memory_space<hbm>>
    %dma_wait3A_2533 = tpu.memref_squeeze %dma_wait3A_2532 : memref<1x16384xf32, #tpu.memory_space<hbm>> -> memref<16384xf32, #tpu.memory_space<hbm>>
    tpu.wait_dma2 semaphore(%arg12 : memref<!tpu.dma_semaphore, #tpu.memory_space<semaphore_mem>>) src(%dma_wait3A_2533 : memref<16384xf32, #tpu.memory_space<hbm>>) dst(%arg8 : memref<16384xf32, #tpu.memory_space<vmem>>)
    %eq3A_2534 = arith.constant 10 : i32
    %eq3A_2535 = vector.broadcast %eq3A_2534 : i32 to vector<16xi32>
    %eq3A_2536 = arith.cmpi eq, %iota3A, %eq3A_2535 : vector<16xi32>
    %ge3A_2537 = arith.constant 0 : i32
    %ge3A_2538 = vector.broadcast %ge3A_2537 : i32 to vector<16xi32>
    %ge3A_2539 = arith.cmpi sge, %get3A_5, %ge3A_2538 : vector<16xi32>
    %and3A_2540 = arith.andi %eq3A_2536, %ge3A_2539 : vector<16xi1>
    %lt3A_2541 = arith.constant 16384 : i32
    %lt3A_2542 = vector.broadcast %lt3A_2541 : i32 to vector<16xi32>
    %lt3A_2543 = arith.cmpi slt, %get3A_5, %lt3A_2542 : vector<16xi32>
    %and3A_2544 = arith.andi %and3A_2540, %lt3A_2543 : vector<16xi1>
    %sub3A_2545 = arith.constant 0 : i32
    %sub3A_2546 = vector.broadcast %sub3A_2545 : i32 to vector<16xi32>
    %sub3A_2547 = arith.subi %get3A_5, %sub3A_2546 : vector<16xi32>
    %jit3A_2548 = arith.constant 0 : i32
    %jit3A_2549 = arith.constant 16383 : i32
    %max3A_2550 = vector.broadcast %jit3A_2548 : i32 to vector<16xi32>
    %max3A_2551 = arith.maxsi %max3A_2550, %sub3A_2547 : vector<16xi32>
    %min3A_2552 = vector.broadcast %jit3A_2549 : i32 to vector<16xi32>
    %min3A_2553 = arith.minsi %min3A_2552, %max3A_2551 : vector<16xi32>
    tpu.vector_store_idx %arg8[%min3A_2553], %get3A_9 masked %and3A_2544 {add = true} : memref<16384xf32, #tpu.memory_space<vmem>>[vector<16xi32>], vector<16xf32>, vector<16xi1>
    %add3A_2554 = arith.constant 26 : i32
    %add3A_2555 = arith.addi %mul3A_2, %add3A_2554 : i32
    %dma_start3A_2556 = arith.constant 0 : i32
    %dma_start3A_2557 = tpu.memref_slice %arg5[%add3A_2555, %dma_start3A_2556] : memref<1024x32768xf32, #tpu.memory_space<hbm>> -> memref<1x16384xf32, #tpu.memory_space<hbm>>
    %dma_start3A_2558 = tpu.memref_squeeze %dma_start3A_2557 : memref<1x16384xf32, #tpu.memory_space<hbm>> -> memref<16384xf32, #tpu.memory_space<hbm>>
    %dma_start3A_2559 = arith.constant 0 : i32
    %dma_start3A_2560 = tpu.memref_slice %arg5[%add3A_2555, %dma_start3A_2559] : memref<1024x32768xf32, #tpu.memory_space<hbm>> -> memref<1x16384xf32, #tpu.memory_space<hbm>>
    %dma_start3A_2561 = tpu.memref_squeeze %dma_start3A_2560 : memref<1x16384xf32, #tpu.memory_space<hbm>> -> memref<16384xf32, #tpu.memory_space<hbm>>
    tpu.enqueue_dma source(%arg8 : memref<16384xf32, #tpu.memory_space<vmem>>) target(%dma_start3A_2561 : memref<16384xf32, #tpu.memory_space<hbm>>) target_semaphore(%arg13 : memref<!tpu.dma_semaphore, #tpu.memory_space<semaphore_mem>>)
    %dma_wait3A_2562 = arith.constant 0 : i32
    %dma_wait3A_2563 = tpu.memref_slice %arg5[%add3A_2555, %dma_wait3A_2562] : memref<1024x32768xf32, #tpu.memory_space<hbm>> -> memref<1x16384xf32, #tpu.memory_space<hbm>>
    %dma_wait3A_2564 = tpu.memref_squeeze %dma_wait3A_2563 : memref<1x16384xf32, #tpu.memory_space<hbm>> -> memref<16384xf32, #tpu.memory_space<hbm>>
    %dma_wait3A_2565 = arith.constant 0 : i32
    %dma_wait3A_2566 = tpu.memref_slice %arg5[%add3A_2555, %dma_wait3A_2565] : memref<1024x32768xf32, #tpu.memory_space<hbm>> -> memref<1x16384xf32, #tpu.memory_space<hbm>>
    %dma_wait3A_2567 = tpu.memref_squeeze %dma_wait3A_2566 : memref<1x16384xf32, #tpu.memory_space<hbm>> -> memref<16384xf32, #tpu.memory_space<hbm>>
    tpu.wait_dma2 semaphore(%arg13 : memref<!tpu.dma_semaphore, #tpu.memory_space<semaphore_mem>>) src(%arg8 : memref<16384xf32, #tpu.memory_space<vmem>>) dst(%dma_wait3A_2567 : memref<16384xf32, #tpu.memory_space<hbm>>)
    %add3A_2568 = arith.constant 28 : i32
    %add3A_2569 = arith.addi %mul3A_2, %add3A_2568 : i32
    %dma_start3A_2570 = arith.constant 0 : i32
    %dma_start3A_2571 = tpu.memref_slice %arg2[%add3A_2569, %dma_start3A_2570] : memref<1024x32768xf32, #tpu.memory_space<hbm>> -> memref<1x16384xf32, #tpu.memory_space<hbm>>
    %dma_start3A_2572 = tpu.memref_squeeze %dma_start3A_2571 : memref<1x16384xf32, #tpu.memory_space<hbm>> -> memref<16384xf32, #tpu.memory_space<hbm>>
    %dma_start3A_2573 = arith.constant 0 : i32
    %dma_start3A_2574 = tpu.memref_slice %arg2[%add3A_2569, %dma_start3A_2573] : memref<1024x32768xf32, #tpu.memory_space<hbm>> -> memref<1x16384xf32, #tpu.memory_space<hbm>>
    %dma_start3A_2575 = tpu.memref_squeeze %dma_start3A_2574 : memref<1x16384xf32, #tpu.memory_space<hbm>> -> memref<16384xf32, #tpu.memory_space<hbm>>
    tpu.enqueue_dma source(%dma_start3A_2575 : memref<16384xf32, #tpu.memory_space<hbm>>) target(%arg8 : memref<16384xf32, #tpu.memory_space<vmem>>) target_semaphore(%arg12 : memref<!tpu.dma_semaphore, #tpu.memory_space<semaphore_mem>>)
    %dma_wait3A_2576 = arith.constant 16384 : i32
    %dma_wait3A_2577 = tpu.memref_slice %arg2[%add3A_2425, %dma_wait3A_2576] : memref<1024x32768xf32, #tpu.memory_space<hbm>> -> memref<1x16384xf32, #tpu.memory_space<hbm>>
    %dma_wait3A_2578 = tpu.memref_squeeze %dma_wait3A_2577 : memref<1x16384xf32, #tpu.memory_space<hbm>> -> memref<16384xf32, #tpu.memory_space<hbm>>
    %dma_wait3A_2579 = arith.constant 16384 : i32
    %dma_wait3A_2580 = tpu.memref_slice %arg2[%add3A_2425, %dma_wait3A_2579] : memref<1024x32768xf32, #tpu.memory_space<hbm>> -> memref<1x16384xf32, #tpu.memory_space<hbm>>
    %dma_wait3A_2581 = tpu.memref_squeeze %dma_wait3A_2580 : memref<1x16384xf32, #tpu.memory_space<hbm>> -> memref<16384xf32, #tpu.memory_space<hbm>>
    tpu.wait_dma2 semaphore(%arg12 : memref<!tpu.dma_semaphore, #tpu.memory_space<semaphore_mem>>) src(%dma_wait3A_2581 : memref<16384xf32, #tpu.memory_space<hbm>>) dst(%arg9 : memref<16384xf32, #tpu.memory_space<vmem>>)
    %eq3A_2582 = arith.constant 10 : i32
    %eq3A_2583 = vector.broadcast %eq3A_2582 : i32 to vector<16xi32>
    %eq3A_2584 = arith.cmpi eq, %iota3A, %eq3A_2583 : vector<16xi32>
    %ge3A_2585 = arith.constant 16384 : i32
    %ge3A_2586 = vector.broadcast %ge3A_2585 : i32 to vector<16xi32>
    %ge3A_2587 = arith.cmpi sge, %get3A_5, %ge3A_2586 : vector<16xi32>
    %and3A_2588 = arith.andi %eq3A_2584, %ge3A_2587 : vector<16xi1>
    %lt3A_2589 = arith.constant 32768 : i32
    %lt3A_2590 = vector.broadcast %lt3A_2589 : i32 to vector<16xi32>
    %lt3A_2591 = arith.cmpi slt, %get3A_5, %lt3A_2590 : vector<16xi32>
    %and3A_2592 = arith.andi %and3A_2588, %lt3A_2591 : vector<16xi1>
    %sub3A_2593 = arith.constant 16384 : i32
    %sub3A_2594 = vector.broadcast %sub3A_2593 : i32 to vector<16xi32>
    %sub3A_2595 = arith.subi %get3A_5, %sub3A_2594 : vector<16xi32>
    %jit3A_2596 = arith.constant 0 : i32
    %jit3A_2597 = arith.constant 16383 : i32
    %max3A_2598 = vector.broadcast %jit3A_2596 : i32 to vector<16xi32>
    %max3A_2599 = arith.maxsi %max3A_2598, %sub3A_2595 : vector<16xi32>
    %min3A_2600 = vector.broadcast %jit3A_2597 : i32 to vector<16xi32>
    %min3A_2601 = arith.minsi %min3A_2600, %max3A_2599 : vector<16xi32>
    tpu.vector_store_idx %arg9[%min3A_2601], %get3A_9 masked %and3A_2592 {add = true} : memref<16384xf32, #tpu.memory_space<vmem>>[vector<16xi32>], vector<16xf32>, vector<16xi1>
    %add3A_2602 = arith.constant 26 : i32
    %add3A_2603 = arith.addi %mul3A_2, %add3A_2602 : i32
    %dma_start3A_2604 = arith.constant 16384 : i32
    %dma_start3A_2605 = tpu.memref_slice %arg5[%add3A_2603, %dma_start3A_2604] : memref<1024x32768xf32, #tpu.memory_space<hbm>> -> memref<1x16384xf32, #tpu.memory_space<hbm>>
    %dma_start3A_2606 = tpu.memref_squeeze %dma_start3A_2605 : memref<1x16384xf32, #tpu.memory_space<hbm>> -> memref<16384xf32, #tpu.memory_space<hbm>>
    %dma_start3A_2607 = arith.constant 16384 : i32
    %dma_start3A_2608 = tpu.memref_slice %arg5[%add3A_2603, %dma_start3A_2607] : memref<1024x32768xf32, #tpu.memory_space<hbm>> -> memref<1x16384xf32, #tpu.memory_space<hbm>>
    %dma_start3A_2609 = tpu.memref_squeeze %dma_start3A_2608 : memref<1x16384xf32, #tpu.memory_space<hbm>> -> memref<16384xf32, #tpu.memory_space<hbm>>
    tpu.enqueue_dma source(%arg9 : memref<16384xf32, #tpu.memory_space<vmem>>) target(%dma_start3A_2609 : memref<16384xf32, #tpu.memory_space<hbm>>) target_semaphore(%arg13 : memref<!tpu.dma_semaphore, #tpu.memory_space<semaphore_mem>>)
    %dma_wait3A_2610 = arith.constant 16384 : i32
    %dma_wait3A_2611 = tpu.memref_slice %arg5[%add3A_2603, %dma_wait3A_2610] : memref<1024x32768xf32, #tpu.memory_space<hbm>> -> memref<1x16384xf32, #tpu.memory_space<hbm>>
    %dma_wait3A_2612 = tpu.memref_squeeze %dma_wait3A_2611 : memref<1x16384xf32, #tpu.memory_space<hbm>> -> memref<16384xf32, #tpu.memory_space<hbm>>
    %dma_wait3A_2613 = arith.constant 16384 : i32
    %dma_wait3A_2614 = tpu.memref_slice %arg5[%add3A_2603, %dma_wait3A_2613] : memref<1024x32768xf32, #tpu.memory_space<hbm>> -> memref<1x16384xf32, #tpu.memory_space<hbm>>
    %dma_wait3A_2615 = tpu.memref_squeeze %dma_wait3A_2614 : memref<1x16384xf32, #tpu.memory_space<hbm>> -> memref<16384xf32, #tpu.memory_space<hbm>>
    tpu.wait_dma2 semaphore(%arg13 : memref<!tpu.dma_semaphore, #tpu.memory_space<semaphore_mem>>) src(%arg9 : memref<16384xf32, #tpu.memory_space<vmem>>) dst(%dma_wait3A_2615 : memref<16384xf32, #tpu.memory_space<hbm>>)
    %add3A_2616 = arith.constant 28 : i32
    %add3A_2617 = arith.addi %mul3A_2, %add3A_2616 : i32
    %dma_start3A_2618 = arith.constant 16384 : i32
    %dma_start3A_2619 = tpu.memref_slice %arg2[%add3A_2617, %dma_start3A_2618] : memref<1024x32768xf32, #tpu.memory_space<hbm>> -> memref<1x16384xf32, #tpu.memory_space<hbm>>
    %dma_start3A_2620 = tpu.memref_squeeze %dma_start3A_2619 : memref<1x16384xf32, #tpu.memory_space<hbm>> -> memref<16384xf32, #tpu.memory_space<hbm>>
    %dma_start3A_2621 = arith.constant 16384 : i32
    %dma_start3A_2622 = tpu.memref_slice %arg2[%add3A_2617, %dma_start3A_2621] : memref<1024x32768xf32, #tpu.memory_space<hbm>> -> memref<1x16384xf32, #tpu.memory_space<hbm>>
    %dma_start3A_2623 = tpu.memref_squeeze %dma_start3A_2622 : memref<1x16384xf32, #tpu.memory_space<hbm>> -> memref<16384xf32, #tpu.memory_space<hbm>>
    tpu.enqueue_dma source(%dma_start3A_2623 : memref<16384xf32, #tpu.memory_space<hbm>>) target(%arg9 : memref<16384xf32, #tpu.memory_space<vmem>>) target_semaphore(%arg12 : memref<!tpu.dma_semaphore, #tpu.memory_space<semaphore_mem>>)
    %dma_wait3A_2624 = arith.constant 0 : i32
    %dma_wait3A_2625 = tpu.memref_slice %arg2[%add3A_2473, %dma_wait3A_2624] : memref<1024x32768xf32, #tpu.memory_space<hbm>> -> memref<1x16384xf32, #tpu.memory_space<hbm>>
    %dma_wait3A_2626 = tpu.memref_squeeze %dma_wait3A_2625 : memref<1x16384xf32, #tpu.memory_space<hbm>> -> memref<16384xf32, #tpu.memory_space<hbm>>
    %dma_wait3A_2627 = arith.constant 0 : i32
    %dma_wait3A_2628 = tpu.memref_slice %arg2[%add3A_2473, %dma_wait3A_2627] : memref<1024x32768xf32, #tpu.memory_space<hbm>> -> memref<1x16384xf32, #tpu.memory_space<hbm>>
    %dma_wait3A_2629 = tpu.memref_squeeze %dma_wait3A_2628 : memref<1x16384xf32, #tpu.memory_space<hbm>> -> memref<16384xf32, #tpu.memory_space<hbm>>
    tpu.wait_dma2 semaphore(%arg12 : memref<!tpu.dma_semaphore, #tpu.memory_space<semaphore_mem>>) src(%dma_wait3A_2629 : memref<16384xf32, #tpu.memory_space<hbm>>) dst(%arg10 : memref<16384xf32, #tpu.memory_space<vmem>>)
    %eq3A_2630 = arith.constant 11 : i32
    %eq3A_2631 = vector.broadcast %eq3A_2630 : i32 to vector<16xi32>
    %eq3A_2632 = arith.cmpi eq, %iota3A, %eq3A_2631 : vector<16xi32>
    %ge3A_2633 = arith.constant 0 : i32
    %ge3A_2634 = vector.broadcast %ge3A_2633 : i32 to vector<16xi32>
    %ge3A_2635 = arith.cmpi sge, %get3A_5, %ge3A_2634 : vector<16xi32>
    %and3A_2636 = arith.andi %eq3A_2632, %ge3A_2635 : vector<16xi1>
    %lt3A_2637 = arith.constant 16384 : i32
    %lt3A_2638 = vector.broadcast %lt3A_2637 : i32 to vector<16xi32>
    %lt3A_2639 = arith.cmpi slt, %get3A_5, %lt3A_2638 : vector<16xi32>
    %and3A_2640 = arith.andi %and3A_2636, %lt3A_2639 : vector<16xi1>
    %sub3A_2641 = arith.constant 0 : i32
    %sub3A_2642 = vector.broadcast %sub3A_2641 : i32 to vector<16xi32>
    %sub3A_2643 = arith.subi %get3A_5, %sub3A_2642 : vector<16xi32>
    %jit3A_2644 = arith.constant 0 : i32
    %jit3A_2645 = arith.constant 16383 : i32
    %max3A_2646 = vector.broadcast %jit3A_2644 : i32 to vector<16xi32>
    %max3A_2647 = arith.maxsi %max3A_2646, %sub3A_2643 : vector<16xi32>
    %min3A_2648 = vector.broadcast %jit3A_2645 : i32 to vector<16xi32>
    %min3A_2649 = arith.minsi %min3A_2648, %max3A_2647 : vector<16xi32>
    tpu.vector_store_idx %arg10[%min3A_2649], %get3A_9 masked %and3A_2640 {add = true} : memref<16384xf32, #tpu.memory_space<vmem>>[vector<16xi32>], vector<16xf32>, vector<16xi1>
    %add3A_2650 = arith.constant 27 : i32
    %add3A_2651 = arith.addi %mul3A_2, %add3A_2650 : i32
    %dma_start3A_2652 = arith.constant 0 : i32
    %dma_start3A_2653 = tpu.memref_slice %arg5[%add3A_2651, %dma_start3A_2652] : memref<1024x32768xf32, #tpu.memory_space<hbm>> -> memref<1x16384xf32, #tpu.memory_space<hbm>>
    %dma_start3A_2654 = tpu.memref_squeeze %dma_start3A_2653 : memref<1x16384xf32, #tpu.memory_space<hbm>> -> memref<16384xf32, #tpu.memory_space<hbm>>
    %dma_start3A_2655 = arith.constant 0 : i32
    %dma_start3A_2656 = tpu.memref_slice %arg5[%add3A_2651, %dma_start3A_2655] : memref<1024x32768xf32, #tpu.memory_space<hbm>> -> memref<1x16384xf32, #tpu.memory_space<hbm>>
    %dma_start3A_2657 = tpu.memref_squeeze %dma_start3A_2656 : memref<1x16384xf32, #tpu.memory_space<hbm>> -> memref<16384xf32, #tpu.memory_space<hbm>>
    tpu.enqueue_dma source(%arg10 : memref<16384xf32, #tpu.memory_space<vmem>>) target(%dma_start3A_2657 : memref<16384xf32, #tpu.memory_space<hbm>>) target_semaphore(%arg13 : memref<!tpu.dma_semaphore, #tpu.memory_space<semaphore_mem>>)
    %dma_wait3A_2658 = arith.constant 0 : i32
    %dma_wait3A_2659 = tpu.memref_slice %arg5[%add3A_2651, %dma_wait3A_2658] : memref<1024x32768xf32, #tpu.memory_space<hbm>> -> memref<1x16384xf32, #tpu.memory_space<hbm>>
    %dma_wait3A_2660 = tpu.memref_squeeze %dma_wait3A_2659 : memref<1x16384xf32, #tpu.memory_space<hbm>> -> memref<16384xf32, #tpu.memory_space<hbm>>
    %dma_wait3A_2661 = arith.constant 0 : i32
    %dma_wait3A_2662 = tpu.memref_slice %arg5[%add3A_2651, %dma_wait3A_2661] : memref<1024x32768xf32, #tpu.memory_space<hbm>> -> memref<1x16384xf32, #tpu.memory_space<hbm>>
    %dma_wait3A_2663 = tpu.memref_squeeze %dma_wait3A_2662 : memref<1x16384xf32, #tpu.memory_space<hbm>> -> memref<16384xf32, #tpu.memory_space<hbm>>
    tpu.wait_dma2 semaphore(%arg13 : memref<!tpu.dma_semaphore, #tpu.memory_space<semaphore_mem>>) src(%arg10 : memref<16384xf32, #tpu.memory_space<vmem>>) dst(%dma_wait3A_2663 : memref<16384xf32, #tpu.memory_space<hbm>>)
    %add3A_2664 = arith.constant 29 : i32
    %add3A_2665 = arith.addi %mul3A_2, %add3A_2664 : i32
    %dma_start3A_2666 = arith.constant 0 : i32
    %dma_start3A_2667 = tpu.memref_slice %arg2[%add3A_2665, %dma_start3A_2666] : memref<1024x32768xf32, #tpu.memory_space<hbm>> -> memref<1x16384xf32, #tpu.memory_space<hbm>>
    %dma_start3A_2668 = tpu.memref_squeeze %dma_start3A_2667 : memref<1x16384xf32, #tpu.memory_space<hbm>> -> memref<16384xf32, #tpu.memory_space<hbm>>
    %dma_start3A_2669 = arith.constant 0 : i32
    %dma_start3A_2670 = tpu.memref_slice %arg2[%add3A_2665, %dma_start3A_2669] : memref<1024x32768xf32, #tpu.memory_space<hbm>> -> memref<1x16384xf32, #tpu.memory_space<hbm>>
    %dma_start3A_2671 = tpu.memref_squeeze %dma_start3A_2670 : memref<1x16384xf32, #tpu.memory_space<hbm>> -> memref<16384xf32, #tpu.memory_space<hbm>>
    tpu.enqueue_dma source(%dma_start3A_2671 : memref<16384xf32, #tpu.memory_space<hbm>>) target(%arg10 : memref<16384xf32, #tpu.memory_space<vmem>>) target_semaphore(%arg12 : memref<!tpu.dma_semaphore, #tpu.memory_space<semaphore_mem>>)
    %dma_wait3A_2672 = arith.constant 16384 : i32
    %dma_wait3A_2673 = tpu.memref_slice %arg2[%add3A_2521, %dma_wait3A_2672] : memref<1024x32768xf32, #tpu.memory_space<hbm>> -> memref<1x16384xf32, #tpu.memory_space<hbm>>
    %dma_wait3A_2674 = tpu.memref_squeeze %dma_wait3A_2673 : memref<1x16384xf32, #tpu.memory_space<hbm>> -> memref<16384xf32, #tpu.memory_space<hbm>>
    %dma_wait3A_2675 = arith.constant 16384 : i32
    %dma_wait3A_2676 = tpu.memref_slice %arg2[%add3A_2521, %dma_wait3A_2675] : memref<1024x32768xf32, #tpu.memory_space<hbm>> -> memref<1x16384xf32, #tpu.memory_space<hbm>>
    %dma_wait3A_2677 = tpu.memref_squeeze %dma_wait3A_2676 : memref<1x16384xf32, #tpu.memory_space<hbm>> -> memref<16384xf32, #tpu.memory_space<hbm>>
    tpu.wait_dma2 semaphore(%arg12 : memref<!tpu.dma_semaphore, #tpu.memory_space<semaphore_mem>>) src(%dma_wait3A_2677 : memref<16384xf32, #tpu.memory_space<hbm>>) dst(%arg11 : memref<16384xf32, #tpu.memory_space<vmem>>)
    %eq3A_2678 = arith.constant 11 : i32
    %eq3A_2679 = vector.broadcast %eq3A_2678 : i32 to vector<16xi32>
    %eq3A_2680 = arith.cmpi eq, %iota3A, %eq3A_2679 : vector<16xi32>
    %ge3A_2681 = arith.constant 16384 : i32
    %ge3A_2682 = vector.broadcast %ge3A_2681 : i32 to vector<16xi32>
    %ge3A_2683 = arith.cmpi sge, %get3A_5, %ge3A_2682 : vector<16xi32>
    %and3A_2684 = arith.andi %eq3A_2680, %ge3A_2683 : vector<16xi1>
    %lt3A_2685 = arith.constant 32768 : i32
    %lt3A_2686 = vector.broadcast %lt3A_2685 : i32 to vector<16xi32>
    %lt3A_2687 = arith.cmpi slt, %get3A_5, %lt3A_2686 : vector<16xi32>
    %and3A_2688 = arith.andi %and3A_2684, %lt3A_2687 : vector<16xi1>
    %sub3A_2689 = arith.constant 16384 : i32
    %sub3A_2690 = vector.broadcast %sub3A_2689 : i32 to vector<16xi32>
    %sub3A_2691 = arith.subi %get3A_5, %sub3A_2690 : vector<16xi32>
    %jit3A_2692 = arith.constant 0 : i32
    %jit3A_2693 = arith.constant 16383 : i32
    %max3A_2694 = vector.broadcast %jit3A_2692 : i32 to vector<16xi32>
    %max3A_2695 = arith.maxsi %max3A_2694, %sub3A_2691 : vector<16xi32>
    %min3A_2696 = vector.broadcast %jit3A_2693 : i32 to vector<16xi32>
    %min3A_2697 = arith.minsi %min3A_2696, %max3A_2695 : vector<16xi32>
    tpu.vector_store_idx %arg11[%min3A_2697], %get3A_9 masked %and3A_2688 {add = true} : memref<16384xf32, #tpu.memory_space<vmem>>[vector<16xi32>], vector<16xf32>, vector<16xi1>
    %add3A_2698 = arith.constant 27 : i32
    %add3A_2699 = arith.addi %mul3A_2, %add3A_2698 : i32
    %dma_start3A_2700 = arith.constant 16384 : i32
    %dma_start3A_2701 = tpu.memref_slice %arg5[%add3A_2699, %dma_start3A_2700] : memref<1024x32768xf32, #tpu.memory_space<hbm>> -> memref<1x16384xf32, #tpu.memory_space<hbm>>
    %dma_start3A_2702 = tpu.memref_squeeze %dma_start3A_2701 : memref<1x16384xf32, #tpu.memory_space<hbm>> -> memref<16384xf32, #tpu.memory_space<hbm>>
    %dma_start3A_2703 = arith.constant 16384 : i32
    %dma_start3A_2704 = tpu.memref_slice %arg5[%add3A_2699, %dma_start3A_2703] : memref<1024x32768xf32, #tpu.memory_space<hbm>> -> memref<1x16384xf32, #tpu.memory_space<hbm>>
    %dma_start3A_2705 = tpu.memref_squeeze %dma_start3A_2704 : memref<1x16384xf32, #tpu.memory_space<hbm>> -> memref<16384xf32, #tpu.memory_space<hbm>>
    tpu.enqueue_dma source(%arg11 : memref<16384xf32, #tpu.memory_space<vmem>>) target(%dma_start3A_2705 : memref<16384xf32, #tpu.memory_space<hbm>>) target_semaphore(%arg13 : memref<!tpu.dma_semaphore, #tpu.memory_space<semaphore_mem>>)
    %dma_wait3A_2706 = arith.constant 16384 : i32
    %dma_wait3A_2707 = tpu.memref_slice %arg5[%add3A_2699, %dma_wait3A_2706] : memref<1024x32768xf32, #tpu.memory_space<hbm>> -> memref<1x16384xf32, #tpu.memory_space<hbm>>
    %dma_wait3A_2708 = tpu.memref_squeeze %dma_wait3A_2707 : memref<1x16384xf32, #tpu.memory_space<hbm>> -> memref<16384xf32, #tpu.memory_space<hbm>>
    %dma_wait3A_2709 = arith.constant 16384 : i32
    %dma_wait3A_2710 = tpu.memref_slice %arg5[%add3A_2699, %dma_wait3A_2709] : memref<1024x32768xf32, #tpu.memory_space<hbm>> -> memref<1x16384xf32, #tpu.memory_space<hbm>>
    %dma_wait3A_2711 = tpu.memref_squeeze %dma_wait3A_2710 : memref<1x16384xf32, #tpu.memory_space<hbm>> -> memref<16384xf32, #tpu.memory_space<hbm>>
    tpu.wait_dma2 semaphore(%arg13 : memref<!tpu.dma_semaphore, #tpu.memory_space<semaphore_mem>>) src(%arg11 : memref<16384xf32, #tpu.memory_space<vmem>>) dst(%dma_wait3A_2711 : memref<16384xf32, #tpu.memory_space<hbm>>)
    %add3A_2712 = arith.constant 29 : i32
    %add3A_2713 = arith.addi %mul3A_2, %add3A_2712 : i32
    %dma_start3A_2714 = arith.constant 16384 : i32
    %dma_start3A_2715 = tpu.memref_slice %arg2[%add3A_2713, %dma_start3A_2714] : memref<1024x32768xf32, #tpu.memory_space<hbm>> -> memref<1x16384xf32, #tpu.memory_space<hbm>>
    %dma_start3A_2716 = tpu.memref_squeeze %dma_start3A_2715 : memref<1x16384xf32, #tpu.memory_space<hbm>> -> memref<16384xf32, #tpu.memory_space<hbm>>
    %dma_start3A_2717 = arith.constant 16384 : i32
    %dma_start3A_2718 = tpu.memref_slice %arg2[%add3A_2713, %dma_start3A_2717] : memref<1024x32768xf32, #tpu.memory_space<hbm>> -> memref<1x16384xf32, #tpu.memory_space<hbm>>
    %dma_start3A_2719 = tpu.memref_squeeze %dma_start3A_2718 : memref<1x16384xf32, #tpu.memory_space<hbm>> -> memref<16384xf32, #tpu.memory_space<hbm>>
    tpu.enqueue_dma source(%dma_start3A_2719 : memref<16384xf32, #tpu.memory_space<hbm>>) target(%arg11 : memref<16384xf32, #tpu.memory_space<vmem>>) target_semaphore(%arg12 : memref<!tpu.dma_semaphore, #tpu.memory_space<semaphore_mem>>)
    %dma_wait3A_2720 = arith.constant 0 : i32
    %dma_wait3A_2721 = tpu.memref_slice %arg2[%add3A_2569, %dma_wait3A_2720] : memref<1024x32768xf32, #tpu.memory_space<hbm>> -> memref<1x16384xf32, #tpu.memory_space<hbm>>
    %dma_wait3A_2722 = tpu.memref_squeeze %dma_wait3A_2721 : memref<1x16384xf32, #tpu.memory_space<hbm>> -> memref<16384xf32, #tpu.memory_space<hbm>>
    %dma_wait3A_2723 = arith.constant 0 : i32
    %dma_wait3A_2724 = tpu.memref_slice %arg2[%add3A_2569, %dma_wait3A_2723] : memref<1024x32768xf32, #tpu.memory_space<hbm>> -> memref<1x16384xf32, #tpu.memory_space<hbm>>
    %dma_wait3A_2725 = tpu.memref_squeeze %dma_wait3A_2724 : memref<1x16384xf32, #tpu.memory_space<hbm>> -> memref<16384xf32, #tpu.memory_space<hbm>>
    tpu.wait_dma2 semaphore(%arg12 : memref<!tpu.dma_semaphore, #tpu.memory_space<semaphore_mem>>) src(%dma_wait3A_2725 : memref<16384xf32, #tpu.memory_space<hbm>>) dst(%arg8 : memref<16384xf32, #tpu.memory_space<vmem>>)
    %eq3A_2726 = arith.constant 12 : i32
    %eq3A_2727 = vector.broadcast %eq3A_2726 : i32 to vector<16xi32>
    %eq3A_2728 = arith.cmpi eq, %iota3A, %eq3A_2727 : vector<16xi32>
    %ge3A_2729 = arith.constant 0 : i32
    %ge3A_2730 = vector.broadcast %ge3A_2729 : i32 to vector<16xi32>
    %ge3A_2731 = arith.cmpi sge, %get3A_5, %ge3A_2730 : vector<16xi32>
    %and3A_2732 = arith.andi %eq3A_2728, %ge3A_2731 : vector<16xi1>
    %lt3A_2733 = arith.constant 16384 : i32
    %lt3A_2734 = vector.broadcast %lt3A_2733 : i32 to vector<16xi32>
    %lt3A_2735 = arith.cmpi slt, %get3A_5, %lt3A_2734 : vector<16xi32>
    %and3A_2736 = arith.andi %and3A_2732, %lt3A_2735 : vector<16xi1>
    %sub3A_2737 = arith.constant 0 : i32
    %sub3A_2738 = vector.broadcast %sub3A_2737 : i32 to vector<16xi32>
    %sub3A_2739 = arith.subi %get3A_5, %sub3A_2738 : vector<16xi32>
    %jit3A_2740 = arith.constant 0 : i32
    %jit3A_2741 = arith.constant 16383 : i32
    %max3A_2742 = vector.broadcast %jit3A_2740 : i32 to vector<16xi32>
    %max3A_2743 = arith.maxsi %max3A_2742, %sub3A_2739 : vector<16xi32>
    %min3A_2744 = vector.broadcast %jit3A_2741 : i32 to vector<16xi32>
    %min3A_2745 = arith.minsi %min3A_2744, %max3A_2743 : vector<16xi32>
    tpu.vector_store_idx %arg8[%min3A_2745], %get3A_9 masked %and3A_2736 {add = true} : memref<16384xf32, #tpu.memory_space<vmem>>[vector<16xi32>], vector<16xf32>, vector<16xi1>
    %add3A_2746 = arith.constant 28 : i32
    %add3A_2747 = arith.addi %mul3A_2, %add3A_2746 : i32
    %dma_start3A_2748 = arith.constant 0 : i32
    %dma_start3A_2749 = tpu.memref_slice %arg5[%add3A_2747, %dma_start3A_2748] : memref<1024x32768xf32, #tpu.memory_space<hbm>> -> memref<1x16384xf32, #tpu.memory_space<hbm>>
    %dma_start3A_2750 = tpu.memref_squeeze %dma_start3A_2749 : memref<1x16384xf32, #tpu.memory_space<hbm>> -> memref<16384xf32, #tpu.memory_space<hbm>>
    %dma_start3A_2751 = arith.constant 0 : i32
    %dma_start3A_2752 = tpu.memref_slice %arg5[%add3A_2747, %dma_start3A_2751] : memref<1024x32768xf32, #tpu.memory_space<hbm>> -> memref<1x16384xf32, #tpu.memory_space<hbm>>
    %dma_start3A_2753 = tpu.memref_squeeze %dma_start3A_2752 : memref<1x16384xf32, #tpu.memory_space<hbm>> -> memref<16384xf32, #tpu.memory_space<hbm>>
    tpu.enqueue_dma source(%arg8 : memref<16384xf32, #tpu.memory_space<vmem>>) target(%dma_start3A_2753 : memref<16384xf32, #tpu.memory_space<hbm>>) target_semaphore(%arg13 : memref<!tpu.dma_semaphore, #tpu.memory_space<semaphore_mem>>)
    %dma_wait3A_2754 = arith.constant 0 : i32
    %dma_wait3A_2755 = tpu.memref_slice %arg5[%add3A_2747, %dma_wait3A_2754] : memref<1024x32768xf32, #tpu.memory_space<hbm>> -> memref<1x16384xf32, #tpu.memory_space<hbm>>
    %dma_wait3A_2756 = tpu.memref_squeeze %dma_wait3A_2755 : memref<1x16384xf32, #tpu.memory_space<hbm>> -> memref<16384xf32, #tpu.memory_space<hbm>>
    %dma_wait3A_2757 = arith.constant 0 : i32
    %dma_wait3A_2758 = tpu.memref_slice %arg5[%add3A_2747, %dma_wait3A_2757] : memref<1024x32768xf32, #tpu.memory_space<hbm>> -> memref<1x16384xf32, #tpu.memory_space<hbm>>
    %dma_wait3A_2759 = tpu.memref_squeeze %dma_wait3A_2758 : memref<1x16384xf32, #tpu.memory_space<hbm>> -> memref<16384xf32, #tpu.memory_space<hbm>>
    tpu.wait_dma2 semaphore(%arg13 : memref<!tpu.dma_semaphore, #tpu.memory_space<semaphore_mem>>) src(%arg8 : memref<16384xf32, #tpu.memory_space<vmem>>) dst(%dma_wait3A_2759 : memref<16384xf32, #tpu.memory_space<hbm>>)
    %add3A_2760 = arith.constant 30 : i32
    %add3A_2761 = arith.addi %mul3A_2, %add3A_2760 : i32
    %dma_start3A_2762 = arith.constant 0 : i32
    %dma_start3A_2763 = tpu.memref_slice %arg2[%add3A_2761, %dma_start3A_2762] : memref<1024x32768xf32, #tpu.memory_space<hbm>> -> memref<1x16384xf32, #tpu.memory_space<hbm>>
    %dma_start3A_2764 = tpu.memref_squeeze %dma_start3A_2763 : memref<1x16384xf32, #tpu.memory_space<hbm>> -> memref<16384xf32, #tpu.memory_space<hbm>>
    %dma_start3A_2765 = arith.constant 0 : i32
    %dma_start3A_2766 = tpu.memref_slice %arg2[%add3A_2761, %dma_start3A_2765] : memref<1024x32768xf32, #tpu.memory_space<hbm>> -> memref<1x16384xf32, #tpu.memory_space<hbm>>
    %dma_start3A_2767 = tpu.memref_squeeze %dma_start3A_2766 : memref<1x16384xf32, #tpu.memory_space<hbm>> -> memref<16384xf32, #tpu.memory_space<hbm>>
    tpu.enqueue_dma source(%dma_start3A_2767 : memref<16384xf32, #tpu.memory_space<hbm>>) target(%arg8 : memref<16384xf32, #tpu.memory_space<vmem>>) target_semaphore(%arg12 : memref<!tpu.dma_semaphore, #tpu.memory_space<semaphore_mem>>)
    %dma_wait3A_2768 = arith.constant 16384 : i32
    %dma_wait3A_2769 = tpu.memref_slice %arg2[%add3A_2617, %dma_wait3A_2768] : memref<1024x32768xf32, #tpu.memory_space<hbm>> -> memref<1x16384xf32, #tpu.memory_space<hbm>>
    %dma_wait3A_2770 = tpu.memref_squeeze %dma_wait3A_2769 : memref<1x16384xf32, #tpu.memory_space<hbm>> -> memref<16384xf32, #tpu.memory_space<hbm>>
    %dma_wait3A_2771 = arith.constant 16384 : i32
    %dma_wait3A_2772 = tpu.memref_slice %arg2[%add3A_2617, %dma_wait3A_2771] : memref<1024x32768xf32, #tpu.memory_space<hbm>> -> memref<1x16384xf32, #tpu.memory_space<hbm>>
    %dma_wait3A_2773 = tpu.memref_squeeze %dma_wait3A_2772 : memref<1x16384xf32, #tpu.memory_space<hbm>> -> memref<16384xf32, #tpu.memory_space<hbm>>
    tpu.wait_dma2 semaphore(%arg12 : memref<!tpu.dma_semaphore, #tpu.memory_space<semaphore_mem>>) src(%dma_wait3A_2773 : memref<16384xf32, #tpu.memory_space<hbm>>) dst(%arg9 : memref<16384xf32, #tpu.memory_space<vmem>>)
    %eq3A_2774 = arith.constant 12 : i32
    %eq3A_2775 = vector.broadcast %eq3A_2774 : i32 to vector<16xi32>
    %eq3A_2776 = arith.cmpi eq, %iota3A, %eq3A_2775 : vector<16xi32>
    %ge3A_2777 = arith.constant 16384 : i32
    %ge3A_2778 = vector.broadcast %ge3A_2777 : i32 to vector<16xi32>
    %ge3A_2779 = arith.cmpi sge, %get3A_5, %ge3A_2778 : vector<16xi32>
    %and3A_2780 = arith.andi %eq3A_2776, %ge3A_2779 : vector<16xi1>
    %lt3A_2781 = arith.constant 32768 : i32
    %lt3A_2782 = vector.broadcast %lt3A_2781 : i32 to vector<16xi32>
    %lt3A_2783 = arith.cmpi slt, %get3A_5, %lt3A_2782 : vector<16xi32>
    %and3A_2784 = arith.andi %and3A_2780, %lt3A_2783 : vector<16xi1>
    %sub3A_2785 = arith.constant 16384 : i32
    %sub3A_2786 = vector.broadcast %sub3A_2785 : i32 to vector<16xi32>
    %sub3A_2787 = arith.subi %get3A_5, %sub3A_2786 : vector<16xi32>
    %jit3A_2788 = arith.constant 0 : i32
    %jit3A_2789 = arith.constant 16383 : i32
    %max3A_2790 = vector.broadcast %jit3A_2788 : i32 to vector<16xi32>
    %max3A_2791 = arith.maxsi %max3A_2790, %sub3A_2787 : vector<16xi32>
    %min3A_2792 = vector.broadcast %jit3A_2789 : i32 to vector<16xi32>
    %min3A_2793 = arith.minsi %min3A_2792, %max3A_2791 : vector<16xi32>
    tpu.vector_store_idx %arg9[%min3A_2793], %get3A_9 masked %and3A_2784 {add = true} : memref<16384xf32, #tpu.memory_space<vmem>>[vector<16xi32>], vector<16xf32>, vector<16xi1>
    %add3A_2794 = arith.constant 28 : i32
    %add3A_2795 = arith.addi %mul3A_2, %add3A_2794 : i32
    %dma_start3A_2796 = arith.constant 16384 : i32
    %dma_start3A_2797 = tpu.memref_slice %arg5[%add3A_2795, %dma_start3A_2796] : memref<1024x32768xf32, #tpu.memory_space<hbm>> -> memref<1x16384xf32, #tpu.memory_space<hbm>>
    %dma_start3A_2798 = tpu.memref_squeeze %dma_start3A_2797 : memref<1x16384xf32, #tpu.memory_space<hbm>> -> memref<16384xf32, #tpu.memory_space<hbm>>
    %dma_start3A_2799 = arith.constant 16384 : i32
    %dma_start3A_2800 = tpu.memref_slice %arg5[%add3A_2795, %dma_start3A_2799] : memref<1024x32768xf32, #tpu.memory_space<hbm>> -> memref<1x16384xf32, #tpu.memory_space<hbm>>
    %dma_start3A_2801 = tpu.memref_squeeze %dma_start3A_2800 : memref<1x16384xf32, #tpu.memory_space<hbm>> -> memref<16384xf32, #tpu.memory_space<hbm>>
    tpu.enqueue_dma source(%arg9 : memref<16384xf32, #tpu.memory_space<vmem>>) target(%dma_start3A_2801 : memref<16384xf32, #tpu.memory_space<hbm>>) target_semaphore(%arg13 : memref<!tpu.dma_semaphore, #tpu.memory_space<semaphore_mem>>)
    %dma_wait3A_2802 = arith.constant 16384 : i32
    %dma_wait3A_2803 = tpu.memref_slice %arg5[%add3A_2795, %dma_wait3A_2802] : memref<1024x32768xf32, #tpu.memory_space<hbm>> -> memref<1x16384xf32, #tpu.memory_space<hbm>>
    %dma_wait3A_2804 = tpu.memref_squeeze %dma_wait3A_2803 : memref<1x16384xf32, #tpu.memory_space<hbm>> -> memref<16384xf32, #tpu.memory_space<hbm>>
    %dma_wait3A_2805 = arith.constant 16384 : i32
    %dma_wait3A_2806 = tpu.memref_slice %arg5[%add3A_2795, %dma_wait3A_2805] : memref<1024x32768xf32, #tpu.memory_space<hbm>> -> memref<1x16384xf32, #tpu.memory_space<hbm>>
    %dma_wait3A_2807 = tpu.memref_squeeze %dma_wait3A_2806 : memref<1x16384xf32, #tpu.memory_space<hbm>> -> memref<16384xf32, #tpu.memory_space<hbm>>
    tpu.wait_dma2 semaphore(%arg13 : memref<!tpu.dma_semaphore, #tpu.memory_space<semaphore_mem>>) src(%arg9 : memref<16384xf32, #tpu.memory_space<vmem>>) dst(%dma_wait3A_2807 : memref<16384xf32, #tpu.memory_space<hbm>>)
    %add3A_2808 = arith.constant 30 : i32
    %add3A_2809 = arith.addi %mul3A_2, %add3A_2808 : i32
    %dma_start3A_2810 = arith.constant 16384 : i32
    %dma_start3A_2811 = tpu.memref_slice %arg2[%add3A_2809, %dma_start3A_2810] : memref<1024x32768xf32, #tpu.memory_space<hbm>> -> memref<1x16384xf32, #tpu.memory_space<hbm>>
    %dma_start3A_2812 = tpu.memref_squeeze %dma_start3A_2811 : memref<1x16384xf32, #tpu.memory_space<hbm>> -> memref<16384xf32, #tpu.memory_space<hbm>>
    %dma_start3A_2813 = arith.constant 16384 : i32
    %dma_start3A_2814 = tpu.memref_slice %arg2[%add3A_2809, %dma_start3A_2813] : memref<1024x32768xf32, #tpu.memory_space<hbm>> -> memref<1x16384xf32, #tpu.memory_space<hbm>>
    %dma_start3A_2815 = tpu.memref_squeeze %dma_start3A_2814 : memref<1x16384xf32, #tpu.memory_space<hbm>> -> memref<16384xf32, #tpu.memory_space<hbm>>
    tpu.enqueue_dma source(%dma_start3A_2815 : memref<16384xf32, #tpu.memory_space<hbm>>) target(%arg9 : memref<16384xf32, #tpu.memory_space<vmem>>) target_semaphore(%arg12 : memref<!tpu.dma_semaphore, #tpu.memory_space<semaphore_mem>>)
    %dma_wait3A_2816 = arith.constant 0 : i32
    %dma_wait3A_2817 = tpu.memref_slice %arg2[%add3A_2665, %dma_wait3A_2816] : memref<1024x32768xf32, #tpu.memory_space<hbm>> -> memref<1x16384xf32, #tpu.memory_space<hbm>>
    %dma_wait3A_2818 = tpu.memref_squeeze %dma_wait3A_2817 : memref<1x16384xf32, #tpu.memory_space<hbm>> -> memref<16384xf32, #tpu.memory_space<hbm>>
    %dma_wait3A_2819 = arith.constant 0 : i32
    %dma_wait3A_2820 = tpu.memref_slice %arg2[%add3A_2665, %dma_wait3A_2819] : memref<1024x32768xf32, #tpu.memory_space<hbm>> -> memref<1x16384xf32, #tpu.memory_space<hbm>>
    %dma_wait3A_2821 = tpu.memref_squeeze %dma_wait3A_2820 : memref<1x16384xf32, #tpu.memory_space<hbm>> -> memref<16384xf32, #tpu.memory_space<hbm>>
    tpu.wait_dma2 semaphore(%arg12 : memref<!tpu.dma_semaphore, #tpu.memory_space<semaphore_mem>>) src(%dma_wait3A_2821 : memref<16384xf32, #tpu.memory_space<hbm>>) dst(%arg10 : memref<16384xf32, #tpu.memory_space<vmem>>)
    %eq3A_2822 = arith.constant 13 : i32
    %eq3A_2823 = vector.broadcast %eq3A_2822 : i32 to vector<16xi32>
    %eq3A_2824 = arith.cmpi eq, %iota3A, %eq3A_2823 : vector<16xi32>
    %ge3A_2825 = arith.constant 0 : i32
    %ge3A_2826 = vector.broadcast %ge3A_2825 : i32 to vector<16xi32>
    %ge3A_2827 = arith.cmpi sge, %get3A_5, %ge3A_2826 : vector<16xi32>
    %and3A_2828 = arith.andi %eq3A_2824, %ge3A_2827 : vector<16xi1>
    %lt3A_2829 = arith.constant 16384 : i32
    %lt3A_2830 = vector.broadcast %lt3A_2829 : i32 to vector<16xi32>
    %lt3A_2831 = arith.cmpi slt, %get3A_5, %lt3A_2830 : vector<16xi32>
    %and3A_2832 = arith.andi %and3A_2828, %lt3A_2831 : vector<16xi1>
    %sub3A_2833 = arith.constant 0 : i32
    %sub3A_2834 = vector.broadcast %sub3A_2833 : i32 to vector<16xi32>
    %sub3A_2835 = arith.subi %get3A_5, %sub3A_2834 : vector<16xi32>
    %jit3A_2836 = arith.constant 0 : i32
    %jit3A_2837 = arith.constant 16383 : i32
    %max3A_2838 = vector.broadcast %jit3A_2836 : i32 to vector<16xi32>
    %max3A_2839 = arith.maxsi %max3A_2838, %sub3A_2835 : vector<16xi32>
    %min3A_2840 = vector.broadcast %jit3A_2837 : i32 to vector<16xi32>
    %min3A_2841 = arith.minsi %min3A_2840, %max3A_2839 : vector<16xi32>
    tpu.vector_store_idx %arg10[%min3A_2841], %get3A_9 masked %and3A_2832 {add = true} : memref<16384xf32, #tpu.memory_space<vmem>>[vector<16xi32>], vector<16xf32>, vector<16xi1>
    %add3A_2842 = arith.constant 29 : i32
    %add3A_2843 = arith.addi %mul3A_2, %add3A_2842 : i32
    %dma_start3A_2844 = arith.constant 0 : i32
    %dma_start3A_2845 = tpu.memref_slice %arg5[%add3A_2843, %dma_start3A_2844] : memref<1024x32768xf32, #tpu.memory_space<hbm>> -> memref<1x16384xf32, #tpu.memory_space<hbm>>
    %dma_start3A_2846 = tpu.memref_squeeze %dma_start3A_2845 : memref<1x16384xf32, #tpu.memory_space<hbm>> -> memref<16384xf32, #tpu.memory_space<hbm>>
    %dma_start3A_2847 = arith.constant 0 : i32
    %dma_start3A_2848 = tpu.memref_slice %arg5[%add3A_2843, %dma_start3A_2847] : memref<1024x32768xf32, #tpu.memory_space<hbm>> -> memref<1x16384xf32, #tpu.memory_space<hbm>>
    %dma_start3A_2849 = tpu.memref_squeeze %dma_start3A_2848 : memref<1x16384xf32, #tpu.memory_space<hbm>> -> memref<16384xf32, #tpu.memory_space<hbm>>
    tpu.enqueue_dma source(%arg10 : memref<16384xf32, #tpu.memory_space<vmem>>) target(%dma_start3A_2849 : memref<16384xf32, #tpu.memory_space<hbm>>) target_semaphore(%arg13 : memref<!tpu.dma_semaphore, #tpu.memory_space<semaphore_mem>>)
    %dma_wait3A_2850 = arith.constant 0 : i32
    %dma_wait3A_2851 = tpu.memref_slice %arg5[%add3A_2843, %dma_wait3A_2850] : memref<1024x32768xf32, #tpu.memory_space<hbm>> -> memref<1x16384xf32, #tpu.memory_space<hbm>>
    %dma_wait3A_2852 = tpu.memref_squeeze %dma_wait3A_2851 : memref<1x16384xf32, #tpu.memory_space<hbm>> -> memref<16384xf32, #tpu.memory_space<hbm>>
    %dma_wait3A_2853 = arith.constant 0 : i32
    %dma_wait3A_2854 = tpu.memref_slice %arg5[%add3A_2843, %dma_wait3A_2853] : memref<1024x32768xf32, #tpu.memory_space<hbm>> -> memref<1x16384xf32, #tpu.memory_space<hbm>>
    %dma_wait3A_2855 = tpu.memref_squeeze %dma_wait3A_2854 : memref<1x16384xf32, #tpu.memory_space<hbm>> -> memref<16384xf32, #tpu.memory_space<hbm>>
    tpu.wait_dma2 semaphore(%arg13 : memref<!tpu.dma_semaphore, #tpu.memory_space<semaphore_mem>>) src(%arg10 : memref<16384xf32, #tpu.memory_space<vmem>>) dst(%dma_wait3A_2855 : memref<16384xf32, #tpu.memory_space<hbm>>)
    %add3A_2856 = arith.constant 31 : i32
    %add3A_2857 = arith.addi %mul3A_2, %add3A_2856 : i32
    %dma_start3A_2858 = arith.constant 0 : i32
    %dma_start3A_2859 = tpu.memref_slice %arg2[%add3A_2857, %dma_start3A_2858] : memref<1024x32768xf32, #tpu.memory_space<hbm>> -> memref<1x16384xf32, #tpu.memory_space<hbm>>
    %dma_start3A_2860 = tpu.memref_squeeze %dma_start3A_2859 : memref<1x16384xf32, #tpu.memory_space<hbm>> -> memref<16384xf32, #tpu.memory_space<hbm>>
    %dma_start3A_2861 = arith.constant 0 : i32
    %dma_start3A_2862 = tpu.memref_slice %arg2[%add3A_2857, %dma_start3A_2861] : memref<1024x32768xf32, #tpu.memory_space<hbm>> -> memref<1x16384xf32, #tpu.memory_space<hbm>>
    %dma_start3A_2863 = tpu.memref_squeeze %dma_start3A_2862 : memref<1x16384xf32, #tpu.memory_space<hbm>> -> memref<16384xf32, #tpu.memory_space<hbm>>
    tpu.enqueue_dma source(%dma_start3A_2863 : memref<16384xf32, #tpu.memory_space<hbm>>) target(%arg10 : memref<16384xf32, #tpu.memory_space<vmem>>) target_semaphore(%arg12 : memref<!tpu.dma_semaphore, #tpu.memory_space<semaphore_mem>>)
    %dma_wait3A_2864 = arith.constant 16384 : i32
    %dma_wait3A_2865 = tpu.memref_slice %arg2[%add3A_2713, %dma_wait3A_2864] : memref<1024x32768xf32, #tpu.memory_space<hbm>> -> memref<1x16384xf32, #tpu.memory_space<hbm>>
    %dma_wait3A_2866 = tpu.memref_squeeze %dma_wait3A_2865 : memref<1x16384xf32, #tpu.memory_space<hbm>> -> memref<16384xf32, #tpu.memory_space<hbm>>
    %dma_wait3A_2867 = arith.constant 16384 : i32
    %dma_wait3A_2868 = tpu.memref_slice %arg2[%add3A_2713, %dma_wait3A_2867] : memref<1024x32768xf32, #tpu.memory_space<hbm>> -> memref<1x16384xf32, #tpu.memory_space<hbm>>
    %dma_wait3A_2869 = tpu.memref_squeeze %dma_wait3A_2868 : memref<1x16384xf32, #tpu.memory_space<hbm>> -> memref<16384xf32, #tpu.memory_space<hbm>>
    tpu.wait_dma2 semaphore(%arg12 : memref<!tpu.dma_semaphore, #tpu.memory_space<semaphore_mem>>) src(%dma_wait3A_2869 : memref<16384xf32, #tpu.memory_space<hbm>>) dst(%arg11 : memref<16384xf32, #tpu.memory_space<vmem>>)
    %eq3A_2870 = arith.constant 13 : i32
    %eq3A_2871 = vector.broadcast %eq3A_2870 : i32 to vector<16xi32>
    %eq3A_2872 = arith.cmpi eq, %iota3A, %eq3A_2871 : vector<16xi32>
    %ge3A_2873 = arith.constant 16384 : i32
    %ge3A_2874 = vector.broadcast %ge3A_2873 : i32 to vector<16xi32>
    %ge3A_2875 = arith.cmpi sge, %get3A_5, %ge3A_2874 : vector<16xi32>
    %and3A_2876 = arith.andi %eq3A_2872, %ge3A_2875 : vector<16xi1>
    %lt3A_2877 = arith.constant 32768 : i32
    %lt3A_2878 = vector.broadcast %lt3A_2877 : i32 to vector<16xi32>
    %lt3A_2879 = arith.cmpi slt, %get3A_5, %lt3A_2878 : vector<16xi32>
    %and3A_2880 = arith.andi %and3A_2876, %lt3A_2879 : vector<16xi1>
    %sub3A_2881 = arith.constant 16384 : i32
    %sub3A_2882 = vector.broadcast %sub3A_2881 : i32 to vector<16xi32>
    %sub3A_2883 = arith.subi %get3A_5, %sub3A_2882 : vector<16xi32>
    %jit3A_2884 = arith.constant 0 : i32
    %jit3A_2885 = arith.constant 16383 : i32
    %max3A_2886 = vector.broadcast %jit3A_2884 : i32 to vector<16xi32>
    %max3A_2887 = arith.maxsi %max3A_2886, %sub3A_2883 : vector<16xi32>
    %min3A_2888 = vector.broadcast %jit3A_2885 : i32 to vector<16xi32>
    %min3A_2889 = arith.minsi %min3A_2888, %max3A_2887 : vector<16xi32>
    tpu.vector_store_idx %arg11[%min3A_2889], %get3A_9 masked %and3A_2880 {add = true} : memref<16384xf32, #tpu.memory_space<vmem>>[vector<16xi32>], vector<16xf32>, vector<16xi1>
    %add3A_2890 = arith.constant 29 : i32
    %add3A_2891 = arith.addi %mul3A_2, %add3A_2890 : i32
    %dma_start3A_2892 = arith.constant 16384 : i32
    %dma_start3A_2893 = tpu.memref_slice %arg5[%add3A_2891, %dma_start3A_2892] : memref<1024x32768xf32, #tpu.memory_space<hbm>> -> memref<1x16384xf32, #tpu.memory_space<hbm>>
    %dma_start3A_2894 = tpu.memref_squeeze %dma_start3A_2893 : memref<1x16384xf32, #tpu.memory_space<hbm>> -> memref<16384xf32, #tpu.memory_space<hbm>>
    %dma_start3A_2895 = arith.constant 16384 : i32
    %dma_start3A_2896 = tpu.memref_slice %arg5[%add3A_2891, %dma_start3A_2895] : memref<1024x32768xf32, #tpu.memory_space<hbm>> -> memref<1x16384xf32, #tpu.memory_space<hbm>>
    %dma_start3A_2897 = tpu.memref_squeeze %dma_start3A_2896 : memref<1x16384xf32, #tpu.memory_space<hbm>> -> memref<16384xf32, #tpu.memory_space<hbm>>
    tpu.enqueue_dma source(%arg11 : memref<16384xf32, #tpu.memory_space<vmem>>) target(%dma_start3A_2897 : memref<16384xf32, #tpu.memory_space<hbm>>) target_semaphore(%arg13 : memref<!tpu.dma_semaphore, #tpu.memory_space<semaphore_mem>>)
    %dma_wait3A_2898 = arith.constant 16384 : i32
    %dma_wait3A_2899 = tpu.memref_slice %arg5[%add3A_2891, %dma_wait3A_2898] : memref<1024x32768xf32, #tpu.memory_space<hbm>> -> memref<1x16384xf32, #tpu.memory_space<hbm>>
    %dma_wait3A_2900 = tpu.memref_squeeze %dma_wait3A_2899 : memref<1x16384xf32, #tpu.memory_space<hbm>> -> memref<16384xf32, #tpu.memory_space<hbm>>
    %dma_wait3A_2901 = arith.constant 16384 : i32
    %dma_wait3A_2902 = tpu.memref_slice %arg5[%add3A_2891, %dma_wait3A_2901] : memref<1024x32768xf32, #tpu.memory_space<hbm>> -> memref<1x16384xf32, #tpu.memory_space<hbm>>
    %dma_wait3A_2903 = tpu.memref_squeeze %dma_wait3A_2902 : memref<1x16384xf32, #tpu.memory_space<hbm>> -> memref<16384xf32, #tpu.memory_space<hbm>>
    tpu.wait_dma2 semaphore(%arg13 : memref<!tpu.dma_semaphore, #tpu.memory_space<semaphore_mem>>) src(%arg11 : memref<16384xf32, #tpu.memory_space<vmem>>) dst(%dma_wait3A_2903 : memref<16384xf32, #tpu.memory_space<hbm>>)
    %add3A_2904 = arith.constant 31 : i32
    %add3A_2905 = arith.addi %mul3A_2, %add3A_2904 : i32
    %dma_start3A_2906 = arith.constant 16384 : i32
    %dma_start3A_2907 = tpu.memref_slice %arg2[%add3A_2905, %dma_start3A_2906] : memref<1024x32768xf32, #tpu.memory_space<hbm>> -> memref<1x16384xf32, #tpu.memory_space<hbm>>
    %dma_start3A_2908 = tpu.memref_squeeze %dma_start3A_2907 : memref<1x16384xf32, #tpu.memory_space<hbm>> -> memref<16384xf32, #tpu.memory_space<hbm>>
    %dma_start3A_2909 = arith.constant 16384 : i32
    %dma_start3A_2910 = tpu.memref_slice %arg2[%add3A_2905, %dma_start3A_2909] : memref<1024x32768xf32, #tpu.memory_space<hbm>> -> memref<1x16384xf32, #tpu.memory_space<hbm>>
    %dma_start3A_2911 = tpu.memref_squeeze %dma_start3A_2910 : memref<1x16384xf32, #tpu.memory_space<hbm>> -> memref<16384xf32, #tpu.memory_space<hbm>>
    tpu.enqueue_dma source(%dma_start3A_2911 : memref<16384xf32, #tpu.memory_space<hbm>>) target(%arg11 : memref<16384xf32, #tpu.memory_space<vmem>>) target_semaphore(%arg12 : memref<!tpu.dma_semaphore, #tpu.memory_space<semaphore_mem>>)
    %dma_wait3A_2912 = arith.constant 0 : i32
    %dma_wait3A_2913 = tpu.memref_slice %arg2[%add3A_2761, %dma_wait3A_2912] : memref<1024x32768xf32, #tpu.memory_space<hbm>> -> memref<1x16384xf32, #tpu.memory_space<hbm>>
    %dma_wait3A_2914 = tpu.memref_squeeze %dma_wait3A_2913 : memref<1x16384xf32, #tpu.memory_space<hbm>> -> memref<16384xf32, #tpu.memory_space<hbm>>
    %dma_wait3A_2915 = arith.constant 0 : i32
    %dma_wait3A_2916 = tpu.memref_slice %arg2[%add3A_2761, %dma_wait3A_2915] : memref<1024x32768xf32, #tpu.memory_space<hbm>> -> memref<1x16384xf32, #tpu.memory_space<hbm>>
    %dma_wait3A_2917 = tpu.memref_squeeze %dma_wait3A_2916 : memref<1x16384xf32, #tpu.memory_space<hbm>> -> memref<16384xf32, #tpu.memory_space<hbm>>
    tpu.wait_dma2 semaphore(%arg12 : memref<!tpu.dma_semaphore, #tpu.memory_space<semaphore_mem>>) src(%dma_wait3A_2917 : memref<16384xf32, #tpu.memory_space<hbm>>) dst(%arg8 : memref<16384xf32, #tpu.memory_space<vmem>>)
    %eq3A_2918 = arith.constant 14 : i32
    %eq3A_2919 = vector.broadcast %eq3A_2918 : i32 to vector<16xi32>
    %eq3A_2920 = arith.cmpi eq, %iota3A, %eq3A_2919 : vector<16xi32>
    %ge3A_2921 = arith.constant 0 : i32
    %ge3A_2922 = vector.broadcast %ge3A_2921 : i32 to vector<16xi32>
    %ge3A_2923 = arith.cmpi sge, %get3A_5, %ge3A_2922 : vector<16xi32>
    %and3A_2924 = arith.andi %eq3A_2920, %ge3A_2923 : vector<16xi1>
    %lt3A_2925 = arith.constant 16384 : i32
    %lt3A_2926 = vector.broadcast %lt3A_2925 : i32 to vector<16xi32>
    %lt3A_2927 = arith.cmpi slt, %get3A_5, %lt3A_2926 : vector<16xi32>
    %and3A_2928 = arith.andi %and3A_2924, %lt3A_2927 : vector<16xi1>
    %sub3A_2929 = arith.constant 0 : i32
    %sub3A_2930 = vector.broadcast %sub3A_2929 : i32 to vector<16xi32>
    %sub3A_2931 = arith.subi %get3A_5, %sub3A_2930 : vector<16xi32>
    %jit3A_2932 = arith.constant 0 : i32
    %jit3A_2933 = arith.constant 16383 : i32
    %max3A_2934 = vector.broadcast %jit3A_2932 : i32 to vector<16xi32>
    %max3A_2935 = arith.maxsi %max3A_2934, %sub3A_2931 : vector<16xi32>
    %min3A_2936 = vector.broadcast %jit3A_2933 : i32 to vector<16xi32>
    %min3A_2937 = arith.minsi %min3A_2936, %max3A_2935 : vector<16xi32>
    tpu.vector_store_idx %arg8[%min3A_2937], %get3A_9 masked %and3A_2928 {add = true} : memref<16384xf32, #tpu.memory_space<vmem>>[vector<16xi32>], vector<16xf32>, vector<16xi1>
    %add3A_2938 = arith.constant 30 : i32
    %add3A_2939 = arith.addi %mul3A_2, %add3A_2938 : i32
    %dma_start3A_2940 = arith.constant 0 : i32
    %dma_start3A_2941 = tpu.memref_slice %arg5[%add3A_2939, %dma_start3A_2940] : memref<1024x32768xf32, #tpu.memory_space<hbm>> -> memref<1x16384xf32, #tpu.memory_space<hbm>>
    %dma_start3A_2942 = tpu.memref_squeeze %dma_start3A_2941 : memref<1x16384xf32, #tpu.memory_space<hbm>> -> memref<16384xf32, #tpu.memory_space<hbm>>
    %dma_start3A_2943 = arith.constant 0 : i32
    %dma_start3A_2944 = tpu.memref_slice %arg5[%add3A_2939, %dma_start3A_2943] : memref<1024x32768xf32, #tpu.memory_space<hbm>> -> memref<1x16384xf32, #tpu.memory_space<hbm>>
    %dma_start3A_2945 = tpu.memref_squeeze %dma_start3A_2944 : memref<1x16384xf32, #tpu.memory_space<hbm>> -> memref<16384xf32, #tpu.memory_space<hbm>>
    tpu.enqueue_dma source(%arg8 : memref<16384xf32, #tpu.memory_space<vmem>>) target(%dma_start3A_2945 : memref<16384xf32, #tpu.memory_space<hbm>>) target_semaphore(%arg13 : memref<!tpu.dma_semaphore, #tpu.memory_space<semaphore_mem>>)
    %dma_wait3A_2946 = arith.constant 16384 : i32
    %dma_wait3A_2947 = tpu.memref_slice %arg2[%add3A_2809, %dma_wait3A_2946] : memref<1024x32768xf32, #tpu.memory_space<hbm>> -> memref<1x16384xf32, #tpu.memory_space<hbm>>
    %dma_wait3A_2948 = tpu.memref_squeeze %dma_wait3A_2947 : memref<1x16384xf32, #tpu.memory_space<hbm>> -> memref<16384xf32, #tpu.memory_space<hbm>>
    %dma_wait3A_2949 = arith.constant 16384 : i32
    %dma_wait3A_2950 = tpu.memref_slice %arg2[%add3A_2809, %dma_wait3A_2949] : memref<1024x32768xf32, #tpu.memory_space<hbm>> -> memref<1x16384xf32, #tpu.memory_space<hbm>>
    %dma_wait3A_2951 = tpu.memref_squeeze %dma_wait3A_2950 : memref<1x16384xf32, #tpu.memory_space<hbm>> -> memref<16384xf32, #tpu.memory_space<hbm>>
    tpu.wait_dma2 semaphore(%arg12 : memref<!tpu.dma_semaphore, #tpu.memory_space<semaphore_mem>>) src(%dma_wait3A_2951 : memref<16384xf32, #tpu.memory_space<hbm>>) dst(%arg9 : memref<16384xf32, #tpu.memory_space<vmem>>)
    %eq3A_2952 = arith.constant 14 : i32
    %eq3A_2953 = vector.broadcast %eq3A_2952 : i32 to vector<16xi32>
    %eq3A_2954 = arith.cmpi eq, %iota3A, %eq3A_2953 : vector<16xi32>
    %ge3A_2955 = arith.constant 16384 : i32
    %ge3A_2956 = vector.broadcast %ge3A_2955 : i32 to vector<16xi32>
    %ge3A_2957 = arith.cmpi sge, %get3A_5, %ge3A_2956 : vector<16xi32>
    %and3A_2958 = arith.andi %eq3A_2954, %ge3A_2957 : vector<16xi1>
    %lt3A_2959 = arith.constant 32768 : i32
    %lt3A_2960 = vector.broadcast %lt3A_2959 : i32 to vector<16xi32>
    %lt3A_2961 = arith.cmpi slt, %get3A_5, %lt3A_2960 : vector<16xi32>
    %and3A_2962 = arith.andi %and3A_2958, %lt3A_2961 : vector<16xi1>
    %sub3A_2963 = arith.constant 16384 : i32
    %sub3A_2964 = vector.broadcast %sub3A_2963 : i32 to vector<16xi32>
    %sub3A_2965 = arith.subi %get3A_5, %sub3A_2964 : vector<16xi32>
    %jit3A_2966 = arith.constant 0 : i32
    %jit3A_2967 = arith.constant 16383 : i32
    %max3A_2968 = vector.broadcast %jit3A_2966 : i32 to vector<16xi32>
    %max3A_2969 = arith.maxsi %max3A_2968, %sub3A_2965 : vector<16xi32>
    %min3A_2970 = vector.broadcast %jit3A_2967 : i32 to vector<16xi32>
    %min3A_2971 = arith.minsi %min3A_2970, %max3A_2969 : vector<16xi32>
    tpu.vector_store_idx %arg9[%min3A_2971], %get3A_9 masked %and3A_2962 {add = true} : memref<16384xf32, #tpu.memory_space<vmem>>[vector<16xi32>], vector<16xf32>, vector<16xi1>
    %add3A_2972 = arith.constant 30 : i32
    %add3A_2973 = arith.addi %mul3A_2, %add3A_2972 : i32
    %dma_start3A_2974 = arith.constant 16384 : i32
    %dma_start3A_2975 = tpu.memref_slice %arg5[%add3A_2973, %dma_start3A_2974] : memref<1024x32768xf32, #tpu.memory_space<hbm>> -> memref<1x16384xf32, #tpu.memory_space<hbm>>
    %dma_start3A_2976 = tpu.memref_squeeze %dma_start3A_2975 : memref<1x16384xf32, #tpu.memory_space<hbm>> -> memref<16384xf32, #tpu.memory_space<hbm>>
    %dma_start3A_2977 = arith.constant 16384 : i32
    %dma_start3A_2978 = tpu.memref_slice %arg5[%add3A_2973, %dma_start3A_2977] : memref<1024x32768xf32, #tpu.memory_space<hbm>> -> memref<1x16384xf32, #tpu.memory_space<hbm>>
    %dma_start3A_2979 = tpu.memref_squeeze %dma_start3A_2978 : memref<1x16384xf32, #tpu.memory_space<hbm>> -> memref<16384xf32, #tpu.memory_space<hbm>>
    tpu.enqueue_dma source(%arg9 : memref<16384xf32, #tpu.memory_space<vmem>>) target(%dma_start3A_2979 : memref<16384xf32, #tpu.memory_space<hbm>>) target_semaphore(%arg13 : memref<!tpu.dma_semaphore, #tpu.memory_space<semaphore_mem>>)
    %dma_wait3A_2980 = arith.constant 0 : i32
    %dma_wait3A_2981 = tpu.memref_slice %arg2[%add3A_2857, %dma_wait3A_2980] : memref<1024x32768xf32, #tpu.memory_space<hbm>> -> memref<1x16384xf32, #tpu.memory_space<hbm>>
    %dma_wait3A_2982 = tpu.memref_squeeze %dma_wait3A_2981 : memref<1x16384xf32, #tpu.memory_space<hbm>> -> memref<16384xf32, #tpu.memory_space<hbm>>
    %dma_wait3A_2983 = arith.constant 0 : i32
    %dma_wait3A_2984 = tpu.memref_slice %arg2[%add3A_2857, %dma_wait3A_2983] : memref<1024x32768xf32, #tpu.memory_space<hbm>> -> memref<1x16384xf32, #tpu.memory_space<hbm>>
    %dma_wait3A_2985 = tpu.memref_squeeze %dma_wait3A_2984 : memref<1x16384xf32, #tpu.memory_space<hbm>> -> memref<16384xf32, #tpu.memory_space<hbm>>
    tpu.wait_dma2 semaphore(%arg12 : memref<!tpu.dma_semaphore, #tpu.memory_space<semaphore_mem>>) src(%dma_wait3A_2985 : memref<16384xf32, #tpu.memory_space<hbm>>) dst(%arg10 : memref<16384xf32, #tpu.memory_space<vmem>>)
    %eq3A_2986 = arith.constant 15 : i32
    %eq3A_2987 = vector.broadcast %eq3A_2986 : i32 to vector<16xi32>
    %eq3A_2988 = arith.cmpi eq, %iota3A, %eq3A_2987 : vector<16xi32>
    %ge3A_2989 = arith.constant 0 : i32
    %ge3A_2990 = vector.broadcast %ge3A_2989 : i32 to vector<16xi32>
    %ge3A_2991 = arith.cmpi sge, %get3A_5, %ge3A_2990 : vector<16xi32>
    %and3A_2992 = arith.andi %eq3A_2988, %ge3A_2991 : vector<16xi1>
    %lt3A_2993 = arith.constant 16384 : i32
    %lt3A_2994 = vector.broadcast %lt3A_2993 : i32 to vector<16xi32>
    %lt3A_2995 = arith.cmpi slt, %get3A_5, %lt3A_2994 : vector<16xi32>
    %and3A_2996 = arith.andi %and3A_2992, %lt3A_2995 : vector<16xi1>
    %sub3A_2997 = arith.constant 0 : i32
    %sub3A_2998 = vector.broadcast %sub3A_2997 : i32 to vector<16xi32>
    %sub3A_2999 = arith.subi %get3A_5, %sub3A_2998 : vector<16xi32>
    %jit3A_3000 = arith.constant 0 : i32
    %jit3A_3001 = arith.constant 16383 : i32
    %max3A_3002 = vector.broadcast %jit3A_3000 : i32 to vector<16xi32>
    %max3A_3003 = arith.maxsi %max3A_3002, %sub3A_2999 : vector<16xi32>
    %min3A_3004 = vector.broadcast %jit3A_3001 : i32 to vector<16xi32>
    %min3A_3005 = arith.minsi %min3A_3004, %max3A_3003 : vector<16xi32>
    tpu.vector_store_idx %arg10[%min3A_3005], %get3A_9 masked %and3A_2996 {add = true} : memref<16384xf32, #tpu.memory_space<vmem>>[vector<16xi32>], vector<16xf32>, vector<16xi1>
    %add3A_3006 = arith.constant 31 : i32
    %add3A_3007 = arith.addi %mul3A_2, %add3A_3006 : i32
    %dma_start3A_3008 = arith.constant 0 : i32
    %dma_start3A_3009 = tpu.memref_slice %arg5[%add3A_3007, %dma_start3A_3008] : memref<1024x32768xf32, #tpu.memory_space<hbm>> -> memref<1x16384xf32, #tpu.memory_space<hbm>>
    %dma_start3A_3010 = tpu.memref_squeeze %dma_start3A_3009 : memref<1x16384xf32, #tpu.memory_space<hbm>> -> memref<16384xf32, #tpu.memory_space<hbm>>
    %dma_start3A_3011 = arith.constant 0 : i32
    %dma_start3A_3012 = tpu.memref_slice %arg5[%add3A_3007, %dma_start3A_3011] : memref<1024x32768xf32, #tpu.memory_space<hbm>> -> memref<1x16384xf32, #tpu.memory_space<hbm>>
    %dma_start3A_3013 = tpu.memref_squeeze %dma_start3A_3012 : memref<1x16384xf32, #tpu.memory_space<hbm>> -> memref<16384xf32, #tpu.memory_space<hbm>>
    tpu.enqueue_dma source(%arg10 : memref<16384xf32, #tpu.memory_space<vmem>>) target(%dma_start3A_3013 : memref<16384xf32, #tpu.memory_space<hbm>>) target_semaphore(%arg13 : memref<!tpu.dma_semaphore, #tpu.memory_space<semaphore_mem>>)
    %dma_wait3A_3014 = arith.constant 16384 : i32
    %dma_wait3A_3015 = tpu.memref_slice %arg2[%add3A_2905, %dma_wait3A_3014] : memref<1024x32768xf32, #tpu.memory_space<hbm>> -> memref<1x16384xf32, #tpu.memory_space<hbm>>
    %dma_wait3A_3016 = tpu.memref_squeeze %dma_wait3A_3015 : memref<1x16384xf32, #tpu.memory_space<hbm>> -> memref<16384xf32, #tpu.memory_space<hbm>>
    %dma_wait3A_3017 = arith.constant 16384 : i32
    %dma_wait3A_3018 = tpu.memref_slice %arg2[%add3A_2905, %dma_wait3A_3017] : memref<1024x32768xf32, #tpu.memory_space<hbm>> -> memref<1x16384xf32, #tpu.memory_space<hbm>>
    %dma_wait3A_3019 = tpu.memref_squeeze %dma_wait3A_3018 : memref<1x16384xf32, #tpu.memory_space<hbm>> -> memref<16384xf32, #tpu.memory_space<hbm>>
    tpu.wait_dma2 semaphore(%arg12 : memref<!tpu.dma_semaphore, #tpu.memory_space<semaphore_mem>>) src(%dma_wait3A_3019 : memref<16384xf32, #tpu.memory_space<hbm>>) dst(%arg11 : memref<16384xf32, #tpu.memory_space<vmem>>)
    %eq3A_3020 = arith.constant 15 : i32
    %eq3A_3021 = vector.broadcast %eq3A_3020 : i32 to vector<16xi32>
    %eq3A_3022 = arith.cmpi eq, %iota3A, %eq3A_3021 : vector<16xi32>
    %ge3A_3023 = arith.constant 16384 : i32
    %ge3A_3024 = vector.broadcast %ge3A_3023 : i32 to vector<16xi32>
    %ge3A_3025 = arith.cmpi sge, %get3A_5, %ge3A_3024 : vector<16xi32>
    %and3A_3026 = arith.andi %eq3A_3022, %ge3A_3025 : vector<16xi1>
    %lt3A_3027 = arith.constant 32768 : i32
    %lt3A_3028 = vector.broadcast %lt3A_3027 : i32 to vector<16xi32>
    %lt3A_3029 = arith.cmpi slt, %get3A_5, %lt3A_3028 : vector<16xi32>
    %and3A_3030 = arith.andi %and3A_3026, %lt3A_3029 : vector<16xi1>
    %sub3A_3031 = arith.constant 16384 : i32
    %sub3A_3032 = vector.broadcast %sub3A_3031 : i32 to vector<16xi32>
    %sub3A_3033 = arith.subi %get3A_5, %sub3A_3032 : vector<16xi32>
    %jit3A_3034 = arith.constant 0 : i32
    %jit3A_3035 = arith.constant 16383 : i32
    %max3A_3036 = vector.broadcast %jit3A_3034 : i32 to vector<16xi32>
    %max3A_3037 = arith.maxsi %max3A_3036, %sub3A_3033 : vector<16xi32>
    %min3A_3038 = vector.broadcast %jit3A_3035 : i32 to vector<16xi32>
    %min3A_3039 = arith.minsi %min3A_3038, %max3A_3037 : vector<16xi32>
    tpu.vector_store_idx %arg11[%min3A_3039], %get3A_9 masked %and3A_3030 {add = true} : memref<16384xf32, #tpu.memory_space<vmem>>[vector<16xi32>], vector<16xf32>, vector<16xi1>
    %add3A_3040 = arith.constant 31 : i32
    %add3A_3041 = arith.addi %mul3A_2, %add3A_3040 : i32
    %dma_start3A_3042 = arith.constant 16384 : i32
    %dma_start3A_3043 = tpu.memref_slice %arg5[%add3A_3041, %dma_start3A_3042] : memref<1024x32768xf32, #tpu.memory_space<hbm>> -> memref<1x16384xf32, #tpu.memory_space<hbm>>
    %dma_start3A_3044 = tpu.memref_squeeze %dma_start3A_3043 : memref<1x16384xf32, #tpu.memory_space<hbm>> -> memref<16384xf32, #tpu.memory_space<hbm>>
    %dma_start3A_3045 = arith.constant 16384 : i32
    %dma_start3A_3046 = tpu.memref_slice %arg5[%add3A_3041, %dma_start3A_3045] : memref<1024x32768xf32, #tpu.memory_space<hbm>> -> memref<1x16384xf32, #tpu.memory_space<hbm>>
    %dma_start3A_3047 = tpu.memref_squeeze %dma_start3A_3046 : memref<1x16384xf32, #tpu.memory_space<hbm>> -> memref<16384xf32, #tpu.memory_space<hbm>>
    tpu.enqueue_dma source(%arg11 : memref<16384xf32, #tpu.memory_space<vmem>>) target(%dma_start3A_3047 : memref<16384xf32, #tpu.memory_space<hbm>>) target_semaphore(%arg13 : memref<!tpu.dma_semaphore, #tpu.memory_space<semaphore_mem>>)
    %dma_wait3A_3048 = arith.constant 0 : i32
    %dma_wait3A_3049 = tpu.memref_slice %arg5[%add3A_2939, %dma_wait3A_3048] : memref<1024x32768xf32, #tpu.memory_space<hbm>> -> memref<1x16384xf32, #tpu.memory_space<hbm>>
    %dma_wait3A_3050 = tpu.memref_squeeze %dma_wait3A_3049 : memref<1x16384xf32, #tpu.memory_space<hbm>> -> memref<16384xf32, #tpu.memory_space<hbm>>
    %dma_wait3A_3051 = arith.constant 0 : i32
    %dma_wait3A_3052 = tpu.memref_slice %arg5[%add3A_2939, %dma_wait3A_3051] : memref<1024x32768xf32, #tpu.memory_space<hbm>> -> memref<1x16384xf32, #tpu.memory_space<hbm>>
    %dma_wait3A_3053 = tpu.memref_squeeze %dma_wait3A_3052 : memref<1x16384xf32, #tpu.memory_space<hbm>> -> memref<16384xf32, #tpu.memory_space<hbm>>
    tpu.wait_dma2 semaphore(%arg13 : memref<!tpu.dma_semaphore, #tpu.memory_space<semaphore_mem>>) src(%arg8 : memref<16384xf32, #tpu.memory_space<vmem>>) dst(%dma_wait3A_3053 : memref<16384xf32, #tpu.memory_space<hbm>>)
    %dma_wait3A_3054 = arith.constant 16384 : i32
    %dma_wait3A_3055 = tpu.memref_slice %arg5[%add3A_2973, %dma_wait3A_3054] : memref<1024x32768xf32, #tpu.memory_space<hbm>> -> memref<1x16384xf32, #tpu.memory_space<hbm>>
    %dma_wait3A_3056 = tpu.memref_squeeze %dma_wait3A_3055 : memref<1x16384xf32, #tpu.memory_space<hbm>> -> memref<16384xf32, #tpu.memory_space<hbm>>
    %dma_wait3A_3057 = arith.constant 16384 : i32
    %dma_wait3A_3058 = tpu.memref_slice %arg5[%add3A_2973, %dma_wait3A_3057] : memref<1024x32768xf32, #tpu.memory_space<hbm>> -> memref<1x16384xf32, #tpu.memory_space<hbm>>
    %dma_wait3A_3059 = tpu.memref_squeeze %dma_wait3A_3058 : memref<1x16384xf32, #tpu.memory_space<hbm>> -> memref<16384xf32, #tpu.memory_space<hbm>>
    tpu.wait_dma2 semaphore(%arg13 : memref<!tpu.dma_semaphore, #tpu.memory_space<semaphore_mem>>) src(%arg9 : memref<16384xf32, #tpu.memory_space<vmem>>) dst(%dma_wait3A_3059 : memref<16384xf32, #tpu.memory_space<hbm>>)
    %dma_wait3A_3060 = arith.constant 0 : i32
    %dma_wait3A_3061 = tpu.memref_slice %arg5[%add3A_3007, %dma_wait3A_3060] : memref<1024x32768xf32, #tpu.memory_space<hbm>> -> memref<1x16384xf32, #tpu.memory_space<hbm>>
    %dma_wait3A_3062 = tpu.memref_squeeze %dma_wait3A_3061 : memref<1x16384xf32, #tpu.memory_space<hbm>> -> memref<16384xf32, #tpu.memory_space<hbm>>
    %dma_wait3A_3063 = arith.constant 0 : i32
    %dma_wait3A_3064 = tpu.memref_slice %arg5[%add3A_3007, %dma_wait3A_3063] : memref<1024x32768xf32, #tpu.memory_space<hbm>> -> memref<1x16384xf32, #tpu.memory_space<hbm>>
    %dma_wait3A_3065 = tpu.memref_squeeze %dma_wait3A_3064 : memref<1x16384xf32, #tpu.memory_space<hbm>> -> memref<16384xf32, #tpu.memory_space<hbm>>
    tpu.wait_dma2 semaphore(%arg13 : memref<!tpu.dma_semaphore, #tpu.memory_space<semaphore_mem>>) src(%arg10 : memref<16384xf32, #tpu.memory_space<vmem>>) dst(%dma_wait3A_3065 : memref<16384xf32, #tpu.memory_space<hbm>>)
    %dma_wait3A_3066 = arith.constant 16384 : i32
    %dma_wait3A_3067 = tpu.memref_slice %arg5[%add3A_3041, %dma_wait3A_3066] : memref<1024x32768xf32, #tpu.memory_space<hbm>> -> memref<1x16384xf32, #tpu.memory_space<hbm>>
    %dma_wait3A_3068 = tpu.memref_squeeze %dma_wait3A_3067 : memref<1x16384xf32, #tpu.memory_space<hbm>> -> memref<16384xf32, #tpu.memory_space<hbm>>
    %dma_wait3A_3069 = arith.constant 16384 : i32
    %dma_wait3A_3070 = tpu.memref_slice %arg5[%add3A_3041, %dma_wait3A_3069] : memref<1024x32768xf32, #tpu.memory_space<hbm>> -> memref<1x16384xf32, #tpu.memory_space<hbm>>
    %dma_wait3A_3071 = tpu.memref_squeeze %dma_wait3A_3070 : memref<1x16384xf32, #tpu.memory_space<hbm>> -> memref<16384xf32, #tpu.memory_space<hbm>>
    tpu.wait_dma2 semaphore(%arg13 : memref<!tpu.dma_semaphore, #tpu.memory_space<semaphore_mem>>) src(%arg11 : memref<16384xf32, #tpu.memory_space<vmem>>) dst(%dma_wait3A_3071 : memref<16384xf32, #tpu.memory_space<hbm>>)
    return
  }
}

</mosaic_0001>

<sc_bundles>
// kernel: kernel.3.cloned.1.call-start
scs
__scs_entry_jumppad:
0x0: {  	(pc) =	sbr.rel $0x88, $3  }
0x1: {  	(tag) =	ssettag $0x0;
	lr =	simm.s32 $0x1  }
0x2: {  	[smem:$0x3FA0] =	sst lr;
	_ =	strace $0xD0000000  }
0x3: {  	_ = 	snop  }
0x4: {  	_ = 	snop  }
0x5: {  	_ = 	snop  }
0x6: {  	_ = 	snop  }
0x7: {  	_ = 	snop  }
__scs_overlays_trampoline_lowered:
0x8: {  	[smem:$0x3FAF] =	sst s0  }
0x9: {  	[smem:$0x3FB0] =	sst s1  }
0xa: {  	[smem:$0x3FB1] =	sst s2  }
0xb: {  	[smem:$0x3FB2] =	sst s3  }
0xc: {  	[smem:$0x3FB3] =	sst s4  }
0xd: {  	[smem:$0x3FB4] =	sst s5  }
0xe: {  	[smem:$0x3FB5] =	sst s6  }
0xf: {  	[smem:$0x3FB6] =	sst s7  }
0x10: {  	[smem:$0x3FB7] =	sst s8  }
0x11: {  	[smem:$0x3FB8] =	sst s9;
	s0 =	simm.s32 @!p0 $0x0  }
0x12: {  	s1 =	sld [smem:$0x3F9E];
	s0 =	simm.s32 @p0 $0x1  }
0x13: {  	[smem:$0x3FB9] =	sst s0;
	s0 =	simm.s32 @!p1 $0x0  }
0x14: {  	s2 =	sld [smem:$0x3F9D];
	s0 =	simm.s32 @p1 $0x1  }
0x15: {  	[smem:$0x3FBA] =	sst s0;
	s0 =	simm.s32 @!p2 $0x0  }
0x16: {  	s3 =	sld [smem:$0x3FDB];
	s0 =	simm.s32 @p2 $0x1  }
0x17: {  	s4 =	simm.s32 $0x1BF5;
	[smem:$0x3FBC] =	sst s0  }
0x18: {  	s0 =	sld [smem:$0x3F9F];
	_ =	swait.ge [sflag:s4], $0x0  }
0x19: {  	s7 =	sld [smem:$0x3FA0]  }
0x1a: {  	s8 =	sadd.s32 $0xFFFFE003, lr  }
0x1b: {  	s9 =	sadd.s32 $0xFFFFFEF7, lr;
	s5 =	simm.s32 $0xFFFFFFFF;
	p2 =	slt.u32 s8, $0xFFFFF086  }
0x1c: {  	p1 =	slt.u32 s9, $0xF7A;
	s5 =	simm.s32 @!p2 $0x0  }
0x1d: {  	s5 =	simm.s32 @p1 $0x1;
	p0 =	seq.s32 s7, s2  }
0x1e: {  	s7 =	smul.u32 @!p0 $0xF7A, s2;
	p2 =	seq.s32 @!p0 s5, $0x0  }
0x1f: {  	s9 =	smul.u32 $0xF7A, s1;
	s8 =	simm.s32 @!p0 $0x1BF5;
	p2 =	por !p2, p0  }
0x20: {  	[sflag:s8] =	ssyncset.s32 @!p0 $0xFFFFF086;
	s6 =	sadd.s32 @!p0 s3, s7;
	s7 =	simm.s32 @!p0 $0x108  }
0x21: {  	s3 =	sadd.s32 s3, s9;
	s6 =	sadd.s32 @!p0 $0x88, s6;
	s7 =	simm.s32 @p2 $0x1082  }
0x22: {  	[simem:s7], [sflag:s8] =	dma.local @!p0 [hbm:s6], $0xF7A  }
0x23: {  	s9 =	sor.u32 $0xD0000000, s2;
	s6 =	simm.s32 $0x108;
	_ =	swait.ge @!p0 [sflag:s8], $0x0  }
0x24: {  	s3 =	sadd.s32 $0x88, s3;
	s6 =	simm.s32 @!p1 $0x1082;
	[sflag:s4] =	ssyncset.s32 $0xFFFFF086  }
0x25: {  	[simem:s6], [sflag:s4] =	dma.local [hbm:s3], $0xF7A  }
0x26: {  	[smem:$0x3FA0] =	sst s1;
	(tag) =	ssettag s2;
	_ =	strace s9  }
0x27: {  	s1 =	sld [smem:$0x3FB0]  }
0x28: {  	s2 =	sld [smem:$0x3FB1]  }
0x29: {  	s4 =	sld [smem:$0x3FB3]  }
0x2a: {  	p0 =	seq.s32 s5, $0x0;
	s5 =	sld [smem:$0x3FB4]  }
0x2b: {  	s6 =	sld [smem:$0x3FB5]  }
0x2c: {  	s7 =	sld [smem:$0x3FB6]  }
0x2d: {  	s3 =	simm.s32 $0x108;
	s8 =	sld [smem:$0x3FB7]  }
0x2e: {  	s3 =	simm.s32 @!p0 $0x1082;
	s9 =	sld [smem:$0x3FB8]  }
0x2f: {  	lr =	sadd.s32 s0, s3;
	s0 =	sld [smem:$0x3FAF]  }
0x30: {  	s3 =	sld [smem:$0x3FB2]  }
0x31: {  	[smem:$0x3FBB] =	sst s10  }
0x32: {  	s10 =	sld [smem:$0x3FB9];
	_ =	sdelay $0x3  }
0x33: {  	p0 =	seq.s32 s10, $0x1;
	s10 =	sld [smem:$0x3FBB];
	_ =	sdelay $0x3  }
0x34: {  	[smem:$0x3FBB] =	sst s10  }
0x35: {  	s10 =	sld [smem:$0x3FBA];
	_ =	sdelay $0x3  }
0x36: {  	p1 =	seq.s32 s10, $0x1;
	s10 =	sld [smem:$0x3FBB];
	_ =	sdelay $0x3  }
0x37: {  	[smem:$0x3FBB] =	sst s10  }
0x38: {  	s10 =	sld [smem:$0x3FBC]  }
0x39: {  	_ = 	snop;
	(pc) =	sbr.ind lr, $3  }
0x3a: {  	_ = 	snop  }
0x3b: {  	_ = 	snop  }
0x3c: {  	p2 =	seq.s32 s10, $0x1;
	s10 =	sld [smem:$0x3FBB]  }
0x3d: {  	_ =	shalt  }
0x3e: {  	_ =	shalt  }
0x3f: {  	_ =	shalt  }
0x40: {  	_ =	shalt  }
0x41: {  	_ =	shalt  }
0x42: {  	_ =	shalt  }
0x43: {  	_ =	shalt  }
0x44: {  	_ =	shalt  }
0x45: {  	_ =	shalt  }
0x46: {  	_ =	shalt  }
0x47: {  	_ =	shalt  }
0x48: {  	_ =	shalt  }
0x49: {  	_ =	shalt  }
0x4a: {  	_ =	shalt  }
0x4b: {  	_ =	shalt  }
0x4c: {  	_ =	shalt  }
0x4d: {  	_ =	shalt  }
0x4e: {  	_ =	shalt  }
0x4f: {  	_ =	shalt  }
0x50: {  	_ =	shalt  }
0x51: {  	_ =	shalt  }
0x52: {  	_ =	shalt  }
0x53: {  	_ =	shalt  }
0x54: {  	_ =	shalt  }
0x55: {  	_ =	shalt  }
0x56: {  	_ =	shalt  }
0x57: {  	_ =	shalt  }
0x58: {  	_ =	shalt  }
0x59: {  	_ =	shalt  }
0x5a: {  	_ =	shalt  }
0x5b: {  	_ =	shalt  }
0x5c: {  	_ =	shalt  }
0x5d: {  	_ =	shalt  }
0x5e: {  	_ =	shalt  }
0x5f: {  	_ =	shalt  }
0x60: {  	_ =	shalt  }
0x61: {  	_ =	shalt  }
0x62: {  	_ =	shalt  }
0x63: {  	_ =	shalt  }
0x64: {  	_ =	shalt  }
0x65: {  	_ =	shalt  }
0x66: {  	_ =	shalt  }
0x67: {  	_ =	shalt  }
0x68: {  	_ =	shalt  }
0x69: {  	_ =	shalt  }
0x6a: {  	_ =	shalt  }
0x6b: {  	_ =	shalt  }
0x6c: {  	_ =	shalt  }
0x6d: {  	_ =	shalt  }
0x6e: {  	_ =	shalt  }
0x6f: {  	_ =	shalt  }
0x70: {  	_ =	shalt  }
0x71: {  	_ =	shalt  }
0x72: {  	_ =	shalt  }
0x73: {  	_ =	shalt  }
0x74: {  	_ =	shalt  }
0x75: {  	_ =	shalt  }
0x76: {  	_ =	shalt  }
0x77: {  	_ =	shalt  }
0x78: {  	_ =	shalt  }
0x79: {  	_ =	shalt  }
0x7a: {  	_ =	shalt  }
0x7b: {  	_ =	shalt  }
0x7c: {  	_ =	shalt  }
0x7d: {  	_ =	shalt  }
0x7e: {  	_ =	shalt  }
0x7f: {  	_ =	shalt  }
0x80: {  	_ =	shalt  }
0x81: {  	_ =	shalt  }
0x82: {  	_ =	shalt  }
0x83: {  	_ =	shalt  }
0x84: {  	_ =	shalt  }
0x85: {  	_ =	shalt  }
0x86: {  	_ =	shalt  }
0x87: {  	_ =	shalt  }
.Lfunc_end0:
.L_simem_size_0:
called_computation_lowered:
.L_overlay_start_0:
0x88: {  	s2 =	sld [smem:$0x3FD9]  }
0x89: {  	s3 =	sld [smem:$0x3FFE];
	_ =	sdelay $0x1  }
0x8a: {  	s1 =	srdreg.scid  }
0x8b: {  	s0 =	sand.u32 $0x1, s1  }
0x8c: {  	s17 =	sshll.u32 s0, $0xA;
	s2 =	sadd.s32 s3, s2  }
0x8d: {  	s2 =	sadd.s32 s2, s17  }
0x8e: {  	[smem:$0x3FC7] =	sst s2  }
0x8f: {  	_ = 	snop  }
0x90: {  	s2 =	sld [smem:$0x3FC9]  }
0x91: {  	s18 =	sld [smem:$0x3FD0];
	(tm) =	ssettm $0x1  }
0x92: {  	s4 =	sld [smem:$0x3FFB];
	_ =	sdelay $0x3  }
0x93: {  	_ =	strace s4  }
0x94: {  	s4 =	sld [smem:$0x3FFC];
	_ =	sdelay $0x3  }
0x95: {  	_ =	strace s4  }
0x96: {  	s4 =	sld [smem:$0x3FFD];
	_ =	sdelay $0x3  }
0x97: {  	_ =	strace s4  }
0x98: {  	_ =	strace $0x8FFFFFFF  }
0x99: {  	s19 =	sld [smem:$0x3FDB];
	_ =	sdelay $0x1  }
0x9a: {  	s5 =	simm.s32 $_scs_section_size  }
0x9b: {  	s6 =	simm.s32 $_size__tile_overlayer_lowered;
	s7 =	simm.s32 $_tile_overlayer_lowered  }
0x9c: {  	s22 =	simm.s32 $0x1BFF;
	s21 =	sshll.u32 s7, $0x1;
	s4 =	sadd.s32 s5, s19  }
0x9d: {  	s8 =	simm.s32 $0x0;
	s20 =	sshll.u32 s6, $0x1;
	s6 =	sadd.s32 s21, s4  }
0x9e: {  	[timem:s8], [sflag:s22] =	dma.local [hbm:s6], s20  }
0x9f: {  	_ =	swait.ge [sflag:s22], s20  }
0xa0: {  	s5 =	ssub.s32 $0x0, s20;
	[sflag:s22] =	ssyncset.done $0x0  }
0xa1: {  	[sflag:s22] =	ssyncadd.s32 s5;
	_ =	sdelay $0x1  }
0xa2: {  	s23 =	simm.s32 $0x1B8B  }
0xa3: {  	_ =	swait.ge [sflag:s23], $0x1  }
0xa4: {  	[sflag:s23] =	ssyncset.done $0x0  }
0xa5: {  	s25 =	simm.s32 $0x1B8E;
	s24 =	sld [smem:$0x3FFE];
	[sflag:s23] =	ssyncadd.s32 $0xFFFFFFFF  }
0xa6: {  	s26 =	simm.s32 $execute0_lowered;
	[smem:$0x3FD2] =	sst s25  }
0xa7: {  	s6 =	sshll.u32 s26, $0x1;
	_ =	strace $0x80000046;
	[dreg:$0x1] =	wrdreg $0xFFFFFFFF  }
0xa8: {  	s28 =	simm.s32 $_size_execute0_lowered;
	s4 =	sadd.s32 s4, s6;
	[dreg:$0x0] =	wrdreg $0x0  }
0xa9: {  	s6 =	sshll.u32 s28, $0x1;
	[dreg:$0x2] =	wrdreg s4  }
0xaa: {  	[dreg:$0x3] =	wrdreg s6  }
0xab: {  	[dreg:$0x4] =	wrdreg $0xC0  }
0xac: {  	_ =	task [dreg:s8], $0x5FFFF  }
0xad: {  	[dreg:$0x1] =	wrdreg $0xFFFFFFFF  }
0xae: {  	[dreg:$0x0] =	wrdreg $0x60  }
0xaf: {  	[dreg:$0x2] =	wrdreg s2  }
0xb0: {  	[dreg:$0x3] =	wrdreg s24  }
0xb1: {  	[dreg:$0x4] =	wrdreg s18  }
0xb2: {  	[dreg:$0x5] =	wrdreg $0x9  }
0xb3: {  	_ =	task.clear_ibuf [dreg:s8], $0x6FFFF;
	_ =	strace $0x90000046  }
0xb4: {  	s29 =	simm.s32 $0x9;
	_ =	strace $0x80000048  }
0xb5: {  	_ =	swait.ge [sflag:s29], $0x1  }
0xb6: {  	[sflag:s29] =	ssyncadd.s32 $0xFFFFFFFF  }
0xb7: {  	_ =	strace $0x90000048  }
0xb8: {  	_ =	sfence  }
0xb9: {  	s30 =	sld [smem:$0x0];
	_ =	sdelay $0x2  }
0xba: {  	s31 =	sshll.u32 s1, $0xD;
	s1 =	sshrl.u32 s1, $0x2  }
0xbb: {  	s3 =	sand.u32 $0x4000, s31;
	s1 =	sadd.s32 s1, s30  }
0xbc: {  	s0 =	sor.u32 s3, s0;
	s1 =	sshll.u32 s1, $0x11  }
0xbd: {  	s0 =	sor.u32 s1, s0  }
0xbe: {  	s0 =	sadd.s32 $0x8F2B, s0  }
0xbf: {  	[sflag:s0] =	ssyncadd.remote.s32 $0x1  }
0xc0: {  	_ =	sfence.sel $0xFFFF  }
0xc1: {  	[dreg:$0x0] =	wrdreg $0xFFFFFFFF;
	(pc) =	sbr.abs _section_cstart, $3  }
0xc2: {  	[dreg:$0x1] =	wrdreg $0xFFFFFFFF  }
0xc3: {  	_ =	task.clear_ibuf [dreg:s8], $0x2FFFF;
	_ =	strace $0x9FFFFFFF  }
0xc4: {  	(tm) =	ssettm $0x7FFFFFFF  }
0xc5: {  	_ =	shalt  }
tec
execute0_lowered:
.L_overlay_start_1:
0x0: {  	(tag) =	ssettag $0x1  }
0x1: {  	s1 =	srdreg.scid;
	s26 =	rddreg [dreg:$0x0]  }
0x2: {  	s0 =	stileid.u32;
	s3 =	rddreg [dreg:$0x1];
	s1 =	sand.u32 $0x1, s1  }
0x3: {  	s31 =	rddreg [dreg:$0x2];
	s2 =	sshll.u32 s0, $0x6;
	s4 =	sshll.u32 s1, $0x5  }
0x4: {  	s0 =	simm.s32 $0x0;
	[smem:$0x7FD] =	sst s1;
	s4 =	sor.u32 s4, s2  }
0x5: {  	[smem:$0x7FF] =	sst s0;
	s28 =	sshll.u32 s4, $0xC  }
0x6: {  	_ =	strace $0x80000047;
	s5 =	sshrl.u32 s4, $0x3;
	s12 =	sadd.s32 s26, s28  }
0x7: {  	s3 =	sadd.s32 s5, s3;
	s17 =	sadd.s32 s31, s28;
	[dreg:$0x6] =	wrdreg s12  }
0x8: {  	s5 =	sadd.s32 $0x1A00, s3;
	[dreg:$0xa] =	wrdreg s17  }
0x9: {  	s4 =	sor.u32 $0x4000, s28;
	s3 =	sadd.s32 $0x1600, s3;
	[dreg:$0x4] =	wrdreg s5  }
0xa: {  	s14 =	sor.u32 $0x10, s28;
	s13 =	sadd.s32 s26, s4;
	[dreg:$0x5] =	wrdreg s3  }
0xb: {  	s6 =	sor.u32 $0x4010, s28;
	s15 =	sadd.s32 s26, s14;
	[dreg:$0x7] =	wrdreg s13  }
0xc: {  	s7 =	sor.u32 $0x20, s28;
	s16 =	sadd.s32 s26, s6;
	[dreg:$0x8] =	wrdreg s15  }
0xd: {  	s18 =	sadd.s32 s26, s7;
	[dreg:$0x9] =	wrdreg s16  }
0xe: {  	s20 =	sor.u32 $0x4020, s28;
	s19 =	sadd.s32 s31, s4;
	[dreg:$0xb] =	wrdreg s18  }
0xf: {  	s21 =	sadd.s32 s26, s20;
	[dreg:$0xc] =	wrdreg s19  }
0x10: {  	s23 =	sor.u32 $0x30, s28;
	s22 =	sadd.s32 s31, s14;
	[dreg:$0xd] =	wrdreg s21  }
0x11: {  	s24 =	sadd.s32 s26, s23;
	[dreg:$0xe] =	wrdreg s22  }
0x12: {  	s1 =	sor.u32 $0x4030, s28;
	s25 =	sadd.s32 s31, s6;
	[dreg:$0xf] =	wrdreg s24  }
0x13: {  	s2 =	sadd.s32 s26, s1;
	[dreg:$0x10] =	wrdreg s25  }
0x14: {  	s8 =	sor.u32 $0x40, s28;
	s7 =	sadd.s32 s31, s7;
	[dreg:$0x11] =	wrdreg s2  }
0x15: {  	s9 =	sadd.s32 s26, s8;
	[dreg:$0x12] =	wrdreg s7  }
0x16: {  	s11 =	sor.u32 $0x4040, s28;
	s10 =	sadd.s32 s31, s20;
	[dreg:$0x13] =	wrdreg s9  }
0x17: {  	s12 =	sadd.s32 s26, s11;
	[dreg:$0x14] =	wrdreg s10  }
0x18: {  	s14 =	sor.u32 $0x50, s28;
	[dreg:$0x15] =	wrdreg s12;
	s13 =	sadd.s32 s31, s23  }
0x19: {  	s15 =	sadd.s32 s26, s14;
	[dreg:$0x16] =	wrdreg s13  }
0x1a: {  	s17 =	sor.u32 $0x4050, s28;
	s16 =	sadd.s32 s31, s1;
	[dreg:$0x17] =	wrdreg s15  }
0x1b: {  	s18 =	sadd.s32 s26, s17;
	[dreg:$0x18] =	wrdreg s16  }
0x1c: {  	s20 =	sor.u32 $0x60, s28;
	s19 =	sadd.s32 s31, s8;
	[dreg:$0x19] =	wrdreg s18  }
0x1d: {  	s21 =	sadd.s32 s26, s20;
	[dreg:$0x1a] =	wrdreg s19  }
0x1e: {  	s22 =	sadd.s32 s31, s11;
	[dreg:$0x1b] =	wrdreg s21  }
0x1f: {  	s25 =	sadd.s32 s31, s14;
	[dreg:$0x1c] =	wrdreg s22  }
0x20: {  	s6 =	sadd.s32 s31, s17;
	[dreg:$0x1e] =	wrdreg s25  }
0x21: {  	s23 =	sor.u32 $0x4060, s28;
	s10 =	sadd.s32 s31, s20;
	[smem:$0x7AA] =	sst s6  }
0x22: {  	s1 =	sor.u32 $0x70, s28;
	s24 =	sadd.s32 s26, s23;
	[smem:$0x7AC] =	sst s10  }
0x23: {  	s8 =	sor.u32 $0x4070, s28;
	s2 =	sadd.s32 s26, s1;
	[dreg:$0x1d] =	wrdreg s24  }
0x24: {  	s11 =	sor.u32 $0x8000, s28;
	s9 =	sadd.s32 s26, s8;
	[dreg:$0x1f] =	wrdreg s2  }
0x25: {  	s12 =	sadd.s32 s26, s11;
	[smem:$0x7AB] =	sst s9  }
0x26: {  	s14 =	sor.u32 $0xC000, s28;
	s13 =	sadd.s32 s31, s23;
	[smem:$0x7AD] =	sst s12  }
0x27: {  	s15 =	sadd.s32 s26, s14;
	[smem:$0x7AE] =	sst s13  }
0x28: {  	s17 =	sor.u32 $0x8010, s28;
	s16 =	sadd.s32 s31, s1;
	[smem:$0x7AF] =	sst s15  }
0x29: {  	s18 =	sadd.s32 s26, s17;
	[smem:$0x7B0] =	sst s16  }
0x2a: {  	s20 =	sor.u32 $0xC010, s28;
	s19 =	sadd.s32 s31, s8;
	[smem:$0x7B1] =	sst s18  }
0x2b: {  	s21 =	sadd.s32 s26, s20;
	[smem:$0x7B2] =	sst s19  }
0x2c: {  	s22 =	sadd.s32 s31, s11;
	[smem:$0x7B3] =	sst s21  }
0x2d: {  	s25 =	sadd.s32 s31, s14;
	[smem:$0x7B4] =	sst s22  }
0x2e: {  	s5 =	sadd.s32 s31, s17;
	[smem:$0x7B6] =	sst s25  }
0x2f: {  	s23 =	sor.u32 $0x8020, s28;
	s10 =	sadd.s32 s31, s20;
	[smem:$0x7B8] =	sst s5  }
0x30: {  	s1 =	sor.u32 $0xC020, s28;
	s24 =	sadd.s32 s26, s23;
	[smem:$0x7BA] =	sst s10  }
0x31: {  	s8 =	sor.u32 $0x8030, s28;
	s2 =	sadd.s32 s26, s1;
	[smem:$0x7B5] =	sst s24  }
0x32: {  	s11 =	sor.u32 $0xC030, s28;
	s9 =	sadd.s32 s26, s8;
	[smem:$0x7B7] =	sst s2  }
0x33: {  	s12 =	sadd.s32 s26, s11;
	[smem:$0x7B9] =	sst s9  }
0x34: {  	s14 =	sor.u32 $0x8040, s28;
	s13 =	sadd.s32 s31, s23;
	[smem:$0x7BB] =	sst s12  }
0x35: {  	s15 =	sadd.s32 s26, s14;
	[smem:$0x7BC] =	sst s13  }
0x36: {  	s17 =	sor.u32 $0xC040, s28;
	s16 =	sadd.s32 s31, s1;
	[smem:$0x7BD] =	sst s15  }
0x37: {  	s18 =	sadd.s32 s26, s17;
	[smem:$0x7BE] =	sst s16  }
0x38: {  	s20 =	sor.u32 $0x8050, s28;
	s19 =	sadd.s32 s31, s8;
	[smem:$0x7BF] =	sst s18  }
0x39: {  	s21 =	sadd.s32 s26, s20;
	[smem:$0x7C0] =	sst s19  }
0x3a: {  	s22 =	sadd.s32 s31, s11;
	[smem:$0x7C1] =	sst s21  }
0x3b: {  	s25 =	sadd.s32 s31, s14;
	[smem:$0x7C2] =	sst s22  }
0x3c: {  	s4 =	sadd.s32 s31, s17;
	[smem:$0x7C4] =	sst s25  }
0x3d: {  	s23 =	sor.u32 $0xC050, s28;
	s10 =	sadd.s32 s31, s20;
	[smem:$0x7C6] =	sst s4  }
0x3e: {  	s1 =	sor.u32 $0x8060, s28;
	s24 =	sadd.s32 s26, s23;
	[smem:$0x7C8] =	sst s10  }
0x3f: {  	s8 =	sor.u32 $0xC060, s28;
	s2 =	sadd.s32 s26, s1;
	[smem:$0x7C3] =	sst s24  }
0x40: {  	s11 =	sor.u32 $0x8070, s28;
	s9 =	sadd.s32 s26, s8;
	[smem:$0x7C5] =	sst s2  }
0x41: {  	s12 =	sadd.s32 s26, s11;
	[smem:$0x7C7] =	sst s9  }
0x42: {  	s14 =	sor.u32 $0xC070, s28;
	s13 =	sadd.s32 s31, s23;
	[smem:$0x7C9] =	sst s12  }
0x43: {  	s15 =	sadd.s32 s26, s14;
	[smem:$0x7CA] =	sst s13  }
0x44: {  	s17 =	sor.u32 $0x10000, s28;
	s16 =	sadd.s32 s31, s1;
	[smem:$0x7CB] =	sst s15  }
0x45: {  	s18 =	sadd.s32 s26, s17;
	[smem:$0x7CC] =	sst s16  }
0x46: {  	s20 =	sor.u32 $0x14000, s28;
	s19 =	sadd.s32 s31, s8;
	[smem:$0x7CD] =	sst s18  }
0x47: {  	s21 =	sadd.s32 s26, s20;
	[smem:$0x7CE] =	sst s19  }
0x48: {  	s22 =	sadd.s32 s31, s11;
	[smem:$0x7CF] =	sst s21  }
0x49: {  	s25 =	sadd.s32 s31, s14;
	[smem:$0x7D0] =	sst s22  }
0x4a: {  	s7 =	sadd.s32 s31, s17;
	[smem:$0x7D2] =	sst s25  }
0x4b: {  	s23 =	sor.u32 $0x10010, s28;
	s10 =	sadd.s32 s31, s20;
	[smem:$0x7D4] =	sst s7  }
0x4c: {  	s1 =	sor.u32 $0x14010, s28;
	s24 =	sadd.s32 s26, s23;
	[smem:$0x7D6] =	sst s10  }
0x4d: {  	s8 =	sor.u32 $0x10020, s28;
	s2 =	sadd.s32 s26, s1;
	[smem:$0x7D1] =	sst s24  }
0x4e: {  	s11 =	sor.u32 $0x14020, s28;
	s9 =	sadd.s32 s26, s8;
	[smem:$0x7D3] =	sst s2  }
0x4f: {  	s12 =	sadd.s32 s26, s11;
	[smem:$0x7D5] =	sst s9  }
0x50: {  	s14 =	sor.u32 $0x10030, s28;
	s13 =	sadd.s32 s31, s23;
	[smem:$0x7D7] =	sst s12  }
0x51: {  	s15 =	sadd.s32 s26, s14;
	[smem:$0x7D8] =	sst s13  }
0x52: {  	s17 =	sor.u32 $0x14030, s28;
	s16 =	sadd.s32 s31, s1;
	[smem:$0x7D9] =	sst s15  }
0x53: {  	s18 =	sadd.s32 s26, s17;
	[smem:$0x7DA] =	sst s16  }
0x54: {  	s20 =	sor.u32 $0x10040, s28;
	s19 =	sadd.s32 s31, s8;
	[smem:$0x7DB] =	sst s18  }
0x55: {  	s21 =	sadd.s32 s26, s20;
	[smem:$0x7DC] =	sst s19  }
0x56: {  	s22 =	sadd.s32 s31, s11;
	[smem:$0x7DD] =	sst s21  }
0x57: {  	s25 =	sadd.s32 s31, s14;
	[smem:$0x7DE] =	sst s22  }
0x58: {  	s6 =	sadd.s32 s31, s17;
	[smem:$0x7E0] =	sst s25  }
0x59: {  	s23 =	sor.u32 $0x14040, s28;
	s10 =	sadd.s32 s31, s20;
	[smem:$0x7E2] =	sst s6  }
0x5a: {  	s1 =	sor.u32 $0x10050, s28;
	s24 =	sadd.s32 s26, s23;
	[smem:$0x7E4] =	sst s10  }
0x5b: {  	s8 =	sor.u32 $0x14050, s28;
	s2 =	sadd.s32 s26, s1;
	[smem:$0x7DF] =	sst s24  }
0x5c: {  	s11 =	sor.u32 $0x10060, s28;
	s9 =	sadd.s32 s26, s8;
	[smem:$0x7E1] =	sst s2  }
0x5d: {  	s12 =	sadd.s32 s26, s11;
	[smem:$0x7E3] =	sst s9  }
0x5e: {  	s14 =	sor.u32 $0x14060, s28;
	s13 =	sadd.s32 s31, s23;
	[smem:$0x7E5] =	sst s12  }
0x5f: {  	s15 =	sadd.s32 s26, s14;
	[smem:$0x7E6] =	sst s13  }
0x60: {  	s17 =	sor.u32 $0x10070, s28;
	s16 =	sadd.s32 s31, s1;
	[smem:$0x7E7] =	sst s15  }
0x61: {  	s18 =	sadd.s32 s26, s17;
	[smem:$0x7E8] =	sst s16  }
0x62: {  	s20 =	sor.u32 $0x14070, s28;
	s19 =	sadd.s32 s31, s8;
	[smem:$0x7E9] =	sst s18  }
0x63: {  	s21 =	sadd.s32 s26, s20;
	[smem:$0x7EA] =	sst s19  }
0x64: {  	s22 =	sadd.s32 s31, s11;
	[smem:$0x7EB] =	sst s21  }
0x65: {  	s25 =	sadd.s32 s31, s14;
	[smem:$0x7EC] =	sst s22  }
0x66: {  	s5 =	sadd.s32 s31, s17;
	[smem:$0x7EE] =	sst s25  }
0x67: {  	s10 =	sadd.s32 s31, s20;
	[smem:$0x7F0] =	sst s5  }
0x68: {  	s23 =	sor.u32 $0x18000, s28;
	[smem:$0x7F2] =	sst s10  }
0x69: {  	s1 =	sor.u32 $0x1C000, s28;
	s24 =	sadd.s32 s26, s23;
	s22 =	rddreg [dreg:$0x4]  }
0x6a: {  	s8 =	sor.u32 $0x18010, s28;
	s2 =	sadd.s32 s26, s1;
	[smem:$0x7ED] =	sst s24  }
0x6b: {  	s11 =	sor.u32 $0x1C010, s28;
	s9 =	sadd.s32 s26, s8;
	[smem:$0x7EF] =	sst s2  }
0x6c: {  	s12 =	sadd.s32 s26, s11;
	[smem:$0x7F1] =	sst s9  }
0x6d: {  	s14 =	sor.u32 $0x18020, s28;
	s13 =	sadd.s32 s31, s23;
	[smem:$0x7F3] =	sst s12  }
0x6e: {  	s15 =	sadd.s32 s26, s14;
	[smem:$0x7F4] =	sst s13  }
0x6f: {  	s16 =	sadd.s32 s31, s1;
	[smem:$0x7F5] =	sst s15  }
0x70: {  	s18 =	sadd.s32 s31, s8;
	[smem:$0x7F6] =	sst s16  }
0x71: {  	s20 =	sadd.s32 s31, s11;
	[smem:$0x7F8] =	sst s18  }
0x72: {  	s23 =	sadd.s32 s31, s14;
	s13 =	sor.u32 $0x1C020, s28;
	[smem:$0x7FA] =	sst s20  }
0x73: {  	[tilespmem:s0], [sflag:$0x3] =	stream.linear.gather [hbm4b:s22+s0], $0x20, $0x38;
	[tilespmem:$0x10100] =	vst v63  }
0x74: {  	s15 =	sor.u32 $0x18030, s28;
	[smem:$0x7FC] =	sst s23;
	s17 =	sadd.s32 s26, s13  }
0x75: {  	s19 =	sadd.s32 s26, s15;
	[smem:$0x7F7] =	sst s17;
	s17 =	sor.u32 $0x1C030, s28  }
0x76: {  	[smem:$0x7F9] =	sst s19;
	s21 =	sadd.s32 s26, s17  }
0x77: {  	s3 =	simm.s32 $0x3;
	[smem:$0x7FB] =	sst s21  }
0x78: {  	_ =	swait.ge [sflag:s3], $0x20  }
0x79: {  	[sflag:s3] =	ssyncset.done $0x0  }
0x7a: {  	s4 =	simm.s32 $0x80;
	s24 =	rddreg [dreg:$0x5];
	[sflag:s3] =	ssyncadd.s32 $0xFFFFFFE0  }
0x7b: {  	[tilespmem:s4], [sflag:$0x3] =	stream.linear.gather [hbm4b:s24+s0], $0x20, $0x38;
	[tilespmem:$0x10100] =	vst v63  }
0x7c: {  	_ =	swait.ge [sflag:s3], $0x20  }
0x7d: {  	[sflag:s3] =	ssyncset.done $0x0  }
0x7e: {  	[sflag:s3] =	ssyncadd.s32 $0xFFFFFFE0  }
0x7f: {  	v0 =	vld [tilespmem:$0x90]  }
0x80: {  	v4 =	vld [tilespmem:$0x0]  }
0x81: {  	s6 =	simm.s32 $0x100;
	s5 =	simm.s32 $0x400;
	s25 =	rddreg [dreg:$0x6];
	v1 =	vld [tilespmem:$0x10]  }
0x82: {  	v2 =	vld [tilespmem:$0x80];
	[tilespmem:s6], [sflag:$0x1] =	stream.strided.gather [hbm4b:s25+s4], $0x4000, s5, s4, $0x38  }
0x83: {  	s7 =	simm.s32 $0x4100;
	s8 =	rddreg [dreg:$0x7]  }
0x84: {  	[tilespmem:s7], [sflag:$0x1] =	stream.strided.gather [hbm4b:s8+s4], $0x4000, s5, s4, $0x38;
	[tilespmem:$0x10100] =	vst v63  }
0x85: {  	vm14 =	vmmov $0x1;
	s9 =	rddreg [dreg:$0x8];
	s8 =	simm.s32 $0x8100;
	vm1 =	vlt.u32 v4, $0x4000;
	vm2 =	vgt.s32 v4, $0x0  }
0x86: {  	[tilespmem:s8], [sflag:$0x1] =	stream.strided.gather [hbm4b:s9+s4], $0x4000, s5, s4, $0x38;
	vm3 =	vmand vm1, vm14;
	v3 =	vnsel vm2, $0x0, v4;
	[tilespmem:$0x10100] =	vst v63  }
0x87: {  	s10 =	simm.s32 $0x1;
	s11 =	rddreg [dreg:$0x9];
	s9 =	simm.s32 $0xC100;
	v3 =	vmin.u32 v3, $0x3FFF  }
0x88: {  	[tilespmem:s9], [sflag:$0x1] =	stream.strided.gather [hbm4b:s11+s4], $0x4000, s5, s4, $0x38;
	[tilespmem:$0x10100] =	vst v63  }
0x89: {  	_ =	swait.ge [sflag:s10], $0x4000  }
0x8a: {  	[sflag:s10] =	ssyncset.done $0x0  }
0x8b: {  	[sflag:s10] =	ssyncadd.s32 $0xFFFFC000  }
0x8c: {  	s11 =	simm.s32 $0x2;
	s12 =	rddreg [dreg:$0xa];
	[tilespmem:v3+s6+$0x0] =	vst.idx.add.f32.msk vm3, v2  }
0x8d: {  	v5 =	vand.u32 $0xFFFFC000, v4;
	v4 =	vadd.s32 $0xFFFFC000, v4;
	[hbm4b:s12+s4] =	stream.strided.scatter [tilespmem:s6], [sflag:$0x2], $0x4000, s5, s4, $0x38;
	[tilespmem:$0x10100] =	vst v63  }
0x8e: {  	vm2 =	veq.s32 v5, $0x4000;
	vm15 =	vgt.s32 v4, $0x0;
	_ =	swait.ge [sflag:s11], $0x4000  }
0x8f: {  	vm6 =	vmand vm2, vm14;
	v4 =	vnsel vm15, $0x0, v4;
	[sflag:s11] =	ssyncset.done $0x0  }
0x90: {  	v4 =	vmin.u32 v4, $0x3FFF;
	s0 =	rddreg [dreg:$0xb];
	[sflag:s11] =	ssyncadd.s32 $0xFFFFC000  }
0x91: {  	[tilespmem:s6], [sflag:$0x1] =	stream.strided.gather [hbm4b:s0+s4], $0x4000, s5, s4, $0x38;
	[tilespmem:$0x10100] =	vst v63  }
0x92: {  	_ =	swait.ge [sflag:s10], $0x4000  }
0x93: {  	[sflag:s10] =	ssyncset.done $0x0  }
0x94: {  	[sflag:s10] =	ssyncadd.s32 $0xFFFFC000  }
0x95: {  	s1 =	rddreg [dreg:$0xc];
	[tilespmem:v4+s7+$0x0] =	vst.idx.add.f32.msk vm6, v2  }
0x96: {  	[hbm4b:s1+s4] =	stream.strided.scatter [tilespmem:s7], [sflag:$0x2], $0x4000, s5, s4, $0x38;
	[tilespmem:$0x10100] =	vst v63  }
0x97: {  	vm0 =	vcmask $0x704;
	_ =	swait.ge [sflag:s11], $0x4000  }
0x98: {  	vm7 =	vmand vm1, vm0;
	[sflag:s11] =	ssyncset.done $0x0  }
0x99: {  	s2 =	rddreg [dreg:$0xd];
	[sflag:s11] =	ssyncadd.s32 $0xFFFFC000  }
0x9a: {  	[tilespmem:s7], [sflag:$0x1] =	stream.strided.gather [hbm4b:s2+s4], $0x4000, s5, s4, $0x38;
	[tilespmem:$0x10100] =	vst v63  }
0x9b: {  	_ =	swait.ge [sflag:s10], $0x4000  }
0x9c: {  	[sflag:s10] =	ssyncset.done $0x0  }
0x9d: {  	[sflag:s10] =	ssyncadd.s32 $0xFFFFC000  }
0x9e: {  	s14 =	rddreg [dreg:$0xe];
	[tilespmem:v3+s8+$0x0] =	vst.idx.add.f32.msk vm7, v2  }
0x9f: {  	[hbm4b:s14+s4] =	stream.strided.scatter [tilespmem:s8], [sflag:$0x2], $0x4000, s5, s4, $0x38;
	[tilespmem:$0x10100] =	vst v63  }
0xa0: {  	_ =	swait.ge [sflag:s11], $0x4000  }
0xa1: {  	vm8 =	vmand vm2, vm0;
	[sflag:s11] =	ssyncset.done $0x0  }
0xa2: {  	s16 =	rddreg [dreg:$0xf];
	[sflag:s11] =	ssyncadd.s32 $0xFFFFC000  }
0xa3: {  	[tilespmem:s8], [sflag:$0x1] =	stream.strided.gather [hbm4b:s16+s4], $0x4000, s5, s4, $0x38;
	[tilespmem:$0x10100] =	vst v63  }
0xa4: {  	_ =	swait.ge [sflag:s10], $0x4000  }
0xa5: {  	[sflag:s10] =	ssyncset.done $0x0  }
0xa6: {  	[sflag:s10] =	ssyncadd.s32 $0xFFFFC000  }
0xa7: {  	s18 =	rddreg [dreg:$0x10];
	[tilespmem:v4+s9+$0x0] =	vst.idx.add.f32.msk vm8, v2  }
0xa8: {  	[hbm4b:s18+s4] =	stream.strided.scatter [tilespmem:s9], [sflag:$0x2], $0x4000, s5, s4, $0x38;
	[tilespmem:$0x10100] =	vst v63  }
0xa9: {  	vm9 =	vcmask $0xB08;
	_ =	swait.ge [sflag:s11], $0x4000  }
0xaa: {  	vm10 =	vmand vm1, vm9;
	[sflag:s11] =	ssyncset.done $0x0  }
0xab: {  	s19 =	rddreg [dreg:$0x11];
	[sflag:s11] =	ssyncadd.s32 $0xFFFFC000  }
0xac: {  	[tilespmem:s9], [sflag:$0x1] =	stream.strided.gather [hbm4b:s19+s4], $0x4000, s5, s4, $0x38;
	[tilespmem:$0x10100] =	vst v63  }
0xad: {  	_ =	swait.ge [sflag:s10], $0x4000  }
0xae: {  	[sflag:s10] =	ssyncset.done $0x0  }
0xaf: {  	[sflag:s10] =	ssyncadd.s32 $0xFFFFC000  }
0xb0: {  	s20 =	rddreg [dreg:$0x12];
	[tilespmem:v3+s6+$0x0] =	vst.idx.add.f32.msk vm10, v2  }
0xb1: {  	[hbm4b:s20+s4] =	stream.strided.scatter [tilespmem:s6], [sflag:$0x2], $0x4000, s5, s4, $0x38;
	[tilespmem:$0x10100] =	vst v63  }
0xb2: {  	_ =	swait.ge [sflag:s11], $0x4000  }
0xb3: {  	vm11 =	vmand vm2, vm9;
	[sflag:s11] =	ssyncset.done $0x0  }
0xb4: {  	s21 =	rddreg [dreg:$0x13];
	[sflag:s11] =	ssyncadd.s32 $0xFFFFC000  }
0xb5: {  	[tilespmem:s6], [sflag:$0x1] =	stream.strided.gather [hbm4b:s21+s4], $0x4000, s5, s4, $0x38;
	[tilespmem:$0x10100] =	vst v63  }
0xb6: {  	_ =	swait.ge [sflag:s10], $0x4000  }
0xb7: {  	[sflag:s10] =	ssyncset.done $0x0  }
0xb8: {  	[sflag:s10] =	ssyncadd.s32 $0xFFFFC000  }
0xb9: {  	s22 =	rddreg [dreg:$0x14];
	[tilespmem:v4+s7+$0x0] =	vst.idx.add.f32.msk vm11, v2  }
0xba: {  	[hbm4b:s22+s4] =	stream.strided.scatter [tilespmem:s7], [sflag:$0x2], $0x4000, s5, s4, $0x38;
	[tilespmem:$0x10100] =	vst v63  }
0xbb: {  	vm12 =	vcmask $0xF0C;
	_ =	swait.ge [sflag:s11], $0x4000  }
0xbc: {  	vm13 =	vmand vm1, vm12;
	[sflag:s11] =	ssyncset.done $0x0  }
0xbd: {  	s23 =	rddreg [dreg:$0x15];
	[sflag:s11] =	ssyncadd.s32 $0xFFFFC000  }
0xbe: {  	[tilespmem:s7], [sflag:$0x1] =	stream.strided.gather [hbm4b:s23+s4], $0x4000, s5, s4, $0x38;
	[tilespmem:$0x10100] =	vst v63  }
0xbf: {  	_ =	swait.ge [sflag:s10], $0x4000  }
0xc0: {  	[sflag:s10] =	ssyncset.done $0x0  }
0xc1: {  	[sflag:s10] =	ssyncadd.s32 $0xFFFFC000  }
0xc2: {  	s24 =	rddreg [dreg:$0x16];
	[tilespmem:v3+s8+$0x0] =	vst.idx.add.f32.msk vm13, v2  }
0xc3: {  	[hbm4b:s24+s4] =	stream.strided.scatter [tilespmem:s8], [sflag:$0x2], $0x4000, s5, s4, $0x38;
	[tilespmem:$0x10100] =	vst v63  }
0xc4: {  	_ =	swait.ge [sflag:s11], $0x4000  }
0xc5: {  	vm15 =	vmand vm2, vm12;
	[sflag:s11] =	ssyncset.done $0x0  }
0xc6: {  	s25 =	rddreg [dreg:$0x17];
	[sflag:s11] =	ssyncadd.s32 $0xFFFFC000  }
0xc7: {  	[tilespmem:s8], [sflag:$0x1] =	stream.strided.gather [hbm4b:s25+s4], $0x4000, s5, s4, $0x38;
	[tilespmem:$0x10100] =	vst v63  }
0xc8: {  	_ =	swait.ge [sflag:s10], $0x4000  }
0xc9: {  	[sflag:s10] =	ssyncset.done $0x0  }
0xca: {  	[sflag:s10] =	ssyncadd.s32 $0xFFFFC000  }
0xcb: {  	s0 =	rddreg [dreg:$0x18];
	[tilespmem:v4+s9+$0x0] =	vst.idx.add.f32.msk vm15, v2  }
0xcc: {  	[hbm4b:s0+s4] =	stream.strided.scatter [tilespmem:s9], [sflag:$0x2], $0x4000, s5, s4, $0x38;
	[tilespmem:$0x10100] =	vst v63  }
0xcd: {  	vm7 =	vcmask $0x1310;
	_ =	swait.ge [sflag:s11], $0x4000  }
0xce: {  	vm6 =	vmand vm1, vm7;
	[sflag:s11] =	ssyncset.done $0x0  }
0xcf: {  	s1 =	rddreg [dreg:$0x19];
	[sflag:s11] =	ssyncadd.s32 $0xFFFFC000  }
0xd0: {  	[tilespmem:s9], [sflag:$0x1] =	stream.strided.gather [hbm4b:s1+s4], $0x4000, s5, s4, $0x38;
	[tilespmem:$0x10100] =	vst v63  }
0xd1: {  	_ =	swait.ge [sflag:s10], $0x4000  }
0xd2: {  	[sflag:s10] =	ssyncset.done $0x0  }
0xd3: {  	[sflag:s10] =	ssyncadd.s32 $0xFFFFC000  }
0xd4: {  	s2 =	rddreg [dreg:$0x1a];
	[tilespmem:v3+s6+$0x0] =	vst.idx.add.f32.msk vm6, v2  }
0xd5: {  	[hbm4b:s2+s4] =	stream.strided.scatter [tilespmem:s6], [sflag:$0x2], $0x4000, s5, s4, $0x38;
	[tilespmem:$0x10100] =	vst v63  }
0xd6: {  	_ =	swait.ge [sflag:s11], $0x4000  }
0xd7: {  	vm8 =	vmand vm2, vm7;
	[sflag:s11] =	ssyncset.done $0x0  }
0xd8: {  	s14 =	rddreg [dreg:$0x1b];
	[sflag:s11] =	ssyncadd.s32 $0xFFFFC000  }
0xd9: {  	[tilespmem:s6], [sflag:$0x1] =	stream.strided.gather [hbm4b:s14+s4], $0x4000, s5, s4, $0x38;
	[tilespmem:$0x10100] =	vst v63  }
0xda: {  	_ =	swait.ge [sflag:s10], $0x4000  }
0xdb: {  	[sflag:s10] =	ssyncset.done $0x0  }
0xdc: {  	[sflag:s10] =	ssyncadd.s32 $0xFFFFC000  }
0xdd: {  	s16 =	rddreg [dreg:$0x1c];
	[tilespmem:v4+s7+$0x0] =	vst.idx.add.f32.msk vm8, v2  }
0xde: {  	[hbm4b:s16+s4] =	stream.strided.scatter [tilespmem:s7], [sflag:$0x2], $0x4000, s5, s4, $0x38;
	[tilespmem:$0x10100] =	vst v63  }
0xdf: {  	vm8 =	vcmask $0x1714;
	_ =	swait.ge [sflag:s11], $0x4000  }
0xe0: {  	vm9 =	vmand vm1, vm8;
	[sflag:s11] =	ssyncset.done $0x0  }
0xe1: {  	s18 =	rddreg [dreg:$0x1d];
	[sflag:s11] =	ssyncadd.s32 $0xFFFFC000  }
0xe2: {  	[tilespmem:s7], [sflag:$0x1] =	stream.strided.gather [hbm4b:s18+s4], $0x4000, s5, s4, $0x38;
	[tilespmem:$0x10100] =	vst v63  }
0xe3: {  	_ =	swait.ge [sflag:s10], $0x4000  }
0xe4: {  	[sflag:s10] =	ssyncset.done $0x0  }
0xe5: {  	[sflag:s10] =	ssyncadd.s32 $0xFFFFC000  }
0xe6: {  	s19 =	rddreg [dreg:$0x1e];
	[tilespmem:v3+s8+$0x0] =	vst.idx.add.f32.msk vm9, v2  }
0xe7: {  	[hbm4b:s19+s4] =	stream.strided.scatter [tilespmem:s8], [sflag:$0x2], $0x4000, s5, s4, $0x38;
	[tilespmem:$0x10100] =	vst v63  }
0xe8: {  	_ =	swait.ge [sflag:s11], $0x4000  }
0xe9: {  	vm10 =	vmand vm2, vm8;
	[sflag:s11] =	ssyncset.done $0x0  }
0xea: {  	s20 =	rddreg [dreg:$0x1f];
	[sflag:s11] =	ssyncadd.s32 $0xFFFFC000  }
0xeb: {  	[tilespmem:s8], [sflag:$0x1] =	stream.strided.gather [hbm4b:s20+s4], $0x4000, s5, s4, $0x38;
	[tilespmem:$0x10100] =	vst v63  }
0xec: {  	_ =	swait.ge [sflag:s10], $0x4000  }
0xed: {  	[sflag:s10] =	ssyncset.done $0x0;
	s21 =	sld [smem:$0x7AA]  }
0xee: {  	[sflag:s10] =	ssyncadd.s32 $0xFFFFC000  }
0xef: {  	[tilespmem:v4+s9+$0x0] =	vst.idx.add.f32.msk vm10, v2  }
0xf0: {  	[hbm4b:s21+s4] =	stream.strided.scatter [tilespmem:s9], [sflag:$0x2], $0x4000, s5, s4, $0x38;
	[tilespmem:$0x10100] =	vst v63  }
0xf1: {  	_ =	swait.ge [sflag:s11], $0x4000  }
0xf2: {  	vm9 =	vcmask $0x1B18;
	s22 =	sld [smem:$0x7AB]  }
0xf3: {  	vm11 =	vmand vm1, vm9;
	[sflag:s11] =	ssyncset.done $0x0  }
0xf4: {  	[sflag:s11] =	ssyncadd.s32 $0xFFFFC000  }
0xf5: {  	[tilespmem:s9], [sflag:$0x1] =	stream.strided.gather [hbm4b:s22+s4], $0x4000, s5, s4, $0x38;
	[tilespmem:$0x10100] =	vst v63  }
0xf6: {  	_ =	swait.ge [sflag:s10], $0x4000  }
0xf7: {  	[sflag:s10] =	ssyncset.done $0x0;
	s23 =	sld [smem:$0x7AC]  }
0xf8: {  	[sflag:s10] =	ssyncadd.s32 $0xFFFFC000  }
0xf9: {  	[tilespmem:v3+s6+$0x0] =	vst.idx.add.f32.msk vm11, v2  }
0xfa: {  	[hbm4b:s23+s4] =	stream.strided.scatter [tilespmem:s6], [sflag:$0x2], $0x4000, s5, s4, $0x38;
	[tilespmem:$0x10100] =	vst v63  }
0xfb: {  	_ =	swait.ge [sflag:s11], $0x4000  }
0xfc: {  	s24 =	sld [smem:$0x7AD]  }
0xfd: {  	vm12 =	vmand vm2, vm9;
	[sflag:s11] =	ssyncset.done $0x0  }
0xfe: {  	[sflag:s11] =	ssyncadd.s32 $0xFFFFC000  }
0xff: {  	[tilespmem:s6], [sflag:$0x1] =	stream.strided.gather [hbm4b:s24+s4], $0x4000, s5, s4, $0x38;
	[tilespmem:$0x10100] =	vst v63  }
0x100: {  	_ =	swait.ge [sflag:s10], $0x4000  }
0x101: {  	[sflag:s10] =	ssyncset.done $0x0;
	s25 =	sld [smem:$0x7AE]  }
0x102: {  	[sflag:s10] =	ssyncadd.s32 $0xFFFFC000  }
0x103: {  	[tilespmem:v4+s7+$0x0] =	vst.idx.add.f32.msk vm12, v2  }
0x104: {  	[hbm4b:s25+s4] =	stream.strided.scatter [tilespmem:s7], [sflag:$0x2], $0x4000, s5, s4, $0x38;
	[tilespmem:$0x10100] =	vst v63  }
0x105: {  	_ =	swait.ge [sflag:s11], $0x4000  }
0x106: {  	vm10 =	vcmask $0x1F1C;
	s0 =	sld [smem:$0x7AF]  }
0x107: {  	vm13 =	vmand vm1, vm10;
	[sflag:s11] =	ssyncset.done $0x0  }
0x108: {  	[sflag:s11] =	ssyncadd.s32 $0xFFFFC000  }
0x109: {  	[tilespmem:s7], [sflag:$0x1] =	stream.strided.gather [hbm4b:s0+s4], $0x4000, s5, s4, $0x38;
	[tilespmem:$0x10100] =	vst v63  }
0x10a: {  	_ =	swait.ge [sflag:s10], $0x4000  }
0x10b: {  	[sflag:s10] =	ssyncset.done $0x0;
	s1 =	sld [smem:$0x7B0]  }
0x10c: {  	[sflag:s10] =	ssyncadd.s32 $0xFFFFC000  }
0x10d: {  	[tilespmem:v3+s8+$0x0] =	vst.idx.add.f32.msk vm13, v2  }
0x10e: {  	[hbm4b:s1+s4] =	stream.strided.scatter [tilespmem:s8], [sflag:$0x2], $0x4000, s5, s4, $0x38;
	[tilespmem:$0x10100] =	vst v63  }
0x10f: {  	_ =	swait.ge [sflag:s11], $0x4000  }
0x110: {  	s2 =	sld [smem:$0x7B1]  }
0x111: {  	vm15 =	vmand vm2, vm10;
	[sflag:s11] =	ssyncset.done $0x0  }
0x112: {  	[sflag:s11] =	ssyncadd.s32 $0xFFFFC000  }
0x113: {  	[tilespmem:s8], [sflag:$0x1] =	stream.strided.gather [hbm4b:s2+s4], $0x4000, s5, s4, $0x38;
	[tilespmem:$0x10100] =	vst v63  }
0x114: {  	_ =	swait.ge [sflag:s10], $0x4000  }
0x115: {  	[sflag:s10] =	ssyncset.done $0x0;
	s14 =	sld [smem:$0x7B2]  }
0x116: {  	[sflag:s10] =	ssyncadd.s32 $0xFFFFC000  }
0x117: {  	[tilespmem:v4+s9+$0x0] =	vst.idx.add.f32.msk vm15, v2  }
0x118: {  	[hbm4b:s14+s4] =	stream.strided.scatter [tilespmem:s9], [sflag:$0x2], $0x4000, s5, s4, $0x38;
	[tilespmem:$0x10100] =	vst v63  }
0x119: {  	_ =	swait.ge [sflag:s11], $0x4000  }
0x11a: {  	vm11 =	vcmask $0x2320;
	s16 =	sld [smem:$0x7B3]  }
0x11b: {  	vm6 =	vmand vm1, vm11;
	[sflag:s11] =	ssyncset.done $0x0  }
0x11c: {  	[sflag:s11] =	ssyncadd.s32 $0xFFFFC000  }
0x11d: {  	[tilespmem:s9], [sflag:$0x1] =	stream.strided.gather [hbm4b:s16+s4], $0x4000, s5, s4, $0x38;
	[tilespmem:$0x10100] =	vst v63  }
0x11e: {  	_ =	swait.ge [sflag:s10], $0x4000  }
0x11f: {  	[sflag:s10] =	ssyncset.done $0x0;
	s18 =	sld [smem:$0x7B4]  }
0x120: {  	[sflag:s10] =	ssyncadd.s32 $0xFFFFC000  }
0x121: {  	[tilespmem:v3+s6+$0x0] =	vst.idx.add.f32.msk vm6, v2  }
0x122: {  	[hbm4b:s18+s4] =	stream.strided.scatter [tilespmem:s6], [sflag:$0x2], $0x4000, s5, s4, $0x38;
	[tilespmem:$0x10100] =	vst v63  }
0x123: {  	_ =	swait.ge [sflag:s11], $0x4000  }
0x124: {  	s19 =	sld [smem:$0x7B5]  }
0x125: {  	vm12 =	vmand vm2, vm11;
	[sflag:s11] =	ssyncset.done $0x0  }
0x126: {  	[sflag:s11] =	ssyncadd.s32 $0xFFFFC000  }
0x127: {  	[tilespmem:s6], [sflag:$0x1] =	stream.strided.gather [hbm4b:s19+s4], $0x4000, s5, s4, $0x38;
	[tilespmem:$0x10100] =	vst v63  }
0x128: {  	_ =	swait.ge [sflag:s10], $0x4000  }
0x129: {  	[sflag:s10] =	ssyncset.done $0x0;
	s20 =	sld [smem:$0x7B6]  }
0x12a: {  	[sflag:s10] =	ssyncadd.s32 $0xFFFFC000  }
0x12b: {  	[tilespmem:v4+s7+$0x0] =	vst.idx.add.f32.msk vm12, v2  }
0x12c: {  	[hbm4b:s20+s4] =	stream.strided.scatter [tilespmem:s7], [sflag:$0x2], $0x4000, s5, s4, $0x38;
	[tilespmem:$0x10100] =	vst v63  }
0x12d: {  	_ =	swait.ge [sflag:s11], $0x4000  }
0x12e: {  	vm12 =	vcmask $0x2724;
	s21 =	sld [smem:$0x7B7]  }
0x12f: {  	vm13 =	vmand vm1, vm12;
	[sflag:s11] =	ssyncset.done $0x0  }
0x130: {  	[sflag:s11] =	ssyncadd.s32 $0xFFFFC000  }
0x131: {  	[tilespmem:s7], [sflag:$0x1] =	stream.strided.gather [hbm4b:s21+s4], $0x4000, s5, s4, $0x38;
	[tilespmem:$0x10100] =	vst v63  }
0x132: {  	_ =	swait.ge [sflag:s10], $0x4000  }
0x133: {  	[sflag:s10] =	ssyncset.done $0x0;
	s22 =	sld [smem:$0x7B8]  }
0x134: {  	[sflag:s10] =	ssyncadd.s32 $0xFFFFC000  }
0x135: {  	[tilespmem:v3+s8+$0x0] =	vst.idx.add.f32.msk vm13, v2  }
0x136: {  	[hbm4b:s22+s4] =	stream.strided.scatter [tilespmem:s8], [sflag:$0x2], $0x4000, s5, s4, $0x38;
	[tilespmem:$0x10100] =	vst v63  }
0x137: {  	_ =	swait.ge [sflag:s11], $0x4000  }
0x138: {  	s23 =	sld [smem:$0x7B9]  }
0x139: {  	vm15 =	vmand vm2, vm12;
	[sflag:s11] =	ssyncset.done $0x0  }
0x13a: {  	[sflag:s11] =	ssyncadd.s32 $0xFFFFC000  }
0x13b: {  	[tilespmem:s8], [sflag:$0x1] =	stream.strided.gather [hbm4b:s23+s4], $0x4000, s5, s4, $0x38;
	[tilespmem:$0x10100] =	vst v63  }
0x13c: {  	_ =	swait.ge [sflag:s10], $0x4000  }
0x13d: {  	[sflag:s10] =	ssyncset.done $0x0;
	s24 =	sld [smem:$0x7BA]  }
0x13e: {  	[sflag:s10] =	ssyncadd.s32 $0xFFFFC000  }
0x13f: {  	[tilespmem:v4+s9+$0x0] =	vst.idx.add.f32.msk vm15, v2  }
0x140: {  	[hbm4b:s24+s4] =	stream.strided.scatter [tilespmem:s9], [sflag:$0x2], $0x4000, s5, s4, $0x38;
	[tilespmem:$0x10100] =	vst v63  }
0x141: {  	_ =	swait.ge [sflag:s11], $0x4000  }
0x142: {  	vm13 =	vcmask $0x2B28;
	s25 =	sld [smem:$0x7BB]  }
0x143: {  	vm6 =	vmand vm1, vm13;
	[sflag:s11] =	ssyncset.done $0x0  }
0x144: {  	[sflag:s11] =	ssyncadd.s32 $0xFFFFC000  }
0x145: {  	[tilespmem:s9], [sflag:$0x1] =	stream.strided.gather [hbm4b:s25+s4], $0x4000, s5, s4, $0x38;
	[tilespmem:$0x10100] =	vst v63  }
0x146: {  	_ =	swait.ge [sflag:s10], $0x4000  }
0x147: {  	[sflag:s10] =	ssyncset.done $0x0;
	s0 =	sld [smem:$0x7BC]  }
0x148: {  	[sflag:s10] =	ssyncadd.s32 $0xFFFFC000  }
0x149: {  	[tilespmem:v3+s6+$0x0] =	vst.idx.add.f32.msk vm6, v2  }
0x14a: {  	[hbm4b:s0+s4] =	stream.strided.scatter [tilespmem:s6], [sflag:$0x2], $0x4000, s5, s4, $0x38;
	[tilespmem:$0x10100] =	vst v63  }
0x14b: {  	_ =	swait.ge [sflag:s11], $0x4000  }
0x14c: {  	s1 =	sld [smem:$0x7BD]  }
0x14d: {  	vm15 =	vmand vm2, vm13;
	[sflag:s11] =	ssyncset.done $0x0  }
0x14e: {  	[sflag:s11] =	ssyncadd.s32 $0xFFFFC000  }
0x14f: {  	[tilespmem:s6], [sflag:$0x1] =	stream.strided.gather [hbm4b:s1+s4], $0x4000, s5, s4, $0x38;
	[tilespmem:$0x10100] =	vst v63  }
0x150: {  	_ =	swait.ge [sflag:s10], $0x4000  }
0x151: {  	[sflag:s10] =	ssyncset.done $0x0;
	s2 =	sld [smem:$0x7BE]  }
0x152: {  	[sflag:s10] =	ssyncadd.s32 $0xFFFFC000  }
0x153: {  	[tilespmem:v4+s7+$0x0] =	vst.idx.add.f32.msk vm15, v2  }
0x154: {  	[hbm4b:s2+s4] =	stream.strided.scatter [tilespmem:s7], [sflag:$0x2], $0x4000, s5, s4, $0x38;
	[tilespmem:$0x10100] =	vst v63  }
0x155: {  	_ =	swait.ge [sflag:s11], $0x4000  }
0x156: {  	vm5 =	vcmask $0x2F2C;
	s14 =	sld [smem:$0x7BF]  }
0x157: {  	vm6 =	vmand vm1, vm5;
	[sflag:s11] =	ssyncset.done $0x0  }
0x158: {  	[sflag:s11] =	ssyncadd.s32 $0xFFFFC000  }
0x159: {  	[tilespmem:s7], [sflag:$0x1] =	stream.strided.gather [hbm4b:s14+s4], $0x4000, s5, s4, $0x38;
	[tilespmem:$0x10100] =	vst v63  }
0x15a: {  	_ =	swait.ge [sflag:s10], $0x4000  }
0x15b: {  	[sflag:s10] =	ssyncset.done $0x0;
	s16 =	sld [smem:$0x7C0]  }
0x15c: {  	[sflag:s10] =	ssyncadd.s32 $0xFFFFC000  }
0x15d: {  	[tilespmem:v3+s8+$0x0] =	vst.idx.add.f32.msk vm6, v2  }
0x15e: {  	[hbm4b:s16+s4] =	stream.strided.scatter [tilespmem:s8], [sflag:$0x2], $0x4000, s5, s4, $0x38;
	[tilespmem:$0x10100] =	vst v63  }
0x15f: {  	_ =	swait.ge [sflag:s11], $0x4000  }
0x160: {  	s18 =	sld [smem:$0x7C1]  }
0x161: {  	vm15 =	vmand vm2, vm5;
	[sflag:s11] =	ssyncset.done $0x0  }
0x162: {  	[sflag:s11] =	ssyncadd.s32 $0xFFFFC000  }
0x163: {  	[tilespmem:s8], [sflag:$0x1] =	stream.strided.gather [hbm4b:s18+s4], $0x4000, s5, s4, $0x38;
	[tilespmem:$0x10100] =	vst v63  }
0x164: {  	_ =	swait.ge [sflag:s10], $0x4000  }
0x165: {  	[sflag:s10] =	ssyncset.done $0x0;
	s19 =	sld [smem:$0x7C2]  }
0x166: {  	[sflag:s10] =	ssyncadd.s32 $0xFFFFC000  }
0x167: {  	[tilespmem:v4+s9+$0x0] =	vst.idx.add.f32.msk vm15, v2  }
0x168: {  	[hbm4b:s19+s4] =	stream.strided.scatter [tilespmem:s9], [sflag:$0x2], $0x4000, s5, s4, $0x38;
	[tilespmem:$0x10100] =	vst v63  }
0x169: {  	_ =	swait.ge [sflag:s11], $0x4000  }
0x16a: {  	vm15 =	vcmask $0x3330;
	s20 =	sld [smem:$0x7C3]  }
0x16b: {  	vm6 =	vmand vm1, vm15;
	[sflag:s11] =	ssyncset.done $0x0  }
0x16c: {  	[sflag:s11] =	ssyncadd.s32 $0xFFFFC000  }
0x16d: {  	[tilespmem:s9], [sflag:$0x1] =	stream.strided.gather [hbm4b:s20+s4], $0x4000, s5, s4, $0x38;
	[tilespmem:$0x10100] =	vst v63  }
0x16e: {  	_ =	swait.ge [sflag:s10], $0x4000  }
0x16f: {  	[sflag:s10] =	ssyncset.done $0x0;
	s21 =	sld [smem:$0x7C4]  }
0x170: {  	[sflag:s10] =	ssyncadd.s32 $0xFFFFC000  }
0x171: {  	[tilespmem:v3+s6+$0x0] =	vst.idx.add.f32.msk vm6, v2  }
0x172: {  	[hbm4b:s21+s4] =	stream.strided.scatter [tilespmem:s6], [sflag:$0x2], $0x4000, s5, s4, $0x38;
	[tilespmem:$0x10100] =	vst v63  }
0x173: {  	_ =	swait.ge [sflag:s11], $0x4000  }
0x174: {  	s22 =	sld [smem:$0x7C5]  }
0x175: {  	vm6 =	vmand vm2, vm15;
	[sflag:s11] =	ssyncset.done $0x0  }
0x176: {  	[sflag:s11] =	ssyncadd.s32 $0xFFFFC000  }
0x177: {  	[tilespmem:s6], [sflag:$0x1] =	stream.strided.gather [hbm4b:s22+s4], $0x4000, s5, s4, $0x38;
	[tilespmem:$0x10100] =	vst v63  }
0x178: {  	_ =	swait.ge [sflag:s10], $0x4000  }
0x179: {  	[sflag:s10] =	ssyncset.done $0x0;
	s23 =	sld [smem:$0x7C6]  }
0x17a: {  	[sflag:s10] =	ssyncadd.s32 $0xFFFFC000  }
0x17b: {  	[tilespmem:v4+s7+$0x0] =	vst.idx.add.f32.msk vm6, v2  }
0x17c: {  	[hbm4b:s23+s4] =	stream.strided.scatter [tilespmem:s7], [sflag:$0x2], $0x4000, s5, s4, $0x38;
	[tilespmem:$0x10100] =	vst v63  }
0x17d: {  	_ =	swait.ge [sflag:s11], $0x4000  }
0x17e: {  	vm6 =	vcmask $0x3734;
	s24 =	sld [smem:$0x7C7]  }
0x17f: {  	vm3 =	vmand vm1, vm6;
	[sflag:s11] =	ssyncset.done $0x0  }
0x180: {  	[sflag:s11] =	ssyncadd.s32 $0xFFFFC000  }
0x181: {  	[tilespmem:s7], [sflag:$0x1] =	stream.strided.gather [hbm4b:s24+s4], $0x4000, s5, s4, $0x38;
	[tilespmem:$0x10100] =	vst v63  }
0x182: {  	_ =	swait.ge [sflag:s10], $0x4000  }
0x183: {  	[sflag:s10] =	ssyncset.done $0x0;
	s25 =	sld [smem:$0x7C8]  }
0x184: {  	[sflag:s10] =	ssyncadd.s32 $0xFFFFC000  }
0x185: {  	[tilespmem:v3+s8+$0x0] =	vst.idx.add.f32.msk vm3, v2  }
0x186: {  	[hbm4b:s25+s4] =	stream.strided.scatter [tilespmem:s8], [sflag:$0x2], $0x4000, s5, s4, $0x38;
	[tilespmem:$0x10100] =	vst v63  }
0x187: {  	_ =	swait.ge [sflag:s11], $0x4000  }
0x188: {  	s0 =	sld [smem:$0x7C9]  }
0x189: {  	vm3 =	vmand vm2, vm6;
	[sflag:s11] =	ssyncset.done $0x0  }
0x18a: {  	[sflag:s11] =	ssyncadd.s32 $0xFFFFC000  }
0x18b: {  	[tilespmem:s8], [sflag:$0x1] =	stream.strided.gather [hbm4b:s0+s4], $0x4000, s5, s4, $0x38;
	[tilespmem:$0x10100] =	vst v63  }
0x18c: {  	_ =	swait.ge [sflag:s10], $0x4000  }
0x18d: {  	[sflag:s10] =	ssyncset.done $0x0;
	s1 =	sld [smem:$0x7CA]  }
0x18e: {  	[sflag:s10] =	ssyncadd.s32 $0xFFFFC000  }
0x18f: {  	[tilespmem:v4+s9+$0x0] =	vst.idx.add.f32.msk vm3, v2  }
0x190: {  	[hbm4b:s1+s4] =	stream.strided.scatter [tilespmem:s9], [sflag:$0x2], $0x4000, s5, s4, $0x38;
	[tilespmem:$0x10100] =	vst v63  }
0x191: {  	_ =	swait.ge [sflag:s11], $0x4000  }
0x192: {  	vm4 =	vcmask $0x3B38;
	s2 =	sld [smem:$0x7CB]  }
0x193: {  	vm3 =	vmand vm1, vm4;
	[sflag:s11] =	ssyncset.done $0x0  }
0x194: {  	[sflag:s11] =	ssyncadd.s32 $0xFFFFC000  }
0x195: {  	[tilespmem:s9], [sflag:$0x1] =	stream.strided.gather [hbm4b:s2+s4], $0x4000, s5, s4, $0x38;
	[tilespmem:$0x10100] =	vst v63  }
0x196: {  	_ =	swait.ge [sflag:s10], $0x4000  }
0x197: {  	[sflag:s10] =	ssyncset.done $0x0;
	s14 =	sld [smem:$0x7CC]  }
0x198: {  	[sflag:s10] =	ssyncadd.s32 $0xFFFFC000  }
0x199: {  	[tilespmem:v3+s6+$0x0] =	vst.idx.add.f32.msk vm3, v2  }
0x19a: {  	[hbm4b:s14+s4] =	stream.strided.scatter [tilespmem:s6], [sflag:$0x2], $0x4000, s5, s4, $0x38;
	[tilespmem:$0x10100] =	vst v63  }
0x19b: {  	_ =	swait.ge [sflag:s11], $0x4000  }
0x19c: {  	s16 =	sld [smem:$0x7CD]  }
0x19d: {  	vm3 =	vmand vm2, vm4;
	[sflag:s11] =	ssyncset.done $0x0  }
0x19e: {  	[sflag:s11] =	ssyncadd.s32 $0xFFFFC000  }
0x19f: {  	[tilespmem:s6], [sflag:$0x1] =	stream.strided.gather [hbm4b:s16+s4], $0x4000, s5, s4, $0x38;
	[tilespmem:$0x10100] =	vst v63  }
0x1a0: {  	_ =	swait.ge [sflag:s10], $0x4000  }
0x1a1: {  	[sflag:s10] =	ssyncset.done $0x0;
	s18 =	sld [smem:$0x7CE]  }
0x1a2: {  	[sflag:s10] =	ssyncadd.s32 $0xFFFFC000  }
0x1a3: {  	[tilespmem:v4+s7+$0x0] =	vst.idx.add.f32.msk vm3, v2  }
0x1a4: {  	[hbm4b:s18+s4] =	stream.strided.scatter [tilespmem:s7], [sflag:$0x2], $0x4000, s5, s4, $0x38;
	[tilespmem:$0x10100] =	vst v63  }
0x1a5: {  	_ =	swait.ge [sflag:s11], $0x4000  }
0x1a6: {  	vm0 =	vcmask $0x3F3C;
	s19 =	sld [smem:$0x7CF]  }
0x1a7: {  	vm1 =	vmand vm1, vm0;
	[sflag:s11] =	ssyncset.done $0x0  }
0x1a8: {  	[sflag:s11] =	ssyncadd.s32 $0xFFFFC000  }
0x1a9: {  	[tilespmem:s7], [sflag:$0x1] =	stream.strided.gather [hbm4b:s19+s4], $0x4000, s5, s4, $0x38;
	[tilespmem:$0x10100] =	vst v63  }
0x1aa: {  	_ =	swait.ge [sflag:s10], $0x4000  }
0x1ab: {  	[sflag:s10] =	ssyncset.done $0x0;
	s20 =	sld [smem:$0x7D0]  }
0x1ac: {  	[sflag:s10] =	ssyncadd.s32 $0xFFFFC000  }
0x1ad: {  	[tilespmem:v3+s8+$0x0] =	vst.idx.add.f32.msk vm1, v2  }
0x1ae: {  	[hbm4b:s20+s4] =	stream.strided.scatter [tilespmem:s8], [sflag:$0x2], $0x4000, s5, s4, $0x38;
	[tilespmem:$0x10100] =	vst v63  }
0x1af: {  	_ =	swait.ge [sflag:s11], $0x4000  }
0x1b0: {  	s21 =	sld [smem:$0x7D1]  }
0x1b1: {  	vm1 =	vmand vm2, vm0;
	[sflag:s11] =	ssyncset.done $0x0  }
0x1b2: {  	[sflag:s11] =	ssyncadd.s32 $0xFFFFC000  }
0x1b3: {  	[tilespmem:s8], [sflag:$0x1] =	stream.strided.gather [hbm4b:s21+s4], $0x4000, s5, s4, $0x38;
	[tilespmem:$0x10100] =	vst v63  }
0x1b4: {  	_ =	swait.ge [sflag:s10], $0x4000  }
0x1b5: {  	[sflag:s10] =	ssyncset.done $0x0;
	s22 =	sld [smem:$0x7D2]  }
0x1b6: {  	[sflag:s10] =	ssyncadd.s32 $0xFFFFC000  }
0x1b7: {  	[tilespmem:v4+s9+$0x0] =	vst.idx.add.f32.msk vm1, v2  }
0x1b8: {  	[hbm4b:s22+s4] =	stream.strided.scatter [tilespmem:s9], [sflag:$0x2], $0x4000, s5, s4, $0x38;
	[tilespmem:$0x10100] =	vst v63  }
0x1b9: {  	_ =	swait.ge [sflag:s11], $0x4000  }
0x1ba: {  	vm2 =	vgt.s32 v1, $0x0;
	vm1 =	vlt.u32 v1, $0x4000;
	s23 =	sld [smem:$0x7D3]  }
0x1bb: {  	v61 =	vnsel vm2, $0x0, v1;
	vm2 =	vmand vm1, vm14;
	[sflag:s11] =	ssyncset.done $0x0  }
0x1bc: {  	v2 =	vmin.u32 v61, $0x3FFF;
	[sflag:s11] =	ssyncadd.s32 $0xFFFFC000  }
0x1bd: {  	[tilespmem:s9], [sflag:$0x1] =	stream.strided.gather [hbm4b:s23+s4], $0x4000, s5, s4, $0x38;
	[tilespmem:$0x10100] =	vst v63  }
0x1be: {  	_ =	swait.ge [sflag:s10], $0x4000  }
0x1bf: {  	[sflag:s10] =	ssyncset.done $0x0;
	s24 =	sld [smem:$0x7D4]  }
0x1c0: {  	[sflag:s10] =	ssyncadd.s32 $0xFFFFC000  }
0x1c1: {  	[tilespmem:v2+s6+$0x0] =	vst.idx.add.f32.msk vm2, v0  }
0x1c2: {  	[hbm4b:s24+s4] =	stream.strided.scatter [tilespmem:s6], [sflag:$0x2], $0x4000, s5, s4, $0x38;
	[tilespmem:$0x10100] =	vst v63  }
0x1c3: {  	v62 =	vand.u32 $0xFFFFC000, v1;
	v1 =	vadd.s32 $0xFFFFC000, v1;
	_ =	swait.ge [sflag:s11], $0x4000  }
0x1c4: {  	v63 =	vimm.s32 $0x0;
	vm3 =	vgt.s32 v1, $0x0;
	vm2 =	veq.s32 v62, $0x4000;
	s25 =	sld [smem:$0x7D5]  }
0x1c5: {  	v3 =	vsel vm14, $0xFFFFFFFF, v63;
	v1 =	vnsel vm3, $0x0, v1;
	vm14 =	vmand vm2, vm14;
	[sflag:s11] =	ssyncset.done $0x0  }
0x1c6: {  	v1 =	vmin.u32 v1, $0x3FFF;
	[tilespmem:$0x1FFF0] =	vst v3;
	[sflag:s11] =	ssyncadd.s32 $0xFFFFC000  }
0x1c7: {  	[tilespmem:s6], [sflag:$0x1] =	stream.strided.gather [hbm4b:s25+s4], $0x4000, s5, s4, $0x38;
	[tilespmem:$0x10100] =	vst v63  }
0x1c8: {  	_ =	swait.ge [sflag:s10], $0x4000  }
0x1c9: {  	[sflag:s10] =	ssyncset.done $0x0;
	s0 =	sld [smem:$0x7D6]  }
0x1ca: {  	[sflag:s10] =	ssyncadd.s32 $0xFFFFC000  }
0x1cb: {  	[tilespmem:v1+s7+$0x0] =	vst.idx.add.f32.msk vm14, v0  }
0x1cc: {  	[hbm4b:s0+s4] =	stream.strided.scatter [tilespmem:s7], [sflag:$0x2], $0x4000, s5, s4, $0x38;
	[tilespmem:$0x10100] =	vst v63  }
0x1cd: {  	_ =	swait.ge [sflag:s11], $0x4000  }
0x1ce: {  	vm14 =	vcmask $0x704;
	s1 =	sld [smem:$0x7D7]  }
0x1cf: {  	vm3 =	vmand vm1, vm14;
	[sflag:s11] =	ssyncset.done $0x0  }
0x1d0: {  	[sflag:s11] =	ssyncadd.s32 $0xFFFFC000  }
0x1d1: {  	[tilespmem:s7], [sflag:$0x1] =	stream.strided.gather [hbm4b:s1+s4], $0x4000, s5, s4, $0x38;
	[tilespmem:$0x10100] =	vst v63  }
0x1d2: {  	_ =	swait.ge [sflag:s10], $0x4000  }
0x1d3: {  	[sflag:s10] =	ssyncset.done $0x0;
	s2 =	sld [smem:$0x7D8]  }
0x1d4: {  	[sflag:s10] =	ssyncadd.s32 $0xFFFFC000  }
0x1d5: {  	[tilespmem:v2+s8+$0x0] =	vst.idx.add.f32.msk vm3, v0  }
0x1d6: {  	[hbm4b:s2+s4] =	stream.strided.scatter [tilespmem:s8], [sflag:$0x2], $0x4000, s5, s4, $0x38;
	[tilespmem:$0x10100] =	vst v63  }
0x1d7: {  	_ =	swait.ge [sflag:s11], $0x4000  }
0x1d8: {  	s14 =	sld [smem:$0x7D9]  }
0x1d9: {  	vm14 =	vmand vm2, vm14;
	[sflag:s11] =	ssyncset.done $0x0  }
0x1da: {  	[sflag:s11] =	ssyncadd.s32 $0xFFFFC000  }
0x1db: {  	[tilespmem:s8], [sflag:$0x1] =	stream.strided.gather [hbm4b:s14+s4], $0x4000, s5, s4, $0x38;
	[tilespmem:$0x10100] =	vst v63  }
0x1dc: {  	_ =	swait.ge [sflag:s10], $0x4000  }
0x1dd: {  	[sflag:s10] =	ssyncset.done $0x0;
	s16 =	sld [smem:$0x7DA]  }
0x1de: {  	[sflag:s10] =	ssyncadd.s32 $0xFFFFC000  }
0x1df: {  	[tilespmem:v1+s9+$0x0] =	vst.idx.add.f32.msk vm14, v0  }
0x1e0: {  	[hbm4b:s16+s4] =	stream.strided.scatter [tilespmem:s9], [sflag:$0x2], $0x4000, s5, s4, $0x38;
	[tilespmem:$0x10100] =	vst v63  }
0x1e1: {  	_ =	swait.ge [sflag:s11], $0x4000  }
0x1e2: {  	vm14 =	vcmask $0xB08;
	s18 =	sld [smem:$0x7DB]  }
0x1e3: {  	vm3 =	vmand vm1, vm14;
	[sflag:s11] =	ssyncset.done $0x0  }
0x1e4: {  	[sflag:s11] =	ssyncadd.s32 $0xFFFFC000  }
0x1e5: {  	[tilespmem:s9], [sflag:$0x1] =	stream.strided.gather [hbm4b:s18+s4], $0x4000, s5, s4, $0x38;
	[tilespmem:$0x10100] =	vst v63  }
0x1e6: {  	_ =	swait.ge [sflag:s10], $0x4000  }
0x1e7: {  	[sflag:s10] =	ssyncset.done $0x0;
	s19 =	sld [smem:$0x7DC]  }
0x1e8: {  	[sflag:s10] =	ssyncadd.s32 $0xFFFFC000  }
0x1e9: {  	[tilespmem:v2+s6+$0x0] =	vst.idx.add.f32.msk vm3, v0  }
0x1ea: {  	[hbm4b:s19+s4] =	stream.strided.scatter [tilespmem:s6], [sflag:$0x2], $0x4000, s5, s4, $0x38;
	[tilespmem:$0x10100] =	vst v63  }
0x1eb: {  	_ =	swait.ge [sflag:s11], $0x4000  }
0x1ec: {  	s20 =	sld [smem:$0x7DD]  }
0x1ed: {  	vm14 =	vmand vm2, vm14;
	[sflag:s11] =	ssyncset.done $0x0  }
0x1ee: {  	[sflag:s11] =	ssyncadd.s32 $0xFFFFC000  }
0x1ef: {  	[tilespmem:s6], [sflag:$0x1] =	stream.strided.gather [hbm4b:s20+s4], $0x4000, s5, s4, $0x38;
	[tilespmem:$0x10100] =	vst v63  }
0x1f0: {  	_ =	swait.ge [sflag:s10], $0x4000  }
0x1f1: {  	[sflag:s10] =	ssyncset.done $0x0;
	s21 =	sld [smem:$0x7DE]  }
0x1f2: {  	[sflag:s10] =	ssyncadd.s32 $0xFFFFC000  }
0x1f3: {  	[tilespmem:v1+s7+$0x0] =	vst.idx.add.f32.msk vm14, v0  }
0x1f4: {  	[hbm4b:s21+s4] =	stream.strided.scatter [tilespmem:s7], [sflag:$0x2], $0x4000, s5, s4, $0x38;
	[tilespmem:$0x10100] =	vst v63  }
0x1f5: {  	_ =	swait.ge [sflag:s11], $0x4000  }
0x1f6: {  	vm14 =	vcmask $0xF0C;
	s22 =	sld [smem:$0x7DF]  }
0x1f7: {  	vm3 =	vmand vm1, vm14;
	[sflag:s11] =	ssyncset.done $0x0  }
0x1f8: {  	[sflag:s11] =	ssyncadd.s32 $0xFFFFC000  }
0x1f9: {  	[tilespmem:s7], [sflag:$0x1] =	stream.strided.gather [hbm4b:s22+s4], $0x4000, s5, s4, $0x38;
	[tilespmem:$0x10100] =	vst v63  }
0x1fa: {  	_ =	swait.ge [sflag:s10], $0x4000  }
0x1fb: {  	[sflag:s10] =	ssyncset.done $0x0;
	s23 =	sld [smem:$0x7E0]  }
0x1fc: {  	[sflag:s10] =	ssyncadd.s32 $0xFFFFC000  }
0x1fd: {  	[tilespmem:v2+s8+$0x0] =	vst.idx.add.f32.msk vm3, v0  }
0x1fe: {  	[hbm4b:s23+s4] =	stream.strided.scatter [tilespmem:s8], [sflag:$0x2], $0x4000, s5, s4, $0x38;
	[tilespmem:$0x10100] =	vst v63  }
0x1ff: {  	_ =	swait.ge [sflag:s11], $0x4000  }
0x200: {  	s24 =	sld [smem:$0x7E1]  }
0x201: {  	vm14 =	vmand vm2, vm14;
	[sflag:s11] =	ssyncset.done $0x0  }
0x202: {  	[sflag:s11] =	ssyncadd.s32 $0xFFFFC000  }
0x203: {  	[tilespmem:s8], [sflag:$0x1] =	stream.strided.gather [hbm4b:s24+s4], $0x4000, s5, s4, $0x38;
	[tilespmem:$0x10100] =	vst v63  }
0x204: {  	_ =	swait.ge [sflag:s10], $0x4000  }
0x205: {  	[sflag:s10] =	ssyncset.done $0x0;
	s25 =	sld [smem:$0x7E2]  }
0x206: {  	[sflag:s10] =	ssyncadd.s32 $0xFFFFC000  }
0x207: {  	[tilespmem:v1+s9+$0x0] =	vst.idx.add.f32.msk vm14, v0  }
0x208: {  	[hbm4b:s25+s4] =	stream.strided.scatter [tilespmem:s9], [sflag:$0x2], $0x4000, s5, s4, $0x38;
	[tilespmem:$0x10100] =	vst v63  }
0x209: {  	_ =	swait.ge [sflag:s11], $0x4000  }
0x20a: {  	s0 =	sld [smem:$0x7E3]  }
0x20b: {  	vm14 =	vmand vm1, vm7;
	[sflag:s11] =	ssyncset.done $0x0  }
0x20c: {  	[sflag:s11] =	ssyncadd.s32 $0xFFFFC000  }
0x20d: {  	[tilespmem:s9], [sflag:$0x1] =	stream.strided.gather [hbm4b:s0+s4], $0x4000, s5, s4, $0x38;
	[tilespmem:$0x10100] =	vst v63  }
0x20e: {  	_ =	swait.ge [sflag:s10], $0x4000  }
0x20f: {  	[sflag:s10] =	ssyncset.done $0x0;
	s1 =	sld [smem:$0x7E4]  }
0x210: {  	[sflag:s10] =	ssyncadd.s32 $0xFFFFC000  }
0x211: {  	[tilespmem:v2+s6+$0x0] =	vst.idx.add.f32.msk vm14, v0  }
0x212: {  	[hbm4b:s1+s4] =	stream.strided.scatter [tilespmem:s6], [sflag:$0x2], $0x4000, s5, s4, $0x38;
	[tilespmem:$0x10100] =	vst v63  }
0x213: {  	_ =	swait.ge [sflag:s11], $0x4000  }
0x214: {  	s2 =	sld [smem:$0x7E5]  }
0x215: {  	vm7 =	vmand vm2, vm7;
	[sflag:s11] =	ssyncset.done $0x0  }
0x216: {  	[sflag:s11] =	ssyncadd.s32 $0xFFFFC000  }
0x217: {  	[tilespmem:s6], [sflag:$0x1] =	stream.strided.gather [hbm4b:s2+s4], $0x4000, s5, s4, $0x38;
	[tilespmem:$0x10100] =	vst v63  }
0x218: {  	_ =	swait.ge [sflag:s10], $0x4000  }
0x219: {  	[sflag:s10] =	ssyncset.done $0x0;
	s14 =	sld [smem:$0x7E6]  }
0x21a: {  	[sflag:s10] =	ssyncadd.s32 $0xFFFFC000  }
0x21b: {  	[tilespmem:v1+s7+$0x0] =	vst.idx.add.f32.msk vm7, v0  }
0x21c: {  	[hbm4b:s14+s4] =	stream.strided.scatter [tilespmem:s7], [sflag:$0x2], $0x4000, s5, s4, $0x38;
	[tilespmem:$0x10100] =	vst v63  }
0x21d: {  	_ =	swait.ge [sflag:s11], $0x4000  }
0x21e: {  	s16 =	sld [smem:$0x7E7]  }
0x21f: {  	vm14 =	vmand vm1, vm8;
	[sflag:s11] =	ssyncset.done $0x0  }
0x220: {  	[sflag:s11] =	ssyncadd.s32 $0xFFFFC000  }
0x221: {  	[tilespmem:s7], [sflag:$0x1] =	stream.strided.gather [hbm4b:s16+s4], $0x4000, s5, s4, $0x38;
	[tilespmem:$0x10100] =	vst v63  }
0x222: {  	_ =	swait.ge [sflag:s10], $0x4000  }
0x223: {  	[sflag:s10] =	ssyncset.done $0x0;
	s18 =	sld [smem:$0x7E8]  }
0x224: {  	[sflag:s10] =	ssyncadd.s32 $0xFFFFC000  }
0x225: {  	[tilespmem:v2+s8+$0x0] =	vst.idx.add.f32.msk vm14, v0  }
0x226: {  	[hbm4b:s18+s4] =	stream.strided.scatter [tilespmem:s8], [sflag:$0x2], $0x4000, s5, s4, $0x38;
	[tilespmem:$0x10100] =	vst v63  }
0x227: {  	_ =	swait.ge [sflag:s11], $0x4000  }
0x228: {  	s19 =	sld [smem:$0x7E9]  }
0x229: {  	vm7 =	vmand vm2, vm8;
	[sflag:s11] =	ssyncset.done $0x0  }
0x22a: {  	[sflag:s11] =	ssyncadd.s32 $0xFFFFC000  }
0x22b: {  	[tilespmem:s8], [sflag:$0x1] =	stream.strided.gather [hbm4b:s19+s4], $0x4000, s5, s4, $0x38;
	[tilespmem:$0x10100] =	vst v63  }
0x22c: {  	_ =	swait.ge [sflag:s10], $0x4000  }
0x22d: {  	[sflag:s10] =	ssyncset.done $0x0;
	s20 =	sld [smem:$0x7EA]  }
0x22e: {  	[sflag:s10] =	ssyncadd.s32 $0xFFFFC000  }
0x22f: {  	[tilespmem:v1+s9+$0x0] =	vst.idx.add.f32.msk vm7, v0  }
0x230: {  	[hbm4b:s20+s4] =	stream.strided.scatter [tilespmem:s9], [sflag:$0x2], $0x4000, s5, s4, $0x38;
	[tilespmem:$0x10100] =	vst v63  }
0x231: {  	_ =	swait.ge [sflag:s11], $0x4000  }
0x232: {  	s21 =	sld [smem:$0x7EB]  }
0x233: {  	vm8 =	vmand vm1, vm9;
	[sflag:s11] =	ssyncset.done $0x0  }
0x234: {  	[sflag:s11] =	ssyncadd.s32 $0xFFFFC000  }
0x235: {  	[tilespmem:s9], [sflag:$0x1] =	stream.strided.gather [hbm4b:s21+s4], $0x4000, s5, s4, $0x38;
	[tilespmem:$0x10100] =	vst v63  }
0x236: {  	_ =	swait.ge [sflag:s10], $0x4000  }
0x237: {  	[sflag:s10] =	ssyncset.done $0x0;
	s22 =	sld [smem:$0x7EC]  }
0x238: {  	[sflag:s10] =	ssyncadd.s32 $0xFFFFC000  }
0x239: {  	[tilespmem:v2+s6+$0x0] =	vst.idx.add.f32.msk vm8, v0  }
0x23a: {  	[hbm4b:s22+s4] =	stream.strided.scatter [tilespmem:s6], [sflag:$0x2], $0x4000, s5, s4, $0x38;
	[tilespmem:$0x10100] =	vst v63  }
0x23b: {  	_ =	swait.ge [sflag:s11], $0x4000  }
0x23c: {  	s23 =	sld [smem:$0x7ED]  }
0x23d: {  	vm14 =	vmand vm2, vm9;
	[sflag:s11] =	ssyncset.done $0x0  }
0x23e: {  	[sflag:s11] =	ssyncadd.s32 $0xFFFFC000  }
0x23f: {  	[tilespmem:s6], [sflag:$0x1] =	stream.strided.gather [hbm4b:s23+s4], $0x4000, s5, s4, $0x38;
	[tilespmem:$0x10100] =	vst v63  }
0x240: {  	_ =	swait.ge [sflag:s10], $0x4000  }
0x241: {  	[sflag:s10] =	ssyncset.done $0x0;
	s24 =	sld [smem:$0x7EE]  }
0x242: {  	[sflag:s10] =	ssyncadd.s32 $0xFFFFC000  }
0x243: {  	[tilespmem:v1+s7+$0x0] =	vst.idx.add.f32.msk vm14, v0  }
0x244: {  	[hbm4b:s24+s4] =	stream.strided.scatter [tilespmem:s7], [sflag:$0x2], $0x4000, s5, s4, $0x38;
	[tilespmem:$0x10100] =	vst v63  }
0x245: {  	_ =	swait.ge [sflag:s11], $0x4000  }
0x246: {  	s25 =	sld [smem:$0x7EF]  }
0x247: {  	vm7 =	vmand vm1, vm10;
	[sflag:s11] =	ssyncset.done $0x0  }
0x248: {  	[sflag:s11] =	ssyncadd.s32 $0xFFFFC000  }
0x249: {  	[tilespmem:s7], [sflag:$0x1] =	stream.strided.gather [hbm4b:s25+s4], $0x4000, s5, s4, $0x38;
	[tilespmem:$0x10100] =	vst v63  }
0x24a: {  	_ =	swait.ge [sflag:s10], $0x4000  }
0x24b: {  	[sflag:s10] =	ssyncset.done $0x0;
	s0 =	sld [smem:$0x7F0]  }
0x24c: {  	[sflag:s10] =	ssyncadd.s32 $0xFFFFC000  }
0x24d: {  	[tilespmem:v2+s8+$0x0] =	vst.idx.add.f32.msk vm7, v0  }
0x24e: {  	[hbm4b:s0+s4] =	stream.strided.scatter [tilespmem:s8], [sflag:$0x2], $0x4000, s5, s4, $0x38;
	[tilespmem:$0x10100] =	vst v63  }
0x24f: {  	_ =	swait.ge [sflag:s11], $0x4000  }
0x250: {  	s1 =	sld [smem:$0x7F1]  }
0x251: {  	vm8 =	vmand vm2, vm10;
	[sflag:s11] =	ssyncset.done $0x0  }
0x252: {  	[sflag:s11] =	ssyncadd.s32 $0xFFFFC000  }
0x253: {  	[tilespmem:s8], [sflag:$0x1] =	stream.strided.gather [hbm4b:s1+s4], $0x4000, s5, s4, $0x38;
	[tilespmem:$0x10100] =	vst v63  }
0x254: {  	_ =	swait.ge [sflag:s10], $0x4000  }
0x255: {  	[sflag:s10] =	ssyncset.done $0x0;
	s2 =	sld [smem:$0x7F2]  }
0x256: {  	[sflag:s10] =	ssyncadd.s32 $0xFFFFC000  }
0x257: {  	[tilespmem:v1+s9+$0x0] =	vst.idx.add.f32.msk vm8, v0  }
0x258: {  	[hbm4b:s2+s4] =	stream.strided.scatter [tilespmem:s9], [sflag:$0x2], $0x4000, s5, s4, $0x38;
	[tilespmem:$0x10100] =	vst v63  }
0x259: {  	_ =	swait.ge [sflag:s11], $0x4000  }
0x25a: {  	s14 =	sld [smem:$0x7F3]  }
0x25b: {  	vm9 =	vmand vm1, vm11;
	[sflag:s11] =	ssyncset.done $0x0  }
0x25c: {  	[sflag:s11] =	ssyncadd.s32 $0xFFFFC000  }
0x25d: {  	[tilespmem:s9], [sflag:$0x1] =	stream.strided.gather [hbm4b:s14+s4], $0x4000, s5, s4, $0x38;
	[tilespmem:$0x10100] =	vst v63  }
0x25e: {  	_ =	swait.ge [sflag:s10], $0x4000  }
0x25f: {  	[sflag:s10] =	ssyncset.done $0x0;
	s16 =	sld [smem:$0x7F4]  }
0x260: {  	[sflag:s10] =	ssyncadd.s32 $0xFFFFC000  }
0x261: {  	[tilespmem:v2+s6+$0x0] =	vst.idx.add.f32.msk vm9, v0  }
0x262: {  	[hbm4b:s16+s4] =	stream.strided.scatter [tilespmem:s6], [sflag:$0x2], $0x4000, s5, s4, $0x38;
	[tilespmem:$0x10100] =	vst v63  }
0x263: {  	_ =	swait.ge [sflag:s11], $0x4000  }
0x264: {  	s18 =	sld [smem:$0x7F5]  }
0x265: {  	vm10 =	vmand vm2, vm11;
	[sflag:s11] =	ssyncset.done $0x0  }
0x266: {  	[sflag:s11] =	ssyncadd.s32 $0xFFFFC000  }
0x267: {  	[tilespmem:s6], [sflag:$0x1] =	stream.strided.gather [hbm4b:s18+s4], $0x4000, s5, s4, $0x38;
	[tilespmem:$0x10100] =	vst v63  }
0x268: {  	_ =	swait.ge [sflag:s10], $0x4000  }
0x269: {  	[sflag:s10] =	ssyncset.done $0x0;
	s19 =	sld [smem:$0x7F6]  }
0x26a: {  	[sflag:s10] =	ssyncadd.s32 $0xFFFFC000  }
0x26b: {  	[tilespmem:v1+s7+$0x0] =	vst.idx.add.f32.msk vm10, v0  }
0x26c: {  	[hbm4b:s19+s4] =	stream.strided.scatter [tilespmem:s7], [sflag:$0x2], $0x4000, s5, s4, $0x38;
	[tilespmem:$0x10100] =	vst v63  }
0x26d: {  	_ =	swait.ge [sflag:s11], $0x4000  }
0x26e: {  	s20 =	sld [smem:$0x7F7]  }
0x26f: {  	vm11 =	vmand vm1, vm12;
	[sflag:s11] =	ssyncset.done $0x0  }
0x270: {  	[sflag:s11] =	ssyncadd.s32 $0xFFFFC000  }
0x271: {  	[tilespmem:s7], [sflag:$0x1] =	stream.strided.gather [hbm4b:s20+s4], $0x4000, s5, s4, $0x38;
	[tilespmem:$0x10100] =	vst v63  }
0x272: {  	_ =	swait.ge [sflag:s10], $0x4000  }
0x273: {  	[sflag:s10] =	ssyncset.done $0x0;
	s21 =	sld [smem:$0x7F8]  }
0x274: {  	[sflag:s10] =	ssyncadd.s32 $0xFFFFC000  }
0x275: {  	[tilespmem:v2+s8+$0x0] =	vst.idx.add.f32.msk vm11, v0  }
0x276: {  	[hbm4b:s21+s4] =	stream.strided.scatter [tilespmem:s8], [sflag:$0x2], $0x4000, s5, s4, $0x38;
	[tilespmem:$0x10100] =	vst v63  }
0x277: {  	_ =	swait.ge [sflag:s11], $0x4000  }
0x278: {  	s22 =	sld [smem:$0x7F9]  }
0x279: {  	vm14 =	vmand vm2, vm12;
	[sflag:s11] =	ssyncset.done $0x0  }
0x27a: {  	[sflag:s11] =	ssyncadd.s32 $0xFFFFC000  }
0x27b: {  	[tilespmem:s8], [sflag:$0x1] =	stream.strided.gather [hbm4b:s22+s4], $0x4000, s5, s4, $0x38;
	[tilespmem:$0x10100] =	vst v63  }
0x27c: {  	_ =	swait.ge [sflag:s10], $0x4000  }
0x27d: {  	[sflag:s10] =	ssyncset.done $0x0;
	s23 =	sld [smem:$0x7FA]  }
0x27e: {  	[sflag:s10] =	ssyncadd.s32 $0xFFFFC000  }
0x27f: {  	[tilespmem:v1+s9+$0x0] =	vst.idx.add.f32.msk vm14, v0  }
0x280: {  	[hbm4b:s23+s4] =	stream.strided.scatter [tilespmem:s9], [sflag:$0x2], $0x4000, s5, s4, $0x38;
	[tilespmem:$0x10100] =	vst v63  }
0x281: {  	_ =	swait.ge [sflag:s11], $0x4000  }
0x282: {  	s24 =	sld [smem:$0x7FB]  }
0x283: {  	vm7 =	vmand vm1, vm13;
	[sflag:s11] =	ssyncset.done $0x0  }
0x284: {  	[sflag:s11] =	ssyncadd.s32 $0xFFFFC000  }
0x285: {  	[tilespmem:s9], [sflag:$0x1] =	stream.strided.gather [hbm4b:s24+s4], $0x4000, s5, s4, $0x38;
	[tilespmem:$0x10100] =	vst v63  }
0x286: {  	_ =	swait.ge [sflag:s10], $0x4000  }
0x287: {  	[sflag:s10] =	ssyncset.done $0x0;
	s25 =	sld [smem:$0x7FC]  }
0x288: {  	[sflag:s10] =	ssyncadd.s32 $0xFFFFC000  }
0x289: {  	[tilespmem:v2+s6+$0x0] =	vst.idx.add.f32.msk vm7, v0  }
0x28a: {  	[hbm4b:s25+s4] =	stream.strided.scatter [tilespmem:s6], [sflag:$0x2], $0x4000, s5, s4, $0x38;
	[tilespmem:$0x10100] =	vst v63  }
0x28b: {  	_ =	swait.ge [sflag:s11], $0x4000  }
0x28c: {  	vm8 =	vmand vm2, vm13;
	s19 =	sor.u32 $0x18040, s28;
	[sflag:s11] =	ssyncset.done $0x0  }
0x28d: {  	s12 =	sadd.s32 s26, s19;
	[sflag:s11] =	ssyncadd.s32 $0xFFFFC000  }
0x28e: {  	[tilespmem:s6], [sflag:$0x1] =	stream.strided.gather [hbm4b:s12+s4], $0x4000, s5, s4, $0x38;
	[tilespmem:$0x10100] =	vst v63  }
0x28f: {  	_ =	swait.ge [sflag:s10], $0x4000  }
0x290: {  	[sflag:s10] =	ssyncset.done $0x0  }
0x291: {  	[sflag:s10] =	ssyncadd.s32 $0xFFFFC000  }
0x292: {  	s13 =	sadd.s32 s31, s13;
	[tilespmem:v1+s7+$0x0] =	vst.idx.add.f32.msk vm8, v0  }
0x293: {  	[hbm4b:s13+s4] =	stream.strided.scatter [tilespmem:s7], [sflag:$0x2], $0x4000, s5, s4, $0x38;
	[tilespmem:$0x10100] =	vst v63  }
0x294: {  	_ =	swait.ge [sflag:s11], $0x4000  }
0x295: {  	vm9 =	vmand vm1, vm5;
	s21 =	sor.u32 $0x1C040, s28;
	[sflag:s11] =	ssyncset.done $0x0  }
0x296: {  	s14 =	sadd.s32 s26, s21;
	[sflag:s11] =	ssyncadd.s32 $0xFFFFC000  }
0x297: {  	[tilespmem:s7], [sflag:$0x1] =	stream.strided.gather [hbm4b:s14+s4], $0x4000, s5, s4, $0x38;
	[tilespmem:$0x10100] =	vst v63  }
0x298: {  	_ =	swait.ge [sflag:s10], $0x4000  }
0x299: {  	[sflag:s10] =	ssyncset.done $0x0  }
0x29a: {  	[sflag:s10] =	ssyncadd.s32 $0xFFFFC000  }
0x29b: {  	s15 =	sadd.s32 s31, s15;
	[tilespmem:v2+s8+$0x0] =	vst.idx.add.f32.msk vm9, v0  }
0x29c: {  	[hbm4b:s15+s4] =	stream.strided.scatter [tilespmem:s8], [sflag:$0x2], $0x4000, s5, s4, $0x38;
	[tilespmem:$0x10100] =	vst v63  }
0x29d: {  	_ =	swait.ge [sflag:s11], $0x4000  }
0x29e: {  	vm10 =	vmand vm2, vm5;
	s23 =	sor.u32 $0x18050, s28;
	[sflag:s11] =	ssyncset.done $0x0  }
0x29f: {  	s16 =	sadd.s32 s26, s23;
	[sflag:s11] =	ssyncadd.s32 $0xFFFFC000  }
0x2a0: {  	[tilespmem:s8], [sflag:$0x1] =	stream.strided.gather [hbm4b:s16+s4], $0x4000, s5, s4, $0x38;
	[tilespmem:$0x10100] =	vst v63  }
0x2a1: {  	_ =	swait.ge [sflag:s10], $0x4000  }
0x2a2: {  	[sflag:s10] =	ssyncset.done $0x0  }
0x2a3: {  	[sflag:s10] =	ssyncadd.s32 $0xFFFFC000  }
0x2a4: {  	s17 =	sadd.s32 s31, s17;
	[tilespmem:v1+s9+$0x0] =	vst.idx.add.f32.msk vm10, v0  }
0x2a5: {  	[hbm4b:s17+s4] =	stream.strided.scatter [tilespmem:s9], [sflag:$0x2], $0x4000, s5, s4, $0x38;
	[tilespmem:$0x10100] =	vst v63  }
0x2a6: {  	_ =	swait.ge [sflag:s11], $0x4000  }
0x2a7: {  	vm11 =	vmand vm1, vm15;
	s25 =	sor.u32 $0x1C050, s28;
	[sflag:s11] =	ssyncset.done $0x0  }
0x2a8: {  	s18 =	sadd.s32 s26, s25;
	[sflag:s11] =	ssyncadd.s32 $0xFFFFC000  }
0x2a9: {  	[tilespmem:s9], [sflag:$0x1] =	stream.strided.gather [hbm4b:s18+s4], $0x4000, s5, s4, $0x38;
	[tilespmem:$0x10100] =	vst v63  }
0x2aa: {  	_ =	swait.ge [sflag:s10], $0x4000  }
0x2ab: {  	[sflag:s10] =	ssyncset.done $0x0  }
0x2ac: {  	[sflag:s10] =	ssyncadd.s32 $0xFFFFC000  }
0x2ad: {  	s19 =	sadd.s32 s31, s19;
	[tilespmem:v2+s6+$0x0] =	vst.idx.add.f32.msk vm11, v0  }
0x2ae: {  	[hbm4b:s19+s4] =	stream.strided.scatter [tilespmem:s6], [sflag:$0x2], $0x4000, s5, s4, $0x38;
	[tilespmem:$0x10100] =	vst v63  }
0x2af: {  	_ =	swait.ge [sflag:s11], $0x4000  }
0x2b0: {  	s29 =	sor.u32 $0x18060, s28;
	vm12 =	vmand vm2, vm15;
	[sflag:s11] =	ssyncset.done $0x0  }
0x2b1: {  	s20 =	sadd.s32 s26, s29;
	[sflag:s11] =	ssyncadd.s32 $0xFFFFC000  }
0x2b2: {  	[tilespmem:s6], [sflag:$0x1] =	stream.strided.gather [hbm4b:s20+s4], $0x4000, s5, s4, $0x38;
	[tilespmem:$0x10100] =	vst v63  }
0x2b3: {  	_ =	swait.ge [sflag:s10], $0x4000  }
0x2b4: {  	[sflag:s10] =	ssyncset.done $0x0  }
0x2b5: {  	[sflag:s10] =	ssyncadd.s32 $0xFFFFC000  }
0x2b6: {  	s21 =	sadd.s32 s31, s21;
	[tilespmem:v1+s7+$0x0] =	vst.idx.add.f32.msk vm12, v0  }
0x2b7: {  	[hbm4b:s21+s4] =	stream.strided.scatter [tilespmem:s7], [sflag:$0x2], $0x4000, s5, s4, $0x38;
	[tilespmem:$0x10100] =	vst v63  }
0x2b8: {  	_ =	swait.ge [sflag:s11], $0x4000  }
0x2b9: {  	s30 =	sor.u32 $0x1C060, s28;
	vm13 =	vmand vm1, vm6;
	[sflag:s11] =	ssyncset.done $0x0  }
0x2ba: {  	s22 =	sadd.s32 s26, s30;
	[sflag:s11] =	ssyncadd.s32 $0xFFFFC000  }
0x2bb: {  	[tilespmem:s7], [sflag:$0x1] =	stream.strided.gather [hbm4b:s22+s4], $0x4000, s5, s4, $0x38;
	[tilespmem:$0x10100] =	vst v63  }
0x2bc: {  	_ =	swait.ge [sflag:s10], $0x4000  }
0x2bd: {  	[sflag:s10] =	ssyncset.done $0x0  }
0x2be: {  	[sflag:s10] =	ssyncadd.s32 $0xFFFFC000  }
0x2bf: {  	s23 =	sadd.s32 s31, s23;
	[tilespmem:v2+s8+$0x0] =	vst.idx.add.f32.msk vm13, v0  }
0x2c0: {  	[hbm4b:s23+s4] =	stream.strided.scatter [tilespmem:s8], [sflag:$0x2], $0x4000, s5, s4, $0x38;
	[tilespmem:$0x10100] =	vst v63  }
0x2c1: {  	_ =	swait.ge [sflag:s11], $0x4000  }
0x2c2: {  	s0 =	sor.u32 $0x18070, s28;
	vm14 =	vmand vm2, vm6;
	[sflag:s11] =	ssyncset.done $0x0  }
0x2c3: {  	s24 =	sadd.s32 s26, s0;
	[sflag:s11] =	ssyncadd.s32 $0xFFFFC000  }
0x2c4: {  	[tilespmem:s8], [sflag:$0x1] =	stream.strided.gather [hbm4b:s24+s4], $0x4000, s5, s4, $0x38;
	[tilespmem:$0x10100] =	vst v63  }
0x2c5: {  	_ =	swait.ge [sflag:s10], $0x4000  }
0x2c6: {  	[sflag:s10] =	ssyncset.done $0x0  }
0x2c7: {  	[sflag:s10] =	ssyncadd.s32 $0xFFFFC000  }
0x2c8: {  	s25 =	sadd.s32 s31, s25;
	[tilespmem:v1+s9+$0x0] =	vst.idx.add.f32.msk vm14, v0  }
0x2c9: {  	[hbm4b:s25+s4] =	stream.strided.scatter [tilespmem:s9], [sflag:$0x2], $0x4000, s5, s4, $0x38;
	[tilespmem:$0x10100] =	vst v63  }
0x2ca: {  	_ =	swait.ge [sflag:s11], $0x4000  }
0x2cb: {  	s2 =	sor.u32 $0x1C070, s28;
	vm15 =	vmand vm1, vm4;
	[sflag:s11] =	ssyncset.done $0x0  }
0x2cc: {  	s26 =	sadd.s32 s26, s2;
	[sflag:s11] =	ssyncadd.s32 $0xFFFFC000  }
0x2cd: {  	[tilespmem:s9], [sflag:$0x1] =	stream.strided.gather [hbm4b:s26+s4], $0x4000, s5, s4, $0x38;
	[tilespmem:$0x10100] =	vst v63  }
0x2ce: {  	_ =	swait.ge [sflag:s10], $0x4000  }
0x2cf: {  	[sflag:s10] =	ssyncset.done $0x0  }
0x2d0: {  	vm4 =	vmand vm2, vm4;
	[sflag:s10] =	ssyncadd.s32 $0xFFFFC000  }
0x2d1: {  	s28 =	sadd.s32 s31, s29;
	[tilespmem:v2+s6+$0x0] =	vst.idx.add.f32.msk vm15, v0  }
0x2d2: {  	[hbm4b:s28+s4] =	stream.strided.scatter [tilespmem:s6], [sflag:$0x2], $0x4000, s5, s4, $0x38;
	[tilespmem:$0x10100] =	vst v63  }
0x2d3: {  	_ =	swait.ge [sflag:s10], $0x4000  }
0x2d4: {  	[sflag:s10] =	ssyncset.done $0x0  }
0x2d5: {  	vm1 =	vmand vm1, vm0;
	[sflag:s10] =	ssyncadd.s32 $0xFFFFC000  }
0x2d6: {  	s29 =	sadd.s32 s31, s30;
	[tilespmem:v1+s7+$0x0] =	vst.idx.add.f32.msk vm4, v0  }
0x2d7: {  	[hbm4b:s29+s4] =	stream.strided.scatter [tilespmem:s7], [sflag:$0x2], $0x4000, s5, s4, $0x38;
	[tilespmem:$0x10100] =	vst v63  }
0x2d8: {  	_ =	swait.ge [sflag:s10], $0x4000  }
0x2d9: {  	[sflag:s10] =	ssyncset.done $0x0  }
0x2da: {  	vm2 =	vmand vm2, vm0;
	[sflag:s10] =	ssyncadd.s32 $0xFFFFC000  }
0x2db: {  	s30 =	sadd.s32 s31, s0;
	[tilespmem:v2+s8+$0x0] =	vst.idx.add.f32.msk vm1, v0  }
0x2dc: {  	[hbm4b:s30+s4] =	stream.strided.scatter [tilespmem:s8], [sflag:$0x2], $0x4000, s5, s4, $0x38;
	[tilespmem:$0x10100] =	vst v63  }
0x2dd: {  	_ =	swait.ge [sflag:s10], $0x4000  }
0x2de: {  	[sflag:s10] =	ssyncset.done $0x0  }
0x2df: {  	[sflag:s10] =	ssyncadd.s32 $0xFFFFC000  }
0x2e0: {  	s31 =	sadd.s32 s31, s2;
	[tilespmem:v1+s9+$0x0] =	vst.idx.add.f32.msk vm2, v0  }
0x2e1: {  	[hbm4b:s31+s4] =	stream.strided.scatter [tilespmem:s9], [sflag:$0x2], $0x4000, s5, s4, $0x38;
	[tilespmem:$0x10100] =	vst v63  }
0x2e2: {  	_ =	swait.ge [sflag:s11], $0x4000  }
0x2e3: {  	s1 =	sld [smem:$0x7FD];
	_ =	sdelay $0x2  }
0x2e4: {  	s0 =	ssub.s32 $0x2, s1  }
0x2e5: {  	s2 =	sshrl.u32 s0, $0x1  }
0x2e6: {  	[sflag:s11] =	ssyncset.done $0x0;
	s0 =	ssub.s32 s0, s2  }
0x2e7: {  	[sflag:s11] =	ssyncadd.s32 $0xFFFFC000;
	s0 =	smax.u32 s0, $0x1  }
0x2e8: {  	_ =	swait.ge [sflag:s11], $0x4000;
	p0 =	sne.s32 s0, $0x1  }
.Ltmp0:
0x2e9: {  	[sflag:s11] =	ssyncset.done $0x0;
	(pc) =	sbr.rel @!p0 .LBB2_3-.Ltmp0, $4  }
0x2ea: {  	[sflag:s11] =	ssyncadd.s32 $0xFFFFC000  }
0x2eb: {  	_ =	swait.ge [sflag:s11], $0x4000  }
0x2ec: {  	[sflag:s11] =	ssyncset.done $0x0  }
0x2ed: {  	s1 =	sadd.s32 $0xFFFFFFFF, s0;
	[sflag:s11] =	ssyncadd.s32 $0xFFFFC000  }
0x2ee: {  	vm9 =	vcmask $0x1310  }
0x2ef: {  	vm10 =	vcmask $0x1714;
	vm11 =	vcmask $0x1B18;
	vm12 =	vcmask $0x1F1C  }
0x2f0: {  	vm13 =	vcmask $0x2320;
	vm14 =	vcmask $0x2724;
	vm15 =	vcmask $0x2B28  }
.LBB2_2:
0x2f1: {  	_ =	swait.ge [sflag:s11], $0x4000  }
0x2f2: {  	[sflag:s11] =	ssyncset.done $0x0  }
0x2f3: {  	s2 =	simm.s32 $0x0;
	s0 =	rddreg [dreg:$0x4];
	[sflag:s11] =	ssyncadd.s32 $0xFFFFC000  }
0x2f4: {  	[tilespmem:s2], [sflag:$0x3] =	stream.linear.gather [hbm4b:s0+s2], $0x20, $0x38;
	[tilespmem:$0x10100] =	vst v63  }
0x2f5: {  	_ =	swait.ge [sflag:s3], $0x20  }
0x2f6: {  	[sflag:s3] =	ssyncset.done $0x0  }
0x2f7: {  	s0 =	rddreg [dreg:$0x5];
	[sflag:s3] =	ssyncadd.s32 $0xFFFFFFE0  }
0x2f8: {  	[tilespmem:s4], [sflag:$0x3] =	stream.linear.gather [hbm4b:s0+s2], $0x20, $0x38;
	[tilespmem:$0x10100] =	vst v63  }
0x2f9: {  	_ =	swait.ge [sflag:s3], $0x20  }
0x2fa: {  	[sflag:s3] =	ssyncset.done $0x0  }
0x2fb: {  	v4 =	vld [tilespmem:$0x1FFF0];
	[sflag:s3] =	ssyncadd.s32 $0xFFFFFFE0  }
0x2fc: {  	v0 =	vld [tilespmem:$0x90]  }
0x2fd: {  	v3 =	vld [tilespmem:$0x0]  }
0x2fe: {  	s0 =	rddreg [dreg:$0x6];
	v2 =	vld [tilespmem:$0x10]  }
0x2ff: {  	v1 =	vld [tilespmem:$0x80];
	[tilespmem:s6], [sflag:$0x1] =	stream.strided.gather [hbm4b:s0+s4], $0x4000, s5, s4, $0x38  }
0x300: {  	s2 =	rddreg [dreg:$0x7]  }
0x301: {  	[tilespmem:s7], [sflag:$0x1] =	stream.strided.gather [hbm4b:s2+s4], $0x4000, s5, s4, $0x38;
	[tilespmem:$0x10100] =	vst v63  }
0x302: {  	s0 =	rddreg [dreg:$0x8];
	vm0 =	vnez.u8 v4;
	vm4 =	vlt.u32 v3, $0x4000;
	vm3 =	vgt.s32 v3, $0x0  }
0x303: {  	[tilespmem:s8], [sflag:$0x1] =	stream.strided.gather [hbm4b:s0+s4], $0x4000, s5, s4, $0x38;
	vm5 =	vmand vm4, vm0;
	v58 =	vnsel vm3, $0x0, v3;
	[tilespmem:$0x10100] =	vst v63  }
0x304: {  	s2 =	rddreg [dreg:$0x9];
	v4 =	vmin.u32 v58, $0x3FFF  }
0x305: {  	[tilespmem:s9], [sflag:$0x1] =	stream.strided.gather [hbm4b:s2+s4], $0x4000, s5, s4, $0x38;
	[tilespmem:$0x10100] =	vst v63  }
0x306: {  	_ =	swait.ge [sflag:s10], $0x4000  }
0x307: {  	[sflag:s10] =	ssyncset.done $0x0  }
0x308: {  	[sflag:s10] =	ssyncadd.s32 $0xFFFFC000  }
0x309: {  	s2 =	rddreg [dreg:$0xa];
	[tilespmem:v4+s6+$0x0] =	vst.idx.add.f32.msk vm5, v1  }
0x30a: {  	v6 =	vand.u32 $0xFFFFC000, v3;
	v3 =	vadd.s32 $0xFFFFC000, v3;
	[hbm4b:s2+s4] =	stream.strided.scatter [tilespmem:s6], [sflag:$0x2], $0x4000, s5, s4, $0x38;
	[tilespmem:$0x10100] =	vst v63  }
0x30b: {  	vm3 =	veq.s32 v6, $0x4000;
	vm6 =	vgt.s32 v3, $0x0;
	_ =	swait.ge [sflag:s11], $0x4000  }
0x30c: {  	vm0 =	vmand vm3, vm0;
	v59 =	vnsel vm6, $0x0, v3;
	[sflag:s11] =	ssyncset.done $0x0  }
0x30d: {  	v61 =	vmin.u32 v59, $0x3FFF;
	s2 =	rddreg [dreg:$0xb];
	[sflag:s11] =	ssyncadd.s32 $0xFFFFC000  }
0x30e: {  	[tilespmem:s6], [sflag:$0x1] =	stream.strided.gather [hbm4b:s2+s4], $0x4000, s5, s4, $0x38;
	[tilespmem:$0x10100] =	vst v63  }
0x30f: {  	_ =	swait.ge [sflag:s10], $0x4000  }
0x310: {  	[sflag:s10] =	ssyncset.done $0x0  }
0x311: {  	vm1 =	vlt.u32 v2, $0x4000;
	vm2 =	vgt.s32 v2, $0x0;
	[sflag:s10] =	ssyncadd.s32 $0xFFFFC000  }
0x312: {  	v5 =	vand.u32 $0xFFFFC000, v2;
	v60 =	vnsel vm2, $0x0, v2;
	v2 =	vadd.s32 $0xFFFFC000, v2;
	s2 =	rddreg [dreg:$0xc];
	[tilespmem:v61+s7+$0x0] =	vst.idx.add.f32.msk vm0, v1  }
0x313: {  	vm6 =	vgt.s32 v2, $0x0;
	[hbm4b:s2+s4] =	stream.strided.scatter [tilespmem:s7], [sflag:$0x2], $0x4000, s5, s4, $0x38;
	[tilespmem:$0x10100] =	vst v63  }
0x314: {  	v2 =	vnsel vm6, $0x0, v2;
	vm6 =	vcmask $0x704;
	_ =	swait.ge [sflag:s11], $0x4000  }
0x315: {  	vm0 =	vmand vm4, vm6;
	[sflag:s11] =	ssyncset.done $0x0  }
0x316: {  	s2 =	rddreg [dreg:$0xd];
	[sflag:s11] =	ssyncadd.s32 $0xFFFFC000  }
0x317: {  	[tilespmem:s7], [sflag:$0x1] =	stream.strided.gather [hbm4b:s2+s4], $0x4000, s5, s4, $0x38;
	[tilespmem:$0x10100] =	vst v63  }
0x318: {  	_ =	swait.ge [sflag:s10], $0x4000  }
0x319: {  	[sflag:s10] =	ssyncset.done $0x0  }
0x31a: {  	[sflag:s10] =	ssyncadd.s32 $0xFFFFC000  }
0x31b: {  	s2 =	rddreg [dreg:$0xe];
	[tilespmem:v4+s8+$0x0] =	vst.idx.add.f32.msk vm0, v1  }
0x31c: {  	[hbm4b:s2+s4] =	stream.strided.scatter [tilespmem:s8], [sflag:$0x2], $0x4000, s5, s4, $0x38;
	[tilespmem:$0x10100] =	vst v63  }
0x31d: {  	_ =	swait.ge [sflag:s11], $0x4000  }
0x31e: {  	vm0 =	vmand vm3, vm6;
	[sflag:s11] =	ssyncset.done $0x0  }
0x31f: {  	s2 =	rddreg [dreg:$0xf];
	[sflag:s11] =	ssyncadd.s32 $0xFFFFC000  }
0x320: {  	[tilespmem:s8], [sflag:$0x1] =	stream.strided.gather [hbm4b:s2+s4], $0x4000, s5, s4, $0x38;
	[tilespmem:$0x10100] =	vst v63  }
0x321: {  	_ =	swait.ge [sflag:s10], $0x4000  }
0x322: {  	[sflag:s10] =	ssyncset.done $0x0  }
0x323: {  	[sflag:s10] =	ssyncadd.s32 $0xFFFFC000  }
0x324: {  	s2 =	rddreg [dreg:$0x10];
	[tilespmem:v61+s9+$0x0] =	vst.idx.add.f32.msk vm0, v1  }
0x325: {  	[hbm4b:s2+s4] =	stream.strided.scatter [tilespmem:s9], [sflag:$0x2], $0x4000, s5, s4, $0x38;
	[tilespmem:$0x10100] =	vst v63  }
0x326: {  	vm7 =	vcmask $0xB08;
	_ =	swait.ge [sflag:s11], $0x4000  }
0x327: {  	vm0 =	vmand vm4, vm7;
	[sflag:s11] =	ssyncset.done $0x0  }
0x328: {  	s2 =	rddreg [dreg:$0x11];
	[sflag:s11] =	ssyncadd.s32 $0xFFFFC000  }
0x329: {  	[tilespmem:s9], [sflag:$0x1] =	stream.strided.gather [hbm4b:s2+s4], $0x4000, s5, s4, $0x38;
	[tilespmem:$0x10100] =	vst v63  }
0x32a: {  	_ =	swait.ge [sflag:s10], $0x4000  }
0x32b: {  	[sflag:s10] =	ssyncset.done $0x0  }
0x32c: {  	[sflag:s10] =	ssyncadd.s32 $0xFFFFC000  }
0x32d: {  	s2 =	rddreg [dreg:$0x12];
	[tilespmem:v4+s6+$0x0] =	vst.idx.add.f32.msk vm0, v1  }
0x32e: {  	[hbm4b:s2+s4] =	stream.strided.scatter [tilespmem:s6], [sflag:$0x2], $0x4000, s5, s4, $0x38;
	[tilespmem:$0x10100] =	vst v63  }
0x32f: {  	_ =	swait.ge [sflag:s11], $0x4000  }
0x330: {  	vm0 =	vmand vm3, vm7;
	[sflag:s11] =	ssyncset.done $0x0  }
0x331: {  	s2 =	rddreg [dreg:$0x13];
	[sflag:s11] =	ssyncadd.s32 $0xFFFFC000  }
0x332: {  	[tilespmem:s6], [sflag:$0x1] =	stream.strided.gather [hbm4b:s2+s4], $0x4000, s5, s4, $0x38;
	[tilespmem:$0x10100] =	vst v63  }
0x333: {  	_ =	swait.ge [sflag:s10], $0x4000  }
0x334: {  	[sflag:s10] =	ssyncset.done $0x0  }
0x335: {  	[sflag:s10] =	ssyncadd.s32 $0xFFFFC000  }
0x336: {  	s2 =	rddreg [dreg:$0x14];
	[tilespmem:v61+s7+$0x0] =	vst.idx.add.f32.msk vm0, v1  }
0x337: {  	[hbm4b:s2+s4] =	stream.strided.scatter [tilespmem:s7], [sflag:$0x2], $0x4000, s5, s4, $0x38;
	[tilespmem:$0x10100] =	vst v63  }
0x338: {  	vm8 =	vcmask $0xF0C;
	_ =	swait.ge [sflag:s11], $0x4000  }
0x339: {  	vm0 =	vmand vm4, vm8;
	[sflag:s11] =	ssyncset.done $0x0  }
0x33a: {  	s2 =	rddreg [dreg:$0x15];
	[sflag:s11] =	ssyncadd.s32 $0xFFFFC000  }
0x33b: {  	[tilespmem:s7], [sflag:$0x1] =	stream.strided.gather [hbm4b:s2+s4], $0x4000, s5, s4, $0x38;
	[tilespmem:$0x10100] =	vst v63  }
0x33c: {  	_ =	swait.ge [sflag:s10], $0x4000  }
0x33d: {  	[sflag:s10] =	ssyncset.done $0x0  }
0x33e: {  	[sflag:s10] =	ssyncadd.s32 $0xFFFFC000  }
0x33f: {  	s2 =	rddreg [dreg:$0x16];
	[tilespmem:v4+s8+$0x0] =	vst.idx.add.f32.msk vm0, v1  }
0x340: {  	[hbm4b:s2+s4] =	stream.strided.scatter [tilespmem:s8], [sflag:$0x2], $0x4000, s5, s4, $0x38;
	[tilespmem:$0x10100] =	vst v63  }
0x341: {  	_ =	swait.ge [sflag:s11], $0x4000  }
0x342: {  	vm0 =	vmand vm3, vm8;
	[sflag:s11] =	ssyncset.done $0x0  }
0x343: {  	s2 =	rddreg [dreg:$0x17];
	[sflag:s11] =	ssyncadd.s32 $0xFFFFC000  }
0x344: {  	[tilespmem:s8], [sflag:$0x1] =	stream.strided.gather [hbm4b:s2+s4], $0x4000, s5, s4, $0x38;
	[tilespmem:$0x10100] =	vst v63  }
0x345: {  	_ =	swait.ge [sflag:s10], $0x4000  }
0x346: {  	[sflag:s10] =	ssyncset.done $0x0  }
0x347: {  	[sflag:s10] =	ssyncadd.s32 $0xFFFFC000  }
0x348: {  	s2 =	rddreg [dreg:$0x18];
	[tilespmem:v61+s9+$0x0] =	vst.idx.add.f32.msk vm0, v1  }
0x349: {  	[hbm4b:s2+s4] =	stream.strided.scatter [tilespmem:s9], [sflag:$0x2], $0x4000, s5, s4, $0x38;
	[tilespmem:$0x10100] =	vst v63  }
0x34a: {  	_ =	swait.ge [sflag:s11], $0x4000  }
0x34b: {  	vm0 =	vmand vm4, vm9;
	[sflag:s11] =	ssyncset.done $0x0  }
0x34c: {  	s2 =	rddreg [dreg:$0x19];
	[sflag:s11] =	ssyncadd.s32 $0xFFFFC000  }
0x34d: {  	[tilespmem:s9], [sflag:$0x1] =	stream.strided.gather [hbm4b:s2+s4], $0x4000, s5, s4, $0x38;
	[tilespmem:$0x10100] =	vst v63  }
0x34e: {  	_ =	swait.ge [sflag:s10], $0x4000  }
0x34f: {  	[sflag:s10] =	ssyncset.done $0x0  }
0x350: {  	[sflag:s10] =	ssyncadd.s32 $0xFFFFC000  }
0x351: {  	s2 =	rddreg [dreg:$0x1a];
	[tilespmem:v4+s6+$0x0] =	vst.idx.add.f32.msk vm0, v1  }
0x352: {  	[hbm4b:s2+s4] =	stream.strided.scatter [tilespmem:s6], [sflag:$0x2], $0x4000, s5, s4, $0x38;
	[tilespmem:$0x10100] =	vst v63  }
0x353: {  	_ =	swait.ge [sflag:s11], $0x4000  }
0x354: {  	vm0 =	vmand vm3, vm9;
	[sflag:s11] =	ssyncset.done $0x0  }
0x355: {  	s2 =	rddreg [dreg:$0x1b];
	[sflag:s11] =	ssyncadd.s32 $0xFFFFC000  }
0x356: {  	[tilespmem:s6], [sflag:$0x1] =	stream.strided.gather [hbm4b:s2+s4], $0x4000, s5, s4, $0x38;
	[tilespmem:$0x10100] =	vst v63  }
0x357: {  	_ =	swait.ge [sflag:s10], $0x4000  }
0x358: {  	[sflag:s10] =	ssyncset.done $0x0  }
0x359: {  	[sflag:s10] =	ssyncadd.s32 $0xFFFFC000  }
0x35a: {  	s2 =	rddreg [dreg:$0x1c];
	[tilespmem:v61+s7+$0x0] =	vst.idx.add.f32.msk vm0, v1  }
0x35b: {  	[hbm4b:s2+s4] =	stream.strided.scatter [tilespmem:s7], [sflag:$0x2], $0x4000, s5, s4, $0x38;
	[tilespmem:$0x10100] =	vst v63  }
0x35c: {  	_ =	swait.ge [sflag:s11], $0x4000  }
0x35d: {  	vm0 =	vmand vm4, vm10;
	[sflag:s11] =	ssyncset.done $0x0  }
0x35e: {  	s2 =	rddreg [dreg:$0x1d];
	[sflag:s11] =	ssyncadd.s32 $0xFFFFC000  }
0x35f: {  	[tilespmem:s7], [sflag:$0x1] =	stream.strided.gather [hbm4b:s2+s4], $0x4000, s5, s4, $0x38;
	[tilespmem:$0x10100] =	vst v63  }
0x360: {  	_ =	swait.ge [sflag:s10], $0x4000  }
0x361: {  	[sflag:s10] =	ssyncset.done $0x0  }
0x362: {  	[sflag:s10] =	ssyncadd.s32 $0xFFFFC000  }
0x363: {  	s2 =	rddreg [dreg:$0x1e];
	[tilespmem:v4+s8+$0x0] =	vst.idx.add.f32.msk vm0, v1  }
0x364: {  	[hbm4b:s2+s4] =	stream.strided.scatter [tilespmem:s8], [sflag:$0x2], $0x4000, s5, s4, $0x38;
	[tilespmem:$0x10100] =	vst v63  }
0x365: {  	_ =	swait.ge [sflag:s11], $0x4000  }
0x366: {  	vm0 =	vmand vm3, vm10;
	[sflag:s11] =	ssyncset.done $0x0  }
0x367: {  	s2 =	rddreg [dreg:$0x1f];
	[sflag:s11] =	ssyncadd.s32 $0xFFFFC000  }
0x368: {  	[tilespmem:s8], [sflag:$0x1] =	stream.strided.gather [hbm4b:s2+s4], $0x4000, s5, s4, $0x38;
	[tilespmem:$0x10100] =	vst v63  }
0x369: {  	_ =	swait.ge [sflag:s10], $0x4000  }
0x36a: {  	[sflag:s10] =	ssyncset.done $0x0;
	s2 =	sld [smem:$0x7AA]  }
0x36b: {  	[sflag:s10] =	ssyncadd.s32 $0xFFFFC000  }
0x36c: {  	[tilespmem:v61+s9+$0x0] =	vst.idx.add.f32.msk vm0, v1  }
0x36d: {  	[hbm4b:s2+s4] =	stream.strided.scatter [tilespmem:s9], [sflag:$0x2], $0x4000, s5, s4, $0x38;
	[tilespmem:$0x10100] =	vst v63  }
0x36e: {  	_ =	swait.ge [sflag:s11], $0x4000  }
0x36f: {  	s2 =	sld [smem:$0x7AB]  }
0x370: {  	vm0 =	vmand vm4, vm11;
	[sflag:s11] =	ssyncset.done $0x0  }
0x371: {  	[sflag:s11] =	ssyncadd.s32 $0xFFFFC000  }
0x372: {  	[tilespmem:s9], [sflag:$0x1] =	stream.strided.gather [hbm4b:s2+s4], $0x4000, s5, s4, $0x38;
	[tilespmem:$0x10100] =	vst v63  }
0x373: {  	_ =	swait.ge [sflag:s10], $0x4000  }
0x374: {  	[sflag:s10] =	ssyncset.done $0x0;
	s2 =	sld [smem:$0x7AC]  }
0x375: {  	[sflag:s10] =	ssyncadd.s32 $0xFFFFC000  }
0x376: {  	[tilespmem:v4+s6+$0x0] =	vst.idx.add.f32.msk vm0, v1  }
0x377: {  	[hbm4b:s2+s4] =	stream.strided.scatter [tilespmem:s6], [sflag:$0x2], $0x4000, s5, s4, $0x38;
	[tilespmem:$0x10100] =	vst v63  }
0x378: {  	_ =	swait.ge [sflag:s11], $0x4000  }
0x379: {  	s2 =	sld [smem:$0x7AD]  }
0x37a: {  	vm0 =	vmand vm3, vm11;
	[sflag:s11] =	ssyncset.done $0x0  }
0x37b: {  	[sflag:s11] =	ssyncadd.s32 $0xFFFFC000  }
0x37c: {  	[tilespmem:s6], [sflag:$0x1] =	stream.strided.gather [hbm4b:s2+s4], $0x4000, s5, s4, $0x38;
	[tilespmem:$0x10100] =	vst v63  }
0x37d: {  	_ =	swait.ge [sflag:s10], $0x4000  }
0x37e: {  	[sflag:s10] =	ssyncset.done $0x0;
	s2 =	sld [smem:$0x7AE]  }
0x37f: {  	[sflag:s10] =	ssyncadd.s32 $0xFFFFC000  }
0x380: {  	[tilespmem:v61+s7+$0x0] =	vst.idx.add.f32.msk vm0, v1  }
0x381: {  	[hbm4b:s2+s4] =	stream.strided.scatter [tilespmem:s7], [sflag:$0x2], $0x4000, s5, s4, $0x38;
	[tilespmem:$0x10100] =	vst v63  }
0x382: {  	_ =	swait.ge [sflag:s11], $0x4000  }
0x383: {  	s2 =	sld [smem:$0x7AF]  }
0x384: {  	vm0 =	vmand vm4, vm12;
	[sflag:s11] =	ssyncset.done $0x0  }
0x385: {  	[sflag:s11] =	ssyncadd.s32 $0xFFFFC000  }
0x386: {  	[tilespmem:s7], [sflag:$0x1] =	stream.strided.gather [hbm4b:s2+s4], $0x4000, s5, s4, $0x38;
	[tilespmem:$0x10100] =	vst v63  }
0x387: {  	_ =	swait.ge [sflag:s10], $0x4000  }
0x388: {  	[sflag:s10] =	ssyncset.done $0x0;
	s2 =	sld [smem:$0x7B0]  }
0x389: {  	[sflag:s10] =	ssyncadd.s32 $0xFFFFC000  }
0x38a: {  	[tilespmem:v4+s8+$0x0] =	vst.idx.add.f32.msk vm0, v1  }
0x38b: {  	[hbm4b:s2+s4] =	stream.strided.scatter [tilespmem:s8], [sflag:$0x2], $0x4000, s5, s4, $0x38;
	[tilespmem:$0x10100] =	vst v63  }
0x38c: {  	_ =	swait.ge [sflag:s11], $0x4000  }
0x38d: {  	s2 =	sld [smem:$0x7B1]  }
0x38e: {  	vm0 =	vmand vm3, vm12;
	[sflag:s11] =	ssyncset.done $0x0  }
0x38f: {  	[sflag:s11] =	ssyncadd.s32 $0xFFFFC000  }
0x390: {  	[tilespmem:s8], [sflag:$0x1] =	stream.strided.gather [hbm4b:s2+s4], $0x4000, s5, s4, $0x38;
	[tilespmem:$0x10100] =	vst v63  }
0x391: {  	_ =	swait.ge [sflag:s10], $0x4000  }
0x392: {  	[sflag:s10] =	ssyncset.done $0x0;
	s2 =	sld [smem:$0x7B2]  }
0x393: {  	[sflag:s10] =	ssyncadd.s32 $0xFFFFC000  }
0x394: {  	[tilespmem:v61+s9+$0x0] =	vst.idx.add.f32.msk vm0, v1  }
0x395: {  	[hbm4b:s2+s4] =	stream.strided.scatter [tilespmem:s9], [sflag:$0x2], $0x4000, s5, s4, $0x38;
	[tilespmem:$0x10100] =	vst v63  }
0x396: {  	_ =	swait.ge [sflag:s11], $0x4000  }
0x397: {  	s2 =	sld [smem:$0x7B3]  }
0x398: {  	vm0 =	vmand vm4, vm13;
	[sflag:s11] =	ssyncset.done $0x0  }
0x399: {  	[sflag:s11] =	ssyncadd.s32 $0xFFFFC000  }
0x39a: {  	[tilespmem:s9], [sflag:$0x1] =	stream.strided.gather [hbm4b:s2+s4], $0x4000, s5, s4, $0x38;
	[tilespmem:$0x10100] =	vst v63  }
0x39b: {  	_ =	swait.ge [sflag:s10], $0x4000  }
0x39c: {  	[sflag:s10] =	ssyncset.done $0x0;
	s2 =	sld [smem:$0x7B4]  }
0x39d: {  	[sflag:s10] =	ssyncadd.s32 $0xFFFFC000  }
0x39e: {  	[tilespmem:v4+s6+$0x0] =	vst.idx.add.f32.msk vm0, v1  }
0x39f: {  	[hbm4b:s2+s4] =	stream.strided.scatter [tilespmem:s6], [sflag:$0x2], $0x4000, s5, s4, $0x38;
	[tilespmem:$0x10100] =	vst v63  }
0x3a0: {  	_ =	swait.ge [sflag:s11], $0x4000  }
0x3a1: {  	s2 =	sld [smem:$0x7B5]  }
0x3a2: {  	vm0 =	vmand vm3, vm13;
	[sflag:s11] =	ssyncset.done $0x0  }
0x3a3: {  	[sflag:s11] =	ssyncadd.s32 $0xFFFFC000  }
0x3a4: {  	[tilespmem:s6], [sflag:$0x1] =	stream.strided.gather [hbm4b:s2+s4], $0x4000, s5, s4, $0x38;
	[tilespmem:$0x10100] =	vst v63  }
0x3a5: {  	_ =	swait.ge [sflag:s10], $0x4000  }
0x3a6: {  	[sflag:s10] =	ssyncset.done $0x0;
	s2 =	sld [smem:$0x7B6]  }
0x3a7: {  	[sflag:s10] =	ssyncadd.s32 $0xFFFFC000  }
0x3a8: {  	[tilespmem:v61+s7+$0x0] =	vst.idx.add.f32.msk vm0, v1  }
0x3a9: {  	[hbm4b:s2+s4] =	stream.strided.scatter [tilespmem:s7], [sflag:$0x2], $0x4000, s5, s4, $0x38;
	[tilespmem:$0x10100] =	vst v63  }
0x3aa: {  	_ =	swait.ge [sflag:s11], $0x4000  }
0x3ab: {  	s2 =	sld [smem:$0x7B7]  }
0x3ac: {  	vm0 =	vmand vm4, vm14;
	[sflag:s11] =	ssyncset.done $0x0  }
0x3ad: {  	[sflag:s11] =	ssyncadd.s32 $0xFFFFC000  }
0x3ae: {  	[tilespmem:s7], [sflag:$0x1] =	stream.strided.gather [hbm4b:s2+s4], $0x4000, s5, s4, $0x38;
	[tilespmem:$0x10100] =	vst v63  }
0x3af: {  	_ =	swait.ge [sflag:s10], $0x4000  }
0x3b0: {  	[sflag:s10] =	ssyncset.done $0x0;
	s2 =	sld [smem:$0x7B8]  }
0x3b1: {  	[sflag:s10] =	ssyncadd.s32 $0xFFFFC000  }
0x3b2: {  	[tilespmem:v4+s8+$0x0] =	vst.idx.add.f32.msk vm0, v1  }
0x3b3: {  	[hbm4b:s2+s4] =	stream.strided.scatter [tilespmem:s8], [sflag:$0x2], $0x4000, s5, s4, $0x38;
	[tilespmem:$0x10100] =	vst v63  }
0x3b4: {  	_ =	swait.ge [sflag:s11], $0x4000  }
0x3b5: {  	s2 =	sld [smem:$0x7B9]  }
0x3b6: {  	vm0 =	vmand vm3, vm14;
	[sflag:s11] =	ssyncset.done $0x0  }
0x3b7: {  	[sflag:s11] =	ssyncadd.s32 $0xFFFFC000  }
0x3b8: {  	[tilespmem:s8], [sflag:$0x1] =	stream.strided.gather [hbm4b:s2+s4], $0x4000, s5, s4, $0x38;
	[tilespmem:$0x10100] =	vst v63  }
0x3b9: {  	_ =	swait.ge [sflag:s10], $0x4000  }
0x3ba: {  	[sflag:s10] =	ssyncset.done $0x0;
	s2 =	sld [smem:$0x7BA]  }
0x3bb: {  	[sflag:s10] =	ssyncadd.s32 $0xFFFFC000  }
0x3bc: {  	[tilespmem:v61+s9+$0x0] =	vst.idx.add.f32.msk vm0, v1  }
0x3bd: {  	[hbm4b:s2+s4] =	stream.strided.scatter [tilespmem:s9], [sflag:$0x2], $0x4000, s5, s4, $0x38;
	[tilespmem:$0x10100] =	vst v63  }
0x3be: {  	_ =	swait.ge [sflag:s11], $0x4000  }
0x3bf: {  	s2 =	sld [smem:$0x7BB]  }
0x3c0: {  	vm0 =	vmand vm4, vm15;
	[sflag:s11] =	ssyncset.done $0x0  }
0x3c1: {  	[sflag:s11] =	ssyncadd.s32 $0xFFFFC000  }
0x3c2: {  	[tilespmem:s9], [sflag:$0x1] =	stream.strided.gather [hbm4b:s2+s4], $0x4000, s5, s4, $0x38;
	[tilespmem:$0x10100] =	vst v63  }
0x3c3: {  	_ =	swait.ge [sflag:s10], $0x4000  }
0x3c4: {  	[sflag:s10] =	ssyncset.done $0x0;
	s2 =	sld [smem:$0x7BC]  }
0x3c5: {  	[sflag:s10] =	ssyncadd.s32 $0xFFFFC000  }
0x3c6: {  	[tilespmem:v4+s6+$0x0] =	vst.idx.add.f32.msk vm0, v1  }
0x3c7: {  	[hbm4b:s2+s4] =	stream.strided.scatter [tilespmem:s6], [sflag:$0x2], $0x4000, s5, s4, $0x38;
	[tilespmem:$0x10100] =	vst v63  }
0x3c8: {  	_ =	swait.ge [sflag:s11], $0x4000  }
0x3c9: {  	s2 =	sld [smem:$0x7BD]  }
0x3ca: {  	vm0 =	vmand vm3, vm15;
	[sflag:s11] =	ssyncset.done $0x0  }
0x3cb: {  	[sflag:s11] =	ssyncadd.s32 $0xFFFFC000  }
0x3cc: {  	[tilespmem:s6], [sflag:$0x1] =	stream.strided.gather [hbm4b:s2+s4], $0x4000, s5, s4, $0x38;
	[tilespmem:$0x10100] =	vst v63  }
0x3cd: {  	_ =	swait.ge [sflag:s10], $0x4000  }
0x3ce: {  	[sflag:s10] =	ssyncset.done $0x0;
	s2 =	sld [smem:$0x7BE]  }
0x3cf: {  	[sflag:s10] =	ssyncadd.s32 $0xFFFFC000  }
0x3d0: {  	[tilespmem:v61+s7+$0x0] =	vst.idx.add.f32.msk vm0, v1  }
0x3d1: {  	[hbm4b:s2+s4] =	stream.strided.scatter [tilespmem:s7], [sflag:$0x2], $0x4000, s5, s4, $0x38;
	[tilespmem:$0x10100] =	vst v63  }
0x3d2: {  	_ =	swait.ge [sflag:s11], $0x4000  }
0x3d3: {  	vm8 =	vcmask $0x2F2C;
	s2 =	sld [smem:$0x7BF]  }
0x3d4: {  	vm0 =	vmand vm4, vm8;
	[sflag:s11] =	ssyncset.done $0x0  }
0x3d5: {  	[sflag:s11] =	ssyncadd.s32 $0xFFFFC000  }
0x3d6: {  	[tilespmem:s7], [sflag:$0x1] =	stream.strided.gather [hbm4b:s2+s4], $0x4000, s5, s4, $0x38;
	[tilespmem:$0x10100] =	vst v63  }
0x3d7: {  	_ =	swait.ge [sflag:s10], $0x4000  }
0x3d8: {  	[sflag:s10] =	ssyncset.done $0x0;
	s2 =	sld [smem:$0x7C0]  }
0x3d9: {  	[sflag:s10] =	ssyncadd.s32 $0xFFFFC000  }
0x3da: {  	[tilespmem:v4+s8+$0x0] =	vst.idx.add.f32.msk vm0, v1  }
0x3db: {  	[hbm4b:s2+s4] =	stream.strided.scatter [tilespmem:s8], [sflag:$0x2], $0x4000, s5, s4, $0x38;
	[tilespmem:$0x10100] =	vst v63  }
0x3dc: {  	_ =	swait.ge [sflag:s11], $0x4000  }
0x3dd: {  	s2 =	sld [smem:$0x7C1]  }
0x3de: {  	vm0 =	vmand vm3, vm8;
	[sflag:s11] =	ssyncset.done $0x0  }
0x3df: {  	[sflag:s11] =	ssyncadd.s32 $0xFFFFC000  }
0x3e0: {  	[tilespmem:s8], [sflag:$0x1] =	stream.strided.gather [hbm4b:s2+s4], $0x4000, s5, s4, $0x38;
	[tilespmem:$0x10100] =	vst v63  }
0x3e1: {  	_ =	swait.ge [sflag:s10], $0x4000  }
0x3e2: {  	[sflag:s10] =	ssyncset.done $0x0;
	s2 =	sld [smem:$0x7C2]  }
0x3e3: {  	[sflag:s10] =	ssyncadd.s32 $0xFFFFC000  }
0x3e4: {  	[tilespmem:v61+s9+$0x0] =	vst.idx.add.f32.msk vm0, v1  }
0x3e5: {  	[hbm4b:s2+s4] =	stream.strided.scatter [tilespmem:s9], [sflag:$0x2], $0x4000, s5, s4, $0x38;
	[tilespmem:$0x10100] =	vst v63  }
0x3e6: {  	_ =	swait.ge [sflag:s11], $0x4000  }
0x3e7: {  	vm7 =	vcmask $0x3330;
	s2 =	sld [smem:$0x7C3]  }
0x3e8: {  	vm0 =	vmand vm4, vm7;
	[sflag:s11] =	ssyncset.done $0x0  }
0x3e9: {  	[sflag:s11] =	ssyncadd.s32 $0xFFFFC000  }
0x3ea: {  	[tilespmem:s9], [sflag:$0x1] =	stream.strided.gather [hbm4b:s2+s4], $0x4000, s5, s4, $0x38;
	[tilespmem:$0x10100] =	vst v63  }
0x3eb: {  	_ =	swait.ge [sflag:s10], $0x4000  }
0x3ec: {  	[sflag:s10] =	ssyncset.done $0x0;
	s2 =	sld [smem:$0x7C4]  }
0x3ed: {  	[sflag:s10] =	ssyncadd.s32 $0xFFFFC000  }
0x3ee: {  	[tilespmem:v4+s6+$0x0] =	vst.idx.add.f32.msk vm0, v1  }
0x3ef: {  	[hbm4b:s2+s4] =	stream.strided.scatter [tilespmem:s6], [sflag:$0x2], $0x4000, s5, s4, $0x38;
	[tilespmem:$0x10100] =	vst v63  }
0x3f0: {  	_ =	swait.ge [sflag:s11], $0x4000  }
0x3f1: {  	s2 =	sld [smem:$0x7C5]  }
0x3f2: {  	vm0 =	vmand vm3, vm7;
	[sflag:s11] =	ssyncset.done $0x0  }
0x3f3: {  	[sflag:s11] =	ssyncadd.s32 $0xFFFFC000  }
0x3f4: {  	[tilespmem:s6], [sflag:$0x1] =	stream.strided.gather [hbm4b:s2+s4], $0x4000, s5, s4, $0x38;
	[tilespmem:$0x10100] =	vst v63  }
0x3f5: {  	_ =	swait.ge [sflag:s10], $0x4000  }
0x3f6: {  	[sflag:s10] =	ssyncset.done $0x0;
	s2 =	sld [smem:$0x7C6]  }
0x3f7: {  	[sflag:s10] =	ssyncadd.s32 $0xFFFFC000  }
0x3f8: {  	[tilespmem:v61+s7+$0x0] =	vst.idx.add.f32.msk vm0, v1  }
0x3f9: {  	[hbm4b:s2+s4] =	stream.strided.scatter [tilespmem:s7], [sflag:$0x2], $0x4000, s5, s4, $0x38;
	[tilespmem:$0x10100] =	vst v63  }
0x3fa: {  	_ =	swait.ge [sflag:s11], $0x4000  }
0x3fb: {  	vm6 =	vcmask $0x3734;
	s2 =	sld [smem:$0x7C7]  }
0x3fc: {  	vm0 =	vmand vm4, vm6;
	[sflag:s11] =	ssyncset.done $0x0  }
0x3fd: {  	[sflag:s11] =	ssyncadd.s32 $0xFFFFC000  }
0x3fe: {  	[tilespmem:s7], [sflag:$0x1] =	stream.strided.gather [hbm4b:s2+s4], $0x4000, s5, s4, $0x38;
	[tilespmem:$0x10100] =	vst v63  }
0x3ff: {  	_ =	swait.ge [sflag:s10], $0x4000  }
0x400: {  	[sflag:s10] =	ssyncset.done $0x0;
	s2 =	sld [smem:$0x7C8]  }
0x401: {  	[sflag:s10] =	ssyncadd.s32 $0xFFFFC000  }
0x402: {  	[tilespmem:v4+s8+$0x0] =	vst.idx.add.f32.msk vm0, v1  }
0x403: {  	[hbm4b:s2+s4] =	stream.strided.scatter [tilespmem:s8], [sflag:$0x2], $0x4000, s5, s4, $0x38;
	[tilespmem:$0x10100] =	vst v63  }
0x404: {  	_ =	swait.ge [sflag:s11], $0x4000  }
0x405: {  	s2 =	sld [smem:$0x7C9]  }
0x406: {  	vm0 =	vmand vm3, vm6;
	[sflag:s11] =	ssyncset.done $0x0  }
0x407: {  	[sflag:s11] =	ssyncadd.s32 $0xFFFFC000  }
0x408: {  	[tilespmem:s8], [sflag:$0x1] =	stream.strided.gather [hbm4b:s2+s4], $0x4000, s5, s4, $0x38;
	[tilespmem:$0x10100] =	vst v63  }
0x409: {  	_ =	swait.ge [sflag:s10], $0x4000  }
0x40a: {  	[sflag:s10] =	ssyncset.done $0x0;
	s2 =	sld [smem:$0x7CA]  }
0x40b: {  	[sflag:s10] =	ssyncadd.s32 $0xFFFFC000  }
0x40c: {  	[tilespmem:v61+s9+$0x0] =	vst.idx.add.f32.msk vm0, v1  }
0x40d: {  	[hbm4b:s2+s4] =	stream.strided.scatter [tilespmem:s9], [sflag:$0x2], $0x4000, s5, s4, $0x38;
	[tilespmem:$0x10100] =	vst v63  }
0x40e: {  	_ =	swait.ge [sflag:s11], $0x4000  }
0x40f: {  	vm0 =	vcmask $0x3B38;
	s2 =	sld [smem:$0x7CB]  }
0x410: {  	vm5 =	vmand vm4, vm0;
	[sflag:s11] =	ssyncset.done $0x0  }
0x411: {  	[sflag:s11] =	ssyncadd.s32 $0xFFFFC000  }
0x412: {  	[tilespmem:s9], [sflag:$0x1] =	stream.strided.gather [hbm4b:s2+s4], $0x4000, s5, s4, $0x38;
	[tilespmem:$0x10100] =	vst v63  }
0x413: {  	_ =	swait.ge [sflag:s10], $0x4000  }
0x414: {  	[sflag:s10] =	ssyncset.done $0x0;
	s2 =	sld [smem:$0x7CC]  }
0x415: {  	[sflag:s10] =	ssyncadd.s32 $0xFFFFC000  }
0x416: {  	[tilespmem:v4+s6+$0x0] =	vst.idx.add.f32.msk vm5, v1  }
0x417: {  	[hbm4b:s2+s4] =	stream.strided.scatter [tilespmem:s6], [sflag:$0x2], $0x4000, s5, s4, $0x38;
	[tilespmem:$0x10100] =	vst v63  }
0x418: {  	_ =	swait.ge [sflag:s11], $0x4000  }
0x419: {  	s2 =	sld [smem:$0x7CD]  }
0x41a: {  	vm5 =	vmand vm3, vm0;
	[sflag:s11] =	ssyncset.done $0x0  }
0x41b: {  	[sflag:s11] =	ssyncadd.s32 $0xFFFFC000  }
0x41c: {  	[tilespmem:s6], [sflag:$0x1] =	stream.strided.gather [hbm4b:s2+s4], $0x4000, s5, s4, $0x38;
	[tilespmem:$0x10100] =	vst v63  }
0x41d: {  	_ =	swait.ge [sflag:s10], $0x4000  }
0x41e: {  	[sflag:s10] =	ssyncset.done $0x0;
	s2 =	sld [smem:$0x7CE]  }
0x41f: {  	[sflag:s10] =	ssyncadd.s32 $0xFFFFC000  }
0x420: {  	[tilespmem:v61+s7+$0x0] =	vst.idx.add.f32.msk vm5, v1  }
0x421: {  	[hbm4b:s2+s4] =	stream.strided.scatter [tilespmem:s7], [sflag:$0x2], $0x4000, s5, s4, $0x38;
	[tilespmem:$0x10100] =	vst v63  }
0x422: {  	_ =	swait.ge [sflag:s11], $0x4000  }
0x423: {  	vm5 =	vcmask $0x3F3C;
	s2 =	sld [smem:$0x7CF]  }
0x424: {  	vm4 =	vmand vm4, vm5;
	[sflag:s11] =	ssyncset.done $0x0  }
0x425: {  	[sflag:s11] =	ssyncadd.s32 $0xFFFFC000  }
0x426: {  	[tilespmem:s7], [sflag:$0x1] =	stream.strided.gather [hbm4b:s2+s4], $0x4000, s5, s4, $0x38;
	[tilespmem:$0x10100] =	vst v63  }
0x427: {  	_ =	swait.ge [sflag:s10], $0x4000  }
0x428: {  	[sflag:s10] =	ssyncset.done $0x0;
	s2 =	sld [smem:$0x7D0]  }
0x429: {  	[sflag:s10] =	ssyncadd.s32 $0xFFFFC000  }
0x42a: {  	[tilespmem:v4+s8+$0x0] =	vst.idx.add.f32.msk vm4, v1  }
0x42b: {  	[hbm4b:s2+s4] =	stream.strided.scatter [tilespmem:s8], [sflag:$0x2], $0x4000, s5, s4, $0x38;
	[tilespmem:$0x10100] =	vst v63  }
0x42c: {  	_ =	swait.ge [sflag:s11], $0x4000  }
0x42d: {  	s2 =	sld [smem:$0x7D1]  }
0x42e: {  	vm3 =	vmand vm3, vm5;
	[sflag:s11] =	ssyncset.done $0x0  }
0x42f: {  	[sflag:s11] =	ssyncadd.s32 $0xFFFFC000  }
0x430: {  	[tilespmem:s8], [sflag:$0x1] =	stream.strided.gather [hbm4b:s2+s4], $0x4000, s5, s4, $0x38;
	[tilespmem:$0x10100] =	vst v63  }
0x431: {  	_ =	swait.ge [sflag:s10], $0x4000  }
0x432: {  	[sflag:s10] =	ssyncset.done $0x0;
	s2 =	sld [smem:$0x7D2]  }
0x433: {  	[sflag:s10] =	ssyncadd.s32 $0xFFFFC000  }
0x434: {  	[tilespmem:v61+s9+$0x0] =	vst.idx.add.f32.msk vm3, v1  }
0x435: {  	[hbm4b:s2+s4] =	stream.strided.scatter [tilespmem:s9], [sflag:$0x2], $0x4000, s5, s4, $0x38;
	[tilespmem:$0x10100] =	vst v63  }
0x436: {  	_ =	swait.ge [sflag:s11], $0x4000  }
0x437: {  	v62 =	vld [tilespmem:$0x1FFF0];
	_ =	sdelay $0x4  }
0x438: {  	s2 =	sld [smem:$0x7D3];
	vm4 =	vnez.u8 v62  }
0x439: {  	[sflag:s11] =	ssyncset.done $0x0;
	vm3 =	vmand vm1, vm4  }
0x43a: {  	v63 =	vmin.u32 v60, $0x3FFF;
	[sflag:s11] =	ssyncadd.s32 $0xFFFFC000  }
0x43b: {  	[tilespmem:s9], [sflag:$0x1] =	stream.strided.gather [hbm4b:s2+s4], $0x4000, s5, s4, $0x38;
	[tilespmem:$0x10100] =	vst v63  }
0x43c: {  	_ =	swait.ge [sflag:s10], $0x4000  }
0x43d: {  	[sflag:s10] =	ssyncset.done $0x0;
	s2 =	sld [smem:$0x7D4]  }
0x43e: {  	[sflag:s10] =	ssyncadd.s32 $0xFFFFC000  }
0x43f: {  	[tilespmem:v63+s6+$0x0] =	vst.idx.add.f32.msk vm3, v0  }
0x440: {  	[hbm4b:s2+s4] =	stream.strided.scatter [tilespmem:s6], [sflag:$0x2], $0x4000, s5, s4, $0x38;
	[tilespmem:$0x10100] =	vst v63  }
0x441: {  	_ =	swait.ge [sflag:s11], $0x4000  }
0x442: {  	vm2 =	veq.s32 v5, $0x4000;
	s2 =	sld [smem:$0x7D5]  }
0x443: {  	vm3 =	vmand vm2, vm4;
	[sflag:s11] =	ssyncset.done $0x0  }
0x444: {  	v2 =	vmin.u32 v2, $0x3FFF;
	[sflag:s11] =	ssyncadd.s32 $0xFFFFC000  }
0x445: {  	[tilespmem:s6], [sflag:$0x1] =	stream.strided.gather [hbm4b:s2+s4], $0x4000, s5, s4, $0x38;
	[tilespmem:$0x10100] =	vst v63  }
0x446: {  	_ =	swait.ge [sflag:s10], $0x4000  }
0x447: {  	[sflag:s10] =	ssyncset.done $0x0;
	s2 =	sld [smem:$0x7D6]  }
0x448: {  	[sflag:s10] =	ssyncadd.s32 $0xFFFFC000  }
0x449: {  	[tilespmem:v2+s7+$0x0] =	vst.idx.add.f32.msk vm3, v0  }
0x44a: {  	[hbm4b:s2+s4] =	stream.strided.scatter [tilespmem:s7], [sflag:$0x2], $0x4000, s5, s4, $0x38;
	[tilespmem:$0x10100] =	vst v63  }
0x44b: {  	_ =	swait.ge [sflag:s11], $0x4000  }
0x44c: {  	vm4 =	vcmask $0x704;
	s2 =	sld [smem:$0x7D7]  }
0x44d: {  	vm3 =	vmand vm1, vm4;
	[sflag:s11] =	ssyncset.done $0x0  }
0x44e: {  	[sflag:s11] =	ssyncadd.s32 $0xFFFFC000  }
0x44f: {  	[tilespmem:s7], [sflag:$0x1] =	stream.strided.gather [hbm4b:s2+s4], $0x4000, s5, s4, $0x38;
	[tilespmem:$0x10100] =	vst v63  }
0x450: {  	_ =	swait.ge [sflag:s10], $0x4000  }
0x451: {  	[sflag:s10] =	ssyncset.done $0x0;
	s2 =	sld [smem:$0x7D8]  }
0x452: {  	[sflag:s10] =	ssyncadd.s32 $0xFFFFC000  }
0x453: {  	[tilespmem:v63+s8+$0x0] =	vst.idx.add.f32.msk vm3, v0  }
0x454: {  	[hbm4b:s2+s4] =	stream.strided.scatter [tilespmem:s8], [sflag:$0x2], $0x4000, s5, s4, $0x38;
	[tilespmem:$0x10100] =	vst v63  }
0x455: {  	_ =	swait.ge [sflag:s11], $0x4000  }
0x456: {  	s2 =	sld [smem:$0x7D9]  }
0x457: {  	vm3 =	vmand vm2, vm4;
	[sflag:s11] =	ssyncset.done $0x0  }
0x458: {  	[sflag:s11] =	ssyncadd.s32 $0xFFFFC000  }
0x459: {  	[tilespmem:s8], [sflag:$0x1] =	stream.strided.gather [hbm4b:s2+s4], $0x4000, s5, s4, $0x38;
	[tilespmem:$0x10100] =	vst v63  }
0x45a: {  	_ =	swait.ge [sflag:s10], $0x4000  }
0x45b: {  	[sflag:s10] =	ssyncset.done $0x0;
	s2 =	sld [smem:$0x7DA]  }
0x45c: {  	[sflag:s10] =	ssyncadd.s32 $0xFFFFC000  }
0x45d: {  	[tilespmem:v2+s9+$0x0] =	vst.idx.add.f32.msk vm3, v0  }
0x45e: {  	[hbm4b:s2+s4] =	stream.strided.scatter [tilespmem:s9], [sflag:$0x2], $0x4000, s5, s4, $0x38;
	[tilespmem:$0x10100] =	vst v63  }
0x45f: {  	_ =	swait.ge [sflag:s11], $0x4000  }
0x460: {  	vm4 =	vcmask $0xB08;
	s2 =	sld [smem:$0x7DB]  }
0x461: {  	vm3 =	vmand vm1, vm4;
	[sflag:s11] =	ssyncset.done $0x0  }
0x462: {  	[sflag:s11] =	ssyncadd.s32 $0xFFFFC000  }
0x463: {  	[tilespmem:s9], [sflag:$0x1] =	stream.strided.gather [hbm4b:s2+s4], $0x4000, s5, s4, $0x38;
	[tilespmem:$0x10100] =	vst v63  }
0x464: {  	_ =	swait.ge [sflag:s10], $0x4000  }
0x465: {  	[sflag:s10] =	ssyncset.done $0x0;
	s2 =	sld [smem:$0x7DC]  }
0x466: {  	[sflag:s10] =	ssyncadd.s32 $0xFFFFC000  }
0x467: {  	[tilespmem:v63+s6+$0x0] =	vst.idx.add.f32.msk vm3, v0  }
0x468: {  	[hbm4b:s2+s4] =	stream.strided.scatter [tilespmem:s6], [sflag:$0x2], $0x4000, s5, s4, $0x38;
	[tilespmem:$0x10100] =	vst v63  }
0x469: {  	_ =	swait.ge [sflag:s11], $0x4000  }
0x46a: {  	s2 =	sld [smem:$0x7DD]  }
0x46b: {  	vm3 =	vmand vm2, vm4;
	[sflag:s11] =	ssyncset.done $0x0  }
0x46c: {  	[sflag:s11] =	ssyncadd.s32 $0xFFFFC000  }
0x46d: {  	[tilespmem:s6], [sflag:$0x1] =	stream.strided.gather [hbm4b:s2+s4], $0x4000, s5, s4, $0x38;
	[tilespmem:$0x10100] =	vst v63  }
0x46e: {  	_ =	swait.ge [sflag:s10], $0x4000  }
0x46f: {  	[sflag:s10] =	ssyncset.done $0x0;
	s2 =	sld [smem:$0x7DE]  }
0x470: {  	[sflag:s10] =	ssyncadd.s32 $0xFFFFC000  }
0x471: {  	[tilespmem:v2+s7+$0x0] =	vst.idx.add.f32.msk vm3, v0  }
0x472: {  	[hbm4b:s2+s4] =	stream.strided.scatter [tilespmem:s7], [sflag:$0x2], $0x4000, s5, s4, $0x38;
	[tilespmem:$0x10100] =	vst v63  }
0x473: {  	_ =	swait.ge [sflag:s11], $0x4000  }
0x474: {  	vm4 =	vcmask $0xF0C;
	s2 =	sld [smem:$0x7DF]  }
0x475: {  	vm3 =	vmand vm1, vm4;
	[sflag:s11] =	ssyncset.done $0x0  }
0x476: {  	[sflag:s11] =	ssyncadd.s32 $0xFFFFC000  }
0x477: {  	[tilespmem:s7], [sflag:$0x1] =	stream.strided.gather [hbm4b:s2+s4], $0x4000, s5, s4, $0x38;
	[tilespmem:$0x10100] =	vst v63  }
0x478: {  	_ =	swait.ge [sflag:s10], $0x4000  }
0x479: {  	[sflag:s10] =	ssyncset.done $0x0;
	s2 =	sld [smem:$0x7E0]  }
0x47a: {  	[sflag:s10] =	ssyncadd.s32 $0xFFFFC000  }
0x47b: {  	[tilespmem:v63+s8+$0x0] =	vst.idx.add.f32.msk vm3, v0  }
0x47c: {  	[hbm4b:s2+s4] =	stream.strided.scatter [tilespmem:s8], [sflag:$0x2], $0x4000, s5, s4, $0x38;
	[tilespmem:$0x10100] =	vst v63  }
0x47d: {  	_ =	swait.ge [sflag:s11], $0x4000  }
0x47e: {  	s2 =	sld [smem:$0x7E1]  }
0x47f: {  	vm3 =	vmand vm2, vm4;
	[sflag:s11] =	ssyncset.done $0x0  }
0x480: {  	[sflag:s11] =	ssyncadd.s32 $0xFFFFC000  }
0x481: {  	[tilespmem:s8], [sflag:$0x1] =	stream.strided.gather [hbm4b:s2+s4], $0x4000, s5, s4, $0x38;
	[tilespmem:$0x10100] =	vst v63  }
0x482: {  	_ =	swait.ge [sflag:s10], $0x4000  }
0x483: {  	[sflag:s10] =	ssyncset.done $0x0;
	s2 =	sld [smem:$0x7E2]  }
0x484: {  	[sflag:s10] =	ssyncadd.s32 $0xFFFFC000  }
0x485: {  	[tilespmem:v2+s9+$0x0] =	vst.idx.add.f32.msk vm3, v0  }
0x486: {  	[hbm4b:s2+s4] =	stream.strided.scatter [tilespmem:s9], [sflag:$0x2], $0x4000, s5, s4, $0x38;
	[tilespmem:$0x10100] =	vst v63  }
0x487: {  	_ =	swait.ge [sflag:s11], $0x4000  }
0x488: {  	s2 =	sld [smem:$0x7E3]  }
0x489: {  	vm3 =	vmand vm1, vm9;
	[sflag:s11] =	ssyncset.done $0x0  }
0x48a: {  	[sflag:s11] =	ssyncadd.s32 $0xFFFFC000  }
0x48b: {  	[tilespmem:s9], [sflag:$0x1] =	stream.strided.gather [hbm4b:s2+s4], $0x4000, s5, s4, $0x38;
	[tilespmem:$0x10100] =	vst v63  }
0x48c: {  	_ =	swait.ge [sflag:s10], $0x4000  }
0x48d: {  	[sflag:s10] =	ssyncset.done $0x0;
	s2 =	sld [smem:$0x7E4]  }
0x48e: {  	[sflag:s10] =	ssyncadd.s32 $0xFFFFC000  }
0x48f: {  	[tilespmem:v63+s6+$0x0] =	vst.idx.add.f32.msk vm3, v0  }
0x490: {  	[hbm4b:s2+s4] =	stream.strided.scatter [tilespmem:s6], [sflag:$0x2], $0x4000, s5, s4, $0x38;
	[tilespmem:$0x10100] =	vst v63  }
0x491: {  	_ =	swait.ge [sflag:s11], $0x4000  }
0x492: {  	s2 =	sld [smem:$0x7E5]  }
0x493: {  	vm3 =	vmand vm2, vm9;
	[sflag:s11] =	ssyncset.done $0x0  }
0x494: {  	[sflag:s11] =	ssyncadd.s32 $0xFFFFC000  }
0x495: {  	[tilespmem:s6], [sflag:$0x1] =	stream.strided.gather [hbm4b:s2+s4], $0x4000, s5, s4, $0x38;
	[tilespmem:$0x10100] =	vst v63  }
0x496: {  	_ =	swait.ge [sflag:s10], $0x4000  }
0x497: {  	[sflag:s10] =	ssyncset.done $0x0;
	s2 =	sld [smem:$0x7E6]  }
0x498: {  	[sflag:s10] =	ssyncadd.s32 $0xFFFFC000  }
0x499: {  	[tilespmem:v2+s7+$0x0] =	vst.idx.add.f32.msk vm3, v0  }
0x49a: {  	[hbm4b:s2+s4] =	stream.strided.scatter [tilespmem:s7], [sflag:$0x2], $0x4000, s5, s4, $0x38;
	[tilespmem:$0x10100] =	vst v63  }
0x49b: {  	_ =	swait.ge [sflag:s11], $0x4000  }
0x49c: {  	s2 =	sld [smem:$0x7E7]  }
0x49d: {  	vm3 =	vmand vm1, vm10;
	[sflag:s11] =	ssyncset.done $0x0  }
0x49e: {  	[sflag:s11] =	ssyncadd.s32 $0xFFFFC000  }
0x49f: {  	[tilespmem:s7], [sflag:$0x1] =	stream.strided.gather [hbm4b:s2+s4], $0x4000, s5, s4, $0x38;
	[tilespmem:$0x10100] =	vst v63  }
0x4a0: {  	_ =	swait.ge [sflag:s10], $0x4000  }
0x4a1: {  	[sflag:s10] =	ssyncset.done $0x0;
	s2 =	sld [smem:$0x7E8]  }
0x4a2: {  	[sflag:s10] =	ssyncadd.s32 $0xFFFFC000  }
0x4a3: {  	[tilespmem:v63+s8+$0x0] =	vst.idx.add.f32.msk vm3, v0  }
0x4a4: {  	[hbm4b:s2+s4] =	stream.strided.scatter [tilespmem:s8], [sflag:$0x2], $0x4000, s5, s4, $0x38;
	[tilespmem:$0x10100] =	vst v63  }
0x4a5: {  	_ =	swait.ge [sflag:s11], $0x4000  }
0x4a6: {  	s2 =	sld [smem:$0x7E9]  }
0x4a7: {  	vm3 =	vmand vm2, vm10;
	[sflag:s11] =	ssyncset.done $0x0  }
0x4a8: {  	[sflag:s11] =	ssyncadd.s32 $0xFFFFC000  }
0x4a9: {  	[tilespmem:s8], [sflag:$0x1] =	stream.strided.gather [hbm4b:s2+s4], $0x4000, s5, s4, $0x38;
	[tilespmem:$0x10100] =	vst v63  }
0x4aa: {  	_ =	swait.ge [sflag:s10], $0x4000  }
0x4ab: {  	[sflag:s10] =	ssyncset.done $0x0;
	s2 =	sld [smem:$0x7EA]  }
0x4ac: {  	[sflag:s10] =	ssyncadd.s32 $0xFFFFC000  }
0x4ad: {  	[tilespmem:v2+s9+$0x0] =	vst.idx.add.f32.msk vm3, v0  }
0x4ae: {  	[hbm4b:s2+s4] =	stream.strided.scatter [tilespmem:s9], [sflag:$0x2], $0x4000, s5, s4, $0x38;
	[tilespmem:$0x10100] =	vst v63  }
0x4af: {  	_ =	swait.ge [sflag:s11], $0x4000  }
0x4b0: {  	s2 =	sld [smem:$0x7EB]  }
0x4b1: {  	vm3 =	vmand vm1, vm11;
	[sflag:s11] =	ssyncset.done $0x0  }
0x4b2: {  	[sflag:s11] =	ssyncadd.s32 $0xFFFFC000  }
0x4b3: {  	[tilespmem:s9], [sflag:$0x1] =	stream.strided.gather [hbm4b:s2+s4], $0x4000, s5, s4, $0x38;
	[tilespmem:$0x10100] =	vst v63  }
0x4b4: {  	_ =	swait.ge [sflag:s10], $0x4000  }
0x4b5: {  	[sflag:s10] =	ssyncset.done $0x0;
	s2 =	sld [smem:$0x7EC]  }
0x4b6: {  	[sflag:s10] =	ssyncadd.s32 $0xFFFFC000  }
0x4b7: {  	[tilespmem:v63+s6+$0x0] =	vst.idx.add.f32.msk vm3, v0  }
0x4b8: {  	[hbm4b:s2+s4] =	stream.strided.scatter [tilespmem:s6], [sflag:$0x2], $0x4000, s5, s4, $0x38;
	[tilespmem:$0x10100] =	vst v63  }
0x4b9: {  	_ =	swait.ge [sflag:s11], $0x4000  }
0x4ba: {  	s2 =	sld [smem:$0x7ED]  }
0x4bb: {  	vm3 =	vmand vm2, vm11;
	[sflag:s11] =	ssyncset.done $0x0  }
0x4bc: {  	[sflag:s11] =	ssyncadd.s32 $0xFFFFC000  }
0x4bd: {  	[tilespmem:s6], [sflag:$0x1] =	stream.strided.gather [hbm4b:s2+s4], $0x4000, s5, s4, $0x38;
	[tilespmem:$0x10100] =	vst v63  }
0x4be: {  	_ =	swait.ge [sflag:s10], $0x4000  }
0x4bf: {  	[sflag:s10] =	ssyncset.done $0x0;
	s2 =	sld [smem:$0x7EE]  }
0x4c0: {  	[sflag:s10] =	ssyncadd.s32 $0xFFFFC000  }
0x4c1: {  	[tilespmem:v2+s7+$0x0] =	vst.idx.add.f32.msk vm3, v0  }
0x4c2: {  	[hbm4b:s2+s4] =	stream.strided.scatter [tilespmem:s7], [sflag:$0x2], $0x4000, s5, s4, $0x38;
	[tilespmem:$0x10100] =	vst v63  }
0x4c3: {  	_ =	swait.ge [sflag:s11], $0x4000  }
0x4c4: {  	s2 =	sld [smem:$0x7EF]  }
0x4c5: {  	vm3 =	vmand vm1, vm12;
	[sflag:s11] =	ssyncset.done $0x0  }
0x4c6: {  	[sflag:s11] =	ssyncadd.s32 $0xFFFFC000  }
0x4c7: {  	[tilespmem:s7], [sflag:$0x1] =	stream.strided.gather [hbm4b:s2+s4], $0x4000, s5, s4, $0x38;
	[tilespmem:$0x10100] =	vst v63  }
0x4c8: {  	_ =	swait.ge [sflag:s10], $0x4000  }
0x4c9: {  	[sflag:s10] =	ssyncset.done $0x0;
	s2 =	sld [smem:$0x7F0]  }
0x4ca: {  	[sflag:s10] =	ssyncadd.s32 $0xFFFFC000  }
0x4cb: {  	[tilespmem:v63+s8+$0x0] =	vst.idx.add.f32.msk vm3, v0  }
0x4cc: {  	[hbm4b:s2+s4] =	stream.strided.scatter [tilespmem:s8], [sflag:$0x2], $0x4000, s5, s4, $0x38;
	[tilespmem:$0x10100] =	vst v63  }
0x4cd: {  	_ =	swait.ge [sflag:s11], $0x4000  }
0x4ce: {  	s2 =	sld [smem:$0x7F1]  }
0x4cf: {  	vm3 =	vmand vm2, vm12;
	[sflag:s11] =	ssyncset.done $0x0  }
0x4d0: {  	[sflag:s11] =	ssyncadd.s32 $0xFFFFC000  }
0x4d1: {  	[tilespmem:s8], [sflag:$0x1] =	stream.strided.gather [hbm4b:s2+s4], $0x4000, s5, s4, $0x38;
	[tilespmem:$0x10100] =	vst v63  }
0x4d2: {  	_ =	swait.ge [sflag:s10], $0x4000  }
0x4d3: {  	[sflag:s10] =	ssyncset.done $0x0;
	s2 =	sld [smem:$0x7F2]  }
0x4d4: {  	[sflag:s10] =	ssyncadd.s32 $0xFFFFC000  }
0x4d5: {  	[tilespmem:v2+s9+$0x0] =	vst.idx.add.f32.msk vm3, v0  }
0x4d6: {  	[hbm4b:s2+s4] =	stream.strided.scatter [tilespmem:s9], [sflag:$0x2], $0x4000, s5, s4, $0x38;
	[tilespmem:$0x10100] =	vst v63  }
0x4d7: {  	_ =	swait.ge [sflag:s11], $0x4000  }
0x4d8: {  	s2 =	sld [smem:$0x7F3]  }
0x4d9: {  	vm3 =	vmand vm1, vm13;
	[sflag:s11] =	ssyncset.done $0x0  }
0x4da: {  	[sflag:s11] =	ssyncadd.s32 $0xFFFFC000  }
0x4db: {  	[tilespmem:s9], [sflag:$0x1] =	stream.strided.gather [hbm4b:s2+s4], $0x4000, s5, s4, $0x38;
	[tilespmem:$0x10100] =	vst v63  }
0x4dc: {  	_ =	swait.ge [sflag:s10], $0x4000  }
0x4dd: {  	[sflag:s10] =	ssyncset.done $0x0;
	s2 =	sld [smem:$0x7F4]  }
0x4de: {  	[sflag:s10] =	ssyncadd.s32 $0xFFFFC000  }
0x4df: {  	[tilespmem:v63+s6+$0x0] =	vst.idx.add.f32.msk vm3, v0  }
0x4e0: {  	[hbm4b:s2+s4] =	stream.strided.scatter [tilespmem:s6], [sflag:$0x2], $0x4000, s5, s4, $0x38;
	[tilespmem:$0x10100] =	vst v63  }
0x4e1: {  	_ =	swait.ge [sflag:s11], $0x4000  }
0x4e2: {  	s2 =	sld [smem:$0x7F5]  }
0x4e3: {  	vm3 =	vmand vm2, vm13;
	[sflag:s11] =	ssyncset.done $0x0  }
0x4e4: {  	[sflag:s11] =	ssyncadd.s32 $0xFFFFC000  }
0x4e5: {  	[tilespmem:s6], [sflag:$0x1] =	stream.strided.gather [hbm4b:s2+s4], $0x4000, s5, s4, $0x38;
	[tilespmem:$0x10100] =	vst v63  }
0x4e6: {  	_ =	swait.ge [sflag:s10], $0x4000  }
0x4e7: {  	[sflag:s10] =	ssyncset.done $0x0;
	s2 =	sld [smem:$0x7F6]  }
0x4e8: {  	[sflag:s10] =	ssyncadd.s32 $0xFFFFC000  }
0x4e9: {  	[tilespmem:v2+s7+$0x0] =	vst.idx.add.f32.msk vm3, v0  }
0x4ea: {  	[hbm4b:s2+s4] =	stream.strided.scatter [tilespmem:s7], [sflag:$0x2], $0x4000, s5, s4, $0x38;
	[tilespmem:$0x10100] =	vst v63  }
0x4eb: {  	_ =	swait.ge [sflag:s11], $0x4000  }
0x4ec: {  	s2 =	sld [smem:$0x7F7]  }
0x4ed: {  	vm3 =	vmand vm1, vm14;
	[sflag:s11] =	ssyncset.done $0x0  }
0x4ee: {  	[sflag:s11] =	ssyncadd.s32 $0xFFFFC000  }
0x4ef: {  	[tilespmem:s7], [sflag:$0x1] =	stream.strided.gather [hbm4b:s2+s4], $0x4000, s5, s4, $0x38;
	[tilespmem:$0x10100] =	vst v63  }
0x4f0: {  	_ =	swait.ge [sflag:s10], $0x4000  }
0x4f1: {  	[sflag:s10] =	ssyncset.done $0x0;
	s2 =	sld [smem:$0x7F8]  }
0x4f2: {  	[sflag:s10] =	ssyncadd.s32 $0xFFFFC000  }
0x4f3: {  	[tilespmem:v63+s8+$0x0] =	vst.idx.add.f32.msk vm3, v0  }
0x4f4: {  	[hbm4b:s2+s4] =	stream.strided.scatter [tilespmem:s8], [sflag:$0x2], $0x4000, s5, s4, $0x38;
	[tilespmem:$0x10100] =	vst v63  }
0x4f5: {  	_ =	swait.ge [sflag:s11], $0x4000  }
0x4f6: {  	s2 =	sld [smem:$0x7F9]  }
0x4f7: {  	vm3 =	vmand vm2, vm14;
	[sflag:s11] =	ssyncset.done $0x0  }
0x4f8: {  	[sflag:s11] =	ssyncadd.s32 $0xFFFFC000  }
0x4f9: {  	[tilespmem:s8], [sflag:$0x1] =	stream.strided.gather [hbm4b:s2+s4], $0x4000, s5, s4, $0x38;
	[tilespmem:$0x10100] =	vst v63  }
0x4fa: {  	_ =	swait.ge [sflag:s10], $0x4000  }
0x4fb: {  	[sflag:s10] =	ssyncset.done $0x0;
	s2 =	sld [smem:$0x7FA]  }
0x4fc: {  	[sflag:s10] =	ssyncadd.s32 $0xFFFFC000  }
0x4fd: {  	[tilespmem:v2+s9+$0x0] =	vst.idx.add.f32.msk vm3, v0  }
0x4fe: {  	[hbm4b:s2+s4] =	stream.strided.scatter [tilespmem:s9], [sflag:$0x2], $0x4000, s5, s4, $0x38;
	[tilespmem:$0x10100] =	vst v63  }
0x4ff: {  	_ =	swait.ge [sflag:s11], $0x4000  }
0x500: {  	s2 =	sld [smem:$0x7FB]  }
0x501: {  	vm3 =	vmand vm1, vm15;
	[sflag:s11] =	ssyncset.done $0x0  }
0x502: {  	[sflag:s11] =	ssyncadd.s32 $0xFFFFC000  }
0x503: {  	[tilespmem:s9], [sflag:$0x1] =	stream.strided.gather [hbm4b:s2+s4], $0x4000, s5, s4, $0x38;
	[tilespmem:$0x10100] =	vst v63  }
0x504: {  	_ =	swait.ge [sflag:s10], $0x4000  }
0x505: {  	[sflag:s10] =	ssyncset.done $0x0;
	s2 =	sld [smem:$0x7FC]  }
0x506: {  	[sflag:s10] =	ssyncadd.s32 $0xFFFFC000  }
0x507: {  	[tilespmem:v63+s6+$0x0] =	vst.idx.add.f32.msk vm3, v0  }
0x508: {  	[hbm4b:s2+s4] =	stream.strided.scatter [tilespmem:s6], [sflag:$0x2], $0x4000, s5, s4, $0x38;
	[tilespmem:$0x10100] =	vst v63  }
0x509: {  	_ =	swait.ge [sflag:s11], $0x4000  }
0x50a: {  	vm3 =	vmand vm2, vm15;
	[sflag:s11] =	ssyncset.done $0x0  }
0x50b: {  	[sflag:s11] =	ssyncadd.s32 $0xFFFFC000  }
0x50c: {  	[tilespmem:s6], [sflag:$0x1] =	stream.strided.gather [hbm4b:s12+s4], $0x4000, s5, s4, $0x38;
	[tilespmem:$0x10100] =	vst v63  }
0x50d: {  	_ =	swait.ge [sflag:s10], $0x4000  }
0x50e: {  	[sflag:s10] =	ssyncset.done $0x0  }
0x50f: {  	[sflag:s10] =	ssyncadd.s32 $0xFFFFC000  }
0x510: {  	[tilespmem:v2+s7+$0x0] =	vst.idx.add.f32.msk vm3, v0  }
0x511: {  	[hbm4b:s13+s4] =	stream.strided.scatter [tilespmem:s7], [sflag:$0x2], $0x4000, s5, s4, $0x38;
	[tilespmem:$0x10100] =	vst v63  }
0x512: {  	_ =	swait.ge [sflag:s11], $0x4000  }
0x513: {  	vm3 =	vmand vm1, vm8;
	[sflag:s11] =	ssyncset.done $0x0  }
0x514: {  	[sflag:s11] =	ssyncadd.s32 $0xFFFFC000  }
0x515: {  	[tilespmem:s7], [sflag:$0x1] =	stream.strided.gather [hbm4b:s14+s4], $0x4000, s5, s4, $0x38;
	[tilespmem:$0x10100] =	vst v63  }
0x516: {  	_ =	swait.ge [sflag:s10], $0x4000  }
0x517: {  	[sflag:s10] =	ssyncset.done $0x0  }
0x518: {  	[sflag:s10] =	ssyncadd.s32 $0xFFFFC000  }
0x519: {  	[tilespmem:v63+s8+$0x0] =	vst.idx.add.f32.msk vm3, v0  }
0x51a: {  	[hbm4b:s15+s4] =	stream.strided.scatter [tilespmem:s8], [sflag:$0x2], $0x4000, s5, s4, $0x38;
	[tilespmem:$0x10100] =	vst v63  }
0x51b: {  	_ =	swait.ge [sflag:s11], $0x4000  }
0x51c: {  	vm3 =	vmand vm2, vm8;
	[sflag:s11] =	ssyncset.done $0x0  }
0x51d: {  	[sflag:s11] =	ssyncadd.s32 $0xFFFFC000  }
0x51e: {  	[tilespmem:s8], [sflag:$0x1] =	stream.strided.gather [hbm4b:s16+s4], $0x4000, s5, s4, $0x38;
	[tilespmem:$0x10100] =	vst v63  }
0x51f: {  	_ =	swait.ge [sflag:s10], $0x4000  }
0x520: {  	[sflag:s10] =	ssyncset.done $0x0  }
0x521: {  	[sflag:s10] =	ssyncadd.s32 $0xFFFFC000  }
0x522: {  	[tilespmem:v2+s9+$0x0] =	vst.idx.add.f32.msk vm3, v0  }
0x523: {  	[hbm4b:s17+s4] =	stream.strided.scatter [tilespmem:s9], [sflag:$0x2], $0x4000, s5, s4, $0x38;
	[tilespmem:$0x10100] =	vst v63  }
0x524: {  	_ =	swait.ge [sflag:s11], $0x4000  }
0x525: {  	vm3 =	vmand vm1, vm7;
	[sflag:s11] =	ssyncset.done $0x0  }
0x526: {  	[sflag:s11] =	ssyncadd.s32 $0xFFFFC000  }
0x527: {  	[tilespmem:s9], [sflag:$0x1] =	stream.strided.gather [hbm4b:s18+s4], $0x4000, s5, s4, $0x38;
	[tilespmem:$0x10100] =	vst v63  }
0x528: {  	_ =	swait.ge [sflag:s10], $0x4000  }
0x529: {  	[sflag:s10] =	ssyncset.done $0x0  }
0x52a: {  	[sflag:s10] =	ssyncadd.s32 $0xFFFFC000  }
0x52b: {  	[tilespmem:v63+s6+$0x0] =	vst.idx.add.f32.msk vm3, v0  }
0x52c: {  	[hbm4b:s19+s4] =	stream.strided.scatter [tilespmem:s6], [sflag:$0x2], $0x4000, s5, s4, $0x38;
	[tilespmem:$0x10100] =	vst v63  }
0x52d: {  	_ =	swait.ge [sflag:s11], $0x4000  }
0x52e: {  	vm7 =	vmand vm2, vm7;
	[sflag:s11] =	ssyncset.done $0x0  }
0x52f: {  	[sflag:s11] =	ssyncadd.s32 $0xFFFFC000  }
0x530: {  	[tilespmem:s6], [sflag:$0x1] =	stream.strided.gather [hbm4b:s20+s4], $0x4000, s5, s4, $0x38;
	[tilespmem:$0x10100] =	vst v63  }
0x531: {  	_ =	swait.ge [sflag:s10], $0x4000  }
0x532: {  	[sflag:s10] =	ssyncset.done $0x0  }
0x533: {  	[sflag:s10] =	ssyncadd.s32 $0xFFFFC000  }
0x534: {  	[tilespmem:v2+s7+$0x0] =	vst.idx.add.f32.msk vm7, v0  }
0x535: {  	[hbm4b:s21+s4] =	stream.strided.scatter [tilespmem:s7], [sflag:$0x2], $0x4000, s5, s4, $0x38;
	[tilespmem:$0x10100] =	vst v63  }
0x536: {  	_ =	swait.ge [sflag:s11], $0x4000  }
0x537: {  	vm7 =	vmand vm1, vm6;
	[sflag:s11] =	ssyncset.done $0x0  }
0x538: {  	[sflag:s11] =	ssyncadd.s32 $0xFFFFC000  }
0x539: {  	[tilespmem:s7], [sflag:$0x1] =	stream.strided.gather [hbm4b:s22+s4], $0x4000, s5, s4, $0x38;
	[tilespmem:$0x10100] =	vst v63  }
0x53a: {  	_ =	swait.ge [sflag:s10], $0x4000  }
0x53b: {  	[sflag:s10] =	ssyncset.done $0x0  }
0x53c: {  	[sflag:s10] =	ssyncadd.s32 $0xFFFFC000  }
0x53d: {  	[tilespmem:v63+s8+$0x0] =	vst.idx.add.f32.msk vm7, v0  }
0x53e: {  	[hbm4b:s23+s4] =	stream.strided.scatter [tilespmem:s8], [sflag:$0x2], $0x4000, s5, s4, $0x38;
	[tilespmem:$0x10100] =	vst v63  }
0x53f: {  	_ =	swait.ge [sflag:s11], $0x4000  }
0x540: {  	vm7 =	vmand vm2, vm6;
	[sflag:s11] =	ssyncset.done $0x0  }
0x541: {  	[sflag:s11] =	ssyncadd.s32 $0xFFFFC000  }
0x542: {  	[tilespmem:s8], [sflag:$0x1] =	stream.strided.gather [hbm4b:s24+s4], $0x4000, s5, s4, $0x38;
	[tilespmem:$0x10100] =	vst v63  }
0x543: {  	_ =	swait.ge [sflag:s10], $0x4000  }
0x544: {  	[sflag:s10] =	ssyncset.done $0x0  }
0x545: {  	[sflag:s10] =	ssyncadd.s32 $0xFFFFC000  }
0x546: {  	[tilespmem:v2+s9+$0x0] =	vst.idx.add.f32.msk vm7, v0  }
0x547: {  	[hbm4b:s25+s4] =	stream.strided.scatter [tilespmem:s9], [sflag:$0x2], $0x4000, s5, s4, $0x38;
	[tilespmem:$0x10100] =	vst v63  }
0x548: {  	_ =	swait.ge [sflag:s11], $0x4000  }
0x549: {  	vm3 =	vmand vm1, vm0;
	[sflag:s11] =	ssyncset.done $0x0  }
0x54a: {  	[sflag:s11] =	ssyncadd.s32 $0xFFFFC000  }
0x54b: {  	[tilespmem:s9], [sflag:$0x1] =	stream.strided.gather [hbm4b:s26+s4], $0x4000, s5, s4, $0x38;
	[tilespmem:$0x10100] =	vst v63  }
0x54c: {  	_ =	swait.ge [sflag:s10], $0x4000  }
0x54d: {  	[sflag:s10] =	ssyncset.done $0x0  }
0x54e: {  	vm4 =	vmand vm2, vm0;
	[sflag:s10] =	ssyncadd.s32 $0xFFFFC000  }
0x54f: {  	[tilespmem:v63+s6+$0x0] =	vst.idx.add.f32.msk vm3, v0  }
0x550: {  	[hbm4b:s28+s4] =	stream.strided.scatter [tilespmem:s6], [sflag:$0x2], $0x4000, s5, s4, $0x38;
	[tilespmem:$0x10100] =	vst v63  }
0x551: {  	_ =	swait.ge [sflag:s10], $0x4000  }
0x552: {  	[sflag:s10] =	ssyncset.done $0x0  }
0x553: {  	vm1 =	vmand vm1, vm5;
	[sflag:s10] =	ssyncadd.s32 $0xFFFFC000  }
0x554: {  	[tilespmem:v2+s7+$0x0] =	vst.idx.add.f32.msk vm4, v0  }
0x555: {  	[hbm4b:s29+s4] =	stream.strided.scatter [tilespmem:s7], [sflag:$0x2], $0x4000, s5, s4, $0x38;
	[tilespmem:$0x10100] =	vst v63  }
0x556: {  	_ =	swait.ge [sflag:s10], $0x4000  }
0x557: {  	[sflag:s10] =	ssyncset.done $0x0  }
0x558: {  	vm2 =	vmand vm2, vm5;
	[sflag:s10] =	ssyncadd.s32 $0xFFFFC000  }
0x559: {  	[tilespmem:v63+s8+$0x0] =	vst.idx.add.f32.msk vm1, v0  }
0x55a: {  	[hbm4b:s30+s4] =	stream.strided.scatter [tilespmem:s8], [sflag:$0x2], $0x4000, s5, s4, $0x38;
	[tilespmem:$0x10100] =	vst v63  }
0x55b: {  	_ =	swait.ge [sflag:s10], $0x4000  }
0x55c: {  	[sflag:s10] =	ssyncset.done $0x0  }
0x55d: {  	[sflag:s10] =	ssyncadd.s32 $0xFFFFC000  }
0x55e: {  	[tilespmem:v2+s9+$0x0] =	vst.idx.add.f32.msk vm2, v0  }
0x55f: {  	[hbm4b:s31+s4] =	stream.strided.scatter [tilespmem:s9], [sflag:$0x2], $0x4000, s5, s4, $0x38;
	[tilespmem:$0x10100] =	vst v63  }
0x560: {  	_ =	swait.ge [sflag:s11], $0x4000  }
0x561: {  	[sflag:s11] =	ssyncset.done $0x0  }
0x562: {  	[sflag:s11] =	ssyncadd.s32 $0xFFFFC000  }
0x563: {  	p0 =	sne.s32 s1, $0x1;
	_ =	swait.ge [sflag:s11], $0x4000  }
.Ltmp1:
0x564: {  	[sflag:s11] =	ssyncset.done $0x0;
	(pc) =	sbr.rel @p0 .LBB2_2-.Ltmp1, $4  }
0x565: {  	[sflag:s11] =	ssyncadd.s32 $0xFFFFC000  }
0x566: {  	_ =	swait.ge [sflag:s11], $0x4000  }
0x567: {  	[sflag:s11] =	ssyncset.done $0x0  }
0x568: {  	s1 =	sadd.s32 $0xFFFFFFFF, s1;
	[sflag:s11] =	ssyncadd.s32 $0xFFFFC000  }
.LBB2_3:
0x569: {  	_ =	swait.ge [sflag:s11], $0x4000  }
0x56a: {  	[sflag:s11] =	ssyncset.done $0x0  }
0x56b: {  	[sflag:s11] =	ssyncadd.s32 $0xFFFFC000  }
0x56c: {  	_ =	sfence.sel $0x180000  }
0x56d: {  	[bflag:$0x0] =	sbarrier.arrive $0xFFFF  }
0x56e: {  	_ =	strace $0x90000047  }
0x56f: {  	s0 =	stileid.u32;
	[bflag:$0x2] =	sbarrier.arrive $0xFFFF  }
0x570: {  	p0 =	sne.s32 s0, $0x0;
	s0 =	rddreg [dreg:$0x3]  }
0x571: {  	s0 =	sadd.s32 @!p0 $0x100000, s0  }
0x572: {  	[sflag:s0] =	ssyncadd.tile.s32 @!p0 $0x1;
	_ =	shalt  }
.Lfunc_end2:
_tile_overlayer_lowered:
.L_overlay_start_2:
0x573: {  	(tag) =	ssettag $0x2  }
0x574: {  	s0 =	rddreg [dreg:$0x0];
	s2 =	stileid.u32  }
0x575: {  	s1 =	rddreg [dreg:$0x1];
	p0 =	sne.s32 s2, $0x0  }
0x576: {  	s3 =	rddreg [dreg:$0x2];
	[bflag:$0x3] =	sbarrier.arrive $0xFFFF;
	s2 =	simm.s32 @!p0 $0x1C03  }
0x577: {  	[timem:s3], [sflag:s2] =	dma.local @!p0 [hbm:s0], s1  }
0x578: {  	s0 =	simm.s32 @!p0 $0x3  }
0x579: {  	_ =	swait.ge @!p0 [sflag:s0], s1  }
0x57a: {  	s1 =	ssub.s32 @!p0 $0x0, s1;
	[sflag:s0] =	ssyncset.done @!p0 $0x0  }
0x57b: {  	[sflag:s0] =	ssyncadd.s32 @!p0 s1  }
0x57c: {  	[bflag:$0x3] =	sbarrier.arrive $0xFFFF  }
0x57d: {  	_ =	shalt  }

</sc_bundles>
